<compile_context>
chip_gen: v7x
topology: tpu7x:2x2x1
jax: 0.10.2.dev20260603
libtpu: 0.0.44.dev20260713+nightly
codegen_flags: <defaults>
</compile_context>

<pallas_src>
import functools

import jax
import jax.numpy as jnp
from jax import lax
from jax.experimental import pallas as pl
from jax.experimental.pallas import tpu as pltpu
from jax.experimental.pallas import tpu_sc as plsc

TOTAL = 32768
D = 1024
NSEG = 16
NC = 2
NS = 16
NW = NC * NS
T = TOTAL // NW
R = 32
NTILES = T // R
G = 16
NCH = D // 16
NEG = -1e30


def _sc_partials(x, w, cu):
    mesh = plsc.VectorSubcoreMesh(core_axis_name="c", subcore_axis_name="s",
                                  num_cores=NC, num_subcores=NS)

    @functools.partial(
        pl.kernel,
        out_type=(
            jax.ShapeDtypeStruct((NW, NSEG, D), jnp.float32),
            jax.ShapeDtypeStruct((NW, NSEG), jnp.float32),
            jax.ShapeDtypeStruct((NW, NSEG), jnp.float32),
        ),
        mesh=mesh,
        compiler_params=pltpu.CompilerParams(needs_layout_passes=False,
                                             use_tc_tiling_on_sc=True),
        scratch_types=[
            pltpu.VMEM((R, D), jnp.float32),
            pltpu.VMEM((R, D), jnp.float32),
            pltpu.VMEM((D,), jnp.float32),
            pltpu.VMEM((NSEG + 1,), jnp.int32),
            pltpu.VMEM((NSEG, D), jnp.float32),
            pltpu.VMEM((D,), jnp.float32),
            pltpu.VMEM((16,), jnp.float32),
            pltpu.VMEM((NSEG,), jnp.float32),
            pltpu.VMEM((NSEG,), jnp.float32),
            pltpu.SMEM((1,), jnp.float32),
            pltpu.SMEM((1,), jnp.int32),
            pltpu.SMEM((1,), jnp.int32),
            pltpu.SemaphoreType.DMA,
            pltpu.SemaphoreType.DMA,
        ],
    )
    def k(x_hbm, w_hbm, cu_hbm, acc_out, m_out, s_out,
          xbuf0, xbuf1, wv, cuv, acc, cacc, sv, mloc, sloc,
          mref, cur_seg, nxt, sem0, sem1):
        wid = lax.axis_index("s") * NC + lax.axis_index("c")
        t0 = wid * T

        pltpu.sync_copy(w_hbm, wv)
        pltpu.sync_copy(cu_hbm, cuv)

        zeros = jnp.zeros((16,), jnp.float32)
        iota16 = lax.iota(jnp.int32, 16)

        def zcacc(i, _):
            cacc[pl.ds(i * 16, 16)] = zeros
            return _
        lax.fori_loop(0, NCH, zcacc, None)

        negs = jnp.full((16,), NEG, jnp.float32)

        mloc[...] = negs
        sloc[...] = zeros

        sv[...] = zeros
        mref[0] = jnp.float32(NEG)

        cu_hi = cuv[pl.ds(1, 16)]

        seg0 = jnp.int32(0)
        for kk in range(NSEG - 1):
            seg0 = seg0 + jnp.where(t0 >= cu_hi[kk], 1, 0).astype(jnp.int32)
        cur_seg[0] = seg0
        nxt[0] = jnp.max(jnp.where(iota16 == seg0, cu_hi, 0))

        def flush():
            cs = cur_seg[0]
            seg_lane = iota16 == cs
            mloc[...] = jnp.where(seg_lane,
                                  jnp.full((16,), mref[0], jnp.float32),
                                  mloc[...])
            sloc[...] = jnp.where(seg_lane, sv[...], sloc[...])

            def cp(j, _):
                acc[cs, pl.ds(j * 16, 16)] = cacc[pl.ds(j * 16, 16)]
                cacc[pl.ds(j * 16, 16)] = zeros
                return _
            lax.fori_loop(0, NCH, cp, None)
            sv[...] = zeros
            mref[0] = jnp.float32(NEG)
            cur_seg[0] = cs + 1
            nxt[0] = jnp.max(jnp.where(iota16 == cs + 1, cu_hi, 0))

        def process(xbuf, base_row):
            for grp in range(R // G):
                gr = grp * G
                g0 = base_row + gr

                @plsc.parallel_loop(0, NCH, carry=tuple(zeros
                                                        for _ in range(G)))
                def accs(j, carry):
                    wch = wv[pl.ds(j * 16, 16)]
                    return tuple(
                        carry[r] + xbuf[gr + r, pl.ds(j * 16, 16)] * wch
                        for r in range(G))
                S = zeros
                for r in range(G):
                    S = jnp.where(iota16 == r, jnp.sum(accs[r]), S)

                no_boundary = nxt[0] >= g0 + G

                @pl.when(no_boundary)
                def _():
                    m_old = mref[0]
                    m_g = jnp.max(S)
                    m_new = jnp.maximum(m_old, m_g)
                    f_v = jnp.exp(jnp.full((16,), m_old - m_new, jnp.float32))
                    C = jnp.exp(S - m_new)
                    sv[...] = sv[...] * f_v + jnp.full((16,), jnp.sum(C),
                                                       jnp.float32)
                    mref[0] = m_new
                    cb = [jnp.full((16,), C[r], jnp.float32)
                          for r in range(G)]

                    @plsc.parallel_loop(0, NCH)
                    def _upd(j):
                        p = [cb[r] * xbuf[gr + r, pl.ds(j * 16, 16)]
                             for r in range(4)]
                        for r in range(4, G):
                            p[r % 4] = (p[r % 4]
                                        + cb[r] * xbuf[gr + r,
                                                       pl.ds(j * 16, 16)])
                        old = cacc[pl.ds(j * 16, 16)] * f_v
                        cacc[pl.ds(j * 16, 16)] = (
                            ((p[0] + p[1]) + (p[2] + p[3])) + old)

                @pl.when(jnp.logical_not(no_boundary))
                def _():
                    def row(r, _):
                        g = g0 + r

                        @pl.when(g == nxt[0])
                        def _():
                            flush()

                        sc = jnp.max(jnp.where(iota16 == r, S, negs))
                        m_old = mref[0]
                        m_new = jnp.maximum(m_old, sc)
                        f_v = jnp.exp(jnp.full((16,), m_old - m_new,
                                               jnp.float32))
                        c_v = jnp.exp(jnp.full((16,), sc - m_new, jnp.float32))
                        sv[...] = sv[...] * f_v + c_v
                        mref[0] = m_new

                        def upd(j, _):
                            cacc[pl.ds(j * 16, 16)] = (
                                cacc[pl.ds(j * 16, 16)] * f_v
                                + c_v * xbuf[gr + r, pl.ds(j * 16, 16)])
                            return _
                        lax.fori_loop(0, NCH, upd, None)
                        return _
                    lax.fori_loop(0, G, row, None)

        pltpu.async_copy(x_hbm.at[pl.ds(t0, R), :], xbuf0, sem0)

        def tile_pair(kk, _):
            r1 = t0 + (2 * kk + 1) * R
            pltpu.async_copy(x_hbm.at[pl.ds(r1, R), :], xbuf1, sem1)
            pltpu.make_async_copy(x_hbm.at[pl.ds(0, R), :], xbuf0, sem0).wait()
            process(xbuf0, t0 + (2 * kk) * R)
            nx = t0 + jnp.minimum((2 * kk + 2) * R, (NTILES - 1) * R)
            pltpu.async_copy(x_hbm.at[pl.ds(nx, R), :], xbuf0, sem0)
            pltpu.make_async_copy(x_hbm.at[pl.ds(0, R), :], xbuf1, sem1).wait()
            process(xbuf1, t0 + (2 * kk + 1) * R)
            return _

        lax.fori_loop(0, NTILES // 2, tile_pair, None)
        pltpu.make_async_copy(x_hbm.at[pl.ds(0, R), :], xbuf0, sem0).wait()

        flush()

        pltpu.sync_copy(acc, acc_out.at[wid])
        pltpu.sync_copy(mloc, m_out.at[wid])
        pltpu.sync_copy(sloc, s_out.at[wid])

    return k(x, w, cu)


def _combine_kernel(acc_ref, m_ref, s_ref, out_ref):
    m = m_ref[...]
    s = s_ref[...]
    gmax = jnp.max(m, axis=0)
    f = jnp.exp(m - gmax[None, :])
    denom = jnp.sum(f * s, axis=0)
    f3 = f[:, :, None]
    wacc = jnp.sum(jnp.where(f3 > 0.0, acc_ref[...] * f3, 0.0),
                   axis=0)
    out_ref[...] = wacc / denom[:, None]


def kernel(x, cu_seqlens, W, b):
    w = W.reshape(-1)
    acc_p, m_p, s_p = _sc_partials(x, w, cu_seqlens.astype(jnp.int32))
    out = pl.pallas_call(
        _combine_kernel,
        out_shape=jax.ShapeDtypeStruct((NSEG, D), jnp.float32),
    )(acc_p, m_p, s_p)
    return out

# --- scband reference (transcript-rebuilt; emitter-appended) ---
"""Pipeline reference for scband-pool-17712445128830 (READ-ONLY COPY).

The authoritative reference and input builder live on the scoring server;
editing this copy changes nothing except your own understanding.
"""

import jax, jax.numpy as jnp
import numpy as np

TOTAL_TOK = 32768
D_MODEL = 1024
BATCH = 16


def setup_inputs(seed: int = 0) -> dict:
    key = jax.random.key(seed)
    k1, k2, k3, k4 = jax.random.split(key, 4)
    x = jax.random.normal(k1, (TOTAL_TOK, D_MODEL), dtype=jnp.float32)
    # strictly increasing interior boundaries -> no empty segments (matches torch path where all segments are kept)
    interior = jnp.sort(jax.random.choice(k2, jnp.arange(1, TOTAL_TOK, dtype=jnp.int32), shape=(BATCH - 1,), replace=False))
    cu_seqlens = jnp.concatenate([jnp.zeros((1,), dtype=jnp.int32), interior.astype(jnp.int32), jnp.array([TOTAL_TOK], dtype=jnp.int32)])
    # attention_scorer = nn.Linear(d_model, 1)
    bound = 1.0 / np.sqrt(D_MODEL)
    W = jax.random.uniform(k3, (D_MODEL, 1), minval=-bound, maxval=bound, dtype=jnp.float32)
    b = jax.random.uniform(k4, (1,), minval=-bound, maxval=bound, dtype=jnp.float32)
    return {"x": x, "cu_seqlens": cu_seqlens, "W": W, "b": b}


def reference(x, cu_seqlens, W, b):
    total = x.shape[0]
    num_segments = cu_seqlens.shape[0] - 1
    # Linear scorer: [total, 1]
    scores = (x @ W + b)[:, 0]
    # segment id for each token: j such that cu[j] <= i < cu[j+1]
    ids = jnp.searchsorted(cu_seqlens, jnp.arange(total, dtype=jnp.int32), side="right") - 1
    ids = jnp.clip(ids, 0, num_segments - 1)
    # per-segment numerically-stable softmax (matches torch.softmax(seq_scores, dim=0))
    smax = jax.ops.segment_max(scores, ids, num_segments=num_segments)
    e = jnp.exp(scores - smax[ids])
    denom = jax.ops.segment_sum(e, ids, num_segments=num_segments)
    weights = e / denom[ids]
    # weighted sum per segment: [num_segments, d]
    out = jax.ops.segment_sum(x * weights[:, None], ids, num_segments=num_segments)
    # torch skips empty segments when stacking
    lengths = jnp.diff(cu_seqlens)
    out = jnp.where((lengths > 0)[:, None], out, 0.0)
    return out

if __name__ == "__main__":
    import jax
    _d = setup_inputs()
    print(jax.jit(kernel)(*tuple(_d.values())))

</pallas_src>

<mosaic_0001>
#map = affine_map<(d0, d1) -> (0, 0)>
#map1 = affine_map<(d0, d1) -> (0)>
#map2 = affine_map<(d0, d1) -> (0, 0, 0)>
module attributes {stable_mosaic.version = 14 : i64} {
  func.func @k(%arg0: i32, %arg1: i32, %arg2: memref<32768x1024xf32, #tpu.memory_space<hbm>>, %arg3: memref<1024xf32, #tpu.memory_space<hbm>>, %arg4: memref<17xi32, #tpu.memory_space<hbm>>, %arg5: memref<32x16x1024xf32, #tpu.memory_space<hbm>>, %arg6: memref<32x16xf32, #tpu.memory_space<hbm>>, %arg7: memref<32x16xf32, #tpu.memory_space<hbm>>, %arg8: memref<32x1024xf32, #tpu.memory_space<vmem>>, %arg9: memref<32x1024xf32, #tpu.memory_space<vmem>>, %arg10: memref<1024xf32, #tpu.memory_space<vmem>>, %arg11: memref<17xi32, #tpu.memory_space<vmem>>, %arg12: memref<16x1024xf32, #tpu.memory_space<vmem>>, %arg13: memref<1024xf32, #tpu.memory_space<vmem>>, %arg14: memref<16xf32, #tpu.memory_space<vmem>>, %arg15: memref<16xf32, #tpu.memory_space<vmem>>, %arg16: memref<16xf32, #tpu.memory_space<vmem>>, %arg17: memref<1xf32, #tpu.memory_space<smem>>, %arg18: memref<1xi32, #tpu.memory_space<smem>>, %arg19: memref<1xi32, #tpu.memory_space<smem>>, %arg20: memref<!tpu.dma_semaphore, #tpu.memory_space<semaphore_mem>>, %arg21: memref<!tpu.dma_semaphore, #tpu.memory_space<semaphore_mem>>) attributes {dimension_semantics = [#tpu.dimension_semantics<core_parallel>, #tpu.dimension_semantics<subcore_parallel>], iteration_bounds = array<i64: 2, 16>, scalar_prefetch = 0 : i64, scratch_operands = 14 : i64, tpu.core_type = #tpu.core_type<sc_vector_subcore>, window_params = [{transform_indices = #map}, {transform_indices = #map1}, {transform_indices = #map1}, {transform_indices = #map2}, {transform_indices = #map}, {transform_indices = #map}]} {
    %mul3A = arith.constant 2 : i32
    %mul3A_0 = arith.muli %arg1, %mul3A : i32
    %add3A = arith.addi %mul3A_0, %arg0 : i32
    %mul3A_1 = arith.constant 1024 : i32
    %mul3A_2 = arith.muli %add3A, %mul3A_1 : i32
    "tpu.region"() ({
      %run_scoped3A = tpu.sem_alloc : memref<!tpu.dma_semaphore, #tpu.memory_space<semaphore_mem>>
      tpu.enqueue_dma source(%arg3 : memref<1024xf32, #tpu.memory_space<hbm>>) target(%arg10 : memref<1024xf32, #tpu.memory_space<vmem>>) target_semaphore(%run_scoped3A : memref<!tpu.dma_semaphore, #tpu.memory_space<semaphore_mem>>)
      tpu.wait_dma2 semaphore(%run_scoped3A : memref<!tpu.dma_semaphore, #tpu.memory_space<semaphore_mem>>) src(%arg3 : memref<1024xf32, #tpu.memory_space<hbm>>) dst(%arg10 : memref<1024xf32, #tpu.memory_space<vmem>>)
      tpu.yield
    }) : () -> ()
    "tpu.region"() ({
      %run_scoped3A = tpu.sem_alloc : memref<!tpu.dma_semaphore, #tpu.memory_space<semaphore_mem>>
      tpu.enqueue_dma source(%arg4 : memref<17xi32, #tpu.memory_space<hbm>>) target(%arg11 : memref<17xi32, #tpu.memory_space<vmem>>) target_semaphore(%run_scoped3A : memref<!tpu.dma_semaphore, #tpu.memory_space<semaphore_mem>>)
      tpu.wait_dma2 semaphore(%run_scoped3A : memref<!tpu.dma_semaphore, #tpu.memory_space<semaphore_mem>>) src(%arg4 : memref<17xi32, #tpu.memory_space<hbm>>) dst(%arg11 : memref<17xi32, #tpu.memory_space<vmem>>)
      tpu.yield
    }) : () -> ()
    %broadcast_in_dim3A = arith.constant 0.000000e+00 : f32
    %broadcast_in_dim3A_3 = vector.broadcast %broadcast_in_dim3A : f32 to vector<16xf32>
    %iota3A = tpu.iota {dimensions = array<i32: 0>} : vector<16xi32>
    %scan3A = arith.constant 0 : i32
    %scan3A_4 = arith.constant 64 : i32
    %scan3A_5 = arith.addi %scan3A, %scan3A_4 : i32
    %scan3A_6 = arith.constant 1 : i32
    scf.for %scan3A_206 = %scan3A to %scan3A_5 step %scan3A_6  : i32 {
      %mul3A_207 = arith.constant 16 : i32
      %mul3A_208 = arith.muli %scan3A_206, %mul3A_207 : i32
      %swap3A_209 = arith.index_cast %mul3A_208 : i32 to index
      %swap3A_210 = tpu.vector_load %arg13[%swap3A_209] {strides = array<i32>} : memref<1024xf32, #tpu.memory_space<vmem>>, vector<16xf32>,
      tpu.vector_store %arg13[%swap3A_209], %broadcast_in_dim3A_3 {strides = array<i32>} : memref<1024xf32, #tpu.memory_space<vmem>>, vector<16xf32>,
    }
    %scan3A_7 = arith.constant 64 : i32
    %broadcast_in_dim3A_8 = arith.constant -1.000000e+30 : f32
    %broadcast_in_dim3A_9 = vector.broadcast %broadcast_in_dim3A_8 : f32 to vector<16xf32>
    %swap3A = arith.constant 0 : index
    %swap3A_10 = tpu.vector_load %arg15[%swap3A] {strides = array<i32>} : memref<16xf32, #tpu.memory_space<vmem>>, vector<16xf32>,
    tpu.vector_store %arg15[%swap3A], %broadcast_in_dim3A_9 {strides = array<i32>} : memref<16xf32, #tpu.memory_space<vmem>>, vector<16xf32>,
    %swap3A_11 = arith.constant 0 : index
    %swap3A_12 = tpu.vector_load %arg16[%swap3A_11] {strides = array<i32>} : memref<16xf32, #tpu.memory_space<vmem>>, vector<16xf32>,
    tpu.vector_store %arg16[%swap3A_11], %broadcast_in_dim3A_3 {strides = array<i32>} : memref<16xf32, #tpu.memory_space<vmem>>, vector<16xf32>,
    %swap3A_13 = arith.constant 0 : index
    %swap3A_14 = tpu.vector_load %arg14[%swap3A_13] {strides = array<i32>} : memref<16xf32, #tpu.memory_space<vmem>>, vector<16xf32>,
    tpu.vector_store %arg14[%swap3A_13], %broadcast_in_dim3A_3 {strides = array<i32>} : memref<16xf32, #tpu.memory_space<vmem>>, vector<16xf32>,
    %swap3A_15 = arith.constant -1.000000e+30 : f32
    %swap3A_16 = arith.constant 0 : i32
    %swap3A_17 = arith.index_cast %swap3A_16 : i32 to index
    %swap3A_18 = memref.load %arg17[%swap3A_17] : memref<1xf32, #tpu.memory_space<smem>>
    memref.store %swap3A_15, %arg17[%swap3A_17] : memref<1xf32, #tpu.memory_space<smem>>
    %get3A = arith.constant 1 : index
    %get3A_19 = tpu.vector_load %arg11[%get3A] {strides = array<i32>} : memref<17xi32, #tpu.memory_space<vmem>>, vector<16xi32>,
    %slice3A = vector.extract_strided_slice %get3A_19 {offsets = [0], sizes = [1], strides = [1]} : vector<16xi32> to vector<1xi32>
    %squeeze3A = vector.extract %slice3A[0] : i32 from vector<1xi32>
    %ge3A = arith.cmpi sge, %mul3A_2, %squeeze3A : i32
    %jit3A = arith.constant 1 : i32
    %jit3A_20 = arith.constant 0 : i32
    %select_n3A = arith.select %ge3A, %jit3A, %jit3A_20 : i32
    %add3A_21 = arith.constant 0 : i32
    %add3A_22 = arith.addi %add3A_21, %select_n3A : i32
    %slice3A_23 = vector.extract_strided_slice %get3A_19 {offsets = [1], sizes = [1], strides = [1]} : vector<16xi32> to vector<1xi32>
    %squeeze3A_24 = vector.extract %slice3A_23[0] : i32 from vector<1xi32>
    %ge3A_25 = arith.cmpi sge, %mul3A_2, %squeeze3A_24 : i32
    %jit3A_26 = arith.constant 1 : i32
    %jit3A_27 = arith.constant 0 : i32
    %select_n3A_28 = arith.select %ge3A_25, %jit3A_26, %jit3A_27 : i32
    %add3A_29 = arith.addi %add3A_22, %select_n3A_28 : i32
    %slice3A_30 = vector.extract_strided_slice %get3A_19 {offsets = [2], sizes = [1], strides = [1]} : vector<16xi32> to vector<1xi32>
    %squeeze3A_31 = vector.extract %slice3A_30[0] : i32 from vector<1xi32>
    %ge3A_32 = arith.cmpi sge, %mul3A_2, %squeeze3A_31 : i32
    %jit3A_33 = arith.constant 1 : i32
    %jit3A_34 = arith.constant 0 : i32
    %select_n3A_35 = arith.select %ge3A_32, %jit3A_33, %jit3A_34 : i32
    %add3A_36 = arith.addi %add3A_29, %select_n3A_35 : i32
    %slice3A_37 = vector.extract_strided_slice %get3A_19 {offsets = [3], sizes = [1], strides = [1]} : vector<16xi32> to vector<1xi32>
    %squeeze3A_38 = vector.extract %slice3A_37[0] : i32 from vector<1xi32>
    %ge3A_39 = arith.cmpi sge, %mul3A_2, %squeeze3A_38 : i32
    %jit3A_40 = arith.constant 1 : i32
    %jit3A_41 = arith.constant 0 : i32
    %select_n3A_42 = arith.select %ge3A_39, %jit3A_40, %jit3A_41 : i32
    %add3A_43 = arith.addi %add3A_36, %select_n3A_42 : i32
    %slice3A_44 = vector.extract_strided_slice %get3A_19 {offsets = [4], sizes = [1], strides = [1]} : vector<16xi32> to vector<1xi32>
    %squeeze3A_45 = vector.extract %slice3A_44[0] : i32 from vector<1xi32>
    %ge3A_46 = arith.cmpi sge, %mul3A_2, %squeeze3A_45 : i32
    %jit3A_47 = arith.constant 1 : i32
    %jit3A_48 = arith.constant 0 : i32
    %select_n3A_49 = arith.select %ge3A_46, %jit3A_47, %jit3A_48 : i32
    %add3A_50 = arith.addi %add3A_43, %select_n3A_49 : i32
    %slice3A_51 = vector.extract_strided_slice %get3A_19 {offsets = [5], sizes = [1], strides = [1]} : vector<16xi32> to vector<1xi32>
    %squeeze3A_52 = vector.extract %slice3A_51[0] : i32 from vector<1xi32>
    %ge3A_53 = arith.cmpi sge, %mul3A_2, %squeeze3A_52 : i32
    %jit3A_54 = arith.constant 1 : i32
    %jit3A_55 = arith.constant 0 : i32
    %select_n3A_56 = arith.select %ge3A_53, %jit3A_54, %jit3A_55 : i32
    %add3A_57 = arith.addi %add3A_50, %select_n3A_56 : i32
    %slice3A_58 = vector.extract_strided_slice %get3A_19 {offsets = [6], sizes = [1], strides = [1]} : vector<16xi32> to vector<1xi32>
    %squeeze3A_59 = vector.extract %slice3A_58[0] : i32 from vector<1xi32>
    %ge3A_60 = arith.cmpi sge, %mul3A_2, %squeeze3A_59 : i32
    %jit3A_61 = arith.constant 1 : i32
    %jit3A_62 = arith.constant 0 : i32
    %select_n3A_63 = arith.select %ge3A_60, %jit3A_61, %jit3A_62 : i32
    %add3A_64 = arith.addi %add3A_57, %select_n3A_63 : i32
    %slice3A_65 = vector.extract_strided_slice %get3A_19 {offsets = [7], sizes = [1], strides = [1]} : vector<16xi32> to vector<1xi32>
    %squeeze3A_66 = vector.extract %slice3A_65[0] : i32 from vector<1xi32>
    %ge3A_67 = arith.cmpi sge, %mul3A_2, %squeeze3A_66 : i32
    %jit3A_68 = arith.constant 1 : i32
    %jit3A_69 = arith.constant 0 : i32
    %select_n3A_70 = arith.select %ge3A_67, %jit3A_68, %jit3A_69 : i32
    %add3A_71 = arith.addi %add3A_64, %select_n3A_70 : i32
    %slice3A_72 = vector.extract_strided_slice %get3A_19 {offsets = [8], sizes = [1], strides = [1]} : vector<16xi32> to vector<1xi32>
    %squeeze3A_73 = vector.extract %slice3A_72[0] : i32 from vector<1xi32>
    %ge3A_74 = arith.cmpi sge, %mul3A_2, %squeeze3A_73 : i32
    %jit3A_75 = arith.constant 1 : i32
    %jit3A_76 = arith.constant 0 : i32
    %select_n3A_77 = arith.select %ge3A_74, %jit3A_75, %jit3A_76 : i32
    %add3A_78 = arith.addi %add3A_71, %select_n3A_77 : i32
    %slice3A_79 = vector.extract_strided_slice %get3A_19 {offsets = [9], sizes = [1], strides = [1]} : vector<16xi32> to vector<1xi32>
    %squeeze3A_80 = vector.extract %slice3A_79[0] : i32 from vector<1xi32>
    %ge3A_81 = arith.cmpi sge, %mul3A_2, %squeeze3A_80 : i32
    %jit3A_82 = arith.constant 1 : i32
    %jit3A_83 = arith.constant 0 : i32
    %select_n3A_84 = arith.select %ge3A_81, %jit3A_82, %jit3A_83 : i32
    %add3A_85 = arith.addi %add3A_78, %select_n3A_84 : i32
    %slice3A_86 = vector.extract_strided_slice %get3A_19 {offsets = [10], sizes = [1], strides = [1]} : vector<16xi32> to vector<1xi32>
    %squeeze3A_87 = vector.extract %slice3A_86[0] : i32 from vector<1xi32>
    %ge3A_88 = arith.cmpi sge, %mul3A_2, %squeeze3A_87 : i32
    %jit3A_89 = arith.constant 1 : i32
    %jit3A_90 = arith.constant 0 : i32
    %select_n3A_91 = arith.select %ge3A_88, %jit3A_89, %jit3A_90 : i32
    %add3A_92 = arith.addi %add3A_85, %select_n3A_91 : i32
    %slice3A_93 = vector.extract_strided_slice %get3A_19 {offsets = [11], sizes = [1], strides = [1]} : vector<16xi32> to vector<1xi32>
    %squeeze3A_94 = vector.extract %slice3A_93[0] : i32 from vector<1xi32>
    %ge3A_95 = arith.cmpi sge, %mul3A_2, %squeeze3A_94 : i32
    %jit3A_96 = arith.constant 1 : i32
    %jit3A_97 = arith.constant 0 : i32
    %select_n3A_98 = arith.select %ge3A_95, %jit3A_96, %jit3A_97 : i32
    %add3A_99 = arith.addi %add3A_92, %select_n3A_98 : i32
    %slice3A_100 = vector.extract_strided_slice %get3A_19 {offsets = [12], sizes = [1], strides = [1]} : vector<16xi32> to vector<1xi32>
    %squeeze3A_101 = vector.extract %slice3A_100[0] : i32 from vector<1xi32>
    %ge3A_102 = arith.cmpi sge, %mul3A_2, %squeeze3A_101 : i32
    %jit3A_103 = arith.constant 1 : i32
    %jit3A_104 = arith.constant 0 : i32
    %select_n3A_105 = arith.select %ge3A_102, %jit3A_103, %jit3A_104 : i32
    %add3A_106 = arith.addi %add3A_99, %select_n3A_105 : i32
    %slice3A_107 = vector.extract_strided_slice %get3A_19 {offsets = [13], sizes = [1], strides = [1]} : vector<16xi32> to vector<1xi32>
    %squeeze3A_108 = vector.extract %slice3A_107[0] : i32 from vector<1xi32>
    %ge3A_109 = arith.cmpi sge, %mul3A_2, %squeeze3A_108 : i32
    %jit3A_110 = arith.constant 1 : i32
    %jit3A_111 = arith.constant 0 : i32
    %select_n3A_112 = arith.select %ge3A_109, %jit3A_110, %jit3A_111 : i32
    %add3A_113 = arith.addi %add3A_106, %select_n3A_112 : i32
    %slice3A_114 = vector.extract_strided_slice %get3A_19 {offsets = [14], sizes = [1], strides = [1]} : vector<16xi32> to vector<1xi32>
    %squeeze3A_115 = vector.extract %slice3A_114[0] : i32 from vector<1xi32>
    %ge3A_116 = arith.cmpi sge, %mul3A_2, %squeeze3A_115 : i32
    %jit3A_117 = arith.constant 1 : i32
    %jit3A_118 = arith.constant 0 : i32
    %select_n3A_119 = arith.select %ge3A_116, %jit3A_117, %jit3A_118 : i32
    %add3A_120 = arith.addi %add3A_113, %select_n3A_119 : i32
    %swap3A_121 = arith.constant 0 : i32
    %swap3A_122 = arith.index_cast %swap3A_121 : i32 to index
    %swap3A_123 = memref.load %arg18[%swap3A_122] : memref<1xi32, #tpu.memory_space<smem>>
    memref.store %add3A_120, %arg18[%swap3A_122] : memref<1xi32, #tpu.memory_space<smem>>
    %eq3A = vector.broadcast %add3A_120 : i32 to vector<16xi32>
    %eq3A_124 = arith.cmpi eq, %iota3A, %eq3A : vector<16xi32>
    %jit3A_125 = arith.constant 0 : i32
    %broadcast_in_dim3A_126 = vector.broadcast %jit3A_125 : i32 to vector<16xi32>
    %select_n3A_127 = arith.select %eq3A_124, %get3A_19, %broadcast_in_dim3A_126 : vector<16xi1>, vector<16xi32>
    %reduce_max3A = arith.constant true
    %reduce_max3A_128 = vector.broadcast %reduce_max3A : i1 to vector<16xi1>
    %reduce_max3A_129 = arith.constant -2147483648 : i32
    %reduce_max3A_130 = vector.broadcast %reduce_max3A_129 : i32 to vector<16xi32>
    %reduce_max3A_131 = arith.xori %select_n3A_127, %reduce_max3A_130 : vector<16xi32>
    %reduce_max3A_132 = tpu.scan <max>, %reduce_max3A_131 masked %reduce_max3A_128 : vector<16xi32>, vector<16xi1> -> vector<16xi32>
    %reduce_max3A_133 = arith.xori %reduce_max3A_132, %reduce_max3A_130 : vector<16xi32>
    %reduce_max3A_134 = vector.extract %reduce_max3A_133[15] : i32 from vector<16xi32>
    %swap3A_135 = arith.constant 0 : i32
    %swap3A_136 = arith.index_cast %swap3A_135 : i32 to index
    %swap3A_137 = memref.load %arg19[%swap3A_136] : memref<1xi32, #tpu.memory_space<smem>>
    memref.store %reduce_max3A_134, %arg19[%swap3A_136] : memref<1xi32, #tpu.memory_space<smem>>
    %dma_start3A = arith.constant 0 : i32
    %dma_start3A_138 = tpu.memref_slice %arg2[%mul3A_2, %dma_start3A] : memref<32768x1024xf32, #tpu.memory_space<hbm>> -> memref<32x1024xf32, #tpu.memory_space<hbm>>
    %dma_start3A_139 = arith.constant 0 : i32
    %dma_start3A_140 = tpu.memref_slice %arg2[%mul3A_2, %dma_start3A_139] : memref<32768x1024xf32, #tpu.memory_space<hbm>> -> memref<32x1024xf32, #tpu.memory_space<hbm>>
    tpu.enqueue_dma source(%dma_start3A_140 : memref<32x1024xf32, #tpu.memory_space<hbm>>) target(%arg8 : memref<32x1024xf32, #tpu.memory_space<vmem>>) target_semaphore(%arg20 : memref<!tpu.dma_semaphore, #tpu.memory_space<semaphore_mem>>)
    %scan3A_141 = arith.constant 0 : i32
    %scan3A_142 = arith.constant 16 : i32
    %scan3A_143 = arith.addi %scan3A_141, %scan3A_142 : i32
    %scan3A_144 = arith.constant 1 : i32
    scf.for %scan3A_206 = %scan3A_141 to %scan3A_143 step %scan3A_144  : i32 {
      %mul3A_207 = arith.constant 2 : i32
      %mul3A_208 = arith.muli %mul3A_207, %scan3A_206 : i32
      %add3A_209 = arith.constant 1 : i32
      %add3A_210 = arith.addi %mul3A_208, %add3A_209 : i32
      %mul3A_211 = arith.constant 32 : i32
      %mul3A_212 = arith.muli %add3A_210, %mul3A_211 : i32
      %add3A_213 = arith.addi %mul3A_2, %mul3A_212 : i32
      %dma_start3A_214 = arith.constant 0 : i32
      %dma_start3A_215 = tpu.memref_slice %arg2[%add3A_213, %dma_start3A_214] : memref<32768x1024xf32, #tpu.memory_space<hbm>> -> memref<32x1024xf32, #tpu.memory_space<hbm>>
      %dma_start3A_216 = arith.constant 0 : i32
      %dma_start3A_217 = tpu.memref_slice %arg2[%add3A_213, %dma_start3A_216] : memref<32768x1024xf32, #tpu.memory_space<hbm>> -> memref<32x1024xf32, #tpu.memory_space<hbm>>
      tpu.enqueue_dma source(%dma_start3A_217 : memref<32x1024xf32, #tpu.memory_space<hbm>>) target(%arg9 : memref<32x1024xf32, #tpu.memory_space<vmem>>) target_semaphore(%arg21 : memref<!tpu.dma_semaphore, #tpu.memory_space<semaphore_mem>>)
      %dma_wait3A_218 = arith.constant 0 : i32
      %dma_wait3A_219 = arith.constant 0 : i32
      %dma_wait3A_220 = tpu.memref_slice %arg2[%dma_wait3A_218, %dma_wait3A_219] : memref<32768x1024xf32, #tpu.memory_space<hbm>> -> memref<32x1024xf32, #tpu.memory_space<hbm>>
      %dma_wait3A_221 = arith.constant 0 : i32
      %dma_wait3A_222 = arith.constant 0 : i32
      %dma_wait3A_223 = tpu.memref_slice %arg2[%dma_wait3A_221, %dma_wait3A_222] : memref<32768x1024xf32, #tpu.memory_space<hbm>> -> memref<32x1024xf32, #tpu.memory_space<hbm>>
      tpu.wait_dma2 semaphore(%arg20 : memref<!tpu.dma_semaphore, #tpu.memory_space<semaphore_mem>>) src(%dma_wait3A_223 : memref<32x1024xf32, #tpu.memory_space<hbm>>) dst(%arg8 : memref<32x1024xf32, #tpu.memory_space<vmem>>)
      %mul3A_224 = arith.constant 2 : i32
      %mul3A_225 = arith.muli %mul3A_224, %scan3A_206 : i32
      %mul3A_226 = arith.constant 32 : i32
      %mul3A_227 = arith.muli %mul3A_225, %mul3A_226 : i32
      %add3A_228 = arith.addi %mul3A_2, %mul3A_227 : i32
      %add3A_229 = arith.constant 0 : i32
      %add3A_230 = arith.addi %add3A_228, %add3A_229 : i32
      %parallel_loop3A = arith.constant 0 : i32
      %parallel_loop3A_231 = arith.constant 64 : i32
      %parallel_loop3A_232 = arith.constant 1 : i32
      %parallel_loop3A_233:16 = scf.for %parallel_loop3A_905 = %parallel_loop3A to %parallel_loop3A_231 step %parallel_loop3A_232 iter_args(%parallel_loop3A_906 = %broadcast_in_dim3A_3, %parallel_loop3A_907 = %broadcast_in_dim3A_3, %parallel_loop3A_908 = %broadcast_in_dim3A_3, %parallel_loop3A_909 = %broadcast_in_dim3A_3, %parallel_loop3A_910 = %broadcast_in_dim3A_3, %parallel_loop3A_911 = %broadcast_in_dim3A_3, %parallel_loop3A_912 = %broadcast_in_dim3A_3, %parallel_loop3A_913 = %broadcast_in_dim3A_3, %parallel_loop3A_914 = %broadcast_in_dim3A_3, %parallel_loop3A_915 = %broadcast_in_dim3A_3, %parallel_loop3A_916 = %broadcast_in_dim3A_3, %parallel_loop3A_917 = %broadcast_in_dim3A_3, %parallel_loop3A_918 = %broadcast_in_dim3A_3, %parallel_loop3A_919 = %broadcast_in_dim3A_3, %parallel_loop3A_920 = %broadcast_in_dim3A_3, %parallel_loop3A_921 = %broadcast_in_dim3A_3) -> (vector<16xf32>, vector<16xf32>, vector<16xf32>, vector<16xf32>, vector<16xf32>, vector<16xf32>, vector<16xf32>, vector<16xf32>, vector<16xf32>, vector<16xf32>, vector<16xf32>, vector<16xf32>, vector<16xf32>, vector<16xf32>, vector<16xf32>, vector<16xf32>)  : i32 {
        %parallel_loop3A_922 = arith.constant 16 : i32
        %parallel_loop3A_923 = arith.muli %parallel_loop3A_905, %parallel_loop3A_922 : i32
        %parallel_loop3A_924 = arith.index_cast %parallel_loop3A_923 : i32 to index
        %parallel_loop3A_925 = tpu.vector_load %arg10[%parallel_loop3A_924] {strides = array<i32>} : memref<1024xf32, #tpu.memory_space<vmem>>, vector<16xf32>,
        %parallel_loop3A_926 = arith.constant 16 : i32
        %parallel_loop3A_927 = arith.muli %parallel_loop3A_905, %parallel_loop3A_926 : i32
        %parallel_loop3A_928 = arith.constant 0 : i32
        %parallel_loop3A_929 = arith.index_cast %parallel_loop3A_928 : i32 to index
        %parallel_loop3A_930 = arith.index_cast %parallel_loop3A_927 : i32 to index
        %parallel_loop3A_931 = tpu.vector_load %arg8[%parallel_loop3A_929, %parallel_loop3A_930] {strides = array<i32>} : memref<32x1024xf32, #tpu.memory_space<vmem>>, vector<16xf32>,
        %parallel_loop3A_932 = arith.mulf %parallel_loop3A_931, %parallel_loop3A_925 : vector<16xf32>
        %parallel_loop3A_933 = arith.addf %parallel_loop3A_906, %parallel_loop3A_932 : vector<16xf32>
        %parallel_loop3A_934 = arith.constant 16 : i32
        %parallel_loop3A_935 = arith.muli %parallel_loop3A_905, %parallel_loop3A_934 : i32
        %parallel_loop3A_936 = arith.constant 1 : i32
        %parallel_loop3A_937 = arith.index_cast %parallel_loop3A_936 : i32 to index
        %parallel_loop3A_938 = arith.index_cast %parallel_loop3A_935 : i32 to index
        %parallel_loop3A_939 = tpu.vector_load %arg8[%parallel_loop3A_937, %parallel_loop3A_938] {strides = array<i32>} : memref<32x1024xf32, #tpu.memory_space<vmem>>, vector<16xf32>,
        %parallel_loop3A_940 = arith.mulf %parallel_loop3A_939, %parallel_loop3A_925 : vector<16xf32>
        %parallel_loop3A_941 = arith.addf %parallel_loop3A_907, %parallel_loop3A_940 : vector<16xf32>
        %parallel_loop3A_942 = arith.constant 16 : i32
        %parallel_loop3A_943 = arith.muli %parallel_loop3A_905, %parallel_loop3A_942 : i32
        %parallel_loop3A_944 = arith.constant 2 : i32
        %parallel_loop3A_945 = arith.index_cast %parallel_loop3A_944 : i32 to index
        %parallel_loop3A_946 = arith.index_cast %parallel_loop3A_943 : i32 to index
        %parallel_loop3A_947 = tpu.vector_load %arg8[%parallel_loop3A_945, %parallel_loop3A_946] {strides = array<i32>} : memref<32x1024xf32, #tpu.memory_space<vmem>>, vector<16xf32>,
        %parallel_loop3A_948 = arith.mulf %parallel_loop3A_947, %parallel_loop3A_925 : vector<16xf32>
        %parallel_loop3A_949 = arith.addf %parallel_loop3A_908, %parallel_loop3A_948 : vector<16xf32>
        %parallel_loop3A_950 = arith.constant 16 : i32
        %parallel_loop3A_951 = arith.muli %parallel_loop3A_905, %parallel_loop3A_950 : i32
        %parallel_loop3A_952 = arith.constant 3 : i32
        %parallel_loop3A_953 = arith.index_cast %parallel_loop3A_952 : i32 to index
        %parallel_loop3A_954 = arith.index_cast %parallel_loop3A_951 : i32 to index
        %parallel_loop3A_955 = tpu.vector_load %arg8[%parallel_loop3A_953, %parallel_loop3A_954] {strides = array<i32>} : memref<32x1024xf32, #tpu.memory_space<vmem>>, vector<16xf32>,
        %parallel_loop3A_956 = arith.mulf %parallel_loop3A_955, %parallel_loop3A_925 : vector<16xf32>
        %parallel_loop3A_957 = arith.addf %parallel_loop3A_909, %parallel_loop3A_956 : vector<16xf32>
        %parallel_loop3A_958 = arith.constant 16 : i32
        %parallel_loop3A_959 = arith.muli %parallel_loop3A_905, %parallel_loop3A_958 : i32
        %parallel_loop3A_960 = arith.constant 4 : i32
        %parallel_loop3A_961 = arith.index_cast %parallel_loop3A_960 : i32 to index
        %parallel_loop3A_962 = arith.index_cast %parallel_loop3A_959 : i32 to index
        %parallel_loop3A_963 = tpu.vector_load %arg8[%parallel_loop3A_961, %parallel_loop3A_962] {strides = array<i32>} : memref<32x1024xf32, #tpu.memory_space<vmem>>, vector<16xf32>,
        %parallel_loop3A_964 = arith.mulf %parallel_loop3A_963, %parallel_loop3A_925 : vector<16xf32>
        %parallel_loop3A_965 = arith.addf %parallel_loop3A_910, %parallel_loop3A_964 : vector<16xf32>
        %parallel_loop3A_966 = arith.constant 16 : i32
        %parallel_loop3A_967 = arith.muli %parallel_loop3A_905, %parallel_loop3A_966 : i32
        %parallel_loop3A_968 = arith.constant 5 : i32
        %parallel_loop3A_969 = arith.index_cast %parallel_loop3A_968 : i32 to index
        %parallel_loop3A_970 = arith.index_cast %parallel_loop3A_967 : i32 to index
        %parallel_loop3A_971 = tpu.vector_load %arg8[%parallel_loop3A_969, %parallel_loop3A_970] {strides = array<i32>} : memref<32x1024xf32, #tpu.memory_space<vmem>>, vector<16xf32>,
        %parallel_loop3A_972 = arith.mulf %parallel_loop3A_971, %parallel_loop3A_925 : vector<16xf32>
        %parallel_loop3A_973 = arith.addf %parallel_loop3A_911, %parallel_loop3A_972 : vector<16xf32>
        %parallel_loop3A_974 = arith.constant 16 : i32
        %parallel_loop3A_975 = arith.muli %parallel_loop3A_905, %parallel_loop3A_974 : i32
        %parallel_loop3A_976 = arith.constant 6 : i32
        %parallel_loop3A_977 = arith.index_cast %parallel_loop3A_976 : i32 to index
        %parallel_loop3A_978 = arith.index_cast %parallel_loop3A_975 : i32 to index
        %parallel_loop3A_979 = tpu.vector_load %arg8[%parallel_loop3A_977, %parallel_loop3A_978] {strides = array<i32>} : memref<32x1024xf32, #tpu.memory_space<vmem>>, vector<16xf32>,
        %parallel_loop3A_980 = arith.mulf %parallel_loop3A_979, %parallel_loop3A_925 : vector<16xf32>
        %parallel_loop3A_981 = arith.addf %parallel_loop3A_912, %parallel_loop3A_980 : vector<16xf32>
        %parallel_loop3A_982 = arith.constant 16 : i32
        %parallel_loop3A_983 = arith.muli %parallel_loop3A_905, %parallel_loop3A_982 : i32
        %parallel_loop3A_984 = arith.constant 7 : i32
        %parallel_loop3A_985 = arith.index_cast %parallel_loop3A_984 : i32 to index
        %parallel_loop3A_986 = arith.index_cast %parallel_loop3A_983 : i32 to index
        %parallel_loop3A_987 = tpu.vector_load %arg8[%parallel_loop3A_985, %parallel_loop3A_986] {strides = array<i32>} : memref<32x1024xf32, #tpu.memory_space<vmem>>, vector<16xf32>,
        %parallel_loop3A_988 = arith.mulf %parallel_loop3A_987, %parallel_loop3A_925 : vector<16xf32>
        %parallel_loop3A_989 = arith.addf %parallel_loop3A_913, %parallel_loop3A_988 : vector<16xf32>
        %parallel_loop3A_990 = arith.constant 16 : i32
        %parallel_loop3A_991 = arith.muli %parallel_loop3A_905, %parallel_loop3A_990 : i32
        %parallel_loop3A_992 = arith.constant 8 : i32
        %parallel_loop3A_993 = arith.index_cast %parallel_loop3A_992 : i32 to index
        %parallel_loop3A_994 = arith.index_cast %parallel_loop3A_991 : i32 to index
        %parallel_loop3A_995 = tpu.vector_load %arg8[%parallel_loop3A_993, %parallel_loop3A_994] {strides = array<i32>} : memref<32x1024xf32, #tpu.memory_space<vmem>>, vector<16xf32>,
        %parallel_loop3A_996 = arith.mulf %parallel_loop3A_995, %parallel_loop3A_925 : vector<16xf32>
        %parallel_loop3A_997 = arith.addf %parallel_loop3A_914, %parallel_loop3A_996 : vector<16xf32>
        %parallel_loop3A_998 = arith.constant 16 : i32
        %parallel_loop3A_999 = arith.muli %parallel_loop3A_905, %parallel_loop3A_998 : i32
        %parallel_loop3A_1000 = arith.constant 9 : i32
        %parallel_loop3A_1001 = arith.index_cast %parallel_loop3A_1000 : i32 to index
        %parallel_loop3A_1002 = arith.index_cast %parallel_loop3A_999 : i32 to index
        %parallel_loop3A_1003 = tpu.vector_load %arg8[%parallel_loop3A_1001, %parallel_loop3A_1002] {strides = array<i32>} : memref<32x1024xf32, #tpu.memory_space<vmem>>, vector<16xf32>,
        %parallel_loop3A_1004 = arith.mulf %parallel_loop3A_1003, %parallel_loop3A_925 : vector<16xf32>
        %parallel_loop3A_1005 = arith.addf %parallel_loop3A_915, %parallel_loop3A_1004 : vector<16xf32>
        %parallel_loop3A_1006 = arith.constant 16 : i32
        %parallel_loop3A_1007 = arith.muli %parallel_loop3A_905, %parallel_loop3A_1006 : i32
        %parallel_loop3A_1008 = arith.constant 10 : i32
        %parallel_loop3A_1009 = arith.index_cast %parallel_loop3A_1008 : i32 to index
        %parallel_loop3A_1010 = arith.index_cast %parallel_loop3A_1007 : i32 to index
        %parallel_loop3A_1011 = tpu.vector_load %arg8[%parallel_loop3A_1009, %parallel_loop3A_1010] {strides = array<i32>} : memref<32x1024xf32, #tpu.memory_space<vmem>>, vector<16xf32>,
        %parallel_loop3A_1012 = arith.mulf %parallel_loop3A_1011, %parallel_loop3A_925 : vector<16xf32>
        %parallel_loop3A_1013 = arith.addf %parallel_loop3A_916, %parallel_loop3A_1012 : vector<16xf32>
        %parallel_loop3A_1014 = arith.constant 16 : i32
        %parallel_loop3A_1015 = arith.muli %parallel_loop3A_905, %parallel_loop3A_1014 : i32
        %parallel_loop3A_1016 = arith.constant 11 : i32
        %parallel_loop3A_1017 = arith.index_cast %parallel_loop3A_1016 : i32 to index
        %parallel_loop3A_1018 = arith.index_cast %parallel_loop3A_1015 : i32 to index
        %parallel_loop3A_1019 = tpu.vector_load %arg8[%parallel_loop3A_1017, %parallel_loop3A_1018] {strides = array<i32>} : memref<32x1024xf32, #tpu.memory_space<vmem>>, vector<16xf32>,
        %parallel_loop3A_1020 = arith.mulf %parallel_loop3A_1019, %parallel_loop3A_925 : vector<16xf32>
        %parallel_loop3A_1021 = arith.addf %parallel_loop3A_917, %parallel_loop3A_1020 : vector<16xf32>
        %parallel_loop3A_1022 = arith.constant 16 : i32
        %parallel_loop3A_1023 = arith.muli %parallel_loop3A_905, %parallel_loop3A_1022 : i32
        %parallel_loop3A_1024 = arith.constant 12 : i32
        %parallel_loop3A_1025 = arith.index_cast %parallel_loop3A_1024 : i32 to index
        %parallel_loop3A_1026 = arith.index_cast %parallel_loop3A_1023 : i32 to index
        %parallel_loop3A_1027 = tpu.vector_load %arg8[%parallel_loop3A_1025, %parallel_loop3A_1026] {strides = array<i32>} : memref<32x1024xf32, #tpu.memory_space<vmem>>, vector<16xf32>,
        %parallel_loop3A_1028 = arith.mulf %parallel_loop3A_1027, %parallel_loop3A_925 : vector<16xf32>
        %parallel_loop3A_1029 = arith.addf %parallel_loop3A_918, %parallel_loop3A_1028 : vector<16xf32>
        %parallel_loop3A_1030 = arith.constant 16 : i32
        %parallel_loop3A_1031 = arith.muli %parallel_loop3A_905, %parallel_loop3A_1030 : i32
        %parallel_loop3A_1032 = arith.constant 13 : i32
        %parallel_loop3A_1033 = arith.index_cast %parallel_loop3A_1032 : i32 to index
        %parallel_loop3A_1034 = arith.index_cast %parallel_loop3A_1031 : i32 to index
        %parallel_loop3A_1035 = tpu.vector_load %arg8[%parallel_loop3A_1033, %parallel_loop3A_1034] {strides = array<i32>} : memref<32x1024xf32, #tpu.memory_space<vmem>>, vector<16xf32>,
        %parallel_loop3A_1036 = arith.mulf %parallel_loop3A_1035, %parallel_loop3A_925 : vector<16xf32>
        %parallel_loop3A_1037 = arith.addf %parallel_loop3A_919, %parallel_loop3A_1036 : vector<16xf32>
        %parallel_loop3A_1038 = arith.constant 16 : i32
        %parallel_loop3A_1039 = arith.muli %parallel_loop3A_905, %parallel_loop3A_1038 : i32
        %parallel_loop3A_1040 = arith.constant 14 : i32
        %parallel_loop3A_1041 = arith.index_cast %parallel_loop3A_1040 : i32 to index
        %parallel_loop3A_1042 = arith.index_cast %parallel_loop3A_1039 : i32 to index
        %parallel_loop3A_1043 = tpu.vector_load %arg8[%parallel_loop3A_1041, %parallel_loop3A_1042] {strides = array<i32>} : memref<32x1024xf32, #tpu.memory_space<vmem>>, vector<16xf32>,
        %parallel_loop3A_1044 = arith.mulf %parallel_loop3A_1043, %parallel_loop3A_925 : vector<16xf32>
        %parallel_loop3A_1045 = arith.addf %parallel_loop3A_920, %parallel_loop3A_1044 : vector<16xf32>
        %parallel_loop3A_1046 = arith.constant 16 : i32
        %parallel_loop3A_1047 = arith.muli %parallel_loop3A_905, %parallel_loop3A_1046 : i32
        %parallel_loop3A_1048 = arith.constant 15 : i32
        %parallel_loop3A_1049 = arith.index_cast %parallel_loop3A_1048 : i32 to index
        %parallel_loop3A_1050 = arith.index_cast %parallel_loop3A_1047 : i32 to index
        %parallel_loop3A_1051 = tpu.vector_load %arg8[%parallel_loop3A_1049, %parallel_loop3A_1050] {strides = array<i32>} : memref<32x1024xf32, #tpu.memory_space<vmem>>, vector<16xf32>,
        %parallel_loop3A_1052 = arith.mulf %parallel_loop3A_1051, %parallel_loop3A_925 : vector<16xf32>
        %parallel_loop3A_1053 = arith.addf %parallel_loop3A_921, %parallel_loop3A_1052 : vector<16xf32>
        scf.yield %parallel_loop3A_933, %parallel_loop3A_941, %parallel_loop3A_949, %parallel_loop3A_957, %parallel_loop3A_965, %parallel_loop3A_973, %parallel_loop3A_981, %parallel_loop3A_989, %parallel_loop3A_997, %parallel_loop3A_1005, %parallel_loop3A_1013, %parallel_loop3A_1021, %parallel_loop3A_1029, %parallel_loop3A_1037, %parallel_loop3A_1045, %parallel_loop3A_1053 : vector<16xf32>, vector<16xf32>, vector<16xf32>, vector<16xf32>, vector<16xf32>, vector<16xf32>, vector<16xf32>, vector<16xf32>, vector<16xf32>, vector<16xf32>, vector<16xf32>, vector<16xf32>, vector<16xf32>, vector<16xf32>, vector<16xf32>, vector<16xf32>
      } {sc.loop_unroll_factor = 1 : i64, sc.parallel_access}
      %eq3A_234 = arith.constant 0 : i32
      %eq3A_235 = vector.broadcast %eq3A_234 : i32 to vector<16xi32>
      %eq3A_236 = arith.cmpi eq, %iota3A, %eq3A_235 : vector<16xi32>
      %reduce_sum3A = arith.constant true
      %reduce_sum3A_237 = vector.broadcast %reduce_sum3A : i1 to vector<16xi1>
      %reduce_sum3A_238 = tpu.scan <sum>, %parallel_loop3A_233#0 masked %reduce_sum3A_237 : vector<16xf32>, vector<16xi1> -> vector<16xf32>
      %reduce_sum3A_239 = vector.extract %reduce_sum3A_238[15] : f32 from vector<16xf32>
      %broadcast_in_dim3A_240 = vector.broadcast %reduce_sum3A_239 : f32 to vector<16xf32>
      %select_n3A_241 = arith.select %eq3A_236, %broadcast_in_dim3A_240, %broadcast_in_dim3A_3 : vector<16xi1>, vector<16xf32>
      %eq3A_242 = arith.constant 1 : i32
      %eq3A_243 = vector.broadcast %eq3A_242 : i32 to vector<16xi32>
      %eq3A_244 = arith.cmpi eq, %iota3A, %eq3A_243 : vector<16xi32>
      %reduce_sum3A_245 = arith.constant true
      %reduce_sum3A_246 = vector.broadcast %reduce_sum3A_245 : i1 to vector<16xi1>
      %reduce_sum3A_247 = tpu.scan <sum>, %parallel_loop3A_233#1 masked %reduce_sum3A_246 : vector<16xf32>, vector<16xi1> -> vector<16xf32>
      %reduce_sum3A_248 = vector.extract %reduce_sum3A_247[15] : f32 from vector<16xf32>
      %broadcast_in_dim3A_249 = vector.broadcast %reduce_sum3A_248 : f32 to vector<16xf32>
      %select_n3A_250 = arith.select %eq3A_244, %broadcast_in_dim3A_249, %select_n3A_241 : vector<16xi1>, vector<16xf32>
      %eq3A_251 = arith.constant 2 : i32
      %eq3A_252 = vector.broadcast %eq3A_251 : i32 to vector<16xi32>
      %eq3A_253 = arith.cmpi eq, %iota3A, %eq3A_252 : vector<16xi32>
      %reduce_sum3A_254 = arith.constant true
      %reduce_sum3A_255 = vector.broadcast %reduce_sum3A_254 : i1 to vector<16xi1>
      %reduce_sum3A_256 = tpu.scan <sum>, %parallel_loop3A_233#2 masked %reduce_sum3A_255 : vector<16xf32>, vector<16xi1> -> vector<16xf32>
      %reduce_sum3A_257 = vector.extract %reduce_sum3A_256[15] : f32 from vector<16xf32>
      %broadcast_in_dim3A_258 = vector.broadcast %reduce_sum3A_257 : f32 to vector<16xf32>
      %select_n3A_259 = arith.select %eq3A_253, %broadcast_in_dim3A_258, %select_n3A_250 : vector<16xi1>, vector<16xf32>
      %eq3A_260 = arith.constant 3 : i32
      %eq3A_261 = vector.broadcast %eq3A_260 : i32 to vector<16xi32>
      %eq3A_262 = arith.cmpi eq, %iota3A, %eq3A_261 : vector<16xi32>
      %reduce_sum3A_263 = arith.constant true
      %reduce_sum3A_264 = vector.broadcast %reduce_sum3A_263 : i1 to vector<16xi1>
      %reduce_sum3A_265 = tpu.scan <sum>, %parallel_loop3A_233#3 masked %reduce_sum3A_264 : vector<16xf32>, vector<16xi1> -> vector<16xf32>
      %reduce_sum3A_266 = vector.extract %reduce_sum3A_265[15] : f32 from vector<16xf32>
      %broadcast_in_dim3A_267 = vector.broadcast %reduce_sum3A_266 : f32 to vector<16xf32>
      %select_n3A_268 = arith.select %eq3A_262, %broadcast_in_dim3A_267, %select_n3A_259 : vector<16xi1>, vector<16xf32>
      %eq3A_269 = arith.constant 4 : i32
      %eq3A_270 = vector.broadcast %eq3A_269 : i32 to vector<16xi32>
      %eq3A_271 = arith.cmpi eq, %iota3A, %eq3A_270 : vector<16xi32>
      %reduce_sum3A_272 = arith.constant true
      %reduce_sum3A_273 = vector.broadcast %reduce_sum3A_272 : i1 to vector<16xi1>
      %reduce_sum3A_274 = tpu.scan <sum>, %parallel_loop3A_233#4 masked %reduce_sum3A_273 : vector<16xf32>, vector<16xi1> -> vector<16xf32>
      %reduce_sum3A_275 = vector.extract %reduce_sum3A_274[15] : f32 from vector<16xf32>
      %broadcast_in_dim3A_276 = vector.broadcast %reduce_sum3A_275 : f32 to vector<16xf32>
      %select_n3A_277 = arith.select %eq3A_271, %broadcast_in_dim3A_276, %select_n3A_268 : vector<16xi1>, vector<16xf32>
      %eq3A_278 = arith.constant 5 : i32
      %eq3A_279 = vector.broadcast %eq3A_278 : i32 to vector<16xi32>
      %eq3A_280 = arith.cmpi eq, %iota3A, %eq3A_279 : vector<16xi32>
      %reduce_sum3A_281 = arith.constant true
      %reduce_sum3A_282 = vector.broadcast %reduce_sum3A_281 : i1 to vector<16xi1>
      %reduce_sum3A_283 = tpu.scan <sum>, %parallel_loop3A_233#5 masked %reduce_sum3A_282 : vector<16xf32>, vector<16xi1> -> vector<16xf32>
      %reduce_sum3A_284 = vector.extract %reduce_sum3A_283[15] : f32 from vector<16xf32>
      %broadcast_in_dim3A_285 = vector.broadcast %reduce_sum3A_284 : f32 to vector<16xf32>
      %select_n3A_286 = arith.select %eq3A_280, %broadcast_in_dim3A_285, %select_n3A_277 : vector<16xi1>, vector<16xf32>
      %eq3A_287 = arith.constant 6 : i32
      %eq3A_288 = vector.broadcast %eq3A_287 : i32 to vector<16xi32>
      %eq3A_289 = arith.cmpi eq, %iota3A, %eq3A_288 : vector<16xi32>
      %reduce_sum3A_290 = arith.constant true
      %reduce_sum3A_291 = vector.broadcast %reduce_sum3A_290 : i1 to vector<16xi1>
      %reduce_sum3A_292 = tpu.scan <sum>, %parallel_loop3A_233#6 masked %reduce_sum3A_291 : vector<16xf32>, vector<16xi1> -> vector<16xf32>
      %reduce_sum3A_293 = vector.extract %reduce_sum3A_292[15] : f32 from vector<16xf32>
      %broadcast_in_dim3A_294 = vector.broadcast %reduce_sum3A_293 : f32 to vector<16xf32>
      %select_n3A_295 = arith.select %eq3A_289, %broadcast_in_dim3A_294, %select_n3A_286 : vector<16xi1>, vector<16xf32>
      %eq3A_296 = arith.constant 7 : i32
      %eq3A_297 = vector.broadcast %eq3A_296 : i32 to vector<16xi32>
      %eq3A_298 = arith.cmpi eq, %iota3A, %eq3A_297 : vector<16xi32>
      %reduce_sum3A_299 = arith.constant true
      %reduce_sum3A_300 = vector.broadcast %reduce_sum3A_299 : i1 to vector<16xi1>
      %reduce_sum3A_301 = tpu.scan <sum>, %parallel_loop3A_233#7 masked %reduce_sum3A_300 : vector<16xf32>, vector<16xi1> -> vector<16xf32>
      %reduce_sum3A_302 = vector.extract %reduce_sum3A_301[15] : f32 from vector<16xf32>
      %broadcast_in_dim3A_303 = vector.broadcast %reduce_sum3A_302 : f32 to vector<16xf32>
      %select_n3A_304 = arith.select %eq3A_298, %broadcast_in_dim3A_303, %select_n3A_295 : vector<16xi1>, vector<16xf32>
      %eq3A_305 = arith.constant 8 : i32
      %eq3A_306 = vector.broadcast %eq3A_305 : i32 to vector<16xi32>
      %eq3A_307 = arith.cmpi eq, %iota3A, %eq3A_306 : vector<16xi32>
      %reduce_sum3A_308 = arith.constant true
      %reduce_sum3A_309 = vector.broadcast %reduce_sum3A_308 : i1 to vector<16xi1>
      %reduce_sum3A_310 = tpu.scan <sum>, %parallel_loop3A_233#8 masked %reduce_sum3A_309 : vector<16xf32>, vector<16xi1> -> vector<16xf32>
      %reduce_sum3A_311 = vector.extract %reduce_sum3A_310[15] : f32 from vector<16xf32>
      %broadcast_in_dim3A_312 = vector.broadcast %reduce_sum3A_311 : f32 to vector<16xf32>
      %select_n3A_313 = arith.select %eq3A_307, %broadcast_in_dim3A_312, %select_n3A_304 : vector<16xi1>, vector<16xf32>
      %eq3A_314 = arith.constant 9 : i32
      %eq3A_315 = vector.broadcast %eq3A_314 : i32 to vector<16xi32>
      %eq3A_316 = arith.cmpi eq, %iota3A, %eq3A_315 : vector<16xi32>
      %reduce_sum3A_317 = arith.constant true
      %reduce_sum3A_318 = vector.broadcast %reduce_sum3A_317 : i1 to vector<16xi1>
      %reduce_sum3A_319 = tpu.scan <sum>, %parallel_loop3A_233#9 masked %reduce_sum3A_318 : vector<16xf32>, vector<16xi1> -> vector<16xf32>
      %reduce_sum3A_320 = vector.extract %reduce_sum3A_319[15] : f32 from vector<16xf32>
      %broadcast_in_dim3A_321 = vector.broadcast %reduce_sum3A_320 : f32 to vector<16xf32>
      %select_n3A_322 = arith.select %eq3A_316, %broadcast_in_dim3A_321, %select_n3A_313 : vector<16xi1>, vector<16xf32>
      %eq3A_323 = arith.constant 10 : i32
      %eq3A_324 = vector.broadcast %eq3A_323 : i32 to vector<16xi32>
      %eq3A_325 = arith.cmpi eq, %iota3A, %eq3A_324 : vector<16xi32>
      %reduce_sum3A_326 = arith.constant true
      %reduce_sum3A_327 = vector.broadcast %reduce_sum3A_326 : i1 to vector<16xi1>
      %reduce_sum3A_328 = tpu.scan <sum>, %parallel_loop3A_233#10 masked %reduce_sum3A_327 : vector<16xf32>, vector<16xi1> -> vector<16xf32>
      %reduce_sum3A_329 = vector.extract %reduce_sum3A_328[15] : f32 from vector<16xf32>
      %broadcast_in_dim3A_330 = vector.broadcast %reduce_sum3A_329 : f32 to vector<16xf32>
      %select_n3A_331 = arith.select %eq3A_325, %broadcast_in_dim3A_330, %select_n3A_322 : vector<16xi1>, vector<16xf32>
      %eq3A_332 = arith.constant 11 : i32
      %eq3A_333 = vector.broadcast %eq3A_332 : i32 to vector<16xi32>
      %eq3A_334 = arith.cmpi eq, %iota3A, %eq3A_333 : vector<16xi32>
      %reduce_sum3A_335 = arith.constant true
      %reduce_sum3A_336 = vector.broadcast %reduce_sum3A_335 : i1 to vector<16xi1>
      %reduce_sum3A_337 = tpu.scan <sum>, %parallel_loop3A_233#11 masked %reduce_sum3A_336 : vector<16xf32>, vector<16xi1> -> vector<16xf32>
      %reduce_sum3A_338 = vector.extract %reduce_sum3A_337[15] : f32 from vector<16xf32>
      %broadcast_in_dim3A_339 = vector.broadcast %reduce_sum3A_338 : f32 to vector<16xf32>
      %select_n3A_340 = arith.select %eq3A_334, %broadcast_in_dim3A_339, %select_n3A_331 : vector<16xi1>, vector<16xf32>
      %eq3A_341 = arith.constant 12 : i32
      %eq3A_342 = vector.broadcast %eq3A_341 : i32 to vector<16xi32>
      %eq3A_343 = arith.cmpi eq, %iota3A, %eq3A_342 : vector<16xi32>
      %reduce_sum3A_344 = arith.constant true
      %reduce_sum3A_345 = vector.broadcast %reduce_sum3A_344 : i1 to vector<16xi1>
      %reduce_sum3A_346 = tpu.scan <sum>, %parallel_loop3A_233#12 masked %reduce_sum3A_345 : vector<16xf32>, vector<16xi1> -> vector<16xf32>
      %reduce_sum3A_347 = vector.extract %reduce_sum3A_346[15] : f32 from vector<16xf32>
      %broadcast_in_dim3A_348 = vector.broadcast %reduce_sum3A_347 : f32 to vector<16xf32>
      %select_n3A_349 = arith.select %eq3A_343, %broadcast_in_dim3A_348, %select_n3A_340 : vector<16xi1>, vector<16xf32>
      %eq3A_350 = arith.constant 13 : i32
      %eq3A_351 = vector.broadcast %eq3A_350 : i32 to vector<16xi32>
      %eq3A_352 = arith.cmpi eq, %iota3A, %eq3A_351 : vector<16xi32>
      %reduce_sum3A_353 = arith.constant true
      %reduce_sum3A_354 = vector.broadcast %reduce_sum3A_353 : i1 to vector<16xi1>
      %reduce_sum3A_355 = tpu.scan <sum>, %parallel_loop3A_233#13 masked %reduce_sum3A_354 : vector<16xf32>, vector<16xi1> -> vector<16xf32>
      %reduce_sum3A_356 = vector.extract %reduce_sum3A_355[15] : f32 from vector<16xf32>
      %broadcast_in_dim3A_357 = vector.broadcast %reduce_sum3A_356 : f32 to vector<16xf32>
      %select_n3A_358 = arith.select %eq3A_352, %broadcast_in_dim3A_357, %select_n3A_349 : vector<16xi1>, vector<16xf32>
      %eq3A_359 = arith.constant 14 : i32
      %eq3A_360 = vector.broadcast %eq3A_359 : i32 to vector<16xi32>
      %eq3A_361 = arith.cmpi eq, %iota3A, %eq3A_360 : vector<16xi32>
      %reduce_sum3A_362 = arith.constant true
      %reduce_sum3A_363 = vector.broadcast %reduce_sum3A_362 : i1 to vector<16xi1>
      %reduce_sum3A_364 = tpu.scan <sum>, %parallel_loop3A_233#14 masked %reduce_sum3A_363 : vector<16xf32>, vector<16xi1> -> vector<16xf32>
      %reduce_sum3A_365 = vector.extract %reduce_sum3A_364[15] : f32 from vector<16xf32>
      %broadcast_in_dim3A_366 = vector.broadcast %reduce_sum3A_365 : f32 to vector<16xf32>
      %select_n3A_367 = arith.select %eq3A_361, %broadcast_in_dim3A_366, %select_n3A_358 : vector<16xi1>, vector<16xf32>
      %eq3A_368 = arith.constant 15 : i32
      %eq3A_369 = vector.broadcast %eq3A_368 : i32 to vector<16xi32>
      %eq3A_370 = arith.cmpi eq, %iota3A, %eq3A_369 : vector<16xi32>
      %reduce_sum3A_371 = arith.constant true
      %reduce_sum3A_372 = vector.broadcast %reduce_sum3A_371 : i1 to vector<16xi1>
      %reduce_sum3A_373 = tpu.scan <sum>, %parallel_loop3A_233#15 masked %reduce_sum3A_372 : vector<16xf32>, vector<16xi1> -> vector<16xf32>
      %reduce_sum3A_374 = vector.extract %reduce_sum3A_373[15] : f32 from vector<16xf32>
      %broadcast_in_dim3A_375 = vector.broadcast %reduce_sum3A_374 : f32 to vector<16xf32>
      %select_n3A_376 = arith.select %eq3A_370, %broadcast_in_dim3A_375, %select_n3A_367 : vector<16xi1>, vector<16xf32>
      %get3A_377 = arith.constant 0 : i32
      %get3A_378 = arith.index_cast %get3A_377 : i32 to index
      %get3A_379 = memref.load %arg19[%get3A_378] : memref<1xi32, #tpu.memory_space<smem>>
      %add3A_380 = arith.constant 16 : i32
      %add3A_381 = arith.addi %add3A_230, %add3A_380 : i32
      %ge3A_382 = arith.cmpi sge, %get3A_379, %add3A_381 : i32
      %convert_element_type3A = arith.extui %ge3A_382 : i1 to i32
      %cond3A = arith.constant 0 : i32
      %cond3A_383 = arith.cmpi ne, %convert_element_type3A, %cond3A : i32
      scf.if %cond3A_383 {
        %get3A_905 = arith.constant 0 : i32
        %get3A_906 = arith.index_cast %get3A_905 : i32 to index
        %get3A_907 = memref.load %arg17[%get3A_906] : memref<1xf32, #tpu.memory_space<smem>>
        %reduce_max3A_908 = arith.constant true
        %reduce_max3A_909 = vector.broadcast %reduce_max3A_908 : i1 to vector<16xi1>
        %reduce_max3A_910 = tpu.scan <max>, %select_n3A_376 masked %reduce_max3A_909 : vector<16xf32>, vector<16xi1> -> vector<16xf32>
        %reduce_max3A_911 = vector.extract %reduce_max3A_910[15] : f32 from vector<16xf32>
        %max3A = arith.maximumf %get3A_907, %reduce_max3A_911 : f32
        %sub3A = arith.subf %get3A_907, %max3A : f32
        %broadcast_in_dim3A_912 = vector.broadcast %sub3A : f32 to vector<16xf32>
        %exp3A = math.exp %broadcast_in_dim3A_912 : vector<16xf32>
        %sub3A_913 = vector.broadcast %max3A : f32 to vector<16xf32>
        %sub3A_914 = arith.subf %select_n3A_376, %sub3A_913 : vector<16xf32>
        %exp3A_915 = math.exp %sub3A_914 : vector<16xf32>
        %get3A_916 = arith.constant 0 : index
        %get3A_917 = tpu.vector_load %arg14[%get3A_916] {strides = array<i32>} : memref<16xf32, #tpu.memory_space<vmem>>, vector<16xf32>,
        %mul3A_918 = arith.mulf %get3A_917, %exp3A : vector<16xf32>
        %reduce_sum3A_919 = arith.constant true
        %reduce_sum3A_920 = vector.broadcast %reduce_sum3A_919 : i1 to vector<16xi1>
        %reduce_sum3A_921 = tpu.scan <sum>, %exp3A_915 masked %reduce_sum3A_920 : vector<16xf32>, vector<16xi1> -> vector<16xf32>
        %reduce_sum3A_922 = vector.extract %reduce_sum3A_921[15] : f32 from vector<16xf32>
        %broadcast_in_dim3A_923 = vector.broadcast %reduce_sum3A_922 : f32 to vector<16xf32>
        %add3A_924 = arith.addf %mul3A_918, %broadcast_in_dim3A_923 : vector<16xf32>
        %swap3A_925 = arith.constant 0 : index
        %swap3A_926 = tpu.vector_load %arg14[%swap3A_925] {strides = array<i32>} : memref<16xf32, #tpu.memory_space<vmem>>, vector<16xf32>,
        tpu.vector_store %arg14[%swap3A_925], %add3A_924 {strides = array<i32>} : memref<16xf32, #tpu.memory_space<vmem>>, vector<16xf32>,
        %swap3A_927 = arith.constant 0 : i32
        %swap3A_928 = arith.index_cast %swap3A_927 : i32 to index
        %swap3A_929 = memref.load %arg17[%swap3A_928] : memref<1xf32, #tpu.memory_space<smem>>
        memref.store %max3A, %arg17[%swap3A_928] : memref<1xf32, #tpu.memory_space<smem>>
        %slice3A_930 = vector.extract_strided_slice %exp3A_915 {offsets = [0], sizes = [1], strides = [1]} : vector<16xf32> to vector<1xf32>
        %squeeze3A_931 = vector.extract %slice3A_930[0] : f32 from vector<1xf32>
        %broadcast_in_dim3A_932 = vector.broadcast %squeeze3A_931 : f32 to vector<16xf32>
        %slice3A_933 = vector.extract_strided_slice %exp3A_915 {offsets = [1], sizes = [1], strides = [1]} : vector<16xf32> to vector<1xf32>
        %squeeze3A_934 = vector.extract %slice3A_933[0] : f32 from vector<1xf32>
        %broadcast_in_dim3A_935 = vector.broadcast %squeeze3A_934 : f32 to vector<16xf32>
        %slice3A_936 = vector.extract_strided_slice %exp3A_915 {offsets = [2], sizes = [1], strides = [1]} : vector<16xf32> to vector<1xf32>
        %squeeze3A_937 = vector.extract %slice3A_936[0] : f32 from vector<1xf32>
        %broadcast_in_dim3A_938 = vector.broadcast %squeeze3A_937 : f32 to vector<16xf32>
        %slice3A_939 = vector.extract_strided_slice %exp3A_915 {offsets = [3], sizes = [1], strides = [1]} : vector<16xf32> to vector<1xf32>
        %squeeze3A_940 = vector.extract %slice3A_939[0] : f32 from vector<1xf32>
        %broadcast_in_dim3A_941 = vector.broadcast %squeeze3A_940 : f32 to vector<16xf32>
        %slice3A_942 = vector.extract_strided_slice %exp3A_915 {offsets = [4], sizes = [1], strides = [1]} : vector<16xf32> to vector<1xf32>
        %squeeze3A_943 = vector.extract %slice3A_942[0] : f32 from vector<1xf32>
        %broadcast_in_dim3A_944 = vector.broadcast %squeeze3A_943 : f32 to vector<16xf32>
        %slice3A_945 = vector.extract_strided_slice %exp3A_915 {offsets = [5], sizes = [1], strides = [1]} : vector<16xf32> to vector<1xf32>
        %squeeze3A_946 = vector.extract %slice3A_945[0] : f32 from vector<1xf32>
        %broadcast_in_dim3A_947 = vector.broadcast %squeeze3A_946 : f32 to vector<16xf32>
        %slice3A_948 = vector.extract_strided_slice %exp3A_915 {offsets = [6], sizes = [1], strides = [1]} : vector<16xf32> to vector<1xf32>
        %squeeze3A_949 = vector.extract %slice3A_948[0] : f32 from vector<1xf32>
        %broadcast_in_dim3A_950 = vector.broadcast %squeeze3A_949 : f32 to vector<16xf32>
        %slice3A_951 = vector.extract_strided_slice %exp3A_915 {offsets = [7], sizes = [1], strides = [1]} : vector<16xf32> to vector<1xf32>
        %squeeze3A_952 = vector.extract %slice3A_951[0] : f32 from vector<1xf32>
        %broadcast_in_dim3A_953 = vector.broadcast %squeeze3A_952 : f32 to vector<16xf32>
        %slice3A_954 = vector.extract_strided_slice %exp3A_915 {offsets = [8], sizes = [1], strides = [1]} : vector<16xf32> to vector<1xf32>
        %squeeze3A_955 = vector.extract %slice3A_954[0] : f32 from vector<1xf32>
        %broadcast_in_dim3A_956 = vector.broadcast %squeeze3A_955 : f32 to vector<16xf32>
        %slice3A_957 = vector.extract_strided_slice %exp3A_915 {offsets = [9], sizes = [1], strides = [1]} : vector<16xf32> to vector<1xf32>
        %squeeze3A_958 = vector.extract %slice3A_957[0] : f32 from vector<1xf32>
        %broadcast_in_dim3A_959 = vector.broadcast %squeeze3A_958 : f32 to vector<16xf32>
        %slice3A_960 = vector.extract_strided_slice %exp3A_915 {offsets = [10], sizes = [1], strides = [1]} : vector<16xf32> to vector<1xf32>
        %squeeze3A_961 = vector.extract %slice3A_960[0] : f32 from vector<1xf32>
        %broadcast_in_dim3A_962 = vector.broadcast %squeeze3A_961 : f32 to vector<16xf32>
        %slice3A_963 = vector.extract_strided_slice %exp3A_915 {offsets = [11], sizes = [1], strides = [1]} : vector<16xf32> to vector<1xf32>
        %squeeze3A_964 = vector.extract %slice3A_963[0] : f32 from vector<1xf32>
        %broadcast_in_dim3A_965 = vector.broadcast %squeeze3A_964 : f32 to vector<16xf32>
        %slice3A_966 = vector.extract_strided_slice %exp3A_915 {offsets = [12], sizes = [1], strides = [1]} : vector<16xf32> to vector<1xf32>
        %squeeze3A_967 = vector.extract %slice3A_966[0] : f32 from vector<1xf32>
        %broadcast_in_dim3A_968 = vector.broadcast %squeeze3A_967 : f32 to vector<16xf32>
        %slice3A_969 = vector.extract_strided_slice %exp3A_915 {offsets = [13], sizes = [1], strides = [1]} : vector<16xf32> to vector<1xf32>
        %squeeze3A_970 = vector.extract %slice3A_969[0] : f32 from vector<1xf32>
        %broadcast_in_dim3A_971 = vector.broadcast %squeeze3A_970 : f32 to vector<16xf32>
        %slice3A_972 = vector.extract_strided_slice %exp3A_915 {offsets = [14], sizes = [1], strides = [1]} : vector<16xf32> to vector<1xf32>
        %squeeze3A_973 = vector.extract %slice3A_972[0] : f32 from vector<1xf32>
        %broadcast_in_dim3A_974 = vector.broadcast %squeeze3A_973 : f32 to vector<16xf32>
        %slice3A_975 = vector.extract_strided_slice %exp3A_915 {offsets = [15], sizes = [1], strides = [1]} : vector<16xf32> to vector<1xf32>
        %squeeze3A_976 = vector.extract %slice3A_975[0] : f32 from vector<1xf32>
        %broadcast_in_dim3A_977 = vector.broadcast %squeeze3A_976 : f32 to vector<16xf32>
        %parallel_loop3A_978 = arith.constant 0 : i32
        %parallel_loop3A_979 = arith.constant 64 : i32
        %parallel_loop3A_980 = arith.constant 1 : i32
        scf.for %parallel_loop3A_981 = %parallel_loop3A_978 to %parallel_loop3A_979 step %parallel_loop3A_980  : i32 {
          %parallel_loop3A_982 = arith.constant 16 : i32
          %parallel_loop3A_983 = arith.muli %parallel_loop3A_981, %parallel_loop3A_982 : i32
          %parallel_loop3A_984 = arith.constant 0 : i32
          %parallel_loop3A_985 = arith.index_cast %parallel_loop3A_984 : i32 to index
          %parallel_loop3A_986 = arith.index_cast %parallel_loop3A_983 : i32 to index
          %parallel_loop3A_987 = tpu.vector_load %arg8[%parallel_loop3A_985, %parallel_loop3A_986] {strides = array<i32>} : memref<32x1024xf32, #tpu.memory_space<vmem>>, vector<16xf32>,
          %parallel_loop3A_988 = arith.mulf %broadcast_in_dim3A_932, %parallel_loop3A_987 : vector<16xf32>
          %parallel_loop3A_989 = arith.constant 16 : i32
          %parallel_loop3A_990 = arith.muli %parallel_loop3A_981, %parallel_loop3A_989 : i32
          %parallel_loop3A_991 = arith.constant 1 : i32
          %parallel_loop3A_992 = arith.index_cast %parallel_loop3A_991 : i32 to index
          %parallel_loop3A_993 = arith.index_cast %parallel_loop3A_990 : i32 to index
          %parallel_loop3A_994 = tpu.vector_load %arg8[%parallel_loop3A_992, %parallel_loop3A_993] {strides = array<i32>} : memref<32x1024xf32, #tpu.memory_space<vmem>>, vector<16xf32>,
          %parallel_loop3A_995 = arith.mulf %broadcast_in_dim3A_935, %parallel_loop3A_994 : vector<16xf32>
          %parallel_loop3A_996 = arith.constant 16 : i32
          %parallel_loop3A_997 = arith.muli %parallel_loop3A_981, %parallel_loop3A_996 : i32
          %parallel_loop3A_998 = arith.constant 2 : i32
          %parallel_loop3A_999 = arith.index_cast %parallel_loop3A_998 : i32 to index
          %parallel_loop3A_1000 = arith.index_cast %parallel_loop3A_997 : i32 to index
          %parallel_loop3A_1001 = tpu.vector_load %arg8[%parallel_loop3A_999, %parallel_loop3A_1000] {strides = array<i32>} : memref<32x1024xf32, #tpu.memory_space<vmem>>, vector<16xf32>,
          %parallel_loop3A_1002 = arith.mulf %broadcast_in_dim3A_938, %parallel_loop3A_1001 : vector<16xf32>
          %parallel_loop3A_1003 = arith.constant 16 : i32
          %parallel_loop3A_1004 = arith.muli %parallel_loop3A_981, %parallel_loop3A_1003 : i32
          %parallel_loop3A_1005 = arith.constant 3 : i32
          %parallel_loop3A_1006 = arith.index_cast %parallel_loop3A_1005 : i32 to index
          %parallel_loop3A_1007 = arith.index_cast %parallel_loop3A_1004 : i32 to index
          %parallel_loop3A_1008 = tpu.vector_load %arg8[%parallel_loop3A_1006, %parallel_loop3A_1007] {strides = array<i32>} : memref<32x1024xf32, #tpu.memory_space<vmem>>, vector<16xf32>,
          %parallel_loop3A_1009 = arith.mulf %broadcast_in_dim3A_941, %parallel_loop3A_1008 : vector<16xf32>
          %parallel_loop3A_1010 = arith.constant 16 : i32
          %parallel_loop3A_1011 = arith.muli %parallel_loop3A_981, %parallel_loop3A_1010 : i32
          %parallel_loop3A_1012 = arith.constant 4 : i32
          %parallel_loop3A_1013 = arith.index_cast %parallel_loop3A_1012 : i32 to index
          %parallel_loop3A_1014 = arith.index_cast %parallel_loop3A_1011 : i32 to index
          %parallel_loop3A_1015 = tpu.vector_load %arg8[%parallel_loop3A_1013, %parallel_loop3A_1014] {strides = array<i32>} : memref<32x1024xf32, #tpu.memory_space<vmem>>, vector<16xf32>,
          %parallel_loop3A_1016 = arith.mulf %broadcast_in_dim3A_944, %parallel_loop3A_1015 : vector<16xf32>
          %parallel_loop3A_1017 = arith.addf %parallel_loop3A_988, %parallel_loop3A_1016 : vector<16xf32>
          %parallel_loop3A_1018 = arith.constant 16 : i32
          %parallel_loop3A_1019 = arith.muli %parallel_loop3A_981, %parallel_loop3A_1018 : i32
          %parallel_loop3A_1020 = arith.constant 5 : i32
          %parallel_loop3A_1021 = arith.index_cast %parallel_loop3A_1020 : i32 to index
          %parallel_loop3A_1022 = arith.index_cast %parallel_loop3A_1019 : i32 to index
          %parallel_loop3A_1023 = tpu.vector_load %arg8[%parallel_loop3A_1021, %parallel_loop3A_1022] {strides = array<i32>} : memref<32x1024xf32, #tpu.memory_space<vmem>>, vector<16xf32>,
          %parallel_loop3A_1024 = arith.mulf %broadcast_in_dim3A_947, %parallel_loop3A_1023 : vector<16xf32>
          %parallel_loop3A_1025 = arith.addf %parallel_loop3A_995, %parallel_loop3A_1024 : vector<16xf32>
          %parallel_loop3A_1026 = arith.constant 16 : i32
          %parallel_loop3A_1027 = arith.muli %parallel_loop3A_981, %parallel_loop3A_1026 : i32
          %parallel_loop3A_1028 = arith.constant 6 : i32
          %parallel_loop3A_1029 = arith.index_cast %parallel_loop3A_1028 : i32 to index
          %parallel_loop3A_1030 = arith.index_cast %parallel_loop3A_1027 : i32 to index
          %parallel_loop3A_1031 = tpu.vector_load %arg8[%parallel_loop3A_1029, %parallel_loop3A_1030] {strides = array<i32>} : memref<32x1024xf32, #tpu.memory_space<vmem>>, vector<16xf32>,
          %parallel_loop3A_1032 = arith.mulf %broadcast_in_dim3A_950, %parallel_loop3A_1031 : vector<16xf32>
          %parallel_loop3A_1033 = arith.addf %parallel_loop3A_1002, %parallel_loop3A_1032 : vector<16xf32>
          %parallel_loop3A_1034 = arith.constant 16 : i32
          %parallel_loop3A_1035 = arith.muli %parallel_loop3A_981, %parallel_loop3A_1034 : i32
          %parallel_loop3A_1036 = arith.constant 7 : i32
          %parallel_loop3A_1037 = arith.index_cast %parallel_loop3A_1036 : i32 to index
          %parallel_loop3A_1038 = arith.index_cast %parallel_loop3A_1035 : i32 to index
          %parallel_loop3A_1039 = tpu.vector_load %arg8[%parallel_loop3A_1037, %parallel_loop3A_1038] {strides = array<i32>} : memref<32x1024xf32, #tpu.memory_space<vmem>>, vector<16xf32>,
          %parallel_loop3A_1040 = arith.mulf %broadcast_in_dim3A_953, %parallel_loop3A_1039 : vector<16xf32>
          %parallel_loop3A_1041 = arith.addf %parallel_loop3A_1009, %parallel_loop3A_1040 : vector<16xf32>
          %parallel_loop3A_1042 = arith.constant 16 : i32
          %parallel_loop3A_1043 = arith.muli %parallel_loop3A_981, %parallel_loop3A_1042 : i32
          %parallel_loop3A_1044 = arith.constant 8 : i32
          %parallel_loop3A_1045 = arith.index_cast %parallel_loop3A_1044 : i32 to index
          %parallel_loop3A_1046 = arith.index_cast %parallel_loop3A_1043 : i32 to index
          %parallel_loop3A_1047 = tpu.vector_load %arg8[%parallel_loop3A_1045, %parallel_loop3A_1046] {strides = array<i32>} : memref<32x1024xf32, #tpu.memory_space<vmem>>, vector<16xf32>,
          %parallel_loop3A_1048 = arith.mulf %broadcast_in_dim3A_956, %parallel_loop3A_1047 : vector<16xf32>
          %parallel_loop3A_1049 = arith.addf %parallel_loop3A_1017, %parallel_loop3A_1048 : vector<16xf32>
          %parallel_loop3A_1050 = arith.constant 16 : i32
          %parallel_loop3A_1051 = arith.muli %parallel_loop3A_981, %parallel_loop3A_1050 : i32
          %parallel_loop3A_1052 = arith.constant 9 : i32
          %parallel_loop3A_1053 = arith.index_cast %parallel_loop3A_1052 : i32 to index
          %parallel_loop3A_1054 = arith.index_cast %parallel_loop3A_1051 : i32 to index
          %parallel_loop3A_1055 = tpu.vector_load %arg8[%parallel_loop3A_1053, %parallel_loop3A_1054] {strides = array<i32>} : memref<32x1024xf32, #tpu.memory_space<vmem>>, vector<16xf32>,
          %parallel_loop3A_1056 = arith.mulf %broadcast_in_dim3A_959, %parallel_loop3A_1055 : vector<16xf32>
          %parallel_loop3A_1057 = arith.addf %parallel_loop3A_1025, %parallel_loop3A_1056 : vector<16xf32>
          %parallel_loop3A_1058 = arith.constant 16 : i32
          %parallel_loop3A_1059 = arith.muli %parallel_loop3A_981, %parallel_loop3A_1058 : i32
          %parallel_loop3A_1060 = arith.constant 10 : i32
          %parallel_loop3A_1061 = arith.index_cast %parallel_loop3A_1060 : i32 to index
          %parallel_loop3A_1062 = arith.index_cast %parallel_loop3A_1059 : i32 to index
          %parallel_loop3A_1063 = tpu.vector_load %arg8[%parallel_loop3A_1061, %parallel_loop3A_1062] {strides = array<i32>} : memref<32x1024xf32, #tpu.memory_space<vmem>>, vector<16xf32>,
          %parallel_loop3A_1064 = arith.mulf %broadcast_in_dim3A_962, %parallel_loop3A_1063 : vector<16xf32>
          %parallel_loop3A_1065 = arith.addf %parallel_loop3A_1033, %parallel_loop3A_1064 : vector<16xf32>
          %parallel_loop3A_1066 = arith.constant 16 : i32
          %parallel_loop3A_1067 = arith.muli %parallel_loop3A_981, %parallel_loop3A_1066 : i32
          %parallel_loop3A_1068 = arith.constant 11 : i32
          %parallel_loop3A_1069 = arith.index_cast %parallel_loop3A_1068 : i32 to index
          %parallel_loop3A_1070 = arith.index_cast %parallel_loop3A_1067 : i32 to index
          %parallel_loop3A_1071 = tpu.vector_load %arg8[%parallel_loop3A_1069, %parallel_loop3A_1070] {strides = array<i32>} : memref<32x1024xf32, #tpu.memory_space<vmem>>, vector<16xf32>,
          %parallel_loop3A_1072 = arith.mulf %broadcast_in_dim3A_965, %parallel_loop3A_1071 : vector<16xf32>
          %parallel_loop3A_1073 = arith.addf %parallel_loop3A_1041, %parallel_loop3A_1072 : vector<16xf32>
          %parallel_loop3A_1074 = arith.constant 16 : i32
          %parallel_loop3A_1075 = arith.muli %parallel_loop3A_981, %parallel_loop3A_1074 : i32
          %parallel_loop3A_1076 = arith.constant 12 : i32
          %parallel_loop3A_1077 = arith.index_cast %parallel_loop3A_1076 : i32 to index
          %parallel_loop3A_1078 = arith.index_cast %parallel_loop3A_1075 : i32 to index
          %parallel_loop3A_1079 = tpu.vector_load %arg8[%parallel_loop3A_1077, %parallel_loop3A_1078] {strides = array<i32>} : memref<32x1024xf32, #tpu.memory_space<vmem>>, vector<16xf32>,
          %parallel_loop3A_1080 = arith.mulf %broadcast_in_dim3A_968, %parallel_loop3A_1079 : vector<16xf32>
          %parallel_loop3A_1081 = arith.addf %parallel_loop3A_1049, %parallel_loop3A_1080 : vector<16xf32>
          %parallel_loop3A_1082 = arith.constant 16 : i32
          %parallel_loop3A_1083 = arith.muli %parallel_loop3A_981, %parallel_loop3A_1082 : i32
          %parallel_loop3A_1084 = arith.constant 13 : i32
          %parallel_loop3A_1085 = arith.index_cast %parallel_loop3A_1084 : i32 to index
          %parallel_loop3A_1086 = arith.index_cast %parallel_loop3A_1083 : i32 to index
          %parallel_loop3A_1087 = tpu.vector_load %arg8[%parallel_loop3A_1085, %parallel_loop3A_1086] {strides = array<i32>} : memref<32x1024xf32, #tpu.memory_space<vmem>>, vector<16xf32>,
          %parallel_loop3A_1088 = arith.mulf %broadcast_in_dim3A_971, %parallel_loop3A_1087 : vector<16xf32>
          %parallel_loop3A_1089 = arith.addf %parallel_loop3A_1057, %parallel_loop3A_1088 : vector<16xf32>
          %parallel_loop3A_1090 = arith.constant 16 : i32
          %parallel_loop3A_1091 = arith.muli %parallel_loop3A_981, %parallel_loop3A_1090 : i32
          %parallel_loop3A_1092 = arith.constant 14 : i32
          %parallel_loop3A_1093 = arith.index_cast %parallel_loop3A_1092 : i32 to index
          %parallel_loop3A_1094 = arith.index_cast %parallel_loop3A_1091 : i32 to index
          %parallel_loop3A_1095 = tpu.vector_load %arg8[%parallel_loop3A_1093, %parallel_loop3A_1094] {strides = array<i32>} : memref<32x1024xf32, #tpu.memory_space<vmem>>, vector<16xf32>,
          %parallel_loop3A_1096 = arith.mulf %broadcast_in_dim3A_974, %parallel_loop3A_1095 : vector<16xf32>
          %parallel_loop3A_1097 = arith.addf %parallel_loop3A_1065, %parallel_loop3A_1096 : vector<16xf32>
          %parallel_loop3A_1098 = arith.constant 16 : i32
          %parallel_loop3A_1099 = arith.muli %parallel_loop3A_981, %parallel_loop3A_1098 : i32
          %parallel_loop3A_1100 = arith.constant 15 : i32
          %parallel_loop3A_1101 = arith.index_cast %parallel_loop3A_1100 : i32 to index
          %parallel_loop3A_1102 = arith.index_cast %parallel_loop3A_1099 : i32 to index
          %parallel_loop3A_1103 = tpu.vector_load %arg8[%parallel_loop3A_1101, %parallel_loop3A_1102] {strides = array<i32>} : memref<32x1024xf32, #tpu.memory_space<vmem>>, vector<16xf32>,
          %parallel_loop3A_1104 = arith.mulf %broadcast_in_dim3A_977, %parallel_loop3A_1103 : vector<16xf32>
          %parallel_loop3A_1105 = arith.addf %parallel_loop3A_1073, %parallel_loop3A_1104 : vector<16xf32>
          %parallel_loop3A_1106 = arith.constant 16 : i32
          %parallel_loop3A_1107 = arith.muli %parallel_loop3A_981, %parallel_loop3A_1106 : i32
          %parallel_loop3A_1108 = arith.index_cast %parallel_loop3A_1107 : i32 to index
          %parallel_loop3A_1109 = tpu.vector_load %arg13[%parallel_loop3A_1108] {strides = array<i32>} : memref<1024xf32, #tpu.memory_space<vmem>>, vector<16xf32>,
          %parallel_loop3A_1110 = arith.mulf %parallel_loop3A_1109, %exp3A : vector<16xf32>
          %parallel_loop3A_1111 = arith.addf %parallel_loop3A_1081, %parallel_loop3A_1089 : vector<16xf32>
          %parallel_loop3A_1112 = arith.addf %parallel_loop3A_1097, %parallel_loop3A_1105 : vector<16xf32>
          %parallel_loop3A_1113 = arith.addf %parallel_loop3A_1111, %parallel_loop3A_1112 : vector<16xf32>
          %parallel_loop3A_1114 = arith.addf %parallel_loop3A_1113, %parallel_loop3A_1110 : vector<16xf32>
          %parallel_loop3A_1115 = arith.constant 16 : i32
          %parallel_loop3A_1116 = arith.muli %parallel_loop3A_981, %parallel_loop3A_1115 : i32
          %parallel_loop3A_1117 = arith.index_cast %parallel_loop3A_1116 : i32 to index
          %parallel_loop3A_1118 = tpu.vector_load %arg13[%parallel_loop3A_1117] {strides = array<i32>} : memref<1024xf32, #tpu.memory_space<vmem>>, vector<16xf32>,
          tpu.vector_store %arg13[%parallel_loop3A_1117], %parallel_loop3A_1114 {strides = array<i32>} : memref<1024xf32, #tpu.memory_space<vmem>>, vector<16xf32>,
        } {sc.loop_unroll_factor = 1 : i64, sc.parallel_access}
      } else {
      }
      %not3A = arith.constant true
      %not3A_384 = arith.xori %ge3A_382, %not3A : i1
      %convert_element_type3A_385 = arith.extui %not3A_384 : i1 to i32
      %cond3A_386 = arith.constant 0 : i32
      %cond3A_387 = arith.cmpi ne, %convert_element_type3A_385, %cond3A_386 : i32
      scf.if %cond3A_387 {
        %scan3A_905 = arith.constant 0 : i32
        %scan3A_906 = arith.constant 16 : i32
        %scan3A_907 = arith.addi %scan3A_905, %scan3A_906 : i32
        %scan3A_908 = arith.constant 1 : i32
        scf.for %scan3A_910 = %scan3A_905 to %scan3A_907 step %scan3A_908  : i32 {
          %add3A_911 = arith.addi %add3A_230, %scan3A_910 : i32
          %get3A_912 = arith.constant 0 : i32
          %get3A_913 = arith.index_cast %get3A_912 : i32 to index
          %get3A_914 = memref.load %arg19[%get3A_913] : memref<1xi32, #tpu.memory_space<smem>>
          %eq3A_915 = arith.cmpi eq, %add3A_911, %get3A_914 : i32
          %convert_element_type3A_916 = arith.extui %eq3A_915 : i1 to i32
          %cond3A_917 = arith.constant 0 : i32
          %cond3A_918 = arith.cmpi ne, %convert_element_type3A_916, %cond3A_917 : i32
          scf.if %cond3A_918 {
            %get3A_947 = arith.constant 0 : i32
            %get3A_948 = arith.index_cast %get3A_947 : i32 to index
            %get3A_949 = memref.load %arg18[%get3A_948] : memref<1xi32, #tpu.memory_space<smem>>
            %eq3A_950 = vector.broadcast %get3A_949 : i32 to vector<16xi32>
            %eq3A_951 = arith.cmpi eq, %iota3A, %eq3A_950 : vector<16xi32>
            %get3A_952 = arith.constant 0 : i32
            %get3A_953 = arith.index_cast %get3A_952 : i32 to index
            %get3A_954 = memref.load %arg17[%get3A_953] : memref<1xf32, #tpu.memory_space<smem>>
            %broadcast_in_dim3A_955 = vector.broadcast %get3A_954 : f32 to vector<16xf32>
            %get3A_956 = arith.constant 0 : index
            %get3A_957 = tpu.vector_load %arg15[%get3A_956] {strides = array<i32>} : memref<16xf32, #tpu.memory_space<vmem>>, vector<16xf32>,
            %select_n3A_958 = arith.select %eq3A_951, %broadcast_in_dim3A_955, %get3A_957 : vector<16xi1>, vector<16xf32>
            %swap3A_959 = arith.constant 0 : index
            %swap3A_960 = tpu.vector_load %arg15[%swap3A_959] {strides = array<i32>} : memref<16xf32, #tpu.memory_space<vmem>>, vector<16xf32>,
            tpu.vector_store %arg15[%swap3A_959], %select_n3A_958 {strides = array<i32>} : memref<16xf32, #tpu.memory_space<vmem>>, vector<16xf32>,
            %get3A_961 = arith.constant 0 : index
            %get3A_962 = tpu.vector_load %arg14[%get3A_961] {strides = array<i32>} : memref<16xf32, #tpu.memory_space<vmem>>, vector<16xf32>,
            %get3A_963 = arith.constant 0 : index
            %get3A_964 = tpu.vector_load %arg16[%get3A_963] {strides = array<i32>} : memref<16xf32, #tpu.memory_space<vmem>>, vector<16xf32>,
            %select_n3A_965 = arith.select %eq3A_951, %get3A_962, %get3A_964 : vector<16xi1>, vector<16xf32>
            %swap3A_966 = arith.constant 0 : index
            %swap3A_967 = tpu.vector_load %arg16[%swap3A_966] {strides = array<i32>} : memref<16xf32, #tpu.memory_space<vmem>>, vector<16xf32>,
            tpu.vector_store %arg16[%swap3A_966], %select_n3A_965 {strides = array<i32>} : memref<16xf32, #tpu.memory_space<vmem>>, vector<16xf32>,
            %scan3A_968 = arith.constant 0 : i32
            %scan3A_969 = arith.constant 64 : i32
            %scan3A_970 = arith.addi %scan3A_968, %scan3A_969 : i32
            %scan3A_971 = arith.constant 1 : i32
            scf.for %scan3A_1002 = %scan3A_968 to %scan3A_970 step %scan3A_971  : i32 {
              %mul3A_1003 = arith.constant 16 : i32
              %mul3A_1004 = arith.muli %scan3A_1002, %mul3A_1003 : i32
              %get3A_1005 = arith.index_cast %mul3A_1004 : i32 to index
              %get3A_1006 = tpu.vector_load %arg13[%get3A_1005] {strides = array<i32>} : memref<1024xf32, #tpu.memory_space<vmem>>, vector<16xf32>,
              %mul3A_1007 = arith.constant 16 : i32
              %mul3A_1008 = arith.muli %scan3A_1002, %mul3A_1007 : i32
              %swap3A_1009 = arith.index_cast %get3A_949 : i32 to index
              %swap3A_1010 = arith.index_cast %mul3A_1008 : i32 to index
              %swap3A_1011 = tpu.vector_load %arg12[%swap3A_1009, %swap3A_1010] {strides = array<i32>} : memref<16x1024xf32, #tpu.memory_space<vmem>>, vector<16xf32>,
              tpu.vector_store %arg12[%swap3A_1009, %swap3A_1010], %get3A_1006 {strides = array<i32>} : memref<16x1024xf32, #tpu.memory_space<vmem>>, vector<16xf32>,
              %mul3A_1012 = arith.constant 16 : i32
              %mul3A_1013 = arith.muli %scan3A_1002, %mul3A_1012 : i32
              %swap3A_1014 = arith.index_cast %mul3A_1013 : i32 to index
              %swap3A_1015 = tpu.vector_load %arg13[%swap3A_1014] {strides = array<i32>} : memref<1024xf32, #tpu.memory_space<vmem>>, vector<16xf32>,
              tpu.vector_store %arg13[%swap3A_1014], %broadcast_in_dim3A_3 {strides = array<i32>} : memref<1024xf32, #tpu.memory_space<vmem>>, vector<16xf32>,
            }
            %scan3A_972 = arith.constant 64 : i32
            %swap3A_973 = arith.constant 0 : index
            %swap3A_974 = tpu.vector_load %arg14[%swap3A_973] {strides = array<i32>} : memref<16xf32, #tpu.memory_space<vmem>>, vector<16xf32>,
            tpu.vector_store %arg14[%swap3A_973], %broadcast_in_dim3A_3 {strides = array<i32>} : memref<16xf32, #tpu.memory_space<vmem>>, vector<16xf32>,
            %swap3A_975 = arith.constant -1.000000e+30 : f32
            %swap3A_976 = arith.constant 0 : i32
            %swap3A_977 = arith.index_cast %swap3A_976 : i32 to index
            %swap3A_978 = memref.load %arg17[%swap3A_977] : memref<1xf32, #tpu.memory_space<smem>>
            memref.store %swap3A_975, %arg17[%swap3A_977] : memref<1xf32, #tpu.memory_space<smem>>
            %add3A_979 = arith.constant 1 : i32
            %add3A_980 = arith.addi %get3A_949, %add3A_979 : i32
            %swap3A_981 = arith.constant 0 : i32
            %swap3A_982 = arith.index_cast %swap3A_981 : i32 to index
            %swap3A_983 = memref.load %arg18[%swap3A_982] : memref<1xi32, #tpu.memory_space<smem>>
            memref.store %add3A_980, %arg18[%swap3A_982] : memref<1xi32, #tpu.memory_space<smem>>
            %add3A_984 = arith.constant 1 : i32
            %add3A_985 = arith.addi %get3A_949, %add3A_984 : i32
            %eq3A_986 = vector.broadcast %add3A_985 : i32 to vector<16xi32>
            %eq3A_987 = arith.cmpi eq, %iota3A, %eq3A_986 : vector<16xi32>
            %jit3A_988 = arith.constant 0 : i32
            %broadcast_in_dim3A_989 = vector.broadcast %jit3A_988 : i32 to vector<16xi32>
            %select_n3A_990 = arith.select %eq3A_987, %get3A_19, %broadcast_in_dim3A_989 : vector<16xi1>, vector<16xi32>
            %reduce_max3A_991 = arith.constant true
            %reduce_max3A_992 = vector.broadcast %reduce_max3A_991 : i1 to vector<16xi1>
            %reduce_max3A_993 = arith.constant -2147483648 : i32
            %reduce_max3A_994 = vector.broadcast %reduce_max3A_993 : i32 to vector<16xi32>
            %reduce_max3A_995 = arith.xori %select_n3A_990, %reduce_max3A_994 : vector<16xi32>
            %reduce_max3A_996 = tpu.scan <max>, %reduce_max3A_995 masked %reduce_max3A_992 : vector<16xi32>, vector<16xi1> -> vector<16xi32>
            %reduce_max3A_997 = arith.xori %reduce_max3A_996, %reduce_max3A_994 : vector<16xi32>
            %reduce_max3A_998 = vector.extract %reduce_max3A_997[15] : i32 from vector<16xi32>
            %swap3A_999 = arith.constant 0 : i32
            %swap3A_1000 = arith.index_cast %swap3A_999 : i32 to index
            %swap3A_1001 = memref.load %arg19[%swap3A_1000] : memref<1xi32, #tpu.memory_space<smem>>
            memref.store %reduce_max3A_998, %arg19[%swap3A_1000] : memref<1xi32, #tpu.memory_space<smem>>
          } else {
          }
          %eq3A_919 = vector.broadcast %scan3A_910 : i32 to vector<16xi32>
          %eq3A_920 = arith.cmpi eq, %iota3A, %eq3A_919 : vector<16xi32>
          %select_n3A_921 = arith.select %eq3A_920, %select_n3A_376, %broadcast_in_dim3A_9 : vector<16xi1>, vector<16xf32>
          %reduce_max3A_922 = arith.constant true
          %reduce_max3A_923 = vector.broadcast %reduce_max3A_922 : i1 to vector<16xi1>
          %reduce_max3A_924 = tpu.scan <max>, %select_n3A_921 masked %reduce_max3A_923 : vector<16xf32>, vector<16xi1> -> vector<16xf32>
          %reduce_max3A_925 = vector.extract %reduce_max3A_924[15] : f32 from vector<16xf32>
          %get3A_926 = arith.constant 0 : i32
          %get3A_927 = arith.index_cast %get3A_926 : i32 to index
          %get3A_928 = memref.load %arg17[%get3A_927] : memref<1xf32, #tpu.memory_space<smem>>
          %max3A = arith.maximumf %get3A_928, %reduce_max3A_925 : f32
          %sub3A = arith.subf %get3A_928, %max3A : f32
          %broadcast_in_dim3A_929 = vector.broadcast %sub3A : f32 to vector<16xf32>
          %exp3A = math.exp %broadcast_in_dim3A_929 : vector<16xf32>
          %sub3A_930 = arith.subf %reduce_max3A_925, %max3A : f32
          %broadcast_in_dim3A_931 = vector.broadcast %sub3A_930 : f32 to vector<16xf32>
          %exp3A_932 = math.exp %broadcast_in_dim3A_931 : vector<16xf32>
          %get3A_933 = arith.constant 0 : index
          %get3A_934 = tpu.vector_load %arg14[%get3A_933] {strides = array<i32>} : memref<16xf32, #tpu.memory_space<vmem>>, vector<16xf32>,
          %mul3A_935 = arith.mulf %get3A_934, %exp3A : vector<16xf32>
          %add3A_936 = arith.addf %mul3A_935, %exp3A_932 : vector<16xf32>
          %swap3A_937 = arith.constant 0 : index
          %swap3A_938 = tpu.vector_load %arg14[%swap3A_937] {strides = array<i32>} : memref<16xf32, #tpu.memory_space<vmem>>, vector<16xf32>,
          tpu.vector_store %arg14[%swap3A_937], %add3A_936 {strides = array<i32>} : memref<16xf32, #tpu.memory_space<vmem>>, vector<16xf32>,
          %swap3A_939 = arith.constant 0 : i32
          %swap3A_940 = arith.index_cast %swap3A_939 : i32 to index
          %swap3A_941 = memref.load %arg17[%swap3A_940] : memref<1xf32, #tpu.memory_space<smem>>
          memref.store %max3A, %arg17[%swap3A_940] : memref<1xf32, #tpu.memory_space<smem>>
          %scan3A_942 = arith.constant 0 : i32
          %scan3A_943 = arith.constant 64 : i32
          %scan3A_944 = arith.addi %scan3A_942, %scan3A_943 : i32
          %scan3A_945 = arith.constant 1 : i32
          scf.for %scan3A_947 = %scan3A_942 to %scan3A_944 step %scan3A_945  : i32 {
            %mul3A_948 = arith.constant 16 : i32
            %mul3A_949 = arith.muli %scan3A_947, %mul3A_948 : i32
            %get3A_950 = arith.index_cast %mul3A_949 : i32 to index
            %get3A_951 = tpu.vector_load %arg13[%get3A_950] {strides = array<i32>} : memref<1024xf32, #tpu.memory_space<vmem>>, vector<16xf32>,
            %mul3A_952 = arith.mulf %get3A_951, %exp3A : vector<16xf32>
            %add3A_953 = arith.constant 0 : i32
            %add3A_954 = arith.addi %add3A_953, %scan3A_910 : i32
            %mul3A_955 = arith.constant 16 : i32
            %mul3A_956 = arith.muli %scan3A_947, %mul3A_955 : i32
            %get3A_957 = arith.index_cast %add3A_954 : i32 to index
            %get3A_958 = arith.index_cast %mul3A_956 : i32 to index
            %get3A_959 = tpu.vector_load %arg8[%get3A_957, %get3A_958] {strides = array<i32>} : memref<32x1024xf32, #tpu.memory_space<vmem>>, vector<16xf32>,
            %mul3A_960 = arith.mulf %exp3A_932, %get3A_959 : vector<16xf32>
            %add3A_961 = arith.addf %mul3A_952, %mul3A_960 : vector<16xf32>
            %mul3A_962 = arith.constant 16 : i32
            %mul3A_963 = arith.muli %scan3A_947, %mul3A_962 : i32
            %swap3A_964 = arith.index_cast %mul3A_963 : i32 to index
            %swap3A_965 = tpu.vector_load %arg13[%swap3A_964] {strides = array<i32>} : memref<1024xf32, #tpu.memory_space<vmem>>, vector<16xf32>,
            tpu.vector_store %arg13[%swap3A_964], %add3A_961 {strides = array<i32>} : memref<1024xf32, #tpu.memory_space<vmem>>, vector<16xf32>,
          }
          %scan3A_946 = arith.constant 64 : i32
        }
        %scan3A_909 = arith.constant 16 : i32
      } else {
      }
      %add3A_388 = arith.constant 16 : i32
      %add3A_389 = arith.addi %add3A_228, %add3A_388 : i32
      %parallel_loop3A_390 = arith.constant 0 : i32
      %parallel_loop3A_391 = arith.constant 64 : i32
      %parallel_loop3A_392 = arith.constant 1 : i32
      %parallel_loop3A_393:16 = scf.for %parallel_loop3A_905 = %parallel_loop3A_390 to %parallel_loop3A_391 step %parallel_loop3A_392 iter_args(%parallel_loop3A_906 = %broadcast_in_dim3A_3, %parallel_loop3A_907 = %broadcast_in_dim3A_3, %parallel_loop3A_908 = %broadcast_in_dim3A_3, %parallel_loop3A_909 = %broadcast_in_dim3A_3, %parallel_loop3A_910 = %broadcast_in_dim3A_3, %parallel_loop3A_911 = %broadcast_in_dim3A_3, %parallel_loop3A_912 = %broadcast_in_dim3A_3, %parallel_loop3A_913 = %broadcast_in_dim3A_3, %parallel_loop3A_914 = %broadcast_in_dim3A_3, %parallel_loop3A_915 = %broadcast_in_dim3A_3, %parallel_loop3A_916 = %broadcast_in_dim3A_3, %parallel_loop3A_917 = %broadcast_in_dim3A_3, %parallel_loop3A_918 = %broadcast_in_dim3A_3, %parallel_loop3A_919 = %broadcast_in_dim3A_3, %parallel_loop3A_920 = %broadcast_in_dim3A_3, %parallel_loop3A_921 = %broadcast_in_dim3A_3) -> (vector<16xf32>, vector<16xf32>, vector<16xf32>, vector<16xf32>, vector<16xf32>, vector<16xf32>, vector<16xf32>, vector<16xf32>, vector<16xf32>, vector<16xf32>, vector<16xf32>, vector<16xf32>, vector<16xf32>, vector<16xf32>, vector<16xf32>, vector<16xf32>)  : i32 {
        %parallel_loop3A_922 = arith.constant 16 : i32
        %parallel_loop3A_923 = arith.muli %parallel_loop3A_905, %parallel_loop3A_922 : i32
        %parallel_loop3A_924 = arith.index_cast %parallel_loop3A_923 : i32 to index
        %parallel_loop3A_925 = tpu.vector_load %arg10[%parallel_loop3A_924] {strides = array<i32>} : memref<1024xf32, #tpu.memory_space<vmem>>, vector<16xf32>,
        %parallel_loop3A_926 = arith.constant 16 : i32
        %parallel_loop3A_927 = arith.muli %parallel_loop3A_905, %parallel_loop3A_926 : i32
        %parallel_loop3A_928 = arith.constant 16 : i32
        %parallel_loop3A_929 = arith.index_cast %parallel_loop3A_928 : i32 to index
        %parallel_loop3A_930 = arith.index_cast %parallel_loop3A_927 : i32 to index
        %parallel_loop3A_931 = tpu.vector_load %arg8[%parallel_loop3A_929, %parallel_loop3A_930] {strides = array<i32>} : memref<32x1024xf32, #tpu.memory_space<vmem>>, vector<16xf32>,
        %parallel_loop3A_932 = arith.mulf %parallel_loop3A_931, %parallel_loop3A_925 : vector<16xf32>
        %parallel_loop3A_933 = arith.addf %parallel_loop3A_906, %parallel_loop3A_932 : vector<16xf32>
        %parallel_loop3A_934 = arith.constant 16 : i32
        %parallel_loop3A_935 = arith.muli %parallel_loop3A_905, %parallel_loop3A_934 : i32
        %parallel_loop3A_936 = arith.constant 17 : i32
        %parallel_loop3A_937 = arith.index_cast %parallel_loop3A_936 : i32 to index
        %parallel_loop3A_938 = arith.index_cast %parallel_loop3A_935 : i32 to index
        %parallel_loop3A_939 = tpu.vector_load %arg8[%parallel_loop3A_937, %parallel_loop3A_938] {strides = array<i32>} : memref<32x1024xf32, #tpu.memory_space<vmem>>, vector<16xf32>,
        %parallel_loop3A_940 = arith.mulf %parallel_loop3A_939, %parallel_loop3A_925 : vector<16xf32>
        %parallel_loop3A_941 = arith.addf %parallel_loop3A_907, %parallel_loop3A_940 : vector<16xf32>
        %parallel_loop3A_942 = arith.constant 16 : i32
        %parallel_loop3A_943 = arith.muli %parallel_loop3A_905, %parallel_loop3A_942 : i32
        %parallel_loop3A_944 = arith.constant 18 : i32
        %parallel_loop3A_945 = arith.index_cast %parallel_loop3A_944 : i32 to index
        %parallel_loop3A_946 = arith.index_cast %parallel_loop3A_943 : i32 to index
        %parallel_loop3A_947 = tpu.vector_load %arg8[%parallel_loop3A_945, %parallel_loop3A_946] {strides = array<i32>} : memref<32x1024xf32, #tpu.memory_space<vmem>>, vector<16xf32>,
        %parallel_loop3A_948 = arith.mulf %parallel_loop3A_947, %parallel_loop3A_925 : vector<16xf32>
        %parallel_loop3A_949 = arith.addf %parallel_loop3A_908, %parallel_loop3A_948 : vector<16xf32>
        %parallel_loop3A_950 = arith.constant 16 : i32
        %parallel_loop3A_951 = arith.muli %parallel_loop3A_905, %parallel_loop3A_950 : i32
        %parallel_loop3A_952 = arith.constant 19 : i32
        %parallel_loop3A_953 = arith.index_cast %parallel_loop3A_952 : i32 to index
        %parallel_loop3A_954 = arith.index_cast %parallel_loop3A_951 : i32 to index
        %parallel_loop3A_955 = tpu.vector_load %arg8[%parallel_loop3A_953, %parallel_loop3A_954] {strides = array<i32>} : memref<32x1024xf32, #tpu.memory_space<vmem>>, vector<16xf32>,
        %parallel_loop3A_956 = arith.mulf %parallel_loop3A_955, %parallel_loop3A_925 : vector<16xf32>
        %parallel_loop3A_957 = arith.addf %parallel_loop3A_909, %parallel_loop3A_956 : vector<16xf32>
        %parallel_loop3A_958 = arith.constant 16 : i32
        %parallel_loop3A_959 = arith.muli %parallel_loop3A_905, %parallel_loop3A_958 : i32
        %parallel_loop3A_960 = arith.constant 20 : i32
        %parallel_loop3A_961 = arith.index_cast %parallel_loop3A_960 : i32 to index
        %parallel_loop3A_962 = arith.index_cast %parallel_loop3A_959 : i32 to index
        %parallel_loop3A_963 = tpu.vector_load %arg8[%parallel_loop3A_961, %parallel_loop3A_962] {strides = array<i32>} : memref<32x1024xf32, #tpu.memory_space<vmem>>, vector<16xf32>,
        %parallel_loop3A_964 = arith.mulf %parallel_loop3A_963, %parallel_loop3A_925 : vector<16xf32>
        %parallel_loop3A_965 = arith.addf %parallel_loop3A_910, %parallel_loop3A_964 : vector<16xf32>
        %parallel_loop3A_966 = arith.constant 16 : i32
        %parallel_loop3A_967 = arith.muli %parallel_loop3A_905, %parallel_loop3A_966 : i32
        %parallel_loop3A_968 = arith.constant 21 : i32
        %parallel_loop3A_969 = arith.index_cast %parallel_loop3A_968 : i32 to index
        %parallel_loop3A_970 = arith.index_cast %parallel_loop3A_967 : i32 to index
        %parallel_loop3A_971 = tpu.vector_load %arg8[%parallel_loop3A_969, %parallel_loop3A_970] {strides = array<i32>} : memref<32x1024xf32, #tpu.memory_space<vmem>>, vector<16xf32>,
        %parallel_loop3A_972 = arith.mulf %parallel_loop3A_971, %parallel_loop3A_925 : vector<16xf32>
        %parallel_loop3A_973 = arith.addf %parallel_loop3A_911, %parallel_loop3A_972 : vector<16xf32>
        %parallel_loop3A_974 = arith.constant 16 : i32
        %parallel_loop3A_975 = arith.muli %parallel_loop3A_905, %parallel_loop3A_974 : i32
        %parallel_loop3A_976 = arith.constant 22 : i32
        %parallel_loop3A_977 = arith.index_cast %parallel_loop3A_976 : i32 to index
        %parallel_loop3A_978 = arith.index_cast %parallel_loop3A_975 : i32 to index
        %parallel_loop3A_979 = tpu.vector_load %arg8[%parallel_loop3A_977, %parallel_loop3A_978] {strides = array<i32>} : memref<32x1024xf32, #tpu.memory_space<vmem>>, vector<16xf32>,
        %parallel_loop3A_980 = arith.mulf %parallel_loop3A_979, %parallel_loop3A_925 : vector<16xf32>
        %parallel_loop3A_981 = arith.addf %parallel_loop3A_912, %parallel_loop3A_980 : vector<16xf32>
        %parallel_loop3A_982 = arith.constant 16 : i32
        %parallel_loop3A_983 = arith.muli %parallel_loop3A_905, %parallel_loop3A_982 : i32
        %parallel_loop3A_984 = arith.constant 23 : i32
        %parallel_loop3A_985 = arith.index_cast %parallel_loop3A_984 : i32 to index
        %parallel_loop3A_986 = arith.index_cast %parallel_loop3A_983 : i32 to index
        %parallel_loop3A_987 = tpu.vector_load %arg8[%parallel_loop3A_985, %parallel_loop3A_986] {strides = array<i32>} : memref<32x1024xf32, #tpu.memory_space<vmem>>, vector<16xf32>,
        %parallel_loop3A_988 = arith.mulf %parallel_loop3A_987, %parallel_loop3A_925 : vector<16xf32>
        %parallel_loop3A_989 = arith.addf %parallel_loop3A_913, %parallel_loop3A_988 : vector<16xf32>
        %parallel_loop3A_990 = arith.constant 16 : i32
        %parallel_loop3A_991 = arith.muli %parallel_loop3A_905, %parallel_loop3A_990 : i32
        %parallel_loop3A_992 = arith.constant 24 : i32
        %parallel_loop3A_993 = arith.index_cast %parallel_loop3A_992 : i32 to index
        %parallel_loop3A_994 = arith.index_cast %parallel_loop3A_991 : i32 to index
        %parallel_loop3A_995 = tpu.vector_load %arg8[%parallel_loop3A_993, %parallel_loop3A_994] {strides = array<i32>} : memref<32x1024xf32, #tpu.memory_space<vmem>>, vector<16xf32>,
        %parallel_loop3A_996 = arith.mulf %parallel_loop3A_995, %parallel_loop3A_925 : vector<16xf32>
        %parallel_loop3A_997 = arith.addf %parallel_loop3A_914, %parallel_loop3A_996 : vector<16xf32>
        %parallel_loop3A_998 = arith.constant 16 : i32
        %parallel_loop3A_999 = arith.muli %parallel_loop3A_905, %parallel_loop3A_998 : i32
        %parallel_loop3A_1000 = arith.constant 25 : i32
        %parallel_loop3A_1001 = arith.index_cast %parallel_loop3A_1000 : i32 to index
        %parallel_loop3A_1002 = arith.index_cast %parallel_loop3A_999 : i32 to index
        %parallel_loop3A_1003 = tpu.vector_load %arg8[%parallel_loop3A_1001, %parallel_loop3A_1002] {strides = array<i32>} : memref<32x1024xf32, #tpu.memory_space<vmem>>, vector<16xf32>,
        %parallel_loop3A_1004 = arith.mulf %parallel_loop3A_1003, %parallel_loop3A_925 : vector<16xf32>
        %parallel_loop3A_1005 = arith.addf %parallel_loop3A_915, %parallel_loop3A_1004 : vector<16xf32>
        %parallel_loop3A_1006 = arith.constant 16 : i32
        %parallel_loop3A_1007 = arith.muli %parallel_loop3A_905, %parallel_loop3A_1006 : i32
        %parallel_loop3A_1008 = arith.constant 26 : i32
        %parallel_loop3A_1009 = arith.index_cast %parallel_loop3A_1008 : i32 to index
        %parallel_loop3A_1010 = arith.index_cast %parallel_loop3A_1007 : i32 to index
        %parallel_loop3A_1011 = tpu.vector_load %arg8[%parallel_loop3A_1009, %parallel_loop3A_1010] {strides = array<i32>} : memref<32x1024xf32, #tpu.memory_space<vmem>>, vector<16xf32>,
        %parallel_loop3A_1012 = arith.mulf %parallel_loop3A_1011, %parallel_loop3A_925 : vector<16xf32>
        %parallel_loop3A_1013 = arith.addf %parallel_loop3A_916, %parallel_loop3A_1012 : vector<16xf32>
        %parallel_loop3A_1014 = arith.constant 16 : i32
        %parallel_loop3A_1015 = arith.muli %parallel_loop3A_905, %parallel_loop3A_1014 : i32
        %parallel_loop3A_1016 = arith.constant 27 : i32
        %parallel_loop3A_1017 = arith.index_cast %parallel_loop3A_1016 : i32 to index
        %parallel_loop3A_1018 = arith.index_cast %parallel_loop3A_1015 : i32 to index
        %parallel_loop3A_1019 = tpu.vector_load %arg8[%parallel_loop3A_1017, %parallel_loop3A_1018] {strides = array<i32>} : memref<32x1024xf32, #tpu.memory_space<vmem>>, vector<16xf32>,
        %parallel_loop3A_1020 = arith.mulf %parallel_loop3A_1019, %parallel_loop3A_925 : vector<16xf32>
        %parallel_loop3A_1021 = arith.addf %parallel_loop3A_917, %parallel_loop3A_1020 : vector<16xf32>
        %parallel_loop3A_1022 = arith.constant 16 : i32
        %parallel_loop3A_1023 = arith.muli %parallel_loop3A_905, %parallel_loop3A_1022 : i32
        %parallel_loop3A_1024 = arith.constant 28 : i32
        %parallel_loop3A_1025 = arith.index_cast %parallel_loop3A_1024 : i32 to index
        %parallel_loop3A_1026 = arith.index_cast %parallel_loop3A_1023 : i32 to index
        %parallel_loop3A_1027 = tpu.vector_load %arg8[%parallel_loop3A_1025, %parallel_loop3A_1026] {strides = array<i32>} : memref<32x1024xf32, #tpu.memory_space<vmem>>, vector<16xf32>,
        %parallel_loop3A_1028 = arith.mulf %parallel_loop3A_1027, %parallel_loop3A_925 : vector<16xf32>
        %parallel_loop3A_1029 = arith.addf %parallel_loop3A_918, %parallel_loop3A_1028 : vector<16xf32>
        %parallel_loop3A_1030 = arith.constant 16 : i32
        %parallel_loop3A_1031 = arith.muli %parallel_loop3A_905, %parallel_loop3A_1030 : i32
        %parallel_loop3A_1032 = arith.constant 29 : i32
        %parallel_loop3A_1033 = arith.index_cast %parallel_loop3A_1032 : i32 to index
        %parallel_loop3A_1034 = arith.index_cast %parallel_loop3A_1031 : i32 to index
        %parallel_loop3A_1035 = tpu.vector_load %arg8[%parallel_loop3A_1033, %parallel_loop3A_1034] {strides = array<i32>} : memref<32x1024xf32, #tpu.memory_space<vmem>>, vector<16xf32>,
        %parallel_loop3A_1036 = arith.mulf %parallel_loop3A_1035, %parallel_loop3A_925 : vector<16xf32>
        %parallel_loop3A_1037 = arith.addf %parallel_loop3A_919, %parallel_loop3A_1036 : vector<16xf32>
        %parallel_loop3A_1038 = arith.constant 16 : i32
        %parallel_loop3A_1039 = arith.muli %parallel_loop3A_905, %parallel_loop3A_1038 : i32
        %parallel_loop3A_1040 = arith.constant 30 : i32
        %parallel_loop3A_1041 = arith.index_cast %parallel_loop3A_1040 : i32 to index
        %parallel_loop3A_1042 = arith.index_cast %parallel_loop3A_1039 : i32 to index
        %parallel_loop3A_1043 = tpu.vector_load %arg8[%parallel_loop3A_1041, %parallel_loop3A_1042] {strides = array<i32>} : memref<32x1024xf32, #tpu.memory_space<vmem>>, vector<16xf32>,
        %parallel_loop3A_1044 = arith.mulf %parallel_loop3A_1043, %parallel_loop3A_925 : vector<16xf32>
        %parallel_loop3A_1045 = arith.addf %parallel_loop3A_920, %parallel_loop3A_1044 : vector<16xf32>
        %parallel_loop3A_1046 = arith.constant 16 : i32
        %parallel_loop3A_1047 = arith.muli %parallel_loop3A_905, %parallel_loop3A_1046 : i32
        %parallel_loop3A_1048 = arith.constant 31 : i32
        %parallel_loop3A_1049 = arith.index_cast %parallel_loop3A_1048 : i32 to index
        %parallel_loop3A_1050 = arith.index_cast %parallel_loop3A_1047 : i32 to index
        %parallel_loop3A_1051 = tpu.vector_load %arg8[%parallel_loop3A_1049, %parallel_loop3A_1050] {strides = array<i32>} : memref<32x1024xf32, #tpu.memory_space<vmem>>, vector<16xf32>,
        %parallel_loop3A_1052 = arith.mulf %parallel_loop3A_1051, %parallel_loop3A_925 : vector<16xf32>
        %parallel_loop3A_1053 = arith.addf %parallel_loop3A_921, %parallel_loop3A_1052 : vector<16xf32>
        scf.yield %parallel_loop3A_933, %parallel_loop3A_941, %parallel_loop3A_949, %parallel_loop3A_957, %parallel_loop3A_965, %parallel_loop3A_973, %parallel_loop3A_981, %parallel_loop3A_989, %parallel_loop3A_997, %parallel_loop3A_1005, %parallel_loop3A_1013, %parallel_loop3A_1021, %parallel_loop3A_1029, %parallel_loop3A_1037, %parallel_loop3A_1045, %parallel_loop3A_1053 : vector<16xf32>, vector<16xf32>, vector<16xf32>, vector<16xf32>, vector<16xf32>, vector<16xf32>, vector<16xf32>, vector<16xf32>, vector<16xf32>, vector<16xf32>, vector<16xf32>, vector<16xf32>, vector<16xf32>, vector<16xf32>, vector<16xf32>, vector<16xf32>
      } {sc.loop_unroll_factor = 1 : i64, sc.parallel_access}
      %eq3A_394 = arith.constant 0 : i32
      %eq3A_395 = vector.broadcast %eq3A_394 : i32 to vector<16xi32>
      %eq3A_396 = arith.cmpi eq, %iota3A, %eq3A_395 : vector<16xi32>
      %reduce_sum3A_397 = arith.constant true
      %reduce_sum3A_398 = vector.broadcast %reduce_sum3A_397 : i1 to vector<16xi1>
      %reduce_sum3A_399 = tpu.scan <sum>, %parallel_loop3A_393#0 masked %reduce_sum3A_398 : vector<16xf32>, vector<16xi1> -> vector<16xf32>
      %reduce_sum3A_400 = vector.extract %reduce_sum3A_399[15] : f32 from vector<16xf32>
      %broadcast_in_dim3A_401 = vector.broadcast %reduce_sum3A_400 : f32 to vector<16xf32>
      %select_n3A_402 = arith.select %eq3A_396, %broadcast_in_dim3A_401, %broadcast_in_dim3A_3 : vector<16xi1>, vector<16xf32>
      %eq3A_403 = arith.constant 1 : i32
      %eq3A_404 = vector.broadcast %eq3A_403 : i32 to vector<16xi32>
      %eq3A_405 = arith.cmpi eq, %iota3A, %eq3A_404 : vector<16xi32>
      %reduce_sum3A_406 = arith.constant true
      %reduce_sum3A_407 = vector.broadcast %reduce_sum3A_406 : i1 to vector<16xi1>
      %reduce_sum3A_408 = tpu.scan <sum>, %parallel_loop3A_393#1 masked %reduce_sum3A_407 : vector<16xf32>, vector<16xi1> -> vector<16xf32>
      %reduce_sum3A_409 = vector.extract %reduce_sum3A_408[15] : f32 from vector<16xf32>
      %broadcast_in_dim3A_410 = vector.broadcast %reduce_sum3A_409 : f32 to vector<16xf32>
      %select_n3A_411 = arith.select %eq3A_405, %broadcast_in_dim3A_410, %select_n3A_402 : vector<16xi1>, vector<16xf32>
      %eq3A_412 = arith.constant 2 : i32
      %eq3A_413 = vector.broadcast %eq3A_412 : i32 to vector<16xi32>
      %eq3A_414 = arith.cmpi eq, %iota3A, %eq3A_413 : vector<16xi32>
      %reduce_sum3A_415 = arith.constant true
      %reduce_sum3A_416 = vector.broadcast %reduce_sum3A_415 : i1 to vector<16xi1>
      %reduce_sum3A_417 = tpu.scan <sum>, %parallel_loop3A_393#2 masked %reduce_sum3A_416 : vector<16xf32>, vector<16xi1> -> vector<16xf32>
      %reduce_sum3A_418 = vector.extract %reduce_sum3A_417[15] : f32 from vector<16xf32>
      %broadcast_in_dim3A_419 = vector.broadcast %reduce_sum3A_418 : f32 to vector<16xf32>
      %select_n3A_420 = arith.select %eq3A_414, %broadcast_in_dim3A_419, %select_n3A_411 : vector<16xi1>, vector<16xf32>
      %eq3A_421 = arith.constant 3 : i32
      %eq3A_422 = vector.broadcast %eq3A_421 : i32 to vector<16xi32>
      %eq3A_423 = arith.cmpi eq, %iota3A, %eq3A_422 : vector<16xi32>
      %reduce_sum3A_424 = arith.constant true
      %reduce_sum3A_425 = vector.broadcast %reduce_sum3A_424 : i1 to vector<16xi1>
      %reduce_sum3A_426 = tpu.scan <sum>, %parallel_loop3A_393#3 masked %reduce_sum3A_425 : vector<16xf32>, vector<16xi1> -> vector<16xf32>
      %reduce_sum3A_427 = vector.extract %reduce_sum3A_426[15] : f32 from vector<16xf32>
      %broadcast_in_dim3A_428 = vector.broadcast %reduce_sum3A_427 : f32 to vector<16xf32>
      %select_n3A_429 = arith.select %eq3A_423, %broadcast_in_dim3A_428, %select_n3A_420 : vector<16xi1>, vector<16xf32>
      %eq3A_430 = arith.constant 4 : i32
      %eq3A_431 = vector.broadcast %eq3A_430 : i32 to vector<16xi32>
      %eq3A_432 = arith.cmpi eq, %iota3A, %eq3A_431 : vector<16xi32>
      %reduce_sum3A_433 = arith.constant true
      %reduce_sum3A_434 = vector.broadcast %reduce_sum3A_433 : i1 to vector<16xi1>
      %reduce_sum3A_435 = tpu.scan <sum>, %parallel_loop3A_393#4 masked %reduce_sum3A_434 : vector<16xf32>, vector<16xi1> -> vector<16xf32>
      %reduce_sum3A_436 = vector.extract %reduce_sum3A_435[15] : f32 from vector<16xf32>
      %broadcast_in_dim3A_437 = vector.broadcast %reduce_sum3A_436 : f32 to vector<16xf32>
      %select_n3A_438 = arith.select %eq3A_432, %broadcast_in_dim3A_437, %select_n3A_429 : vector<16xi1>, vector<16xf32>
      %eq3A_439 = arith.constant 5 : i32
      %eq3A_440 = vector.broadcast %eq3A_439 : i32 to vector<16xi32>
      %eq3A_441 = arith.cmpi eq, %iota3A, %eq3A_440 : vector<16xi32>
      %reduce_sum3A_442 = arith.constant true
      %reduce_sum3A_443 = vector.broadcast %reduce_sum3A_442 : i1 to vector<16xi1>
      %reduce_sum3A_444 = tpu.scan <sum>, %parallel_loop3A_393#5 masked %reduce_sum3A_443 : vector<16xf32>, vector<16xi1> -> vector<16xf32>
      %reduce_sum3A_445 = vector.extract %reduce_sum3A_444[15] : f32 from vector<16xf32>
      %broadcast_in_dim3A_446 = vector.broadcast %reduce_sum3A_445 : f32 to vector<16xf32>
      %select_n3A_447 = arith.select %eq3A_441, %broadcast_in_dim3A_446, %select_n3A_438 : vector<16xi1>, vector<16xf32>
      %eq3A_448 = arith.constant 6 : i32
      %eq3A_449 = vector.broadcast %eq3A_448 : i32 to vector<16xi32>
      %eq3A_450 = arith.cmpi eq, %iota3A, %eq3A_449 : vector<16xi32>
      %reduce_sum3A_451 = arith.constant true
      %reduce_sum3A_452 = vector.broadcast %reduce_sum3A_451 : i1 to vector<16xi1>
      %reduce_sum3A_453 = tpu.scan <sum>, %parallel_loop3A_393#6 masked %reduce_sum3A_452 : vector<16xf32>, vector<16xi1> -> vector<16xf32>
      %reduce_sum3A_454 = vector.extract %reduce_sum3A_453[15] : f32 from vector<16xf32>
      %broadcast_in_dim3A_455 = vector.broadcast %reduce_sum3A_454 : f32 to vector<16xf32>
      %select_n3A_456 = arith.select %eq3A_450, %broadcast_in_dim3A_455, %select_n3A_447 : vector<16xi1>, vector<16xf32>
      %eq3A_457 = arith.constant 7 : i32
      %eq3A_458 = vector.broadcast %eq3A_457 : i32 to vector<16xi32>
      %eq3A_459 = arith.cmpi eq, %iota3A, %eq3A_458 : vector<16xi32>
      %reduce_sum3A_460 = arith.constant true
      %reduce_sum3A_461 = vector.broadcast %reduce_sum3A_460 : i1 to vector<16xi1>
      %reduce_sum3A_462 = tpu.scan <sum>, %parallel_loop3A_393#7 masked %reduce_sum3A_461 : vector<16xf32>, vector<16xi1> -> vector<16xf32>
      %reduce_sum3A_463 = vector.extract %reduce_sum3A_462[15] : f32 from vector<16xf32>
      %broadcast_in_dim3A_464 = vector.broadcast %reduce_sum3A_463 : f32 to vector<16xf32>
      %select_n3A_465 = arith.select %eq3A_459, %broadcast_in_dim3A_464, %select_n3A_456 : vector<16xi1>, vector<16xf32>
      %eq3A_466 = arith.constant 8 : i32
      %eq3A_467 = vector.broadcast %eq3A_466 : i32 to vector<16xi32>
      %eq3A_468 = arith.cmpi eq, %iota3A, %eq3A_467 : vector<16xi32>
      %reduce_sum3A_469 = arith.constant true
      %reduce_sum3A_470 = vector.broadcast %reduce_sum3A_469 : i1 to vector<16xi1>
      %reduce_sum3A_471 = tpu.scan <sum>, %parallel_loop3A_393#8 masked %reduce_sum3A_470 : vector<16xf32>, vector<16xi1> -> vector<16xf32>
      %reduce_sum3A_472 = vector.extract %reduce_sum3A_471[15] : f32 from vector<16xf32>
      %broadcast_in_dim3A_473 = vector.broadcast %reduce_sum3A_472 : f32 to vector<16xf32>
      %select_n3A_474 = arith.select %eq3A_468, %broadcast_in_dim3A_473, %select_n3A_465 : vector<16xi1>, vector<16xf32>
      %eq3A_475 = arith.constant 9 : i32
      %eq3A_476 = vector.broadcast %eq3A_475 : i32 to vector<16xi32>
      %eq3A_477 = arith.cmpi eq, %iota3A, %eq3A_476 : vector<16xi32>
      %reduce_sum3A_478 = arith.constant true
      %reduce_sum3A_479 = vector.broadcast %reduce_sum3A_478 : i1 to vector<16xi1>
      %reduce_sum3A_480 = tpu.scan <sum>, %parallel_loop3A_393#9 masked %reduce_sum3A_479 : vector<16xf32>, vector<16xi1> -> vector<16xf32>
      %reduce_sum3A_481 = vector.extract %reduce_sum3A_480[15] : f32 from vector<16xf32>
      %broadcast_in_dim3A_482 = vector.broadcast %reduce_sum3A_481 : f32 to vector<16xf32>
      %select_n3A_483 = arith.select %eq3A_477, %broadcast_in_dim3A_482, %select_n3A_474 : vector<16xi1>, vector<16xf32>
      %eq3A_484 = arith.constant 10 : i32
      %eq3A_485 = vector.broadcast %eq3A_484 : i32 to vector<16xi32>
      %eq3A_486 = arith.cmpi eq, %iota3A, %eq3A_485 : vector<16xi32>
      %reduce_sum3A_487 = arith.constant true
      %reduce_sum3A_488 = vector.broadcast %reduce_sum3A_487 : i1 to vector<16xi1>
      %reduce_sum3A_489 = tpu.scan <sum>, %parallel_loop3A_393#10 masked %reduce_sum3A_488 : vector<16xf32>, vector<16xi1> -> vector<16xf32>
      %reduce_sum3A_490 = vector.extract %reduce_sum3A_489[15] : f32 from vector<16xf32>
      %broadcast_in_dim3A_491 = vector.broadcast %reduce_sum3A_490 : f32 to vector<16xf32>
      %select_n3A_492 = arith.select %eq3A_486, %broadcast_in_dim3A_491, %select_n3A_483 : vector<16xi1>, vector<16xf32>
      %eq3A_493 = arith.constant 11 : i32
      %eq3A_494 = vector.broadcast %eq3A_493 : i32 to vector<16xi32>
      %eq3A_495 = arith.cmpi eq, %iota3A, %eq3A_494 : vector<16xi32>
      %reduce_sum3A_496 = arith.constant true
      %reduce_sum3A_497 = vector.broadcast %reduce_sum3A_496 : i1 to vector<16xi1>
      %reduce_sum3A_498 = tpu.scan <sum>, %parallel_loop3A_393#11 masked %reduce_sum3A_497 : vector<16xf32>, vector<16xi1> -> vector<16xf32>
      %reduce_sum3A_499 = vector.extract %reduce_sum3A_498[15] : f32 from vector<16xf32>
      %broadcast_in_dim3A_500 = vector.broadcast %reduce_sum3A_499 : f32 to vector<16xf32>
      %select_n3A_501 = arith.select %eq3A_495, %broadcast_in_dim3A_500, %select_n3A_492 : vector<16xi1>, vector<16xf32>
      %eq3A_502 = arith.constant 12 : i32
      %eq3A_503 = vector.broadcast %eq3A_502 : i32 to vector<16xi32>
      %eq3A_504 = arith.cmpi eq, %iota3A, %eq3A_503 : vector<16xi32>
      %reduce_sum3A_505 = arith.constant true
      %reduce_sum3A_506 = vector.broadcast %reduce_sum3A_505 : i1 to vector<16xi1>
      %reduce_sum3A_507 = tpu.scan <sum>, %parallel_loop3A_393#12 masked %reduce_sum3A_506 : vector<16xf32>, vector<16xi1> -> vector<16xf32>
      %reduce_sum3A_508 = vector.extract %reduce_sum3A_507[15] : f32 from vector<16xf32>
      %broadcast_in_dim3A_509 = vector.broadcast %reduce_sum3A_508 : f32 to vector<16xf32>
      %select_n3A_510 = arith.select %eq3A_504, %broadcast_in_dim3A_509, %select_n3A_501 : vector<16xi1>, vector<16xf32>
      %eq3A_511 = arith.constant 13 : i32
      %eq3A_512 = vector.broadcast %eq3A_511 : i32 to vector<16xi32>
      %eq3A_513 = arith.cmpi eq, %iota3A, %eq3A_512 : vector<16xi32>
      %reduce_sum3A_514 = arith.constant true
      %reduce_sum3A_515 = vector.broadcast %reduce_sum3A_514 : i1 to vector<16xi1>
      %reduce_sum3A_516 = tpu.scan <sum>, %parallel_loop3A_393#13 masked %reduce_sum3A_515 : vector<16xf32>, vector<16xi1> -> vector<16xf32>
      %reduce_sum3A_517 = vector.extract %reduce_sum3A_516[15] : f32 from vector<16xf32>
      %broadcast_in_dim3A_518 = vector.broadcast %reduce_sum3A_517 : f32 to vector<16xf32>
      %select_n3A_519 = arith.select %eq3A_513, %broadcast_in_dim3A_518, %select_n3A_510 : vector<16xi1>, vector<16xf32>
      %eq3A_520 = arith.constant 14 : i32
      %eq3A_521 = vector.broadcast %eq3A_520 : i32 to vector<16xi32>
      %eq3A_522 = arith.cmpi eq, %iota3A, %eq3A_521 : vector<16xi32>
      %reduce_sum3A_523 = arith.constant true
      %reduce_sum3A_524 = vector.broadcast %reduce_sum3A_523 : i1 to vector<16xi1>
      %reduce_sum3A_525 = tpu.scan <sum>, %parallel_loop3A_393#14 masked %reduce_sum3A_524 : vector<16xf32>, vector<16xi1> -> vector<16xf32>
      %reduce_sum3A_526 = vector.extract %reduce_sum3A_525[15] : f32 from vector<16xf32>
      %broadcast_in_dim3A_527 = vector.broadcast %reduce_sum3A_526 : f32 to vector<16xf32>
      %select_n3A_528 = arith.select %eq3A_522, %broadcast_in_dim3A_527, %select_n3A_519 : vector<16xi1>, vector<16xf32>
      %eq3A_529 = arith.constant 15 : i32
      %eq3A_530 = vector.broadcast %eq3A_529 : i32 to vector<16xi32>
      %eq3A_531 = arith.cmpi eq, %iota3A, %eq3A_530 : vector<16xi32>
      %reduce_sum3A_532 = arith.constant true
      %reduce_sum3A_533 = vector.broadcast %reduce_sum3A_532 : i1 to vector<16xi1>
      %reduce_sum3A_534 = tpu.scan <sum>, %parallel_loop3A_393#15 masked %reduce_sum3A_533 : vector<16xf32>, vector<16xi1> -> vector<16xf32>
      %reduce_sum3A_535 = vector.extract %reduce_sum3A_534[15] : f32 from vector<16xf32>
      %broadcast_in_dim3A_536 = vector.broadcast %reduce_sum3A_535 : f32 to vector<16xf32>
      %select_n3A_537 = arith.select %eq3A_531, %broadcast_in_dim3A_536, %select_n3A_528 : vector<16xi1>, vector<16xf32>
      %get3A_538 = arith.constant 0 : i32
      %get3A_539 = arith.index_cast %get3A_538 : i32 to index
      %get3A_540 = memref.load %arg19[%get3A_539] : memref<1xi32, #tpu.memory_space<smem>>
      %add3A_541 = arith.constant 16 : i32
      %add3A_542 = arith.addi %add3A_389, %add3A_541 : i32
      %ge3A_543 = arith.cmpi sge, %get3A_540, %add3A_542 : i32
      %convert_element_type3A_544 = arith.extui %ge3A_543 : i1 to i32
      %cond3A_545 = arith.constant 0 : i32
      %cond3A_546 = arith.cmpi ne, %convert_element_type3A_544, %cond3A_545 : i32
      scf.if %cond3A_546 {
        %get3A_905 = arith.constant 0 : i32
        %get3A_906 = arith.index_cast %get3A_905 : i32 to index
        %get3A_907 = memref.load %arg17[%get3A_906] : memref<1xf32, #tpu.memory_space<smem>>
        %reduce_max3A_908 = arith.constant true
        %reduce_max3A_909 = vector.broadcast %reduce_max3A_908 : i1 to vector<16xi1>
        %reduce_max3A_910 = tpu.scan <max>, %select_n3A_537 masked %reduce_max3A_909 : vector<16xf32>, vector<16xi1> -> vector<16xf32>
        %reduce_max3A_911 = vector.extract %reduce_max3A_910[15] : f32 from vector<16xf32>
        %max3A = arith.maximumf %get3A_907, %reduce_max3A_911 : f32
        %sub3A = arith.subf %get3A_907, %max3A : f32
        %broadcast_in_dim3A_912 = vector.broadcast %sub3A : f32 to vector<16xf32>
        %exp3A = math.exp %broadcast_in_dim3A_912 : vector<16xf32>
        %sub3A_913 = vector.broadcast %max3A : f32 to vector<16xf32>
        %sub3A_914 = arith.subf %select_n3A_537, %sub3A_913 : vector<16xf32>
        %exp3A_915 = math.exp %sub3A_914 : vector<16xf32>
        %get3A_916 = arith.constant 0 : index
        %get3A_917 = tpu.vector_load %arg14[%get3A_916] {strides = array<i32>} : memref<16xf32, #tpu.memory_space<vmem>>, vector<16xf32>,
        %mul3A_918 = arith.mulf %get3A_917, %exp3A : vector<16xf32>
        %reduce_sum3A_919 = arith.constant true
        %reduce_sum3A_920 = vector.broadcast %reduce_sum3A_919 : i1 to vector<16xi1>
        %reduce_sum3A_921 = tpu.scan <sum>, %exp3A_915 masked %reduce_sum3A_920 : vector<16xf32>, vector<16xi1> -> vector<16xf32>
        %reduce_sum3A_922 = vector.extract %reduce_sum3A_921[15] : f32 from vector<16xf32>
        %broadcast_in_dim3A_923 = vector.broadcast %reduce_sum3A_922 : f32 to vector<16xf32>
        %add3A_924 = arith.addf %mul3A_918, %broadcast_in_dim3A_923 : vector<16xf32>
        %swap3A_925 = arith.constant 0 : index
        %swap3A_926 = tpu.vector_load %arg14[%swap3A_925] {strides = array<i32>} : memref<16xf32, #tpu.memory_space<vmem>>, vector<16xf32>,
        tpu.vector_store %arg14[%swap3A_925], %add3A_924 {strides = array<i32>} : memref<16xf32, #tpu.memory_space<vmem>>, vector<16xf32>,
        %swap3A_927 = arith.constant 0 : i32
        %swap3A_928 = arith.index_cast %swap3A_927 : i32 to index
        %swap3A_929 = memref.load %arg17[%swap3A_928] : memref<1xf32, #tpu.memory_space<smem>>
        memref.store %max3A, %arg17[%swap3A_928] : memref<1xf32, #tpu.memory_space<smem>>
        %slice3A_930 = vector.extract_strided_slice %exp3A_915 {offsets = [0], sizes = [1], strides = [1]} : vector<16xf32> to vector<1xf32>
        %squeeze3A_931 = vector.extract %slice3A_930[0] : f32 from vector<1xf32>
        %broadcast_in_dim3A_932 = vector.broadcast %squeeze3A_931 : f32 to vector<16xf32>
        %slice3A_933 = vector.extract_strided_slice %exp3A_915 {offsets = [1], sizes = [1], strides = [1]} : vector<16xf32> to vector<1xf32>
        %squeeze3A_934 = vector.extract %slice3A_933[0] : f32 from vector<1xf32>
        %broadcast_in_dim3A_935 = vector.broadcast %squeeze3A_934 : f32 to vector<16xf32>
        %slice3A_936 = vector.extract_strided_slice %exp3A_915 {offsets = [2], sizes = [1], strides = [1]} : vector<16xf32> to vector<1xf32>
        %squeeze3A_937 = vector.extract %slice3A_936[0] : f32 from vector<1xf32>
        %broadcast_in_dim3A_938 = vector.broadcast %squeeze3A_937 : f32 to vector<16xf32>
        %slice3A_939 = vector.extract_strided_slice %exp3A_915 {offsets = [3], sizes = [1], strides = [1]} : vector<16xf32> to vector<1xf32>
        %squeeze3A_940 = vector.extract %slice3A_939[0] : f32 from vector<1xf32>
        %broadcast_in_dim3A_941 = vector.broadcast %squeeze3A_940 : f32 to vector<16xf32>
        %slice3A_942 = vector.extract_strided_slice %exp3A_915 {offsets = [4], sizes = [1], strides = [1]} : vector<16xf32> to vector<1xf32>
        %squeeze3A_943 = vector.extract %slice3A_942[0] : f32 from vector<1xf32>
        %broadcast_in_dim3A_944 = vector.broadcast %squeeze3A_943 : f32 to vector<16xf32>
        %slice3A_945 = vector.extract_strided_slice %exp3A_915 {offsets = [5], sizes = [1], strides = [1]} : vector<16xf32> to vector<1xf32>
        %squeeze3A_946 = vector.extract %slice3A_945[0] : f32 from vector<1xf32>
        %broadcast_in_dim3A_947 = vector.broadcast %squeeze3A_946 : f32 to vector<16xf32>
        %slice3A_948 = vector.extract_strided_slice %exp3A_915 {offsets = [6], sizes = [1], strides = [1]} : vector<16xf32> to vector<1xf32>
        %squeeze3A_949 = vector.extract %slice3A_948[0] : f32 from vector<1xf32>
        %broadcast_in_dim3A_950 = vector.broadcast %squeeze3A_949 : f32 to vector<16xf32>
        %slice3A_951 = vector.extract_strided_slice %exp3A_915 {offsets = [7], sizes = [1], strides = [1]} : vector<16xf32> to vector<1xf32>
        %squeeze3A_952 = vector.extract %slice3A_951[0] : f32 from vector<1xf32>
        %broadcast_in_dim3A_953 = vector.broadcast %squeeze3A_952 : f32 to vector<16xf32>
        %slice3A_954 = vector.extract_strided_slice %exp3A_915 {offsets = [8], sizes = [1], strides = [1]} : vector<16xf32> to vector<1xf32>
        %squeeze3A_955 = vector.extract %slice3A_954[0] : f32 from vector<1xf32>
        %broadcast_in_dim3A_956 = vector.broadcast %squeeze3A_955 : f32 to vector<16xf32>
        %slice3A_957 = vector.extract_strided_slice %exp3A_915 {offsets = [9], sizes = [1], strides = [1]} : vector<16xf32> to vector<1xf32>
        %squeeze3A_958 = vector.extract %slice3A_957[0] : f32 from vector<1xf32>
        %broadcast_in_dim3A_959 = vector.broadcast %squeeze3A_958 : f32 to vector<16xf32>
        %slice3A_960 = vector.extract_strided_slice %exp3A_915 {offsets = [10], sizes = [1], strides = [1]} : vector<16xf32> to vector<1xf32>
        %squeeze3A_961 = vector.extract %slice3A_960[0] : f32 from vector<1xf32>
        %broadcast_in_dim3A_962 = vector.broadcast %squeeze3A_961 : f32 to vector<16xf32>
        %slice3A_963 = vector.extract_strided_slice %exp3A_915 {offsets = [11], sizes = [1], strides = [1]} : vector<16xf32> to vector<1xf32>
        %squeeze3A_964 = vector.extract %slice3A_963[0] : f32 from vector<1xf32>
        %broadcast_in_dim3A_965 = vector.broadcast %squeeze3A_964 : f32 to vector<16xf32>
        %slice3A_966 = vector.extract_strided_slice %exp3A_915 {offsets = [12], sizes = [1], strides = [1]} : vector<16xf32> to vector<1xf32>
        %squeeze3A_967 = vector.extract %slice3A_966[0] : f32 from vector<1xf32>
        %broadcast_in_dim3A_968 = vector.broadcast %squeeze3A_967 : f32 to vector<16xf32>
        %slice3A_969 = vector.extract_strided_slice %exp3A_915 {offsets = [13], sizes = [1], strides = [1]} : vector<16xf32> to vector<1xf32>
        %squeeze3A_970 = vector.extract %slice3A_969[0] : f32 from vector<1xf32>
        %broadcast_in_dim3A_971 = vector.broadcast %squeeze3A_970 : f32 to vector<16xf32>
        %slice3A_972 = vector.extract_strided_slice %exp3A_915 {offsets = [14], sizes = [1], strides = [1]} : vector<16xf32> to vector<1xf32>
        %squeeze3A_973 = vector.extract %slice3A_972[0] : f32 from vector<1xf32>
        %broadcast_in_dim3A_974 = vector.broadcast %squeeze3A_973 : f32 to vector<16xf32>
        %slice3A_975 = vector.extract_strided_slice %exp3A_915 {offsets = [15], sizes = [1], strides = [1]} : vector<16xf32> to vector<1xf32>
        %squeeze3A_976 = vector.extract %slice3A_975[0] : f32 from vector<1xf32>
        %broadcast_in_dim3A_977 = vector.broadcast %squeeze3A_976 : f32 to vector<16xf32>
        %parallel_loop3A_978 = arith.constant 0 : i32
        %parallel_loop3A_979 = arith.constant 64 : i32
        %parallel_loop3A_980 = arith.constant 1 : i32
        scf.for %parallel_loop3A_981 = %parallel_loop3A_978 to %parallel_loop3A_979 step %parallel_loop3A_980  : i32 {
          %parallel_loop3A_982 = arith.constant 16 : i32
          %parallel_loop3A_983 = arith.muli %parallel_loop3A_981, %parallel_loop3A_982 : i32
          %parallel_loop3A_984 = arith.constant 16 : i32
          %parallel_loop3A_985 = arith.index_cast %parallel_loop3A_984 : i32 to index
          %parallel_loop3A_986 = arith.index_cast %parallel_loop3A_983 : i32 to index
          %parallel_loop3A_987 = tpu.vector_load %arg8[%parallel_loop3A_985, %parallel_loop3A_986] {strides = array<i32>} : memref<32x1024xf32, #tpu.memory_space<vmem>>, vector<16xf32>,
          %parallel_loop3A_988 = arith.mulf %broadcast_in_dim3A_932, %parallel_loop3A_987 : vector<16xf32>
          %parallel_loop3A_989 = arith.constant 16 : i32
          %parallel_loop3A_990 = arith.muli %parallel_loop3A_981, %parallel_loop3A_989 : i32
          %parallel_loop3A_991 = arith.constant 17 : i32
          %parallel_loop3A_992 = arith.index_cast %parallel_loop3A_991 : i32 to index
          %parallel_loop3A_993 = arith.index_cast %parallel_loop3A_990 : i32 to index
          %parallel_loop3A_994 = tpu.vector_load %arg8[%parallel_loop3A_992, %parallel_loop3A_993] {strides = array<i32>} : memref<32x1024xf32, #tpu.memory_space<vmem>>, vector<16xf32>,
          %parallel_loop3A_995 = arith.mulf %broadcast_in_dim3A_935, %parallel_loop3A_994 : vector<16xf32>
          %parallel_loop3A_996 = arith.constant 16 : i32
          %parallel_loop3A_997 = arith.muli %parallel_loop3A_981, %parallel_loop3A_996 : i32
          %parallel_loop3A_998 = arith.constant 18 : i32
          %parallel_loop3A_999 = arith.index_cast %parallel_loop3A_998 : i32 to index
          %parallel_loop3A_1000 = arith.index_cast %parallel_loop3A_997 : i32 to index
          %parallel_loop3A_1001 = tpu.vector_load %arg8[%parallel_loop3A_999, %parallel_loop3A_1000] {strides = array<i32>} : memref<32x1024xf32, #tpu.memory_space<vmem>>, vector<16xf32>,
          %parallel_loop3A_1002 = arith.mulf %broadcast_in_dim3A_938, %parallel_loop3A_1001 : vector<16xf32>
          %parallel_loop3A_1003 = arith.constant 16 : i32
          %parallel_loop3A_1004 = arith.muli %parallel_loop3A_981, %parallel_loop3A_1003 : i32
          %parallel_loop3A_1005 = arith.constant 19 : i32
          %parallel_loop3A_1006 = arith.index_cast %parallel_loop3A_1005 : i32 to index
          %parallel_loop3A_1007 = arith.index_cast %parallel_loop3A_1004 : i32 to index
          %parallel_loop3A_1008 = tpu.vector_load %arg8[%parallel_loop3A_1006, %parallel_loop3A_1007] {strides = array<i32>} : memref<32x1024xf32, #tpu.memory_space<vmem>>, vector<16xf32>,
          %parallel_loop3A_1009 = arith.mulf %broadcast_in_dim3A_941, %parallel_loop3A_1008 : vector<16xf32>
          %parallel_loop3A_1010 = arith.constant 16 : i32
          %parallel_loop3A_1011 = arith.muli %parallel_loop3A_981, %parallel_loop3A_1010 : i32
          %parallel_loop3A_1012 = arith.constant 20 : i32
          %parallel_loop3A_1013 = arith.index_cast %parallel_loop3A_1012 : i32 to index
          %parallel_loop3A_1014 = arith.index_cast %parallel_loop3A_1011 : i32 to index
          %parallel_loop3A_1015 = tpu.vector_load %arg8[%parallel_loop3A_1013, %parallel_loop3A_1014] {strides = array<i32>} : memref<32x1024xf32, #tpu.memory_space<vmem>>, vector<16xf32>,
          %parallel_loop3A_1016 = arith.mulf %broadcast_in_dim3A_944, %parallel_loop3A_1015 : vector<16xf32>
          %parallel_loop3A_1017 = arith.addf %parallel_loop3A_988, %parallel_loop3A_1016 : vector<16xf32>
          %parallel_loop3A_1018 = arith.constant 16 : i32
          %parallel_loop3A_1019 = arith.muli %parallel_loop3A_981, %parallel_loop3A_1018 : i32
          %parallel_loop3A_1020 = arith.constant 21 : i32
          %parallel_loop3A_1021 = arith.index_cast %parallel_loop3A_1020 : i32 to index
          %parallel_loop3A_1022 = arith.index_cast %parallel_loop3A_1019 : i32 to index
          %parallel_loop3A_1023 = tpu.vector_load %arg8[%parallel_loop3A_1021, %parallel_loop3A_1022] {strides = array<i32>} : memref<32x1024xf32, #tpu.memory_space<vmem>>, vector<16xf32>,
          %parallel_loop3A_1024 = arith.mulf %broadcast_in_dim3A_947, %parallel_loop3A_1023 : vector<16xf32>
          %parallel_loop3A_1025 = arith.addf %parallel_loop3A_995, %parallel_loop3A_1024 : vector<16xf32>
          %parallel_loop3A_1026 = arith.constant 16 : i32
          %parallel_loop3A_1027 = arith.muli %parallel_loop3A_981, %parallel_loop3A_1026 : i32
          %parallel_loop3A_1028 = arith.constant 22 : i32
          %parallel_loop3A_1029 = arith.index_cast %parallel_loop3A_1028 : i32 to index
          %parallel_loop3A_1030 = arith.index_cast %parallel_loop3A_1027 : i32 to index
          %parallel_loop3A_1031 = tpu.vector_load %arg8[%parallel_loop3A_1029, %parallel_loop3A_1030] {strides = array<i32>} : memref<32x1024xf32, #tpu.memory_space<vmem>>, vector<16xf32>,
          %parallel_loop3A_1032 = arith.mulf %broadcast_in_dim3A_950, %parallel_loop3A_1031 : vector<16xf32>
          %parallel_loop3A_1033 = arith.addf %parallel_loop3A_1002, %parallel_loop3A_1032 : vector<16xf32>
          %parallel_loop3A_1034 = arith.constant 16 : i32
          %parallel_loop3A_1035 = arith.muli %parallel_loop3A_981, %parallel_loop3A_1034 : i32
          %parallel_loop3A_1036 = arith.constant 23 : i32
          %parallel_loop3A_1037 = arith.index_cast %parallel_loop3A_1036 : i32 to index
          %parallel_loop3A_1038 = arith.index_cast %parallel_loop3A_1035 : i32 to index
          %parallel_loop3A_1039 = tpu.vector_load %arg8[%parallel_loop3A_1037, %parallel_loop3A_1038] {strides = array<i32>} : memref<32x1024xf32, #tpu.memory_space<vmem>>, vector<16xf32>,
          %parallel_loop3A_1040 = arith.mulf %broadcast_in_dim3A_953, %parallel_loop3A_1039 : vector<16xf32>
          %parallel_loop3A_1041 = arith.addf %parallel_loop3A_1009, %parallel_loop3A_1040 : vector<16xf32>
          %parallel_loop3A_1042 = arith.constant 16 : i32
          %parallel_loop3A_1043 = arith.muli %parallel_loop3A_981, %parallel_loop3A_1042 : i32
          %parallel_loop3A_1044 = arith.constant 24 : i32
          %parallel_loop3A_1045 = arith.index_cast %parallel_loop3A_1044 : i32 to index
          %parallel_loop3A_1046 = arith.index_cast %parallel_loop3A_1043 : i32 to index
          %parallel_loop3A_1047 = tpu.vector_load %arg8[%parallel_loop3A_1045, %parallel_loop3A_1046] {strides = array<i32>} : memref<32x1024xf32, #tpu.memory_space<vmem>>, vector<16xf32>,
          %parallel_loop3A_1048 = arith.mulf %broadcast_in_dim3A_956, %parallel_loop3A_1047 : vector<16xf32>
          %parallel_loop3A_1049 = arith.addf %parallel_loop3A_1017, %parallel_loop3A_1048 : vector<16xf32>
          %parallel_loop3A_1050 = arith.constant 16 : i32
          %parallel_loop3A_1051 = arith.muli %parallel_loop3A_981, %parallel_loop3A_1050 : i32
          %parallel_loop3A_1052 = arith.constant 25 : i32
          %parallel_loop3A_1053 = arith.index_cast %parallel_loop3A_1052 : i32 to index
          %parallel_loop3A_1054 = arith.index_cast %parallel_loop3A_1051 : i32 to index
          %parallel_loop3A_1055 = tpu.vector_load %arg8[%parallel_loop3A_1053, %parallel_loop3A_1054] {strides = array<i32>} : memref<32x1024xf32, #tpu.memory_space<vmem>>, vector<16xf32>,
          %parallel_loop3A_1056 = arith.mulf %broadcast_in_dim3A_959, %parallel_loop3A_1055 : vector<16xf32>
          %parallel_loop3A_1057 = arith.addf %parallel_loop3A_1025, %parallel_loop3A_1056 : vector<16xf32>
          %parallel_loop3A_1058 = arith.constant 16 : i32
          %parallel_loop3A_1059 = arith.muli %parallel_loop3A_981, %parallel_loop3A_1058 : i32
          %parallel_loop3A_1060 = arith.constant 26 : i32
          %parallel_loop3A_1061 = arith.index_cast %parallel_loop3A_1060 : i32 to index
          %parallel_loop3A_1062 = arith.index_cast %parallel_loop3A_1059 : i32 to index
          %parallel_loop3A_1063 = tpu.vector_load %arg8[%parallel_loop3A_1061, %parallel_loop3A_1062] {strides = array<i32>} : memref<32x1024xf32, #tpu.memory_space<vmem>>, vector<16xf32>,
          %parallel_loop3A_1064 = arith.mulf %broadcast_in_dim3A_962, %parallel_loop3A_1063 : vector<16xf32>
          %parallel_loop3A_1065 = arith.addf %parallel_loop3A_1033, %parallel_loop3A_1064 : vector<16xf32>
          %parallel_loop3A_1066 = arith.constant 16 : i32
          %parallel_loop3A_1067 = arith.muli %parallel_loop3A_981, %parallel_loop3A_1066 : i32
          %parallel_loop3A_1068 = arith.constant 27 : i32
          %parallel_loop3A_1069 = arith.index_cast %parallel_loop3A_1068 : i32 to index
          %parallel_loop3A_1070 = arith.index_cast %parallel_loop3A_1067 : i32 to index
          %parallel_loop3A_1071 = tpu.vector_load %arg8[%parallel_loop3A_1069, %parallel_loop3A_1070] {strides = array<i32>} : memref<32x1024xf32, #tpu.memory_space<vmem>>, vector<16xf32>,
          %parallel_loop3A_1072 = arith.mulf %broadcast_in_dim3A_965, %parallel_loop3A_1071 : vector<16xf32>
          %parallel_loop3A_1073 = arith.addf %parallel_loop3A_1041, %parallel_loop3A_1072 : vector<16xf32>
          %parallel_loop3A_1074 = arith.constant 16 : i32
          %parallel_loop3A_1075 = arith.muli %parallel_loop3A_981, %parallel_loop3A_1074 : i32
          %parallel_loop3A_1076 = arith.constant 28 : i32
          %parallel_loop3A_1077 = arith.index_cast %parallel_loop3A_1076 : i32 to index
          %parallel_loop3A_1078 = arith.index_cast %parallel_loop3A_1075 : i32 to index
          %parallel_loop3A_1079 = tpu.vector_load %arg8[%parallel_loop3A_1077, %parallel_loop3A_1078] {strides = array<i32>} : memref<32x1024xf32, #tpu.memory_space<vmem>>, vector<16xf32>,
          %parallel_loop3A_1080 = arith.mulf %broadcast_in_dim3A_968, %parallel_loop3A_1079 : vector<16xf32>
          %parallel_loop3A_1081 = arith.addf %parallel_loop3A_1049, %parallel_loop3A_1080 : vector<16xf32>
          %parallel_loop3A_1082 = arith.constant 16 : i32
          %parallel_loop3A_1083 = arith.muli %parallel_loop3A_981, %parallel_loop3A_1082 : i32
          %parallel_loop3A_1084 = arith.constant 29 : i32
          %parallel_loop3A_1085 = arith.index_cast %parallel_loop3A_1084 : i32 to index
          %parallel_loop3A_1086 = arith.index_cast %parallel_loop3A_1083 : i32 to index
          %parallel_loop3A_1087 = tpu.vector_load %arg8[%parallel_loop3A_1085, %parallel_loop3A_1086] {strides = array<i32>} : memref<32x1024xf32, #tpu.memory_space<vmem>>, vector<16xf32>,
          %parallel_loop3A_1088 = arith.mulf %broadcast_in_dim3A_971, %parallel_loop3A_1087 : vector<16xf32>
          %parallel_loop3A_1089 = arith.addf %parallel_loop3A_1057, %parallel_loop3A_1088 : vector<16xf32>
          %parallel_loop3A_1090 = arith.constant 16 : i32
          %parallel_loop3A_1091 = arith.muli %parallel_loop3A_981, %parallel_loop3A_1090 : i32
          %parallel_loop3A_1092 = arith.constant 30 : i32
          %parallel_loop3A_1093 = arith.index_cast %parallel_loop3A_1092 : i32 to index
          %parallel_loop3A_1094 = arith.index_cast %parallel_loop3A_1091 : i32 to index
          %parallel_loop3A_1095 = tpu.vector_load %arg8[%parallel_loop3A_1093, %parallel_loop3A_1094] {strides = array<i32>} : memref<32x1024xf32, #tpu.memory_space<vmem>>, vector<16xf32>,
          %parallel_loop3A_1096 = arith.mulf %broadcast_in_dim3A_974, %parallel_loop3A_1095 : vector<16xf32>
          %parallel_loop3A_1097 = arith.addf %parallel_loop3A_1065, %parallel_loop3A_1096 : vector<16xf32>
          %parallel_loop3A_1098 = arith.constant 16 : i32
          %parallel_loop3A_1099 = arith.muli %parallel_loop3A_981, %parallel_loop3A_1098 : i32
          %parallel_loop3A_1100 = arith.constant 31 : i32
          %parallel_loop3A_1101 = arith.index_cast %parallel_loop3A_1100 : i32 to index
          %parallel_loop3A_1102 = arith.index_cast %parallel_loop3A_1099 : i32 to index
          %parallel_loop3A_1103 = tpu.vector_load %arg8[%parallel_loop3A_1101, %parallel_loop3A_1102] {strides = array<i32>} : memref<32x1024xf32, #tpu.memory_space<vmem>>, vector<16xf32>,
          %parallel_loop3A_1104 = arith.mulf %broadcast_in_dim3A_977, %parallel_loop3A_1103 : vector<16xf32>
          %parallel_loop3A_1105 = arith.addf %parallel_loop3A_1073, %parallel_loop3A_1104 : vector<16xf32>
          %parallel_loop3A_1106 = arith.constant 16 : i32
          %parallel_loop3A_1107 = arith.muli %parallel_loop3A_981, %parallel_loop3A_1106 : i32
          %parallel_loop3A_1108 = arith.index_cast %parallel_loop3A_1107 : i32 to index
          %parallel_loop3A_1109 = tpu.vector_load %arg13[%parallel_loop3A_1108] {strides = array<i32>} : memref<1024xf32, #tpu.memory_space<vmem>>, vector<16xf32>,
          %parallel_loop3A_1110 = arith.mulf %parallel_loop3A_1109, %exp3A : vector<16xf32>
          %parallel_loop3A_1111 = arith.addf %parallel_loop3A_1081, %parallel_loop3A_1089 : vector<16xf32>
          %parallel_loop3A_1112 = arith.addf %parallel_loop3A_1097, %parallel_loop3A_1105 : vector<16xf32>
          %parallel_loop3A_1113 = arith.addf %parallel_loop3A_1111, %parallel_loop3A_1112 : vector<16xf32>
          %parallel_loop3A_1114 = arith.addf %parallel_loop3A_1113, %parallel_loop3A_1110 : vector<16xf32>
          %parallel_loop3A_1115 = arith.constant 16 : i32
          %parallel_loop3A_1116 = arith.muli %parallel_loop3A_981, %parallel_loop3A_1115 : i32
          %parallel_loop3A_1117 = arith.index_cast %parallel_loop3A_1116 : i32 to index
          %parallel_loop3A_1118 = tpu.vector_load %arg13[%parallel_loop3A_1117] {strides = array<i32>} : memref<1024xf32, #tpu.memory_space<vmem>>, vector<16xf32>,
          tpu.vector_store %arg13[%parallel_loop3A_1117], %parallel_loop3A_1114 {strides = array<i32>} : memref<1024xf32, #tpu.memory_space<vmem>>, vector<16xf32>,
        } {sc.loop_unroll_factor = 1 : i64, sc.parallel_access}
      } else {
      }
      %not3A_547 = arith.constant true
      %not3A_548 = arith.xori %ge3A_543, %not3A_547 : i1
      %convert_element_type3A_549 = arith.extui %not3A_548 : i1 to i32
      %cond3A_550 = arith.constant 0 : i32
      %cond3A_551 = arith.cmpi ne, %convert_element_type3A_549, %cond3A_550 : i32
      scf.if %cond3A_551 {
        %scan3A_905 = arith.constant 0 : i32
        %scan3A_906 = arith.constant 16 : i32
        %scan3A_907 = arith.addi %scan3A_905, %scan3A_906 : i32
        %scan3A_908 = arith.constant 1 : i32
        scf.for %scan3A_910 = %scan3A_905 to %scan3A_907 step %scan3A_908  : i32 {
          %add3A_911 = arith.addi %add3A_389, %scan3A_910 : i32
          %get3A_912 = arith.constant 0 : i32
          %get3A_913 = arith.index_cast %get3A_912 : i32 to index
          %get3A_914 = memref.load %arg19[%get3A_913] : memref<1xi32, #tpu.memory_space<smem>>
          %eq3A_915 = arith.cmpi eq, %add3A_911, %get3A_914 : i32
          %convert_element_type3A_916 = arith.extui %eq3A_915 : i1 to i32
          %cond3A_917 = arith.constant 0 : i32
          %cond3A_918 = arith.cmpi ne, %convert_element_type3A_916, %cond3A_917 : i32
          scf.if %cond3A_918 {
            %get3A_947 = arith.constant 0 : i32
            %get3A_948 = arith.index_cast %get3A_947 : i32 to index
            %get3A_949 = memref.load %arg18[%get3A_948] : memref<1xi32, #tpu.memory_space<smem>>
            %eq3A_950 = vector.broadcast %get3A_949 : i32 to vector<16xi32>
            %eq3A_951 = arith.cmpi eq, %iota3A, %eq3A_950 : vector<16xi32>
            %get3A_952 = arith.constant 0 : i32
            %get3A_953 = arith.index_cast %get3A_952 : i32 to index
            %get3A_954 = memref.load %arg17[%get3A_953] : memref<1xf32, #tpu.memory_space<smem>>
            %broadcast_in_dim3A_955 = vector.broadcast %get3A_954 : f32 to vector<16xf32>
            %get3A_956 = arith.constant 0 : index
            %get3A_957 = tpu.vector_load %arg15[%get3A_956] {strides = array<i32>} : memref<16xf32, #tpu.memory_space<vmem>>, vector<16xf32>,
            %select_n3A_958 = arith.select %eq3A_951, %broadcast_in_dim3A_955, %get3A_957 : vector<16xi1>, vector<16xf32>
            %swap3A_959 = arith.constant 0 : index
            %swap3A_960 = tpu.vector_load %arg15[%swap3A_959] {strides = array<i32>} : memref<16xf32, #tpu.memory_space<vmem>>, vector<16xf32>,
            tpu.vector_store %arg15[%swap3A_959], %select_n3A_958 {strides = array<i32>} : memref<16xf32, #tpu.memory_space<vmem>>, vector<16xf32>,
            %get3A_961 = arith.constant 0 : index
            %get3A_962 = tpu.vector_load %arg14[%get3A_961] {strides = array<i32>} : memref<16xf32, #tpu.memory_space<vmem>>, vector<16xf32>,
            %get3A_963 = arith.constant 0 : index
            %get3A_964 = tpu.vector_load %arg16[%get3A_963] {strides = array<i32>} : memref<16xf32, #tpu.memory_space<vmem>>, vector<16xf32>,
            %select_n3A_965 = arith.select %eq3A_951, %get3A_962, %get3A_964 : vector<16xi1>, vector<16xf32>
            %swap3A_966 = arith.constant 0 : index
            %swap3A_967 = tpu.vector_load %arg16[%swap3A_966] {strides = array<i32>} : memref<16xf32, #tpu.memory_space<vmem>>, vector<16xf32>,
            tpu.vector_store %arg16[%swap3A_966], %select_n3A_965 {strides = array<i32>} : memref<16xf32, #tpu.memory_space<vmem>>, vector<16xf32>,
            %scan3A_968 = arith.constant 0 : i32
            %scan3A_969 = arith.constant 64 : i32
            %scan3A_970 = arith.addi %scan3A_968, %scan3A_969 : i32
            %scan3A_971 = arith.constant 1 : i32
            scf.for %scan3A_1002 = %scan3A_968 to %scan3A_970 step %scan3A_971  : i32 {
              %mul3A_1003 = arith.constant 16 : i32
              %mul3A_1004 = arith.muli %scan3A_1002, %mul3A_1003 : i32
              %get3A_1005 = arith.index_cast %mul3A_1004 : i32 to index
              %get3A_1006 = tpu.vector_load %arg13[%get3A_1005] {strides = array<i32>} : memref<1024xf32, #tpu.memory_space<vmem>>, vector<16xf32>,
              %mul3A_1007 = arith.constant 16 : i32
              %mul3A_1008 = arith.muli %scan3A_1002, %mul3A_1007 : i32
              %swap3A_1009 = arith.index_cast %get3A_949 : i32 to index
              %swap3A_1010 = arith.index_cast %mul3A_1008 : i32 to index
              %swap3A_1011 = tpu.vector_load %arg12[%swap3A_1009, %swap3A_1010] {strides = array<i32>} : memref<16x1024xf32, #tpu.memory_space<vmem>>, vector<16xf32>,
              tpu.vector_store %arg12[%swap3A_1009, %swap3A_1010], %get3A_1006 {strides = array<i32>} : memref<16x1024xf32, #tpu.memory_space<vmem>>, vector<16xf32>,
              %mul3A_1012 = arith.constant 16 : i32
              %mul3A_1013 = arith.muli %scan3A_1002, %mul3A_1012 : i32
              %swap3A_1014 = arith.index_cast %mul3A_1013 : i32 to index
              %swap3A_1015 = tpu.vector_load %arg13[%swap3A_1014] {strides = array<i32>} : memref<1024xf32, #tpu.memory_space<vmem>>, vector<16xf32>,
              tpu.vector_store %arg13[%swap3A_1014], %broadcast_in_dim3A_3 {strides = array<i32>} : memref<1024xf32, #tpu.memory_space<vmem>>, vector<16xf32>,
            }
            %scan3A_972 = arith.constant 64 : i32
            %swap3A_973 = arith.constant 0 : index
            %swap3A_974 = tpu.vector_load %arg14[%swap3A_973] {strides = array<i32>} : memref<16xf32, #tpu.memory_space<vmem>>, vector<16xf32>,
            tpu.vector_store %arg14[%swap3A_973], %broadcast_in_dim3A_3 {strides = array<i32>} : memref<16xf32, #tpu.memory_space<vmem>>, vector<16xf32>,
            %swap3A_975 = arith.constant -1.000000e+30 : f32
            %swap3A_976 = arith.constant 0 : i32
            %swap3A_977 = arith.index_cast %swap3A_976 : i32 to index
            %swap3A_978 = memref.load %arg17[%swap3A_977] : memref<1xf32, #tpu.memory_space<smem>>
            memref.store %swap3A_975, %arg17[%swap3A_977] : memref<1xf32, #tpu.memory_space<smem>>
            %add3A_979 = arith.constant 1 : i32
            %add3A_980 = arith.addi %get3A_949, %add3A_979 : i32
            %swap3A_981 = arith.constant 0 : i32
            %swap3A_982 = arith.index_cast %swap3A_981 : i32 to index
            %swap3A_983 = memref.load %arg18[%swap3A_982] : memref<1xi32, #tpu.memory_space<smem>>
            memref.store %add3A_980, %arg18[%swap3A_982] : memref<1xi32, #tpu.memory_space<smem>>
            %add3A_984 = arith.constant 1 : i32
            %add3A_985 = arith.addi %get3A_949, %add3A_984 : i32
            %eq3A_986 = vector.broadcast %add3A_985 : i32 to vector<16xi32>
            %eq3A_987 = arith.cmpi eq, %iota3A, %eq3A_986 : vector<16xi32>
            %jit3A_988 = arith.constant 0 : i32
            %broadcast_in_dim3A_989 = vector.broadcast %jit3A_988 : i32 to vector<16xi32>
            %select_n3A_990 = arith.select %eq3A_987, %get3A_19, %broadcast_in_dim3A_989 : vector<16xi1>, vector<16xi32>
            %reduce_max3A_991 = arith.constant true
            %reduce_max3A_992 = vector.broadcast %reduce_max3A_991 : i1 to vector<16xi1>
            %reduce_max3A_993 = arith.constant -2147483648 : i32
            %reduce_max3A_994 = vector.broadcast %reduce_max3A_993 : i32 to vector<16xi32>
            %reduce_max3A_995 = arith.xori %select_n3A_990, %reduce_max3A_994 : vector<16xi32>
            %reduce_max3A_996 = tpu.scan <max>, %reduce_max3A_995 masked %reduce_max3A_992 : vector<16xi32>, vector<16xi1> -> vector<16xi32>
            %reduce_max3A_997 = arith.xori %reduce_max3A_996, %reduce_max3A_994 : vector<16xi32>
            %reduce_max3A_998 = vector.extract %reduce_max3A_997[15] : i32 from vector<16xi32>
            %swap3A_999 = arith.constant 0 : i32
            %swap3A_1000 = arith.index_cast %swap3A_999 : i32 to index
            %swap3A_1001 = memref.load %arg19[%swap3A_1000] : memref<1xi32, #tpu.memory_space<smem>>
            memref.store %reduce_max3A_998, %arg19[%swap3A_1000] : memref<1xi32, #tpu.memory_space<smem>>
          } else {
          }
          %eq3A_919 = vector.broadcast %scan3A_910 : i32 to vector<16xi32>
          %eq3A_920 = arith.cmpi eq, %iota3A, %eq3A_919 : vector<16xi32>
          %select_n3A_921 = arith.select %eq3A_920, %select_n3A_537, %broadcast_in_dim3A_9 : vector<16xi1>, vector<16xf32>
          %reduce_max3A_922 = arith.constant true
          %reduce_max3A_923 = vector.broadcast %reduce_max3A_922 : i1 to vector<16xi1>
          %reduce_max3A_924 = tpu.scan <max>, %select_n3A_921 masked %reduce_max3A_923 : vector<16xf32>, vector<16xi1> -> vector<16xf32>
          %reduce_max3A_925 = vector.extract %reduce_max3A_924[15] : f32 from vector<16xf32>
          %get3A_926 = arith.constant 0 : i32
          %get3A_927 = arith.index_cast %get3A_926 : i32 to index
          %get3A_928 = memref.load %arg17[%get3A_927] : memref<1xf32, #tpu.memory_space<smem>>
          %max3A = arith.maximumf %get3A_928, %reduce_max3A_925 : f32
          %sub3A = arith.subf %get3A_928, %max3A : f32
          %broadcast_in_dim3A_929 = vector.broadcast %sub3A : f32 to vector<16xf32>
          %exp3A = math.exp %broadcast_in_dim3A_929 : vector<16xf32>
          %sub3A_930 = arith.subf %reduce_max3A_925, %max3A : f32
          %broadcast_in_dim3A_931 = vector.broadcast %sub3A_930 : f32 to vector<16xf32>
          %exp3A_932 = math.exp %broadcast_in_dim3A_931 : vector<16xf32>
          %get3A_933 = arith.constant 0 : index
          %get3A_934 = tpu.vector_load %arg14[%get3A_933] {strides = array<i32>} : memref<16xf32, #tpu.memory_space<vmem>>, vector<16xf32>,
          %mul3A_935 = arith.mulf %get3A_934, %exp3A : vector<16xf32>
          %add3A_936 = arith.addf %mul3A_935, %exp3A_932 : vector<16xf32>
          %swap3A_937 = arith.constant 0 : index
          %swap3A_938 = tpu.vector_load %arg14[%swap3A_937] {strides = array<i32>} : memref<16xf32, #tpu.memory_space<vmem>>, vector<16xf32>,
          tpu.vector_store %arg14[%swap3A_937], %add3A_936 {strides = array<i32>} : memref<16xf32, #tpu.memory_space<vmem>>, vector<16xf32>,
          %swap3A_939 = arith.constant 0 : i32
          %swap3A_940 = arith.index_cast %swap3A_939 : i32 to index
          %swap3A_941 = memref.load %arg17[%swap3A_940] : memref<1xf32, #tpu.memory_space<smem>>
          memref.store %max3A, %arg17[%swap3A_940] : memref<1xf32, #tpu.memory_space<smem>>
          %scan3A_942 = arith.constant 0 : i32
          %scan3A_943 = arith.constant 64 : i32
          %scan3A_944 = arith.addi %scan3A_942, %scan3A_943 : i32
          %scan3A_945 = arith.constant 1 : i32
          scf.for %scan3A_947 = %scan3A_942 to %scan3A_944 step %scan3A_945  : i32 {
            %mul3A_948 = arith.constant 16 : i32
            %mul3A_949 = arith.muli %scan3A_947, %mul3A_948 : i32
            %get3A_950 = arith.index_cast %mul3A_949 : i32 to index
            %get3A_951 = tpu.vector_load %arg13[%get3A_950] {strides = array<i32>} : memref<1024xf32, #tpu.memory_space<vmem>>, vector<16xf32>,
            %mul3A_952 = arith.mulf %get3A_951, %exp3A : vector<16xf32>
            %add3A_953 = arith.constant 16 : i32
            %add3A_954 = arith.addi %add3A_953, %scan3A_910 : i32
            %mul3A_955 = arith.constant 16 : i32
            %mul3A_956 = arith.muli %scan3A_947, %mul3A_955 : i32
            %get3A_957 = arith.index_cast %add3A_954 : i32 to index
            %get3A_958 = arith.index_cast %mul3A_956 : i32 to index
            %get3A_959 = tpu.vector_load %arg8[%get3A_957, %get3A_958] {strides = array<i32>} : memref<32x1024xf32, #tpu.memory_space<vmem>>, vector<16xf32>,
            %mul3A_960 = arith.mulf %exp3A_932, %get3A_959 : vector<16xf32>
            %add3A_961 = arith.addf %mul3A_952, %mul3A_960 : vector<16xf32>
            %mul3A_962 = arith.constant 16 : i32
            %mul3A_963 = arith.muli %scan3A_947, %mul3A_962 : i32
            %swap3A_964 = arith.index_cast %mul3A_963 : i32 to index
            %swap3A_965 = tpu.vector_load %arg13[%swap3A_964] {strides = array<i32>} : memref<1024xf32, #tpu.memory_space<vmem>>, vector<16xf32>,
            tpu.vector_store %arg13[%swap3A_964], %add3A_961 {strides = array<i32>} : memref<1024xf32, #tpu.memory_space<vmem>>, vector<16xf32>,
          }
          %scan3A_946 = arith.constant 64 : i32
        }
        %scan3A_909 = arith.constant 16 : i32
      } else {
      }
      %mul3A_552 = arith.constant 2 : i32
      %mul3A_553 = arith.muli %mul3A_552, %scan3A_206 : i32
      %add3A_554 = arith.constant 2 : i32
      %add3A_555 = arith.addi %mul3A_553, %add3A_554 : i32
      %mul3A_556 = arith.constant 32 : i32
      %mul3A_557 = arith.muli %add3A_555, %mul3A_556 : i32
      %min3A = arith.constant 992 : i32
      %min3A_558 = arith.minsi %mul3A_557, %min3A : i32
      %add3A_559 = arith.addi %mul3A_2, %min3A_558 : i32
      %dma_start3A_560 = arith.constant 0 : i32
      %dma_start3A_561 = tpu.memref_slice %arg2[%add3A_559, %dma_start3A_560] : memref<32768x1024xf32, #tpu.memory_space<hbm>> -> memref<32x1024xf32, #tpu.memory_space<hbm>>
      %dma_start3A_562 = arith.constant 0 : i32
      %dma_start3A_563 = tpu.memref_slice %arg2[%add3A_559, %dma_start3A_562] : memref<32768x1024xf32, #tpu.memory_space<hbm>> -> memref<32x1024xf32, #tpu.memory_space<hbm>>
      tpu.enqueue_dma source(%dma_start3A_563 : memref<32x1024xf32, #tpu.memory_space<hbm>>) target(%arg8 : memref<32x1024xf32, #tpu.memory_space<vmem>>) target_semaphore(%arg20 : memref<!tpu.dma_semaphore, #tpu.memory_space<semaphore_mem>>)
      %dma_wait3A_564 = arith.constant 0 : i32
      %dma_wait3A_565 = arith.constant 0 : i32
      %dma_wait3A_566 = tpu.memref_slice %arg2[%dma_wait3A_564, %dma_wait3A_565] : memref<32768x1024xf32, #tpu.memory_space<hbm>> -> memref<32x1024xf32, #tpu.memory_space<hbm>>
      %dma_wait3A_567 = arith.constant 0 : i32
      %dma_wait3A_568 = arith.constant 0 : i32
      %dma_wait3A_569 = tpu.memref_slice %arg2[%dma_wait3A_567, %dma_wait3A_568] : memref<32768x1024xf32, #tpu.memory_space<hbm>> -> memref<32x1024xf32, #tpu.memory_space<hbm>>
      tpu.wait_dma2 semaphore(%arg21 : memref<!tpu.dma_semaphore, #tpu.memory_space<semaphore_mem>>) src(%dma_wait3A_569 : memref<32x1024xf32, #tpu.memory_space<hbm>>) dst(%arg9 : memref<32x1024xf32, #tpu.memory_space<vmem>>)
      %mul3A_570 = arith.constant 2 : i32
      %mul3A_571 = arith.muli %mul3A_570, %scan3A_206 : i32
      %add3A_572 = arith.constant 1 : i32
      %add3A_573 = arith.addi %mul3A_571, %add3A_572 : i32
      %mul3A_574 = arith.constant 32 : i32
      %mul3A_575 = arith.muli %add3A_573, %mul3A_574 : i32
      %add3A_576 = arith.addi %mul3A_2, %mul3A_575 : i32
      %add3A_577 = arith.constant 0 : i32
      %add3A_578 = arith.addi %add3A_576, %add3A_577 : i32
      %parallel_loop3A_579 = arith.constant 0 : i32
      %parallel_loop3A_580 = arith.constant 64 : i32
      %parallel_loop3A_581 = arith.constant 1 : i32
      %parallel_loop3A_582:16 = scf.for %parallel_loop3A_905 = %parallel_loop3A_579 to %parallel_loop3A_580 step %parallel_loop3A_581 iter_args(%parallel_loop3A_906 = %broadcast_in_dim3A_3, %parallel_loop3A_907 = %broadcast_in_dim3A_3, %parallel_loop3A_908 = %broadcast_in_dim3A_3, %parallel_loop3A_909 = %broadcast_in_dim3A_3, %parallel_loop3A_910 = %broadcast_in_dim3A_3, %parallel_loop3A_911 = %broadcast_in_dim3A_3, %parallel_loop3A_912 = %broadcast_in_dim3A_3, %parallel_loop3A_913 = %broadcast_in_dim3A_3, %parallel_loop3A_914 = %broadcast_in_dim3A_3, %parallel_loop3A_915 = %broadcast_in_dim3A_3, %parallel_loop3A_916 = %broadcast_in_dim3A_3, %parallel_loop3A_917 = %broadcast_in_dim3A_3, %parallel_loop3A_918 = %broadcast_in_dim3A_3, %parallel_loop3A_919 = %broadcast_in_dim3A_3, %parallel_loop3A_920 = %broadcast_in_dim3A_3, %parallel_loop3A_921 = %broadcast_in_dim3A_3) -> (vector<16xf32>, vector<16xf32>, vector<16xf32>, vector<16xf32>, vector<16xf32>, vector<16xf32>, vector<16xf32>, vector<16xf32>, vector<16xf32>, vector<16xf32>, vector<16xf32>, vector<16xf32>, vector<16xf32>, vector<16xf32>, vector<16xf32>, vector<16xf32>)  : i32 {
        %parallel_loop3A_922 = arith.constant 16 : i32
        %parallel_loop3A_923 = arith.muli %parallel_loop3A_905, %parallel_loop3A_922 : i32
        %parallel_loop3A_924 = arith.index_cast %parallel_loop3A_923 : i32 to index
        %parallel_loop3A_925 = tpu.vector_load %arg10[%parallel_loop3A_924] {strides = array<i32>} : memref<1024xf32, #tpu.memory_space<vmem>>, vector<16xf32>,
        %parallel_loop3A_926 = arith.constant 16 : i32
        %parallel_loop3A_927 = arith.muli %parallel_loop3A_905, %parallel_loop3A_926 : i32
        %parallel_loop3A_928 = arith.constant 0 : i32
        %parallel_loop3A_929 = arith.index_cast %parallel_loop3A_928 : i32 to index
        %parallel_loop3A_930 = arith.index_cast %parallel_loop3A_927 : i32 to index
        %parallel_loop3A_931 = tpu.vector_load %arg9[%parallel_loop3A_929, %parallel_loop3A_930] {strides = array<i32>} : memref<32x1024xf32, #tpu.memory_space<vmem>>, vector<16xf32>,
        %parallel_loop3A_932 = arith.mulf %parallel_loop3A_931, %parallel_loop3A_925 : vector<16xf32>
        %parallel_loop3A_933 = arith.addf %parallel_loop3A_906, %parallel_loop3A_932 : vector<16xf32>
        %parallel_loop3A_934 = arith.constant 16 : i32
        %parallel_loop3A_935 = arith.muli %parallel_loop3A_905, %parallel_loop3A_934 : i32
        %parallel_loop3A_936 = arith.constant 1 : i32
        %parallel_loop3A_937 = arith.index_cast %parallel_loop3A_936 : i32 to index
        %parallel_loop3A_938 = arith.index_cast %parallel_loop3A_935 : i32 to index
        %parallel_loop3A_939 = tpu.vector_load %arg9[%parallel_loop3A_937, %parallel_loop3A_938] {strides = array<i32>} : memref<32x1024xf32, #tpu.memory_space<vmem>>, vector<16xf32>,
        %parallel_loop3A_940 = arith.mulf %parallel_loop3A_939, %parallel_loop3A_925 : vector<16xf32>
        %parallel_loop3A_941 = arith.addf %parallel_loop3A_907, %parallel_loop3A_940 : vector<16xf32>
        %parallel_loop3A_942 = arith.constant 16 : i32
        %parallel_loop3A_943 = arith.muli %parallel_loop3A_905, %parallel_loop3A_942 : i32
        %parallel_loop3A_944 = arith.constant 2 : i32
        %parallel_loop3A_945 = arith.index_cast %parallel_loop3A_944 : i32 to index
        %parallel_loop3A_946 = arith.index_cast %parallel_loop3A_943 : i32 to index
        %parallel_loop3A_947 = tpu.vector_load %arg9[%parallel_loop3A_945, %parallel_loop3A_946] {strides = array<i32>} : memref<32x1024xf32, #tpu.memory_space<vmem>>, vector<16xf32>,
        %parallel_loop3A_948 = arith.mulf %parallel_loop3A_947, %parallel_loop3A_925 : vector<16xf32>
        %parallel_loop3A_949 = arith.addf %parallel_loop3A_908, %parallel_loop3A_948 : vector<16xf32>
        %parallel_loop3A_950 = arith.constant 16 : i32
        %parallel_loop3A_951 = arith.muli %parallel_loop3A_905, %parallel_loop3A_950 : i32
        %parallel_loop3A_952 = arith.constant 3 : i32
        %parallel_loop3A_953 = arith.index_cast %parallel_loop3A_952 : i32 to index
        %parallel_loop3A_954 = arith.index_cast %parallel_loop3A_951 : i32 to index
        %parallel_loop3A_955 = tpu.vector_load %arg9[%parallel_loop3A_953, %parallel_loop3A_954] {strides = array<i32>} : memref<32x1024xf32, #tpu.memory_space<vmem>>, vector<16xf32>,
        %parallel_loop3A_956 = arith.mulf %parallel_loop3A_955, %parallel_loop3A_925 : vector<16xf32>
        %parallel_loop3A_957 = arith.addf %parallel_loop3A_909, %parallel_loop3A_956 : vector<16xf32>
        %parallel_loop3A_958 = arith.constant 16 : i32
        %parallel_loop3A_959 = arith.muli %parallel_loop3A_905, %parallel_loop3A_958 : i32
        %parallel_loop3A_960 = arith.constant 4 : i32
        %parallel_loop3A_961 = arith.index_cast %parallel_loop3A_960 : i32 to index
        %parallel_loop3A_962 = arith.index_cast %parallel_loop3A_959 : i32 to index
        %parallel_loop3A_963 = tpu.vector_load %arg9[%parallel_loop3A_961, %parallel_loop3A_962] {strides = array<i32>} : memref<32x1024xf32, #tpu.memory_space<vmem>>, vector<16xf32>,
        %parallel_loop3A_964 = arith.mulf %parallel_loop3A_963, %parallel_loop3A_925 : vector<16xf32>
        %parallel_loop3A_965 = arith.addf %parallel_loop3A_910, %parallel_loop3A_964 : vector<16xf32>
        %parallel_loop3A_966 = arith.constant 16 : i32
        %parallel_loop3A_967 = arith.muli %parallel_loop3A_905, %parallel_loop3A_966 : i32
        %parallel_loop3A_968 = arith.constant 5 : i32
        %parallel_loop3A_969 = arith.index_cast %parallel_loop3A_968 : i32 to index
        %parallel_loop3A_970 = arith.index_cast %parallel_loop3A_967 : i32 to index
        %parallel_loop3A_971 = tpu.vector_load %arg9[%parallel_loop3A_969, %parallel_loop3A_970] {strides = array<i32>} : memref<32x1024xf32, #tpu.memory_space<vmem>>, vector<16xf32>,
        %parallel_loop3A_972 = arith.mulf %parallel_loop3A_971, %parallel_loop3A_925 : vector<16xf32>
        %parallel_loop3A_973 = arith.addf %parallel_loop3A_911, %parallel_loop3A_972 : vector<16xf32>
        %parallel_loop3A_974 = arith.constant 16 : i32
        %parallel_loop3A_975 = arith.muli %parallel_loop3A_905, %parallel_loop3A_974 : i32
        %parallel_loop3A_976 = arith.constant 6 : i32
        %parallel_loop3A_977 = arith.index_cast %parallel_loop3A_976 : i32 to index
        %parallel_loop3A_978 = arith.index_cast %parallel_loop3A_975 : i32 to index
        %parallel_loop3A_979 = tpu.vector_load %arg9[%parallel_loop3A_977, %parallel_loop3A_978] {strides = array<i32>} : memref<32x1024xf32, #tpu.memory_space<vmem>>, vector<16xf32>,
        %parallel_loop3A_980 = arith.mulf %parallel_loop3A_979, %parallel_loop3A_925 : vector<16xf32>
        %parallel_loop3A_981 = arith.addf %parallel_loop3A_912, %parallel_loop3A_980 : vector<16xf32>
        %parallel_loop3A_982 = arith.constant 16 : i32
        %parallel_loop3A_983 = arith.muli %parallel_loop3A_905, %parallel_loop3A_982 : i32
        %parallel_loop3A_984 = arith.constant 7 : i32
        %parallel_loop3A_985 = arith.index_cast %parallel_loop3A_984 : i32 to index
        %parallel_loop3A_986 = arith.index_cast %parallel_loop3A_983 : i32 to index
        %parallel_loop3A_987 = tpu.vector_load %arg9[%parallel_loop3A_985, %parallel_loop3A_986] {strides = array<i32>} : memref<32x1024xf32, #tpu.memory_space<vmem>>, vector<16xf32>,
        %parallel_loop3A_988 = arith.mulf %parallel_loop3A_987, %parallel_loop3A_925 : vector<16xf32>
        %parallel_loop3A_989 = arith.addf %parallel_loop3A_913, %parallel_loop3A_988 : vector<16xf32>
        %parallel_loop3A_990 = arith.constant 16 : i32
        %parallel_loop3A_991 = arith.muli %parallel_loop3A_905, %parallel_loop3A_990 : i32
        %parallel_loop3A_992 = arith.constant 8 : i32
        %parallel_loop3A_993 = arith.index_cast %parallel_loop3A_992 : i32 to index
        %parallel_loop3A_994 = arith.index_cast %parallel_loop3A_991 : i32 to index
        %parallel_loop3A_995 = tpu.vector_load %arg9[%parallel_loop3A_993, %parallel_loop3A_994] {strides = array<i32>} : memref<32x1024xf32, #tpu.memory_space<vmem>>, vector<16xf32>,
        %parallel_loop3A_996 = arith.mulf %parallel_loop3A_995, %parallel_loop3A_925 : vector<16xf32>
        %parallel_loop3A_997 = arith.addf %parallel_loop3A_914, %parallel_loop3A_996 : vector<16xf32>
        %parallel_loop3A_998 = arith.constant 16 : i32
        %parallel_loop3A_999 = arith.muli %parallel_loop3A_905, %parallel_loop3A_998 : i32
        %parallel_loop3A_1000 = arith.constant 9 : i32
        %parallel_loop3A_1001 = arith.index_cast %parallel_loop3A_1000 : i32 to index
        %parallel_loop3A_1002 = arith.index_cast %parallel_loop3A_999 : i32 to index
        %parallel_loop3A_1003 = tpu.vector_load %arg9[%parallel_loop3A_1001, %parallel_loop3A_1002] {strides = array<i32>} : memref<32x1024xf32, #tpu.memory_space<vmem>>, vector<16xf32>,
        %parallel_loop3A_1004 = arith.mulf %parallel_loop3A_1003, %parallel_loop3A_925 : vector<16xf32>
        %parallel_loop3A_1005 = arith.addf %parallel_loop3A_915, %parallel_loop3A_1004 : vector<16xf32>
        %parallel_loop3A_1006 = arith.constant 16 : i32
        %parallel_loop3A_1007 = arith.muli %parallel_loop3A_905, %parallel_loop3A_1006 : i32
        %parallel_loop3A_1008 = arith.constant 10 : i32
        %parallel_loop3A_1009 = arith.index_cast %parallel_loop3A_1008 : i32 to index
        %parallel_loop3A_1010 = arith.index_cast %parallel_loop3A_1007 : i32 to index
        %parallel_loop3A_1011 = tpu.vector_load %arg9[%parallel_loop3A_1009, %parallel_loop3A_1010] {strides = array<i32>} : memref<32x1024xf32, #tpu.memory_space<vmem>>, vector<16xf32>,
        %parallel_loop3A_1012 = arith.mulf %parallel_loop3A_1011, %parallel_loop3A_925 : vector<16xf32>
        %parallel_loop3A_1013 = arith.addf %parallel_loop3A_916, %parallel_loop3A_1012 : vector<16xf32>
        %parallel_loop3A_1014 = arith.constant 16 : i32
        %parallel_loop3A_1015 = arith.muli %parallel_loop3A_905, %parallel_loop3A_1014 : i32
        %parallel_loop3A_1016 = arith.constant 11 : i32
        %parallel_loop3A_1017 = arith.index_cast %parallel_loop3A_1016 : i32 to index
        %parallel_loop3A_1018 = arith.index_cast %parallel_loop3A_1015 : i32 to index
        %parallel_loop3A_1019 = tpu.vector_load %arg9[%parallel_loop3A_1017, %parallel_loop3A_1018] {strides = array<i32>} : memref<32x1024xf32, #tpu.memory_space<vmem>>, vector<16xf32>,
        %parallel_loop3A_1020 = arith.mulf %parallel_loop3A_1019, %parallel_loop3A_925 : vector<16xf32>
        %parallel_loop3A_1021 = arith.addf %parallel_loop3A_917, %parallel_loop3A_1020 : vector<16xf32>
        %parallel_loop3A_1022 = arith.constant 16 : i32
        %parallel_loop3A_1023 = arith.muli %parallel_loop3A_905, %parallel_loop3A_1022 : i32
        %parallel_loop3A_1024 = arith.constant 12 : i32
        %parallel_loop3A_1025 = arith.index_cast %parallel_loop3A_1024 : i32 to index
        %parallel_loop3A_1026 = arith.index_cast %parallel_loop3A_1023 : i32 to index
        %parallel_loop3A_1027 = tpu.vector_load %arg9[%parallel_loop3A_1025, %parallel_loop3A_1026] {strides = array<i32>} : memref<32x1024xf32, #tpu.memory_space<vmem>>, vector<16xf32>,
        %parallel_loop3A_1028 = arith.mulf %parallel_loop3A_1027, %parallel_loop3A_925 : vector<16xf32>
        %parallel_loop3A_1029 = arith.addf %parallel_loop3A_918, %parallel_loop3A_1028 : vector<16xf32>
        %parallel_loop3A_1030 = arith.constant 16 : i32
        %parallel_loop3A_1031 = arith.muli %parallel_loop3A_905, %parallel_loop3A_1030 : i32
        %parallel_loop3A_1032 = arith.constant 13 : i32
        %parallel_loop3A_1033 = arith.index_cast %parallel_loop3A_1032 : i32 to index
        %parallel_loop3A_1034 = arith.index_cast %parallel_loop3A_1031 : i32 to index
        %parallel_loop3A_1035 = tpu.vector_load %arg9[%parallel_loop3A_1033, %parallel_loop3A_1034] {strides = array<i32>} : memref<32x1024xf32, #tpu.memory_space<vmem>>, vector<16xf32>,
        %parallel_loop3A_1036 = arith.mulf %parallel_loop3A_1035, %parallel_loop3A_925 : vector<16xf32>
        %parallel_loop3A_1037 = arith.addf %parallel_loop3A_919, %parallel_loop3A_1036 : vector<16xf32>
        %parallel_loop3A_1038 = arith.constant 16 : i32
        %parallel_loop3A_1039 = arith.muli %parallel_loop3A_905, %parallel_loop3A_1038 : i32
        %parallel_loop3A_1040 = arith.constant 14 : i32
        %parallel_loop3A_1041 = arith.index_cast %parallel_loop3A_1040 : i32 to index
        %parallel_loop3A_1042 = arith.index_cast %parallel_loop3A_1039 : i32 to index
        %parallel_loop3A_1043 = tpu.vector_load %arg9[%parallel_loop3A_1041, %parallel_loop3A_1042] {strides = array<i32>} : memref<32x1024xf32, #tpu.memory_space<vmem>>, vector<16xf32>,
        %parallel_loop3A_1044 = arith.mulf %parallel_loop3A_1043, %parallel_loop3A_925 : vector<16xf32>
        %parallel_loop3A_1045 = arith.addf %parallel_loop3A_920, %parallel_loop3A_1044 : vector<16xf32>
        %parallel_loop3A_1046 = arith.constant 16 : i32
        %parallel_loop3A_1047 = arith.muli %parallel_loop3A_905, %parallel_loop3A_1046 : i32
        %parallel_loop3A_1048 = arith.constant 15 : i32
        %parallel_loop3A_1049 = arith.index_cast %parallel_loop3A_1048 : i32 to index
        %parallel_loop3A_1050 = arith.index_cast %parallel_loop3A_1047 : i32 to index
        %parallel_loop3A_1051 = tpu.vector_load %arg9[%parallel_loop3A_1049, %parallel_loop3A_1050] {strides = array<i32>} : memref<32x1024xf32, #tpu.memory_space<vmem>>, vector<16xf32>,
        %parallel_loop3A_1052 = arith.mulf %parallel_loop3A_1051, %parallel_loop3A_925 : vector<16xf32>
        %parallel_loop3A_1053 = arith.addf %parallel_loop3A_921, %parallel_loop3A_1052 : vector<16xf32>
        scf.yield %parallel_loop3A_933, %parallel_loop3A_941, %parallel_loop3A_949, %parallel_loop3A_957, %parallel_loop3A_965, %parallel_loop3A_973, %parallel_loop3A_981, %parallel_loop3A_989, %parallel_loop3A_997, %parallel_loop3A_1005, %parallel_loop3A_1013, %parallel_loop3A_1021, %parallel_loop3A_1029, %parallel_loop3A_1037, %parallel_loop3A_1045, %parallel_loop3A_1053 : vector<16xf32>, vector<16xf32>, vector<16xf32>, vector<16xf32>, vector<16xf32>, vector<16xf32>, vector<16xf32>, vector<16xf32>, vector<16xf32>, vector<16xf32>, vector<16xf32>, vector<16xf32>, vector<16xf32>, vector<16xf32>, vector<16xf32>, vector<16xf32>
      } {sc.loop_unroll_factor = 1 : i64, sc.parallel_access}
      %eq3A_583 = arith.constant 0 : i32
      %eq3A_584 = vector.broadcast %eq3A_583 : i32 to vector<16xi32>
      %eq3A_585 = arith.cmpi eq, %iota3A, %eq3A_584 : vector<16xi32>
      %reduce_sum3A_586 = arith.constant true
      %reduce_sum3A_587 = vector.broadcast %reduce_sum3A_586 : i1 to vector<16xi1>
      %reduce_sum3A_588 = tpu.scan <sum>, %parallel_loop3A_582#0 masked %reduce_sum3A_587 : vector<16xf32>, vector<16xi1> -> vector<16xf32>
      %reduce_sum3A_589 = vector.extract %reduce_sum3A_588[15] : f32 from vector<16xf32>
      %broadcast_in_dim3A_590 = vector.broadcast %reduce_sum3A_589 : f32 to vector<16xf32>
      %select_n3A_591 = arith.select %eq3A_585, %broadcast_in_dim3A_590, %broadcast_in_dim3A_3 : vector<16xi1>, vector<16xf32>
      %eq3A_592 = arith.constant 1 : i32
      %eq3A_593 = vector.broadcast %eq3A_592 : i32 to vector<16xi32>
      %eq3A_594 = arith.cmpi eq, %iota3A, %eq3A_593 : vector<16xi32>
      %reduce_sum3A_595 = arith.constant true
      %reduce_sum3A_596 = vector.broadcast %reduce_sum3A_595 : i1 to vector<16xi1>
      %reduce_sum3A_597 = tpu.scan <sum>, %parallel_loop3A_582#1 masked %reduce_sum3A_596 : vector<16xf32>, vector<16xi1> -> vector<16xf32>
      %reduce_sum3A_598 = vector.extract %reduce_sum3A_597[15] : f32 from vector<16xf32>
      %broadcast_in_dim3A_599 = vector.broadcast %reduce_sum3A_598 : f32 to vector<16xf32>
      %select_n3A_600 = arith.select %eq3A_594, %broadcast_in_dim3A_599, %select_n3A_591 : vector<16xi1>, vector<16xf32>
      %eq3A_601 = arith.constant 2 : i32
      %eq3A_602 = vector.broadcast %eq3A_601 : i32 to vector<16xi32>
      %eq3A_603 = arith.cmpi eq, %iota3A, %eq3A_602 : vector<16xi32>
      %reduce_sum3A_604 = arith.constant true
      %reduce_sum3A_605 = vector.broadcast %reduce_sum3A_604 : i1 to vector<16xi1>
      %reduce_sum3A_606 = tpu.scan <sum>, %parallel_loop3A_582#2 masked %reduce_sum3A_605 : vector<16xf32>, vector<16xi1> -> vector<16xf32>
      %reduce_sum3A_607 = vector.extract %reduce_sum3A_606[15] : f32 from vector<16xf32>
      %broadcast_in_dim3A_608 = vector.broadcast %reduce_sum3A_607 : f32 to vector<16xf32>
      %select_n3A_609 = arith.select %eq3A_603, %broadcast_in_dim3A_608, %select_n3A_600 : vector<16xi1>, vector<16xf32>
      %eq3A_610 = arith.constant 3 : i32
      %eq3A_611 = vector.broadcast %eq3A_610 : i32 to vector<16xi32>
      %eq3A_612 = arith.cmpi eq, %iota3A, %eq3A_611 : vector<16xi32>
      %reduce_sum3A_613 = arith.constant true
      %reduce_sum3A_614 = vector.broadcast %reduce_sum3A_613 : i1 to vector<16xi1>
      %reduce_sum3A_615 = tpu.scan <sum>, %parallel_loop3A_582#3 masked %reduce_sum3A_614 : vector<16xf32>, vector<16xi1> -> vector<16xf32>
      %reduce_sum3A_616 = vector.extract %reduce_sum3A_615[15] : f32 from vector<16xf32>
      %broadcast_in_dim3A_617 = vector.broadcast %reduce_sum3A_616 : f32 to vector<16xf32>
      %select_n3A_618 = arith.select %eq3A_612, %broadcast_in_dim3A_617, %select_n3A_609 : vector<16xi1>, vector<16xf32>
      %eq3A_619 = arith.constant 4 : i32
      %eq3A_620 = vector.broadcast %eq3A_619 : i32 to vector<16xi32>
      %eq3A_621 = arith.cmpi eq, %iota3A, %eq3A_620 : vector<16xi32>
      %reduce_sum3A_622 = arith.constant true
      %reduce_sum3A_623 = vector.broadcast %reduce_sum3A_622 : i1 to vector<16xi1>
      %reduce_sum3A_624 = tpu.scan <sum>, %parallel_loop3A_582#4 masked %reduce_sum3A_623 : vector<16xf32>, vector<16xi1> -> vector<16xf32>
      %reduce_sum3A_625 = vector.extract %reduce_sum3A_624[15] : f32 from vector<16xf32>
      %broadcast_in_dim3A_626 = vector.broadcast %reduce_sum3A_625 : f32 to vector<16xf32>
      %select_n3A_627 = arith.select %eq3A_621, %broadcast_in_dim3A_626, %select_n3A_618 : vector<16xi1>, vector<16xf32>
      %eq3A_628 = arith.constant 5 : i32
      %eq3A_629 = vector.broadcast %eq3A_628 : i32 to vector<16xi32>
      %eq3A_630 = arith.cmpi eq, %iota3A, %eq3A_629 : vector<16xi32>
      %reduce_sum3A_631 = arith.constant true
      %reduce_sum3A_632 = vector.broadcast %reduce_sum3A_631 : i1 to vector<16xi1>
      %reduce_sum3A_633 = tpu.scan <sum>, %parallel_loop3A_582#5 masked %reduce_sum3A_632 : vector<16xf32>, vector<16xi1> -> vector<16xf32>
      %reduce_sum3A_634 = vector.extract %reduce_sum3A_633[15] : f32 from vector<16xf32>
      %broadcast_in_dim3A_635 = vector.broadcast %reduce_sum3A_634 : f32 to vector<16xf32>
      %select_n3A_636 = arith.select %eq3A_630, %broadcast_in_dim3A_635, %select_n3A_627 : vector<16xi1>, vector<16xf32>
      %eq3A_637 = arith.constant 6 : i32
      %eq3A_638 = vector.broadcast %eq3A_637 : i32 to vector<16xi32>
      %eq3A_639 = arith.cmpi eq, %iota3A, %eq3A_638 : vector<16xi32>
      %reduce_sum3A_640 = arith.constant true
      %reduce_sum3A_641 = vector.broadcast %reduce_sum3A_640 : i1 to vector<16xi1>
      %reduce_sum3A_642 = tpu.scan <sum>, %parallel_loop3A_582#6 masked %reduce_sum3A_641 : vector<16xf32>, vector<16xi1> -> vector<16xf32>
      %reduce_sum3A_643 = vector.extract %reduce_sum3A_642[15] : f32 from vector<16xf32>
      %broadcast_in_dim3A_644 = vector.broadcast %reduce_sum3A_643 : f32 to vector<16xf32>
      %select_n3A_645 = arith.select %eq3A_639, %broadcast_in_dim3A_644, %select_n3A_636 : vector<16xi1>, vector<16xf32>
      %eq3A_646 = arith.constant 7 : i32
      %eq3A_647 = vector.broadcast %eq3A_646 : i32 to vector<16xi32>
      %eq3A_648 = arith.cmpi eq, %iota3A, %eq3A_647 : vector<16xi32>
      %reduce_sum3A_649 = arith.constant true
      %reduce_sum3A_650 = vector.broadcast %reduce_sum3A_649 : i1 to vector<16xi1>
      %reduce_sum3A_651 = tpu.scan <sum>, %parallel_loop3A_582#7 masked %reduce_sum3A_650 : vector<16xf32>, vector<16xi1> -> vector<16xf32>
      %reduce_sum3A_652 = vector.extract %reduce_sum3A_651[15] : f32 from vector<16xf32>
      %broadcast_in_dim3A_653 = vector.broadcast %reduce_sum3A_652 : f32 to vector<16xf32>
      %select_n3A_654 = arith.select %eq3A_648, %broadcast_in_dim3A_653, %select_n3A_645 : vector<16xi1>, vector<16xf32>
      %eq3A_655 = arith.constant 8 : i32
      %eq3A_656 = vector.broadcast %eq3A_655 : i32 to vector<16xi32>
      %eq3A_657 = arith.cmpi eq, %iota3A, %eq3A_656 : vector<16xi32>
      %reduce_sum3A_658 = arith.constant true
      %reduce_sum3A_659 = vector.broadcast %reduce_sum3A_658 : i1 to vector<16xi1>
      %reduce_sum3A_660 = tpu.scan <sum>, %parallel_loop3A_582#8 masked %reduce_sum3A_659 : vector<16xf32>, vector<16xi1> -> vector<16xf32>
      %reduce_sum3A_661 = vector.extract %reduce_sum3A_660[15] : f32 from vector<16xf32>
      %broadcast_in_dim3A_662 = vector.broadcast %reduce_sum3A_661 : f32 to vector<16xf32>
      %select_n3A_663 = arith.select %eq3A_657, %broadcast_in_dim3A_662, %select_n3A_654 : vector<16xi1>, vector<16xf32>
      %eq3A_664 = arith.constant 9 : i32
      %eq3A_665 = vector.broadcast %eq3A_664 : i32 to vector<16xi32>
      %eq3A_666 = arith.cmpi eq, %iota3A, %eq3A_665 : vector<16xi32>
      %reduce_sum3A_667 = arith.constant true
      %reduce_sum3A_668 = vector.broadcast %reduce_sum3A_667 : i1 to vector<16xi1>
      %reduce_sum3A_669 = tpu.scan <sum>, %parallel_loop3A_582#9 masked %reduce_sum3A_668 : vector<16xf32>, vector<16xi1> -> vector<16xf32>
      %reduce_sum3A_670 = vector.extract %reduce_sum3A_669[15] : f32 from vector<16xf32>
      %broadcast_in_dim3A_671 = vector.broadcast %reduce_sum3A_670 : f32 to vector<16xf32>
      %select_n3A_672 = arith.select %eq3A_666, %broadcast_in_dim3A_671, %select_n3A_663 : vector<16xi1>, vector<16xf32>
      %eq3A_673 = arith.constant 10 : i32
      %eq3A_674 = vector.broadcast %eq3A_673 : i32 to vector<16xi32>
      %eq3A_675 = arith.cmpi eq, %iota3A, %eq3A_674 : vector<16xi32>
      %reduce_sum3A_676 = arith.constant true
      %reduce_sum3A_677 = vector.broadcast %reduce_sum3A_676 : i1 to vector<16xi1>
      %reduce_sum3A_678 = tpu.scan <sum>, %parallel_loop3A_582#10 masked %reduce_sum3A_677 : vector<16xf32>, vector<16xi1> -> vector<16xf32>
      %reduce_sum3A_679 = vector.extract %reduce_sum3A_678[15] : f32 from vector<16xf32>
      %broadcast_in_dim3A_680 = vector.broadcast %reduce_sum3A_679 : f32 to vector<16xf32>
      %select_n3A_681 = arith.select %eq3A_675, %broadcast_in_dim3A_680, %select_n3A_672 : vector<16xi1>, vector<16xf32>
      %eq3A_682 = arith.constant 11 : i32
      %eq3A_683 = vector.broadcast %eq3A_682 : i32 to vector<16xi32>
      %eq3A_684 = arith.cmpi eq, %iota3A, %eq3A_683 : vector<16xi32>
      %reduce_sum3A_685 = arith.constant true
      %reduce_sum3A_686 = vector.broadcast %reduce_sum3A_685 : i1 to vector<16xi1>
      %reduce_sum3A_687 = tpu.scan <sum>, %parallel_loop3A_582#11 masked %reduce_sum3A_686 : vector<16xf32>, vector<16xi1> -> vector<16xf32>
      %reduce_sum3A_688 = vector.extract %reduce_sum3A_687[15] : f32 from vector<16xf32>
      %broadcast_in_dim3A_689 = vector.broadcast %reduce_sum3A_688 : f32 to vector<16xf32>
      %select_n3A_690 = arith.select %eq3A_684, %broadcast_in_dim3A_689, %select_n3A_681 : vector<16xi1>, vector<16xf32>
      %eq3A_691 = arith.constant 12 : i32
      %eq3A_692 = vector.broadcast %eq3A_691 : i32 to vector<16xi32>
      %eq3A_693 = arith.cmpi eq, %iota3A, %eq3A_692 : vector<16xi32>
      %reduce_sum3A_694 = arith.constant true
      %reduce_sum3A_695 = vector.broadcast %reduce_sum3A_694 : i1 to vector<16xi1>
      %reduce_sum3A_696 = tpu.scan <sum>, %parallel_loop3A_582#12 masked %reduce_sum3A_695 : vector<16xf32>, vector<16xi1> -> vector<16xf32>
      %reduce_sum3A_697 = vector.extract %reduce_sum3A_696[15] : f32 from vector<16xf32>
      %broadcast_in_dim3A_698 = vector.broadcast %reduce_sum3A_697 : f32 to vector<16xf32>
      %select_n3A_699 = arith.select %eq3A_693, %broadcast_in_dim3A_698, %select_n3A_690 : vector<16xi1>, vector<16xf32>
      %eq3A_700 = arith.constant 13 : i32
      %eq3A_701 = vector.broadcast %eq3A_700 : i32 to vector<16xi32>
      %eq3A_702 = arith.cmpi eq, %iota3A, %eq3A_701 : vector<16xi32>
      %reduce_sum3A_703 = arith.constant true
      %reduce_sum3A_704 = vector.broadcast %reduce_sum3A_703 : i1 to vector<16xi1>
      %reduce_sum3A_705 = tpu.scan <sum>, %parallel_loop3A_582#13 masked %reduce_sum3A_704 : vector<16xf32>, vector<16xi1> -> vector<16xf32>
      %reduce_sum3A_706 = vector.extract %reduce_sum3A_705[15] : f32 from vector<16xf32>
      %broadcast_in_dim3A_707 = vector.broadcast %reduce_sum3A_706 : f32 to vector<16xf32>
      %select_n3A_708 = arith.select %eq3A_702, %broadcast_in_dim3A_707, %select_n3A_699 : vector<16xi1>, vector<16xf32>
      %eq3A_709 = arith.constant 14 : i32
      %eq3A_710 = vector.broadcast %eq3A_709 : i32 to vector<16xi32>
      %eq3A_711 = arith.cmpi eq, %iota3A, %eq3A_710 : vector<16xi32>
      %reduce_sum3A_712 = arith.constant true
      %reduce_sum3A_713 = vector.broadcast %reduce_sum3A_712 : i1 to vector<16xi1>
      %reduce_sum3A_714 = tpu.scan <sum>, %parallel_loop3A_582#14 masked %reduce_sum3A_713 : vector<16xf32>, vector<16xi1> -> vector<16xf32>
      %reduce_sum3A_715 = vector.extract %reduce_sum3A_714[15] : f32 from vector<16xf32>
      %broadcast_in_dim3A_716 = vector.broadcast %reduce_sum3A_715 : f32 to vector<16xf32>
      %select_n3A_717 = arith.select %eq3A_711, %broadcast_in_dim3A_716, %select_n3A_708 : vector<16xi1>, vector<16xf32>
      %eq3A_718 = arith.constant 15 : i32
      %eq3A_719 = vector.broadcast %eq3A_718 : i32 to vector<16xi32>
      %eq3A_720 = arith.cmpi eq, %iota3A, %eq3A_719 : vector<16xi32>
      %reduce_sum3A_721 = arith.constant true
      %reduce_sum3A_722 = vector.broadcast %reduce_sum3A_721 : i1 to vector<16xi1>
      %reduce_sum3A_723 = tpu.scan <sum>, %parallel_loop3A_582#15 masked %reduce_sum3A_722 : vector<16xf32>, vector<16xi1> -> vector<16xf32>
      %reduce_sum3A_724 = vector.extract %reduce_sum3A_723[15] : f32 from vector<16xf32>
      %broadcast_in_dim3A_725 = vector.broadcast %reduce_sum3A_724 : f32 to vector<16xf32>
      %select_n3A_726 = arith.select %eq3A_720, %broadcast_in_dim3A_725, %select_n3A_717 : vector<16xi1>, vector<16xf32>
      %get3A_727 = arith.constant 0 : i32
      %get3A_728 = arith.index_cast %get3A_727 : i32 to index
      %get3A_729 = memref.load %arg19[%get3A_728] : memref<1xi32, #tpu.memory_space<smem>>
      %add3A_730 = arith.constant 16 : i32
      %add3A_731 = arith.addi %add3A_578, %add3A_730 : i32
      %ge3A_732 = arith.cmpi sge, %get3A_729, %add3A_731 : i32
      %convert_element_type3A_733 = arith.extui %ge3A_732 : i1 to i32
      %cond3A_734 = arith.constant 0 : i32
      %cond3A_735 = arith.cmpi ne, %convert_element_type3A_733, %cond3A_734 : i32
      scf.if %cond3A_735 {
        %get3A_905 = arith.constant 0 : i32
        %get3A_906 = arith.index_cast %get3A_905 : i32 to index
        %get3A_907 = memref.load %arg17[%get3A_906] : memref<1xf32, #tpu.memory_space<smem>>
        %reduce_max3A_908 = arith.constant true
        %reduce_max3A_909 = vector.broadcast %reduce_max3A_908 : i1 to vector<16xi1>
        %reduce_max3A_910 = tpu.scan <max>, %select_n3A_726 masked %reduce_max3A_909 : vector<16xf32>, vector<16xi1> -> vector<16xf32>
        %reduce_max3A_911 = vector.extract %reduce_max3A_910[15] : f32 from vector<16xf32>
        %max3A = arith.maximumf %get3A_907, %reduce_max3A_911 : f32
        %sub3A = arith.subf %get3A_907, %max3A : f32
        %broadcast_in_dim3A_912 = vector.broadcast %sub3A : f32 to vector<16xf32>
        %exp3A = math.exp %broadcast_in_dim3A_912 : vector<16xf32>
        %sub3A_913 = vector.broadcast %max3A : f32 to vector<16xf32>
        %sub3A_914 = arith.subf %select_n3A_726, %sub3A_913 : vector<16xf32>
        %exp3A_915 = math.exp %sub3A_914 : vector<16xf32>
        %get3A_916 = arith.constant 0 : index
        %get3A_917 = tpu.vector_load %arg14[%get3A_916] {strides = array<i32>} : memref<16xf32, #tpu.memory_space<vmem>>, vector<16xf32>,
        %mul3A_918 = arith.mulf %get3A_917, %exp3A : vector<16xf32>
        %reduce_sum3A_919 = arith.constant true
        %reduce_sum3A_920 = vector.broadcast %reduce_sum3A_919 : i1 to vector<16xi1>
        %reduce_sum3A_921 = tpu.scan <sum>, %exp3A_915 masked %reduce_sum3A_920 : vector<16xf32>, vector<16xi1> -> vector<16xf32>
        %reduce_sum3A_922 = vector.extract %reduce_sum3A_921[15] : f32 from vector<16xf32>
        %broadcast_in_dim3A_923 = vector.broadcast %reduce_sum3A_922 : f32 to vector<16xf32>
        %add3A_924 = arith.addf %mul3A_918, %broadcast_in_dim3A_923 : vector<16xf32>
        %swap3A_925 = arith.constant 0 : index
        %swap3A_926 = tpu.vector_load %arg14[%swap3A_925] {strides = array<i32>} : memref<16xf32, #tpu.memory_space<vmem>>, vector<16xf32>,
        tpu.vector_store %arg14[%swap3A_925], %add3A_924 {strides = array<i32>} : memref<16xf32, #tpu.memory_space<vmem>>, vector<16xf32>,
        %swap3A_927 = arith.constant 0 : i32
        %swap3A_928 = arith.index_cast %swap3A_927 : i32 to index
        %swap3A_929 = memref.load %arg17[%swap3A_928] : memref<1xf32, #tpu.memory_space<smem>>
        memref.store %max3A, %arg17[%swap3A_928] : memref<1xf32, #tpu.memory_space<smem>>
        %slice3A_930 = vector.extract_strided_slice %exp3A_915 {offsets = [0], sizes = [1], strides = [1]} : vector<16xf32> to vector<1xf32>
        %squeeze3A_931 = vector.extract %slice3A_930[0] : f32 from vector<1xf32>
        %broadcast_in_dim3A_932 = vector.broadcast %squeeze3A_931 : f32 to vector<16xf32>
        %slice3A_933 = vector.extract_strided_slice %exp3A_915 {offsets = [1], sizes = [1], strides = [1]} : vector<16xf32> to vector<1xf32>
        %squeeze3A_934 = vector.extract %slice3A_933[0] : f32 from vector<1xf32>
        %broadcast_in_dim3A_935 = vector.broadcast %squeeze3A_934 : f32 to vector<16xf32>
        %slice3A_936 = vector.extract_strided_slice %exp3A_915 {offsets = [2], sizes = [1], strides = [1]} : vector<16xf32> to vector<1xf32>
        %squeeze3A_937 = vector.extract %slice3A_936[0] : f32 from vector<1xf32>
        %broadcast_in_dim3A_938 = vector.broadcast %squeeze3A_937 : f32 to vector<16xf32>
        %slice3A_939 = vector.extract_strided_slice %exp3A_915 {offsets = [3], sizes = [1], strides = [1]} : vector<16xf32> to vector<1xf32>
        %squeeze3A_940 = vector.extract %slice3A_939[0] : f32 from vector<1xf32>
        %broadcast_in_dim3A_941 = vector.broadcast %squeeze3A_940 : f32 to vector<16xf32>
        %slice3A_942 = vector.extract_strided_slice %exp3A_915 {offsets = [4], sizes = [1], strides = [1]} : vector<16xf32> to vector<1xf32>
        %squeeze3A_943 = vector.extract %slice3A_942[0] : f32 from vector<1xf32>
        %broadcast_in_dim3A_944 = vector.broadcast %squeeze3A_943 : f32 to vector<16xf32>
        %slice3A_945 = vector.extract_strided_slice %exp3A_915 {offsets = [5], sizes = [1], strides = [1]} : vector<16xf32> to vector<1xf32>
        %squeeze3A_946 = vector.extract %slice3A_945[0] : f32 from vector<1xf32>
        %broadcast_in_dim3A_947 = vector.broadcast %squeeze3A_946 : f32 to vector<16xf32>
        %slice3A_948 = vector.extract_strided_slice %exp3A_915 {offsets = [6], sizes = [1], strides = [1]} : vector<16xf32> to vector<1xf32>
        %squeeze3A_949 = vector.extract %slice3A_948[0] : f32 from vector<1xf32>
        %broadcast_in_dim3A_950 = vector.broadcast %squeeze3A_949 : f32 to vector<16xf32>
        %slice3A_951 = vector.extract_strided_slice %exp3A_915 {offsets = [7], sizes = [1], strides = [1]} : vector<16xf32> to vector<1xf32>
        %squeeze3A_952 = vector.extract %slice3A_951[0] : f32 from vector<1xf32>
        %broadcast_in_dim3A_953 = vector.broadcast %squeeze3A_952 : f32 to vector<16xf32>
        %slice3A_954 = vector.extract_strided_slice %exp3A_915 {offsets = [8], sizes = [1], strides = [1]} : vector<16xf32> to vector<1xf32>
        %squeeze3A_955 = vector.extract %slice3A_954[0] : f32 from vector<1xf32>
        %broadcast_in_dim3A_956 = vector.broadcast %squeeze3A_955 : f32 to vector<16xf32>
        %slice3A_957 = vector.extract_strided_slice %exp3A_915 {offsets = [9], sizes = [1], strides = [1]} : vector<16xf32> to vector<1xf32>
        %squeeze3A_958 = vector.extract %slice3A_957[0] : f32 from vector<1xf32>
        %broadcast_in_dim3A_959 = vector.broadcast %squeeze3A_958 : f32 to vector<16xf32>
        %slice3A_960 = vector.extract_strided_slice %exp3A_915 {offsets = [10], sizes = [1], strides = [1]} : vector<16xf32> to vector<1xf32>
        %squeeze3A_961 = vector.extract %slice3A_960[0] : f32 from vector<1xf32>
        %broadcast_in_dim3A_962 = vector.broadcast %squeeze3A_961 : f32 to vector<16xf32>
        %slice3A_963 = vector.extract_strided_slice %exp3A_915 {offsets = [11], sizes = [1], strides = [1]} : vector<16xf32> to vector<1xf32>
        %squeeze3A_964 = vector.extract %slice3A_963[0] : f32 from vector<1xf32>
        %broadcast_in_dim3A_965 = vector.broadcast %squeeze3A_964 : f32 to vector<16xf32>
        %slice3A_966 = vector.extract_strided_slice %exp3A_915 {offsets = [12], sizes = [1], strides = [1]} : vector<16xf32> to vector<1xf32>
        %squeeze3A_967 = vector.extract %slice3A_966[0] : f32 from vector<1xf32>
        %broadcast_in_dim3A_968 = vector.broadcast %squeeze3A_967 : f32 to vector<16xf32>
        %slice3A_969 = vector.extract_strided_slice %exp3A_915 {offsets = [13], sizes = [1], strides = [1]} : vector<16xf32> to vector<1xf32>
        %squeeze3A_970 = vector.extract %slice3A_969[0] : f32 from vector<1xf32>
        %broadcast_in_dim3A_971 = vector.broadcast %squeeze3A_970 : f32 to vector<16xf32>
        %slice3A_972 = vector.extract_strided_slice %exp3A_915 {offsets = [14], sizes = [1], strides = [1]} : vector<16xf32> to vector<1xf32>
        %squeeze3A_973 = vector.extract %slice3A_972[0] : f32 from vector<1xf32>
        %broadcast_in_dim3A_974 = vector.broadcast %squeeze3A_973 : f32 to vector<16xf32>
        %slice3A_975 = vector.extract_strided_slice %exp3A_915 {offsets = [15], sizes = [1], strides = [1]} : vector<16xf32> to vector<1xf32>
        %squeeze3A_976 = vector.extract %slice3A_975[0] : f32 from vector<1xf32>
        %broadcast_in_dim3A_977 = vector.broadcast %squeeze3A_976 : f32 to vector<16xf32>
        %parallel_loop3A_978 = arith.constant 0 : i32
        %parallel_loop3A_979 = arith.constant 64 : i32
        %parallel_loop3A_980 = arith.constant 1 : i32
        scf.for %parallel_loop3A_981 = %parallel_loop3A_978 to %parallel_loop3A_979 step %parallel_loop3A_980  : i32 {
          %parallel_loop3A_982 = arith.constant 16 : i32
          %parallel_loop3A_983 = arith.muli %parallel_loop3A_981, %parallel_loop3A_982 : i32
          %parallel_loop3A_984 = arith.constant 0 : i32
          %parallel_loop3A_985 = arith.index_cast %parallel_loop3A_984 : i32 to index
          %parallel_loop3A_986 = arith.index_cast %parallel_loop3A_983 : i32 to index
          %parallel_loop3A_987 = tpu.vector_load %arg9[%parallel_loop3A_985, %parallel_loop3A_986] {strides = array<i32>} : memref<32x1024xf32, #tpu.memory_space<vmem>>, vector<16xf32>,
          %parallel_loop3A_988 = arith.mulf %broadcast_in_dim3A_932, %parallel_loop3A_987 : vector<16xf32>
          %parallel_loop3A_989 = arith.constant 16 : i32
          %parallel_loop3A_990 = arith.muli %parallel_loop3A_981, %parallel_loop3A_989 : i32
          %parallel_loop3A_991 = arith.constant 1 : i32
          %parallel_loop3A_992 = arith.index_cast %parallel_loop3A_991 : i32 to index
          %parallel_loop3A_993 = arith.index_cast %parallel_loop3A_990 : i32 to index
          %parallel_loop3A_994 = tpu.vector_load %arg9[%parallel_loop3A_992, %parallel_loop3A_993] {strides = array<i32>} : memref<32x1024xf32, #tpu.memory_space<vmem>>, vector<16xf32>,
          %parallel_loop3A_995 = arith.mulf %broadcast_in_dim3A_935, %parallel_loop3A_994 : vector<16xf32>
          %parallel_loop3A_996 = arith.constant 16 : i32
          %parallel_loop3A_997 = arith.muli %parallel_loop3A_981, %parallel_loop3A_996 : i32
          %parallel_loop3A_998 = arith.constant 2 : i32
          %parallel_loop3A_999 = arith.index_cast %parallel_loop3A_998 : i32 to index
          %parallel_loop3A_1000 = arith.index_cast %parallel_loop3A_997 : i32 to index
          %parallel_loop3A_1001 = tpu.vector_load %arg9[%parallel_loop3A_999, %parallel_loop3A_1000] {strides = array<i32>} : memref<32x1024xf32, #tpu.memory_space<vmem>>, vector<16xf32>,
          %parallel_loop3A_1002 = arith.mulf %broadcast_in_dim3A_938, %parallel_loop3A_1001 : vector<16xf32>
          %parallel_loop3A_1003 = arith.constant 16 : i32
          %parallel_loop3A_1004 = arith.muli %parallel_loop3A_981, %parallel_loop3A_1003 : i32
          %parallel_loop3A_1005 = arith.constant 3 : i32
          %parallel_loop3A_1006 = arith.index_cast %parallel_loop3A_1005 : i32 to index
          %parallel_loop3A_1007 = arith.index_cast %parallel_loop3A_1004 : i32 to index
          %parallel_loop3A_1008 = tpu.vector_load %arg9[%parallel_loop3A_1006, %parallel_loop3A_1007] {strides = array<i32>} : memref<32x1024xf32, #tpu.memory_space<vmem>>, vector<16xf32>,
          %parallel_loop3A_1009 = arith.mulf %broadcast_in_dim3A_941, %parallel_loop3A_1008 : vector<16xf32>
          %parallel_loop3A_1010 = arith.constant 16 : i32
          %parallel_loop3A_1011 = arith.muli %parallel_loop3A_981, %parallel_loop3A_1010 : i32
          %parallel_loop3A_1012 = arith.constant 4 : i32
          %parallel_loop3A_1013 = arith.index_cast %parallel_loop3A_1012 : i32 to index
          %parallel_loop3A_1014 = arith.index_cast %parallel_loop3A_1011 : i32 to index
          %parallel_loop3A_1015 = tpu.vector_load %arg9[%parallel_loop3A_1013, %parallel_loop3A_1014] {strides = array<i32>} : memref<32x1024xf32, #tpu.memory_space<vmem>>, vector<16xf32>,
          %parallel_loop3A_1016 = arith.mulf %broadcast_in_dim3A_944, %parallel_loop3A_1015 : vector<16xf32>
          %parallel_loop3A_1017 = arith.addf %parallel_loop3A_988, %parallel_loop3A_1016 : vector<16xf32>
          %parallel_loop3A_1018 = arith.constant 16 : i32
          %parallel_loop3A_1019 = arith.muli %parallel_loop3A_981, %parallel_loop3A_1018 : i32
          %parallel_loop3A_1020 = arith.constant 5 : i32
          %parallel_loop3A_1021 = arith.index_cast %parallel_loop3A_1020 : i32 to index
          %parallel_loop3A_1022 = arith.index_cast %parallel_loop3A_1019 : i32 to index
          %parallel_loop3A_1023 = tpu.vector_load %arg9[%parallel_loop3A_1021, %parallel_loop3A_1022] {strides = array<i32>} : memref<32x1024xf32, #tpu.memory_space<vmem>>, vector<16xf32>,
          %parallel_loop3A_1024 = arith.mulf %broadcast_in_dim3A_947, %parallel_loop3A_1023 : vector<16xf32>
          %parallel_loop3A_1025 = arith.addf %parallel_loop3A_995, %parallel_loop3A_1024 : vector<16xf32>
          %parallel_loop3A_1026 = arith.constant 16 : i32
          %parallel_loop3A_1027 = arith.muli %parallel_loop3A_981, %parallel_loop3A_1026 : i32
          %parallel_loop3A_1028 = arith.constant 6 : i32
          %parallel_loop3A_1029 = arith.index_cast %parallel_loop3A_1028 : i32 to index
          %parallel_loop3A_1030 = arith.index_cast %parallel_loop3A_1027 : i32 to index
          %parallel_loop3A_1031 = tpu.vector_load %arg9[%parallel_loop3A_1029, %parallel_loop3A_1030] {strides = array<i32>} : memref<32x1024xf32, #tpu.memory_space<vmem>>, vector<16xf32>,
          %parallel_loop3A_1032 = arith.mulf %broadcast_in_dim3A_950, %parallel_loop3A_1031 : vector<16xf32>
          %parallel_loop3A_1033 = arith.addf %parallel_loop3A_1002, %parallel_loop3A_1032 : vector<16xf32>
          %parallel_loop3A_1034 = arith.constant 16 : i32
          %parallel_loop3A_1035 = arith.muli %parallel_loop3A_981, %parallel_loop3A_1034 : i32
          %parallel_loop3A_1036 = arith.constant 7 : i32
          %parallel_loop3A_1037 = arith.index_cast %parallel_loop3A_1036 : i32 to index
          %parallel_loop3A_1038 = arith.index_cast %parallel_loop3A_1035 : i32 to index
          %parallel_loop3A_1039 = tpu.vector_load %arg9[%parallel_loop3A_1037, %parallel_loop3A_1038] {strides = array<i32>} : memref<32x1024xf32, #tpu.memory_space<vmem>>, vector<16xf32>,
          %parallel_loop3A_1040 = arith.mulf %broadcast_in_dim3A_953, %parallel_loop3A_1039 : vector<16xf32>
          %parallel_loop3A_1041 = arith.addf %parallel_loop3A_1009, %parallel_loop3A_1040 : vector<16xf32>
          %parallel_loop3A_1042 = arith.constant 16 : i32
          %parallel_loop3A_1043 = arith.muli %parallel_loop3A_981, %parallel_loop3A_1042 : i32
          %parallel_loop3A_1044 = arith.constant 8 : i32
          %parallel_loop3A_1045 = arith.index_cast %parallel_loop3A_1044 : i32 to index
          %parallel_loop3A_1046 = arith.index_cast %parallel_loop3A_1043 : i32 to index
          %parallel_loop3A_1047 = tpu.vector_load %arg9[%parallel_loop3A_1045, %parallel_loop3A_1046] {strides = array<i32>} : memref<32x1024xf32, #tpu.memory_space<vmem>>, vector<16xf32>,
          %parallel_loop3A_1048 = arith.mulf %broadcast_in_dim3A_956, %parallel_loop3A_1047 : vector<16xf32>
          %parallel_loop3A_1049 = arith.addf %parallel_loop3A_1017, %parallel_loop3A_1048 : vector<16xf32>
          %parallel_loop3A_1050 = arith.constant 16 : i32
          %parallel_loop3A_1051 = arith.muli %parallel_loop3A_981, %parallel_loop3A_1050 : i32
          %parallel_loop3A_1052 = arith.constant 9 : i32
          %parallel_loop3A_1053 = arith.index_cast %parallel_loop3A_1052 : i32 to index
          %parallel_loop3A_1054 = arith.index_cast %parallel_loop3A_1051 : i32 to index
          %parallel_loop3A_1055 = tpu.vector_load %arg9[%parallel_loop3A_1053, %parallel_loop3A_1054] {strides = array<i32>} : memref<32x1024xf32, #tpu.memory_space<vmem>>, vector<16xf32>,
          %parallel_loop3A_1056 = arith.mulf %broadcast_in_dim3A_959, %parallel_loop3A_1055 : vector<16xf32>
          %parallel_loop3A_1057 = arith.addf %parallel_loop3A_1025, %parallel_loop3A_1056 : vector<16xf32>
          %parallel_loop3A_1058 = arith.constant 16 : i32
          %parallel_loop3A_1059 = arith.muli %parallel_loop3A_981, %parallel_loop3A_1058 : i32
          %parallel_loop3A_1060 = arith.constant 10 : i32
          %parallel_loop3A_1061 = arith.index_cast %parallel_loop3A_1060 : i32 to index
          %parallel_loop3A_1062 = arith.index_cast %parallel_loop3A_1059 : i32 to index
          %parallel_loop3A_1063 = tpu.vector_load %arg9[%parallel_loop3A_1061, %parallel_loop3A_1062] {strides = array<i32>} : memref<32x1024xf32, #tpu.memory_space<vmem>>, vector<16xf32>,
          %parallel_loop3A_1064 = arith.mulf %broadcast_in_dim3A_962, %parallel_loop3A_1063 : vector<16xf32>
          %parallel_loop3A_1065 = arith.addf %parallel_loop3A_1033, %parallel_loop3A_1064 : vector<16xf32>
          %parallel_loop3A_1066 = arith.constant 16 : i32
          %parallel_loop3A_1067 = arith.muli %parallel_loop3A_981, %parallel_loop3A_1066 : i32
          %parallel_loop3A_1068 = arith.constant 11 : i32
          %parallel_loop3A_1069 = arith.index_cast %parallel_loop3A_1068 : i32 to index
          %parallel_loop3A_1070 = arith.index_cast %parallel_loop3A_1067 : i32 to index
          %parallel_loop3A_1071 = tpu.vector_load %arg9[%parallel_loop3A_1069, %parallel_loop3A_1070] {strides = array<i32>} : memref<32x1024xf32, #tpu.memory_space<vmem>>, vector<16xf32>,
          %parallel_loop3A_1072 = arith.mulf %broadcast_in_dim3A_965, %parallel_loop3A_1071 : vector<16xf32>
          %parallel_loop3A_1073 = arith.addf %parallel_loop3A_1041, %parallel_loop3A_1072 : vector<16xf32>
          %parallel_loop3A_1074 = arith.constant 16 : i32
          %parallel_loop3A_1075 = arith.muli %parallel_loop3A_981, %parallel_loop3A_1074 : i32
          %parallel_loop3A_1076 = arith.constant 12 : i32
          %parallel_loop3A_1077 = arith.index_cast %parallel_loop3A_1076 : i32 to index
          %parallel_loop3A_1078 = arith.index_cast %parallel_loop3A_1075 : i32 to index
          %parallel_loop3A_1079 = tpu.vector_load %arg9[%parallel_loop3A_1077, %parallel_loop3A_1078] {strides = array<i32>} : memref<32x1024xf32, #tpu.memory_space<vmem>>, vector<16xf32>,
          %parallel_loop3A_1080 = arith.mulf %broadcast_in_dim3A_968, %parallel_loop3A_1079 : vector<16xf32>
          %parallel_loop3A_1081 = arith.addf %parallel_loop3A_1049, %parallel_loop3A_1080 : vector<16xf32>
          %parallel_loop3A_1082 = arith.constant 16 : i32
          %parallel_loop3A_1083 = arith.muli %parallel_loop3A_981, %parallel_loop3A_1082 : i32
          %parallel_loop3A_1084 = arith.constant 13 : i32
          %parallel_loop3A_1085 = arith.index_cast %parallel_loop3A_1084 : i32 to index
          %parallel_loop3A_1086 = arith.index_cast %parallel_loop3A_1083 : i32 to index
          %parallel_loop3A_1087 = tpu.vector_load %arg9[%parallel_loop3A_1085, %parallel_loop3A_1086] {strides = array<i32>} : memref<32x1024xf32, #tpu.memory_space<vmem>>, vector<16xf32>,
          %parallel_loop3A_1088 = arith.mulf %broadcast_in_dim3A_971, %parallel_loop3A_1087 : vector<16xf32>
          %parallel_loop3A_1089 = arith.addf %parallel_loop3A_1057, %parallel_loop3A_1088 : vector<16xf32>
          %parallel_loop3A_1090 = arith.constant 16 : i32
          %parallel_loop3A_1091 = arith.muli %parallel_loop3A_981, %parallel_loop3A_1090 : i32
          %parallel_loop3A_1092 = arith.constant 14 : i32
          %parallel_loop3A_1093 = arith.index_cast %parallel_loop3A_1092 : i32 to index
          %parallel_loop3A_1094 = arith.index_cast %parallel_loop3A_1091 : i32 to index
          %parallel_loop3A_1095 = tpu.vector_load %arg9[%parallel_loop3A_1093, %parallel_loop3A_1094] {strides = array<i32>} : memref<32x1024xf32, #tpu.memory_space<vmem>>, vector<16xf32>,
          %parallel_loop3A_1096 = arith.mulf %broadcast_in_dim3A_974, %parallel_loop3A_1095 : vector<16xf32>
          %parallel_loop3A_1097 = arith.addf %parallel_loop3A_1065, %parallel_loop3A_1096 : vector<16xf32>
          %parallel_loop3A_1098 = arith.constant 16 : i32
          %parallel_loop3A_1099 = arith.muli %parallel_loop3A_981, %parallel_loop3A_1098 : i32
          %parallel_loop3A_1100 = arith.constant 15 : i32
          %parallel_loop3A_1101 = arith.index_cast %parallel_loop3A_1100 : i32 to index
          %parallel_loop3A_1102 = arith.index_cast %parallel_loop3A_1099 : i32 to index
          %parallel_loop3A_1103 = tpu.vector_load %arg9[%parallel_loop3A_1101, %parallel_loop3A_1102] {strides = array<i32>} : memref<32x1024xf32, #tpu.memory_space<vmem>>, vector<16xf32>,
          %parallel_loop3A_1104 = arith.mulf %broadcast_in_dim3A_977, %parallel_loop3A_1103 : vector<16xf32>
          %parallel_loop3A_1105 = arith.addf %parallel_loop3A_1073, %parallel_loop3A_1104 : vector<16xf32>
          %parallel_loop3A_1106 = arith.constant 16 : i32
          %parallel_loop3A_1107 = arith.muli %parallel_loop3A_981, %parallel_loop3A_1106 : i32
          %parallel_loop3A_1108 = arith.index_cast %parallel_loop3A_1107 : i32 to index
          %parallel_loop3A_1109 = tpu.vector_load %arg13[%parallel_loop3A_1108] {strides = array<i32>} : memref<1024xf32, #tpu.memory_space<vmem>>, vector<16xf32>,
          %parallel_loop3A_1110 = arith.mulf %parallel_loop3A_1109, %exp3A : vector<16xf32>
          %parallel_loop3A_1111 = arith.addf %parallel_loop3A_1081, %parallel_loop3A_1089 : vector<16xf32>
          %parallel_loop3A_1112 = arith.addf %parallel_loop3A_1097, %parallel_loop3A_1105 : vector<16xf32>
          %parallel_loop3A_1113 = arith.addf %parallel_loop3A_1111, %parallel_loop3A_1112 : vector<16xf32>
          %parallel_loop3A_1114 = arith.addf %parallel_loop3A_1113, %parallel_loop3A_1110 : vector<16xf32>
          %parallel_loop3A_1115 = arith.constant 16 : i32
          %parallel_loop3A_1116 = arith.muli %parallel_loop3A_981, %parallel_loop3A_1115 : i32
          %parallel_loop3A_1117 = arith.index_cast %parallel_loop3A_1116 : i32 to index
          %parallel_loop3A_1118 = tpu.vector_load %arg13[%parallel_loop3A_1117] {strides = array<i32>} : memref<1024xf32, #tpu.memory_space<vmem>>, vector<16xf32>,
          tpu.vector_store %arg13[%parallel_loop3A_1117], %parallel_loop3A_1114 {strides = array<i32>} : memref<1024xf32, #tpu.memory_space<vmem>>, vector<16xf32>,
        } {sc.loop_unroll_factor = 1 : i64, sc.parallel_access}
      } else {
      }
      %not3A_736 = arith.constant true
      %not3A_737 = arith.xori %ge3A_732, %not3A_736 : i1
      %convert_element_type3A_738 = arith.extui %not3A_737 : i1 to i32
      %cond3A_739 = arith.constant 0 : i32
      %cond3A_740 = arith.cmpi ne, %convert_element_type3A_738, %cond3A_739 : i32
      scf.if %cond3A_740 {
        %scan3A_905 = arith.constant 0 : i32
        %scan3A_906 = arith.constant 16 : i32
        %scan3A_907 = arith.addi %scan3A_905, %scan3A_906 : i32
        %scan3A_908 = arith.constant 1 : i32
        scf.for %scan3A_910 = %scan3A_905 to %scan3A_907 step %scan3A_908  : i32 {
          %add3A_911 = arith.addi %add3A_578, %scan3A_910 : i32
          %get3A_912 = arith.constant 0 : i32
          %get3A_913 = arith.index_cast %get3A_912 : i32 to index
          %get3A_914 = memref.load %arg19[%get3A_913] : memref<1xi32, #tpu.memory_space<smem>>
          %eq3A_915 = arith.cmpi eq, %add3A_911, %get3A_914 : i32
          %convert_element_type3A_916 = arith.extui %eq3A_915 : i1 to i32
          %cond3A_917 = arith.constant 0 : i32
          %cond3A_918 = arith.cmpi ne, %convert_element_type3A_916, %cond3A_917 : i32
          scf.if %cond3A_918 {
            %get3A_947 = arith.constant 0 : i32
            %get3A_948 = arith.index_cast %get3A_947 : i32 to index
            %get3A_949 = memref.load %arg18[%get3A_948] : memref<1xi32, #tpu.memory_space<smem>>
            %eq3A_950 = vector.broadcast %get3A_949 : i32 to vector<16xi32>
            %eq3A_951 = arith.cmpi eq, %iota3A, %eq3A_950 : vector<16xi32>
            %get3A_952 = arith.constant 0 : i32
            %get3A_953 = arith.index_cast %get3A_952 : i32 to index
            %get3A_954 = memref.load %arg17[%get3A_953] : memref<1xf32, #tpu.memory_space<smem>>
            %broadcast_in_dim3A_955 = vector.broadcast %get3A_954 : f32 to vector<16xf32>
            %get3A_956 = arith.constant 0 : index
            %get3A_957 = tpu.vector_load %arg15[%get3A_956] {strides = array<i32>} : memref<16xf32, #tpu.memory_space<vmem>>, vector<16xf32>,
            %select_n3A_958 = arith.select %eq3A_951, %broadcast_in_dim3A_955, %get3A_957 : vector<16xi1>, vector<16xf32>
            %swap3A_959 = arith.constant 0 : index
            %swap3A_960 = tpu.vector_load %arg15[%swap3A_959] {strides = array<i32>} : memref<16xf32, #tpu.memory_space<vmem>>, vector<16xf32>,
            tpu.vector_store %arg15[%swap3A_959], %select_n3A_958 {strides = array<i32>} : memref<16xf32, #tpu.memory_space<vmem>>, vector<16xf32>,
            %get3A_961 = arith.constant 0 : index
            %get3A_962 = tpu.vector_load %arg14[%get3A_961] {strides = array<i32>} : memref<16xf32, #tpu.memory_space<vmem>>, vector<16xf32>,
            %get3A_963 = arith.constant 0 : index
            %get3A_964 = tpu.vector_load %arg16[%get3A_963] {strides = array<i32>} : memref<16xf32, #tpu.memory_space<vmem>>, vector<16xf32>,
            %select_n3A_965 = arith.select %eq3A_951, %get3A_962, %get3A_964 : vector<16xi1>, vector<16xf32>
            %swap3A_966 = arith.constant 0 : index
            %swap3A_967 = tpu.vector_load %arg16[%swap3A_966] {strides = array<i32>} : memref<16xf32, #tpu.memory_space<vmem>>, vector<16xf32>,
            tpu.vector_store %arg16[%swap3A_966], %select_n3A_965 {strides = array<i32>} : memref<16xf32, #tpu.memory_space<vmem>>, vector<16xf32>,
            %scan3A_968 = arith.constant 0 : i32
            %scan3A_969 = arith.constant 64 : i32
            %scan3A_970 = arith.addi %scan3A_968, %scan3A_969 : i32
            %scan3A_971 = arith.constant 1 : i32
            scf.for %scan3A_1002 = %scan3A_968 to %scan3A_970 step %scan3A_971  : i32 {
              %mul3A_1003 = arith.constant 16 : i32
              %mul3A_1004 = arith.muli %scan3A_1002, %mul3A_1003 : i32
              %get3A_1005 = arith.index_cast %mul3A_1004 : i32 to index
              %get3A_1006 = tpu.vector_load %arg13[%get3A_1005] {strides = array<i32>} : memref<1024xf32, #tpu.memory_space<vmem>>, vector<16xf32>,
              %mul3A_1007 = arith.constant 16 : i32
              %mul3A_1008 = arith.muli %scan3A_1002, %mul3A_1007 : i32
              %swap3A_1009 = arith.index_cast %get3A_949 : i32 to index
              %swap3A_1010 = arith.index_cast %mul3A_1008 : i32 to index
              %swap3A_1011 = tpu.vector_load %arg12[%swap3A_1009, %swap3A_1010] {strides = array<i32>} : memref<16x1024xf32, #tpu.memory_space<vmem>>, vector<16xf32>,
              tpu.vector_store %arg12[%swap3A_1009, %swap3A_1010], %get3A_1006 {strides = array<i32>} : memref<16x1024xf32, #tpu.memory_space<vmem>>, vector<16xf32>,
              %mul3A_1012 = arith.constant 16 : i32
              %mul3A_1013 = arith.muli %scan3A_1002, %mul3A_1012 : i32
              %swap3A_1014 = arith.index_cast %mul3A_1013 : i32 to index
              %swap3A_1015 = tpu.vector_load %arg13[%swap3A_1014] {strides = array<i32>} : memref<1024xf32, #tpu.memory_space<vmem>>, vector<16xf32>,
              tpu.vector_store %arg13[%swap3A_1014], %broadcast_in_dim3A_3 {strides = array<i32>} : memref<1024xf32, #tpu.memory_space<vmem>>, vector<16xf32>,
            }
            %scan3A_972 = arith.constant 64 : i32
            %swap3A_973 = arith.constant 0 : index
            %swap3A_974 = tpu.vector_load %arg14[%swap3A_973] {strides = array<i32>} : memref<16xf32, #tpu.memory_space<vmem>>, vector<16xf32>,
            tpu.vector_store %arg14[%swap3A_973], %broadcast_in_dim3A_3 {strides = array<i32>} : memref<16xf32, #tpu.memory_space<vmem>>, vector<16xf32>,
            %swap3A_975 = arith.constant -1.000000e+30 : f32
            %swap3A_976 = arith.constant 0 : i32
            %swap3A_977 = arith.index_cast %swap3A_976 : i32 to index
            %swap3A_978 = memref.load %arg17[%swap3A_977] : memref<1xf32, #tpu.memory_space<smem>>
            memref.store %swap3A_975, %arg17[%swap3A_977] : memref<1xf32, #tpu.memory_space<smem>>
            %add3A_979 = arith.constant 1 : i32
            %add3A_980 = arith.addi %get3A_949, %add3A_979 : i32
            %swap3A_981 = arith.constant 0 : i32
            %swap3A_982 = arith.index_cast %swap3A_981 : i32 to index
            %swap3A_983 = memref.load %arg18[%swap3A_982] : memref<1xi32, #tpu.memory_space<smem>>
            memref.store %add3A_980, %arg18[%swap3A_982] : memref<1xi32, #tpu.memory_space<smem>>
            %add3A_984 = arith.constant 1 : i32
            %add3A_985 = arith.addi %get3A_949, %add3A_984 : i32
            %eq3A_986 = vector.broadcast %add3A_985 : i32 to vector<16xi32>
            %eq3A_987 = arith.cmpi eq, %iota3A, %eq3A_986 : vector<16xi32>
            %jit3A_988 = arith.constant 0 : i32
            %broadcast_in_dim3A_989 = vector.broadcast %jit3A_988 : i32 to vector<16xi32>
            %select_n3A_990 = arith.select %eq3A_987, %get3A_19, %broadcast_in_dim3A_989 : vector<16xi1>, vector<16xi32>
            %reduce_max3A_991 = arith.constant true
            %reduce_max3A_992 = vector.broadcast %reduce_max3A_991 : i1 to vector<16xi1>
            %reduce_max3A_993 = arith.constant -2147483648 : i32
            %reduce_max3A_994 = vector.broadcast %reduce_max3A_993 : i32 to vector<16xi32>
            %reduce_max3A_995 = arith.xori %select_n3A_990, %reduce_max3A_994 : vector<16xi32>
            %reduce_max3A_996 = tpu.scan <max>, %reduce_max3A_995 masked %reduce_max3A_992 : vector<16xi32>, vector<16xi1> -> vector<16xi32>
            %reduce_max3A_997 = arith.xori %reduce_max3A_996, %reduce_max3A_994 : vector<16xi32>
            %reduce_max3A_998 = vector.extract %reduce_max3A_997[15] : i32 from vector<16xi32>
            %swap3A_999 = arith.constant 0 : i32
            %swap3A_1000 = arith.index_cast %swap3A_999 : i32 to index
            %swap3A_1001 = memref.load %arg19[%swap3A_1000] : memref<1xi32, #tpu.memory_space<smem>>
            memref.store %reduce_max3A_998, %arg19[%swap3A_1000] : memref<1xi32, #tpu.memory_space<smem>>
          } else {
          }
          %eq3A_919 = vector.broadcast %scan3A_910 : i32 to vector<16xi32>
          %eq3A_920 = arith.cmpi eq, %iota3A, %eq3A_919 : vector<16xi32>
          %select_n3A_921 = arith.select %eq3A_920, %select_n3A_726, %broadcast_in_dim3A_9 : vector<16xi1>, vector<16xf32>
          %reduce_max3A_922 = arith.constant true
          %reduce_max3A_923 = vector.broadcast %reduce_max3A_922 : i1 to vector<16xi1>
          %reduce_max3A_924 = tpu.scan <max>, %select_n3A_921 masked %reduce_max3A_923 : vector<16xf32>, vector<16xi1> -> vector<16xf32>
          %reduce_max3A_925 = vector.extract %reduce_max3A_924[15] : f32 from vector<16xf32>
          %get3A_926 = arith.constant 0 : i32
          %get3A_927 = arith.index_cast %get3A_926 : i32 to index
          %get3A_928 = memref.load %arg17[%get3A_927] : memref<1xf32, #tpu.memory_space<smem>>
          %max3A = arith.maximumf %get3A_928, %reduce_max3A_925 : f32
          %sub3A = arith.subf %get3A_928, %max3A : f32
          %broadcast_in_dim3A_929 = vector.broadcast %sub3A : f32 to vector<16xf32>
          %exp3A = math.exp %broadcast_in_dim3A_929 : vector<16xf32>
          %sub3A_930 = arith.subf %reduce_max3A_925, %max3A : f32
          %broadcast_in_dim3A_931 = vector.broadcast %sub3A_930 : f32 to vector<16xf32>
          %exp3A_932 = math.exp %broadcast_in_dim3A_931 : vector<16xf32>
          %get3A_933 = arith.constant 0 : index
          %get3A_934 = tpu.vector_load %arg14[%get3A_933] {strides = array<i32>} : memref<16xf32, #tpu.memory_space<vmem>>, vector<16xf32>,
          %mul3A_935 = arith.mulf %get3A_934, %exp3A : vector<16xf32>
          %add3A_936 = arith.addf %mul3A_935, %exp3A_932 : vector<16xf32>
          %swap3A_937 = arith.constant 0 : index
          %swap3A_938 = tpu.vector_load %arg14[%swap3A_937] {strides = array<i32>} : memref<16xf32, #tpu.memory_space<vmem>>, vector<16xf32>,
          tpu.vector_store %arg14[%swap3A_937], %add3A_936 {strides = array<i32>} : memref<16xf32, #tpu.memory_space<vmem>>, vector<16xf32>,
          %swap3A_939 = arith.constant 0 : i32
          %swap3A_940 = arith.index_cast %swap3A_939 : i32 to index
          %swap3A_941 = memref.load %arg17[%swap3A_940] : memref<1xf32, #tpu.memory_space<smem>>
          memref.store %max3A, %arg17[%swap3A_940] : memref<1xf32, #tpu.memory_space<smem>>
          %scan3A_942 = arith.constant 0 : i32
          %scan3A_943 = arith.constant 64 : i32
          %scan3A_944 = arith.addi %scan3A_942, %scan3A_943 : i32
          %scan3A_945 = arith.constant 1 : i32
          scf.for %scan3A_947 = %scan3A_942 to %scan3A_944 step %scan3A_945  : i32 {
            %mul3A_948 = arith.constant 16 : i32
            %mul3A_949 = arith.muli %scan3A_947, %mul3A_948 : i32
            %get3A_950 = arith.index_cast %mul3A_949 : i32 to index
            %get3A_951 = tpu.vector_load %arg13[%get3A_950] {strides = array<i32>} : memref<1024xf32, #tpu.memory_space<vmem>>, vector<16xf32>,
            %mul3A_952 = arith.mulf %get3A_951, %exp3A : vector<16xf32>
            %add3A_953 = arith.constant 0 : i32
            %add3A_954 = arith.addi %add3A_953, %scan3A_910 : i32
            %mul3A_955 = arith.constant 16 : i32
            %mul3A_956 = arith.muli %scan3A_947, %mul3A_955 : i32
            %get3A_957 = arith.index_cast %add3A_954 : i32 to index
            %get3A_958 = arith.index_cast %mul3A_956 : i32 to index
            %get3A_959 = tpu.vector_load %arg9[%get3A_957, %get3A_958] {strides = array<i32>} : memref<32x1024xf32, #tpu.memory_space<vmem>>, vector<16xf32>,
            %mul3A_960 = arith.mulf %exp3A_932, %get3A_959 : vector<16xf32>
            %add3A_961 = arith.addf %mul3A_952, %mul3A_960 : vector<16xf32>
            %mul3A_962 = arith.constant 16 : i32
            %mul3A_963 = arith.muli %scan3A_947, %mul3A_962 : i32
            %swap3A_964 = arith.index_cast %mul3A_963 : i32 to index
            %swap3A_965 = tpu.vector_load %arg13[%swap3A_964] {strides = array<i32>} : memref<1024xf32, #tpu.memory_space<vmem>>, vector<16xf32>,
            tpu.vector_store %arg13[%swap3A_964], %add3A_961 {strides = array<i32>} : memref<1024xf32, #tpu.memory_space<vmem>>, vector<16xf32>,
          }
          %scan3A_946 = arith.constant 64 : i32
        }
        %scan3A_909 = arith.constant 16 : i32
      } else {
      }
      %add3A_741 = arith.constant 16 : i32
      %add3A_742 = arith.addi %add3A_576, %add3A_741 : i32
      %parallel_loop3A_743 = arith.constant 0 : i32
      %parallel_loop3A_744 = arith.constant 64 : i32
      %parallel_loop3A_745 = arith.constant 1 : i32
      %parallel_loop3A_746:16 = scf.for %parallel_loop3A_905 = %parallel_loop3A_743 to %parallel_loop3A_744 step %parallel_loop3A_745 iter_args(%parallel_loop3A_906 = %broadcast_in_dim3A_3, %parallel_loop3A_907 = %broadcast_in_dim3A_3, %parallel_loop3A_908 = %broadcast_in_dim3A_3, %parallel_loop3A_909 = %broadcast_in_dim3A_3, %parallel_loop3A_910 = %broadcast_in_dim3A_3, %parallel_loop3A_911 = %broadcast_in_dim3A_3, %parallel_loop3A_912 = %broadcast_in_dim3A_3, %parallel_loop3A_913 = %broadcast_in_dim3A_3, %parallel_loop3A_914 = %broadcast_in_dim3A_3, %parallel_loop3A_915 = %broadcast_in_dim3A_3, %parallel_loop3A_916 = %broadcast_in_dim3A_3, %parallel_loop3A_917 = %broadcast_in_dim3A_3, %parallel_loop3A_918 = %broadcast_in_dim3A_3, %parallel_loop3A_919 = %broadcast_in_dim3A_3, %parallel_loop3A_920 = %broadcast_in_dim3A_3, %parallel_loop3A_921 = %broadcast_in_dim3A_3) -> (vector<16xf32>, vector<16xf32>, vector<16xf32>, vector<16xf32>, vector<16xf32>, vector<16xf32>, vector<16xf32>, vector<16xf32>, vector<16xf32>, vector<16xf32>, vector<16xf32>, vector<16xf32>, vector<16xf32>, vector<16xf32>, vector<16xf32>, vector<16xf32>)  : i32 {
        %parallel_loop3A_922 = arith.constant 16 : i32
        %parallel_loop3A_923 = arith.muli %parallel_loop3A_905, %parallel_loop3A_922 : i32
        %parallel_loop3A_924 = arith.index_cast %parallel_loop3A_923 : i32 to index
        %parallel_loop3A_925 = tpu.vector_load %arg10[%parallel_loop3A_924] {strides = array<i32>} : memref<1024xf32, #tpu.memory_space<vmem>>, vector<16xf32>,
        %parallel_loop3A_926 = arith.constant 16 : i32
        %parallel_loop3A_927 = arith.muli %parallel_loop3A_905, %parallel_loop3A_926 : i32
        %parallel_loop3A_928 = arith.constant 16 : i32
        %parallel_loop3A_929 = arith.index_cast %parallel_loop3A_928 : i32 to index
        %parallel_loop3A_930 = arith.index_cast %parallel_loop3A_927 : i32 to index
        %parallel_loop3A_931 = tpu.vector_load %arg9[%parallel_loop3A_929, %parallel_loop3A_930] {strides = array<i32>} : memref<32x1024xf32, #tpu.memory_space<vmem>>, vector<16xf32>,
        %parallel_loop3A_932 = arith.mulf %parallel_loop3A_931, %parallel_loop3A_925 : vector<16xf32>
        %parallel_loop3A_933 = arith.addf %parallel_loop3A_906, %parallel_loop3A_932 : vector<16xf32>
        %parallel_loop3A_934 = arith.constant 16 : i32
        %parallel_loop3A_935 = arith.muli %parallel_loop3A_905, %parallel_loop3A_934 : i32
        %parallel_loop3A_936 = arith.constant 17 : i32
        %parallel_loop3A_937 = arith.index_cast %parallel_loop3A_936 : i32 to index
        %parallel_loop3A_938 = arith.index_cast %parallel_loop3A_935 : i32 to index
        %parallel_loop3A_939 = tpu.vector_load %arg9[%parallel_loop3A_937, %parallel_loop3A_938] {strides = array<i32>} : memref<32x1024xf32, #tpu.memory_space<vmem>>, vector<16xf32>,
        %parallel_loop3A_940 = arith.mulf %parallel_loop3A_939, %parallel_loop3A_925 : vector<16xf32>
        %parallel_loop3A_941 = arith.addf %parallel_loop3A_907, %parallel_loop3A_940 : vector<16xf32>
        %parallel_loop3A_942 = arith.constant 16 : i32
        %parallel_loop3A_943 = arith.muli %parallel_loop3A_905, %parallel_loop3A_942 : i32
        %parallel_loop3A_944 = arith.constant 18 : i32
        %parallel_loop3A_945 = arith.index_cast %parallel_loop3A_944 : i32 to index
        %parallel_loop3A_946 = arith.index_cast %parallel_loop3A_943 : i32 to index
        %parallel_loop3A_947 = tpu.vector_load %arg9[%parallel_loop3A_945, %parallel_loop3A_946] {strides = array<i32>} : memref<32x1024xf32, #tpu.memory_space<vmem>>, vector<16xf32>,
        %parallel_loop3A_948 = arith.mulf %parallel_loop3A_947, %parallel_loop3A_925 : vector<16xf32>
        %parallel_loop3A_949 = arith.addf %parallel_loop3A_908, %parallel_loop3A_948 : vector<16xf32>
        %parallel_loop3A_950 = arith.constant 16 : i32
        %parallel_loop3A_951 = arith.muli %parallel_loop3A_905, %parallel_loop3A_950 : i32
        %parallel_loop3A_952 = arith.constant 19 : i32
        %parallel_loop3A_953 = arith.index_cast %parallel_loop3A_952 : i32 to index
        %parallel_loop3A_954 = arith.index_cast %parallel_loop3A_951 : i32 to index
        %parallel_loop3A_955 = tpu.vector_load %arg9[%parallel_loop3A_953, %parallel_loop3A_954] {strides = array<i32>} : memref<32x1024xf32, #tpu.memory_space<vmem>>, vector<16xf32>,
        %parallel_loop3A_956 = arith.mulf %parallel_loop3A_955, %parallel_loop3A_925 : vector<16xf32>
        %parallel_loop3A_957 = arith.addf %parallel_loop3A_909, %parallel_loop3A_956 : vector<16xf32>
        %parallel_loop3A_958 = arith.constant 16 : i32
        %parallel_loop3A_959 = arith.muli %parallel_loop3A_905, %parallel_loop3A_958 : i32
        %parallel_loop3A_960 = arith.constant 20 : i32
        %parallel_loop3A_961 = arith.index_cast %parallel_loop3A_960 : i32 to index
        %parallel_loop3A_962 = arith.index_cast %parallel_loop3A_959 : i32 to index
        %parallel_loop3A_963 = tpu.vector_load %arg9[%parallel_loop3A_961, %parallel_loop3A_962] {strides = array<i32>} : memref<32x1024xf32, #tpu.memory_space<vmem>>, vector<16xf32>,
        %parallel_loop3A_964 = arith.mulf %parallel_loop3A_963, %parallel_loop3A_925 : vector<16xf32>
        %parallel_loop3A_965 = arith.addf %parallel_loop3A_910, %parallel_loop3A_964 : vector<16xf32>
        %parallel_loop3A_966 = arith.constant 16 : i32
        %parallel_loop3A_967 = arith.muli %parallel_loop3A_905, %parallel_loop3A_966 : i32
        %parallel_loop3A_968 = arith.constant 21 : i32
        %parallel_loop3A_969 = arith.index_cast %parallel_loop3A_968 : i32 to index
        %parallel_loop3A_970 = arith.index_cast %parallel_loop3A_967 : i32 to index
        %parallel_loop3A_971 = tpu.vector_load %arg9[%parallel_loop3A_969, %parallel_loop3A_970] {strides = array<i32>} : memref<32x1024xf32, #tpu.memory_space<vmem>>, vector<16xf32>,
        %parallel_loop3A_972 = arith.mulf %parallel_loop3A_971, %parallel_loop3A_925 : vector<16xf32>
        %parallel_loop3A_973 = arith.addf %parallel_loop3A_911, %parallel_loop3A_972 : vector<16xf32>
        %parallel_loop3A_974 = arith.constant 16 : i32
        %parallel_loop3A_975 = arith.muli %parallel_loop3A_905, %parallel_loop3A_974 : i32
        %parallel_loop3A_976 = arith.constant 22 : i32
        %parallel_loop3A_977 = arith.index_cast %parallel_loop3A_976 : i32 to index
        %parallel_loop3A_978 = arith.index_cast %parallel_loop3A_975 : i32 to index
        %parallel_loop3A_979 = tpu.vector_load %arg9[%parallel_loop3A_977, %parallel_loop3A_978] {strides = array<i32>} : memref<32x1024xf32, #tpu.memory_space<vmem>>, vector<16xf32>,
        %parallel_loop3A_980 = arith.mulf %parallel_loop3A_979, %parallel_loop3A_925 : vector<16xf32>
        %parallel_loop3A_981 = arith.addf %parallel_loop3A_912, %parallel_loop3A_980 : vector<16xf32>
        %parallel_loop3A_982 = arith.constant 16 : i32
        %parallel_loop3A_983 = arith.muli %parallel_loop3A_905, %parallel_loop3A_982 : i32
        %parallel_loop3A_984 = arith.constant 23 : i32
        %parallel_loop3A_985 = arith.index_cast %parallel_loop3A_984 : i32 to index
        %parallel_loop3A_986 = arith.index_cast %parallel_loop3A_983 : i32 to index
        %parallel_loop3A_987 = tpu.vector_load %arg9[%parallel_loop3A_985, %parallel_loop3A_986] {strides = array<i32>} : memref<32x1024xf32, #tpu.memory_space<vmem>>, vector<16xf32>,
        %parallel_loop3A_988 = arith.mulf %parallel_loop3A_987, %parallel_loop3A_925 : vector<16xf32>
        %parallel_loop3A_989 = arith.addf %parallel_loop3A_913, %parallel_loop3A_988 : vector<16xf32>
        %parallel_loop3A_990 = arith.constant 16 : i32
        %parallel_loop3A_991 = arith.muli %parallel_loop3A_905, %parallel_loop3A_990 : i32
        %parallel_loop3A_992 = arith.constant 24 : i32
        %parallel_loop3A_993 = arith.index_cast %parallel_loop3A_992 : i32 to index
        %parallel_loop3A_994 = arith.index_cast %parallel_loop3A_991 : i32 to index
        %parallel_loop3A_995 = tpu.vector_load %arg9[%parallel_loop3A_993, %parallel_loop3A_994] {strides = array<i32>} : memref<32x1024xf32, #tpu.memory_space<vmem>>, vector<16xf32>,
        %parallel_loop3A_996 = arith.mulf %parallel_loop3A_995, %parallel_loop3A_925 : vector<16xf32>
        %parallel_loop3A_997 = arith.addf %parallel_loop3A_914, %parallel_loop3A_996 : vector<16xf32>
        %parallel_loop3A_998 = arith.constant 16 : i32
        %parallel_loop3A_999 = arith.muli %parallel_loop3A_905, %parallel_loop3A_998 : i32
        %parallel_loop3A_1000 = arith.constant 25 : i32
        %parallel_loop3A_1001 = arith.index_cast %parallel_loop3A_1000 : i32 to index
        %parallel_loop3A_1002 = arith.index_cast %parallel_loop3A_999 : i32 to index
        %parallel_loop3A_1003 = tpu.vector_load %arg9[%parallel_loop3A_1001, %parallel_loop3A_1002] {strides = array<i32>} : memref<32x1024xf32, #tpu.memory_space<vmem>>, vector<16xf32>,
        %parallel_loop3A_1004 = arith.mulf %parallel_loop3A_1003, %parallel_loop3A_925 : vector<16xf32>
        %parallel_loop3A_1005 = arith.addf %parallel_loop3A_915, %parallel_loop3A_1004 : vector<16xf32>
        %parallel_loop3A_1006 = arith.constant 16 : i32
        %parallel_loop3A_1007 = arith.muli %parallel_loop3A_905, %parallel_loop3A_1006 : i32
        %parallel_loop3A_1008 = arith.constant 26 : i32
        %parallel_loop3A_1009 = arith.index_cast %parallel_loop3A_1008 : i32 to index
        %parallel_loop3A_1010 = arith.index_cast %parallel_loop3A_1007 : i32 to index
        %parallel_loop3A_1011 = tpu.vector_load %arg9[%parallel_loop3A_1009, %parallel_loop3A_1010] {strides = array<i32>} : memref<32x1024xf32, #tpu.memory_space<vmem>>, vector<16xf32>,
        %parallel_loop3A_1012 = arith.mulf %parallel_loop3A_1011, %parallel_loop3A_925 : vector<16xf32>
        %parallel_loop3A_1013 = arith.addf %parallel_loop3A_916, %parallel_loop3A_1012 : vector<16xf32>
        %parallel_loop3A_1014 = arith.constant 16 : i32
        %parallel_loop3A_1015 = arith.muli %parallel_loop3A_905, %parallel_loop3A_1014 : i32
        %parallel_loop3A_1016 = arith.constant 27 : i32
        %parallel_loop3A_1017 = arith.index_cast %parallel_loop3A_1016 : i32 to index
        %parallel_loop3A_1018 = arith.index_cast %parallel_loop3A_1015 : i32 to index
        %parallel_loop3A_1019 = tpu.vector_load %arg9[%parallel_loop3A_1017, %parallel_loop3A_1018] {strides = array<i32>} : memref<32x1024xf32, #tpu.memory_space<vmem>>, vector<16xf32>,
        %parallel_loop3A_1020 = arith.mulf %parallel_loop3A_1019, %parallel_loop3A_925 : vector<16xf32>
        %parallel_loop3A_1021 = arith.addf %parallel_loop3A_917, %parallel_loop3A_1020 : vector<16xf32>
        %parallel_loop3A_1022 = arith.constant 16 : i32
        %parallel_loop3A_1023 = arith.muli %parallel_loop3A_905, %parallel_loop3A_1022 : i32
        %parallel_loop3A_1024 = arith.constant 28 : i32
        %parallel_loop3A_1025 = arith.index_cast %parallel_loop3A_1024 : i32 to index
        %parallel_loop3A_1026 = arith.index_cast %parallel_loop3A_1023 : i32 to index
        %parallel_loop3A_1027 = tpu.vector_load %arg9[%parallel_loop3A_1025, %parallel_loop3A_1026] {strides = array<i32>} : memref<32x1024xf32, #tpu.memory_space<vmem>>, vector<16xf32>,
        %parallel_loop3A_1028 = arith.mulf %parallel_loop3A_1027, %parallel_loop3A_925 : vector<16xf32>
        %parallel_loop3A_1029 = arith.addf %parallel_loop3A_918, %parallel_loop3A_1028 : vector<16xf32>
        %parallel_loop3A_1030 = arith.constant 16 : i32
        %parallel_loop3A_1031 = arith.muli %parallel_loop3A_905, %parallel_loop3A_1030 : i32
        %parallel_loop3A_1032 = arith.constant 29 : i32
        %parallel_loop3A_1033 = arith.index_cast %parallel_loop3A_1032 : i32 to index
        %parallel_loop3A_1034 = arith.index_cast %parallel_loop3A_1031 : i32 to index
        %parallel_loop3A_1035 = tpu.vector_load %arg9[%parallel_loop3A_1033, %parallel_loop3A_1034] {strides = array<i32>} : memref<32x1024xf32, #tpu.memory_space<vmem>>, vector<16xf32>,
        %parallel_loop3A_1036 = arith.mulf %parallel_loop3A_1035, %parallel_loop3A_925 : vector<16xf32>
        %parallel_loop3A_1037 = arith.addf %parallel_loop3A_919, %parallel_loop3A_1036 : vector<16xf32>
        %parallel_loop3A_1038 = arith.constant 16 : i32
        %parallel_loop3A_1039 = arith.muli %parallel_loop3A_905, %parallel_loop3A_1038 : i32
        %parallel_loop3A_1040 = arith.constant 30 : i32
        %parallel_loop3A_1041 = arith.index_cast %parallel_loop3A_1040 : i32 to index
        %parallel_loop3A_1042 = arith.index_cast %parallel_loop3A_1039 : i32 to index
        %parallel_loop3A_1043 = tpu.vector_load %arg9[%parallel_loop3A_1041, %parallel_loop3A_1042] {strides = array<i32>} : memref<32x1024xf32, #tpu.memory_space<vmem>>, vector<16xf32>,
        %parallel_loop3A_1044 = arith.mulf %parallel_loop3A_1043, %parallel_loop3A_925 : vector<16xf32>
        %parallel_loop3A_1045 = arith.addf %parallel_loop3A_920, %parallel_loop3A_1044 : vector<16xf32>
        %parallel_loop3A_1046 = arith.constant 16 : i32
        %parallel_loop3A_1047 = arith.muli %parallel_loop3A_905, %parallel_loop3A_1046 : i32
        %parallel_loop3A_1048 = arith.constant 31 : i32
        %parallel_loop3A_1049 = arith.index_cast %parallel_loop3A_1048 : i32 to index
        %parallel_loop3A_1050 = arith.index_cast %parallel_loop3A_1047 : i32 to index
        %parallel_loop3A_1051 = tpu.vector_load %arg9[%parallel_loop3A_1049, %parallel_loop3A_1050] {strides = array<i32>} : memref<32x1024xf32, #tpu.memory_space<vmem>>, vector<16xf32>,
        %parallel_loop3A_1052 = arith.mulf %parallel_loop3A_1051, %parallel_loop3A_925 : vector<16xf32>
        %parallel_loop3A_1053 = arith.addf %parallel_loop3A_921, %parallel_loop3A_1052 : vector<16xf32>
        scf.yield %parallel_loop3A_933, %parallel_loop3A_941, %parallel_loop3A_949, %parallel_loop3A_957, %parallel_loop3A_965, %parallel_loop3A_973, %parallel_loop3A_981, %parallel_loop3A_989, %parallel_loop3A_997, %parallel_loop3A_1005, %parallel_loop3A_1013, %parallel_loop3A_1021, %parallel_loop3A_1029, %parallel_loop3A_1037, %parallel_loop3A_1045, %parallel_loop3A_1053 : vector<16xf32>, vector<16xf32>, vector<16xf32>, vector<16xf32>, vector<16xf32>, vector<16xf32>, vector<16xf32>, vector<16xf32>, vector<16xf32>, vector<16xf32>, vector<16xf32>, vector<16xf32>, vector<16xf32>, vector<16xf32>, vector<16xf32>, vector<16xf32>
      } {sc.loop_unroll_factor = 1 : i64, sc.parallel_access}
      %eq3A_747 = arith.constant 0 : i32
      %eq3A_748 = vector.broadcast %eq3A_747 : i32 to vector<16xi32>
      %eq3A_749 = arith.cmpi eq, %iota3A, %eq3A_748 : vector<16xi32>
      %reduce_sum3A_750 = arith.constant true
      %reduce_sum3A_751 = vector.broadcast %reduce_sum3A_750 : i1 to vector<16xi1>
      %reduce_sum3A_752 = tpu.scan <sum>, %parallel_loop3A_746#0 masked %reduce_sum3A_751 : vector<16xf32>, vector<16xi1> -> vector<16xf32>
      %reduce_sum3A_753 = vector.extract %reduce_sum3A_752[15] : f32 from vector<16xf32>
      %broadcast_in_dim3A_754 = vector.broadcast %reduce_sum3A_753 : f32 to vector<16xf32>
      %select_n3A_755 = arith.select %eq3A_749, %broadcast_in_dim3A_754, %broadcast_in_dim3A_3 : vector<16xi1>, vector<16xf32>
      %eq3A_756 = arith.constant 1 : i32
      %eq3A_757 = vector.broadcast %eq3A_756 : i32 to vector<16xi32>
      %eq3A_758 = arith.cmpi eq, %iota3A, %eq3A_757 : vector<16xi32>
      %reduce_sum3A_759 = arith.constant true
      %reduce_sum3A_760 = vector.broadcast %reduce_sum3A_759 : i1 to vector<16xi1>
      %reduce_sum3A_761 = tpu.scan <sum>, %parallel_loop3A_746#1 masked %reduce_sum3A_760 : vector<16xf32>, vector<16xi1> -> vector<16xf32>
      %reduce_sum3A_762 = vector.extract %reduce_sum3A_761[15] : f32 from vector<16xf32>
      %broadcast_in_dim3A_763 = vector.broadcast %reduce_sum3A_762 : f32 to vector<16xf32>
      %select_n3A_764 = arith.select %eq3A_758, %broadcast_in_dim3A_763, %select_n3A_755 : vector<16xi1>, vector<16xf32>
      %eq3A_765 = arith.constant 2 : i32
      %eq3A_766 = vector.broadcast %eq3A_765 : i32 to vector<16xi32>
      %eq3A_767 = arith.cmpi eq, %iota3A, %eq3A_766 : vector<16xi32>
      %reduce_sum3A_768 = arith.constant true
      %reduce_sum3A_769 = vector.broadcast %reduce_sum3A_768 : i1 to vector<16xi1>
      %reduce_sum3A_770 = tpu.scan <sum>, %parallel_loop3A_746#2 masked %reduce_sum3A_769 : vector<16xf32>, vector<16xi1> -> vector<16xf32>
      %reduce_sum3A_771 = vector.extract %reduce_sum3A_770[15] : f32 from vector<16xf32>
      %broadcast_in_dim3A_772 = vector.broadcast %reduce_sum3A_771 : f32 to vector<16xf32>
      %select_n3A_773 = arith.select %eq3A_767, %broadcast_in_dim3A_772, %select_n3A_764 : vector<16xi1>, vector<16xf32>
      %eq3A_774 = arith.constant 3 : i32
      %eq3A_775 = vector.broadcast %eq3A_774 : i32 to vector<16xi32>
      %eq3A_776 = arith.cmpi eq, %iota3A, %eq3A_775 : vector<16xi32>
      %reduce_sum3A_777 = arith.constant true
      %reduce_sum3A_778 = vector.broadcast %reduce_sum3A_777 : i1 to vector<16xi1>
      %reduce_sum3A_779 = tpu.scan <sum>, %parallel_loop3A_746#3 masked %reduce_sum3A_778 : vector<16xf32>, vector<16xi1> -> vector<16xf32>
      %reduce_sum3A_780 = vector.extract %reduce_sum3A_779[15] : f32 from vector<16xf32>
      %broadcast_in_dim3A_781 = vector.broadcast %reduce_sum3A_780 : f32 to vector<16xf32>
      %select_n3A_782 = arith.select %eq3A_776, %broadcast_in_dim3A_781, %select_n3A_773 : vector<16xi1>, vector<16xf32>
      %eq3A_783 = arith.constant 4 : i32
      %eq3A_784 = vector.broadcast %eq3A_783 : i32 to vector<16xi32>
      %eq3A_785 = arith.cmpi eq, %iota3A, %eq3A_784 : vector<16xi32>
      %reduce_sum3A_786 = arith.constant true
      %reduce_sum3A_787 = vector.broadcast %reduce_sum3A_786 : i1 to vector<16xi1>
      %reduce_sum3A_788 = tpu.scan <sum>, %parallel_loop3A_746#4 masked %reduce_sum3A_787 : vector<16xf32>, vector<16xi1> -> vector<16xf32>
      %reduce_sum3A_789 = vector.extract %reduce_sum3A_788[15] : f32 from vector<16xf32>
      %broadcast_in_dim3A_790 = vector.broadcast %reduce_sum3A_789 : f32 to vector<16xf32>
      %select_n3A_791 = arith.select %eq3A_785, %broadcast_in_dim3A_790, %select_n3A_782 : vector<16xi1>, vector<16xf32>
      %eq3A_792 = arith.constant 5 : i32
      %eq3A_793 = vector.broadcast %eq3A_792 : i32 to vector<16xi32>
      %eq3A_794 = arith.cmpi eq, %iota3A, %eq3A_793 : vector<16xi32>
      %reduce_sum3A_795 = arith.constant true
      %reduce_sum3A_796 = vector.broadcast %reduce_sum3A_795 : i1 to vector<16xi1>
      %reduce_sum3A_797 = tpu.scan <sum>, %parallel_loop3A_746#5 masked %reduce_sum3A_796 : vector<16xf32>, vector<16xi1> -> vector<16xf32>
      %reduce_sum3A_798 = vector.extract %reduce_sum3A_797[15] : f32 from vector<16xf32>
      %broadcast_in_dim3A_799 = vector.broadcast %reduce_sum3A_798 : f32 to vector<16xf32>
      %select_n3A_800 = arith.select %eq3A_794, %broadcast_in_dim3A_799, %select_n3A_791 : vector<16xi1>, vector<16xf32>
      %eq3A_801 = arith.constant 6 : i32
      %eq3A_802 = vector.broadcast %eq3A_801 : i32 to vector<16xi32>
      %eq3A_803 = arith.cmpi eq, %iota3A, %eq3A_802 : vector<16xi32>
      %reduce_sum3A_804 = arith.constant true
      %reduce_sum3A_805 = vector.broadcast %reduce_sum3A_804 : i1 to vector<16xi1>
      %reduce_sum3A_806 = tpu.scan <sum>, %parallel_loop3A_746#6 masked %reduce_sum3A_805 : vector<16xf32>, vector<16xi1> -> vector<16xf32>
      %reduce_sum3A_807 = vector.extract %reduce_sum3A_806[15] : f32 from vector<16xf32>
      %broadcast_in_dim3A_808 = vector.broadcast %reduce_sum3A_807 : f32 to vector<16xf32>
      %select_n3A_809 = arith.select %eq3A_803, %broadcast_in_dim3A_808, %select_n3A_800 : vector<16xi1>, vector<16xf32>
      %eq3A_810 = arith.constant 7 : i32
      %eq3A_811 = vector.broadcast %eq3A_810 : i32 to vector<16xi32>
      %eq3A_812 = arith.cmpi eq, %iota3A, %eq3A_811 : vector<16xi32>
      %reduce_sum3A_813 = arith.constant true
      %reduce_sum3A_814 = vector.broadcast %reduce_sum3A_813 : i1 to vector<16xi1>
      %reduce_sum3A_815 = tpu.scan <sum>, %parallel_loop3A_746#7 masked %reduce_sum3A_814 : vector<16xf32>, vector<16xi1> -> vector<16xf32>
      %reduce_sum3A_816 = vector.extract %reduce_sum3A_815[15] : f32 from vector<16xf32>
      %broadcast_in_dim3A_817 = vector.broadcast %reduce_sum3A_816 : f32 to vector<16xf32>
      %select_n3A_818 = arith.select %eq3A_812, %broadcast_in_dim3A_817, %select_n3A_809 : vector<16xi1>, vector<16xf32>
      %eq3A_819 = arith.constant 8 : i32
      %eq3A_820 = vector.broadcast %eq3A_819 : i32 to vector<16xi32>
      %eq3A_821 = arith.cmpi eq, %iota3A, %eq3A_820 : vector<16xi32>
      %reduce_sum3A_822 = arith.constant true
      %reduce_sum3A_823 = vector.broadcast %reduce_sum3A_822 : i1 to vector<16xi1>
      %reduce_sum3A_824 = tpu.scan <sum>, %parallel_loop3A_746#8 masked %reduce_sum3A_823 : vector<16xf32>, vector<16xi1> -> vector<16xf32>
      %reduce_sum3A_825 = vector.extract %reduce_sum3A_824[15] : f32 from vector<16xf32>
      %broadcast_in_dim3A_826 = vector.broadcast %reduce_sum3A_825 : f32 to vector<16xf32>
      %select_n3A_827 = arith.select %eq3A_821, %broadcast_in_dim3A_826, %select_n3A_818 : vector<16xi1>, vector<16xf32>
      %eq3A_828 = arith.constant 9 : i32
      %eq3A_829 = vector.broadcast %eq3A_828 : i32 to vector<16xi32>
      %eq3A_830 = arith.cmpi eq, %iota3A, %eq3A_829 : vector<16xi32>
      %reduce_sum3A_831 = arith.constant true
      %reduce_sum3A_832 = vector.broadcast %reduce_sum3A_831 : i1 to vector<16xi1>
      %reduce_sum3A_833 = tpu.scan <sum>, %parallel_loop3A_746#9 masked %reduce_sum3A_832 : vector<16xf32>, vector<16xi1> -> vector<16xf32>
      %reduce_sum3A_834 = vector.extract %reduce_sum3A_833[15] : f32 from vector<16xf32>
      %broadcast_in_dim3A_835 = vector.broadcast %reduce_sum3A_834 : f32 to vector<16xf32>
      %select_n3A_836 = arith.select %eq3A_830, %broadcast_in_dim3A_835, %select_n3A_827 : vector<16xi1>, vector<16xf32>
      %eq3A_837 = arith.constant 10 : i32
      %eq3A_838 = vector.broadcast %eq3A_837 : i32 to vector<16xi32>
      %eq3A_839 = arith.cmpi eq, %iota3A, %eq3A_838 : vector<16xi32>
      %reduce_sum3A_840 = arith.constant true
      %reduce_sum3A_841 = vector.broadcast %reduce_sum3A_840 : i1 to vector<16xi1>
      %reduce_sum3A_842 = tpu.scan <sum>, %parallel_loop3A_746#10 masked %reduce_sum3A_841 : vector<16xf32>, vector<16xi1> -> vector<16xf32>
      %reduce_sum3A_843 = vector.extract %reduce_sum3A_842[15] : f32 from vector<16xf32>
      %broadcast_in_dim3A_844 = vector.broadcast %reduce_sum3A_843 : f32 to vector<16xf32>
      %select_n3A_845 = arith.select %eq3A_839, %broadcast_in_dim3A_844, %select_n3A_836 : vector<16xi1>, vector<16xf32>
      %eq3A_846 = arith.constant 11 : i32
      %eq3A_847 = vector.broadcast %eq3A_846 : i32 to vector<16xi32>
      %eq3A_848 = arith.cmpi eq, %iota3A, %eq3A_847 : vector<16xi32>
      %reduce_sum3A_849 = arith.constant true
      %reduce_sum3A_850 = vector.broadcast %reduce_sum3A_849 : i1 to vector<16xi1>
      %reduce_sum3A_851 = tpu.scan <sum>, %parallel_loop3A_746#11 masked %reduce_sum3A_850 : vector<16xf32>, vector<16xi1> -> vector<16xf32>
      %reduce_sum3A_852 = vector.extract %reduce_sum3A_851[15] : f32 from vector<16xf32>
      %broadcast_in_dim3A_853 = vector.broadcast %reduce_sum3A_852 : f32 to vector<16xf32>
      %select_n3A_854 = arith.select %eq3A_848, %broadcast_in_dim3A_853, %select_n3A_845 : vector<16xi1>, vector<16xf32>
      %eq3A_855 = arith.constant 12 : i32
      %eq3A_856 = vector.broadcast %eq3A_855 : i32 to vector<16xi32>
      %eq3A_857 = arith.cmpi eq, %iota3A, %eq3A_856 : vector<16xi32>
      %reduce_sum3A_858 = arith.constant true
      %reduce_sum3A_859 = vector.broadcast %reduce_sum3A_858 : i1 to vector<16xi1>
      %reduce_sum3A_860 = tpu.scan <sum>, %parallel_loop3A_746#12 masked %reduce_sum3A_859 : vector<16xf32>, vector<16xi1> -> vector<16xf32>
      %reduce_sum3A_861 = vector.extract %reduce_sum3A_860[15] : f32 from vector<16xf32>
      %broadcast_in_dim3A_862 = vector.broadcast %reduce_sum3A_861 : f32 to vector<16xf32>
      %select_n3A_863 = arith.select %eq3A_857, %broadcast_in_dim3A_862, %select_n3A_854 : vector<16xi1>, vector<16xf32>
      %eq3A_864 = arith.constant 13 : i32
      %eq3A_865 = vector.broadcast %eq3A_864 : i32 to vector<16xi32>
      %eq3A_866 = arith.cmpi eq, %iota3A, %eq3A_865 : vector<16xi32>
      %reduce_sum3A_867 = arith.constant true
      %reduce_sum3A_868 = vector.broadcast %reduce_sum3A_867 : i1 to vector<16xi1>
      %reduce_sum3A_869 = tpu.scan <sum>, %parallel_loop3A_746#13 masked %reduce_sum3A_868 : vector<16xf32>, vector<16xi1> -> vector<16xf32>
      %reduce_sum3A_870 = vector.extract %reduce_sum3A_869[15] : f32 from vector<16xf32>
      %broadcast_in_dim3A_871 = vector.broadcast %reduce_sum3A_870 : f32 to vector<16xf32>
      %select_n3A_872 = arith.select %eq3A_866, %broadcast_in_dim3A_871, %select_n3A_863 : vector<16xi1>, vector<16xf32>
      %eq3A_873 = arith.constant 14 : i32
      %eq3A_874 = vector.broadcast %eq3A_873 : i32 to vector<16xi32>
      %eq3A_875 = arith.cmpi eq, %iota3A, %eq3A_874 : vector<16xi32>
      %reduce_sum3A_876 = arith.constant true
      %reduce_sum3A_877 = vector.broadcast %reduce_sum3A_876 : i1 to vector<16xi1>
      %reduce_sum3A_878 = tpu.scan <sum>, %parallel_loop3A_746#14 masked %reduce_sum3A_877 : vector<16xf32>, vector<16xi1> -> vector<16xf32>
      %reduce_sum3A_879 = vector.extract %reduce_sum3A_878[15] : f32 from vector<16xf32>
      %broadcast_in_dim3A_880 = vector.broadcast %reduce_sum3A_879 : f32 to vector<16xf32>
      %select_n3A_881 = arith.select %eq3A_875, %broadcast_in_dim3A_880, %select_n3A_872 : vector<16xi1>, vector<16xf32>
      %eq3A_882 = arith.constant 15 : i32
      %eq3A_883 = vector.broadcast %eq3A_882 : i32 to vector<16xi32>
      %eq3A_884 = arith.cmpi eq, %iota3A, %eq3A_883 : vector<16xi32>
      %reduce_sum3A_885 = arith.constant true
      %reduce_sum3A_886 = vector.broadcast %reduce_sum3A_885 : i1 to vector<16xi1>
      %reduce_sum3A_887 = tpu.scan <sum>, %parallel_loop3A_746#15 masked %reduce_sum3A_886 : vector<16xf32>, vector<16xi1> -> vector<16xf32>
      %reduce_sum3A_888 = vector.extract %reduce_sum3A_887[15] : f32 from vector<16xf32>
      %broadcast_in_dim3A_889 = vector.broadcast %reduce_sum3A_888 : f32 to vector<16xf32>
      %select_n3A_890 = arith.select %eq3A_884, %broadcast_in_dim3A_889, %select_n3A_881 : vector<16xi1>, vector<16xf32>
      %get3A_891 = arith.constant 0 : i32
      %get3A_892 = arith.index_cast %get3A_891 : i32 to index
      %get3A_893 = memref.load %arg19[%get3A_892] : memref<1xi32, #tpu.memory_space<smem>>
      %add3A_894 = arith.constant 16 : i32
      %add3A_895 = arith.addi %add3A_742, %add3A_894 : i32
      %ge3A_896 = arith.cmpi sge, %get3A_893, %add3A_895 : i32
      %convert_element_type3A_897 = arith.extui %ge3A_896 : i1 to i32
      %cond3A_898 = arith.constant 0 : i32
      %cond3A_899 = arith.cmpi ne, %convert_element_type3A_897, %cond3A_898 : i32
      scf.if %cond3A_899 {
        %get3A_905 = arith.constant 0 : i32
        %get3A_906 = arith.index_cast %get3A_905 : i32 to index
        %get3A_907 = memref.load %arg17[%get3A_906] : memref<1xf32, #tpu.memory_space<smem>>
        %reduce_max3A_908 = arith.constant true
        %reduce_max3A_909 = vector.broadcast %reduce_max3A_908 : i1 to vector<16xi1>
        %reduce_max3A_910 = tpu.scan <max>, %select_n3A_890 masked %reduce_max3A_909 : vector<16xf32>, vector<16xi1> -> vector<16xf32>
        %reduce_max3A_911 = vector.extract %reduce_max3A_910[15] : f32 from vector<16xf32>
        %max3A = arith.maximumf %get3A_907, %reduce_max3A_911 : f32
        %sub3A = arith.subf %get3A_907, %max3A : f32
        %broadcast_in_dim3A_912 = vector.broadcast %sub3A : f32 to vector<16xf32>
        %exp3A = math.exp %broadcast_in_dim3A_912 : vector<16xf32>
        %sub3A_913 = vector.broadcast %max3A : f32 to vector<16xf32>
        %sub3A_914 = arith.subf %select_n3A_890, %sub3A_913 : vector<16xf32>
        %exp3A_915 = math.exp %sub3A_914 : vector<16xf32>
        %get3A_916 = arith.constant 0 : index
        %get3A_917 = tpu.vector_load %arg14[%get3A_916] {strides = array<i32>} : memref<16xf32, #tpu.memory_space<vmem>>, vector<16xf32>,
        %mul3A_918 = arith.mulf %get3A_917, %exp3A : vector<16xf32>
        %reduce_sum3A_919 = arith.constant true
        %reduce_sum3A_920 = vector.broadcast %reduce_sum3A_919 : i1 to vector<16xi1>
        %reduce_sum3A_921 = tpu.scan <sum>, %exp3A_915 masked %reduce_sum3A_920 : vector<16xf32>, vector<16xi1> -> vector<16xf32>
        %reduce_sum3A_922 = vector.extract %reduce_sum3A_921[15] : f32 from vector<16xf32>
        %broadcast_in_dim3A_923 = vector.broadcast %reduce_sum3A_922 : f32 to vector<16xf32>
        %add3A_924 = arith.addf %mul3A_918, %broadcast_in_dim3A_923 : vector<16xf32>
        %swap3A_925 = arith.constant 0 : index
        %swap3A_926 = tpu.vector_load %arg14[%swap3A_925] {strides = array<i32>} : memref<16xf32, #tpu.memory_space<vmem>>, vector<16xf32>,
        tpu.vector_store %arg14[%swap3A_925], %add3A_924 {strides = array<i32>} : memref<16xf32, #tpu.memory_space<vmem>>, vector<16xf32>,
        %swap3A_927 = arith.constant 0 : i32
        %swap3A_928 = arith.index_cast %swap3A_927 : i32 to index
        %swap3A_929 = memref.load %arg17[%swap3A_928] : memref<1xf32, #tpu.memory_space<smem>>
        memref.store %max3A, %arg17[%swap3A_928] : memref<1xf32, #tpu.memory_space<smem>>
        %slice3A_930 = vector.extract_strided_slice %exp3A_915 {offsets = [0], sizes = [1], strides = [1]} : vector<16xf32> to vector<1xf32>
        %squeeze3A_931 = vector.extract %slice3A_930[0] : f32 from vector<1xf32>
        %broadcast_in_dim3A_932 = vector.broadcast %squeeze3A_931 : f32 to vector<16xf32>
        %slice3A_933 = vector.extract_strided_slice %exp3A_915 {offsets = [1], sizes = [1], strides = [1]} : vector<16xf32> to vector<1xf32>
        %squeeze3A_934 = vector.extract %slice3A_933[0] : f32 from vector<1xf32>
        %broadcast_in_dim3A_935 = vector.broadcast %squeeze3A_934 : f32 to vector<16xf32>
        %slice3A_936 = vector.extract_strided_slice %exp3A_915 {offsets = [2], sizes = [1], strides = [1]} : vector<16xf32> to vector<1xf32>
        %squeeze3A_937 = vector.extract %slice3A_936[0] : f32 from vector<1xf32>
        %broadcast_in_dim3A_938 = vector.broadcast %squeeze3A_937 : f32 to vector<16xf32>
        %slice3A_939 = vector.extract_strided_slice %exp3A_915 {offsets = [3], sizes = [1], strides = [1]} : vector<16xf32> to vector<1xf32>
        %squeeze3A_940 = vector.extract %slice3A_939[0] : f32 from vector<1xf32>
        %broadcast_in_dim3A_941 = vector.broadcast %squeeze3A_940 : f32 to vector<16xf32>
        %slice3A_942 = vector.extract_strided_slice %exp3A_915 {offsets = [4], sizes = [1], strides = [1]} : vector<16xf32> to vector<1xf32>
        %squeeze3A_943 = vector.extract %slice3A_942[0] : f32 from vector<1xf32>
        %broadcast_in_dim3A_944 = vector.broadcast %squeeze3A_943 : f32 to vector<16xf32>
        %slice3A_945 = vector.extract_strided_slice %exp3A_915 {offsets = [5], sizes = [1], strides = [1]} : vector<16xf32> to vector<1xf32>
        %squeeze3A_946 = vector.extract %slice3A_945[0] : f32 from vector<1xf32>
        %broadcast_in_dim3A_947 = vector.broadcast %squeeze3A_946 : f32 to vector<16xf32>
        %slice3A_948 = vector.extract_strided_slice %exp3A_915 {offsets = [6], sizes = [1], strides = [1]} : vector<16xf32> to vector<1xf32>
        %squeeze3A_949 = vector.extract %slice3A_948[0] : f32 from vector<1xf32>
        %broadcast_in_dim3A_950 = vector.broadcast %squeeze3A_949 : f32 to vector<16xf32>
        %slice3A_951 = vector.extract_strided_slice %exp3A_915 {offsets = [7], sizes = [1], strides = [1]} : vector<16xf32> to vector<1xf32>
        %squeeze3A_952 = vector.extract %slice3A_951[0] : f32 from vector<1xf32>
        %broadcast_in_dim3A_953 = vector.broadcast %squeeze3A_952 : f32 to vector<16xf32>
        %slice3A_954 = vector.extract_strided_slice %exp3A_915 {offsets = [8], sizes = [1], strides = [1]} : vector<16xf32> to vector<1xf32>
        %squeeze3A_955 = vector.extract %slice3A_954[0] : f32 from vector<1xf32>
        %broadcast_in_dim3A_956 = vector.broadcast %squeeze3A_955 : f32 to vector<16xf32>
        %slice3A_957 = vector.extract_strided_slice %exp3A_915 {offsets = [9], sizes = [1], strides = [1]} : vector<16xf32> to vector<1xf32>
        %squeeze3A_958 = vector.extract %slice3A_957[0] : f32 from vector<1xf32>
        %broadcast_in_dim3A_959 = vector.broadcast %squeeze3A_958 : f32 to vector<16xf32>
        %slice3A_960 = vector.extract_strided_slice %exp3A_915 {offsets = [10], sizes = [1], strides = [1]} : vector<16xf32> to vector<1xf32>
        %squeeze3A_961 = vector.extract %slice3A_960[0] : f32 from vector<1xf32>
        %broadcast_in_dim3A_962 = vector.broadcast %squeeze3A_961 : f32 to vector<16xf32>
        %slice3A_963 = vector.extract_strided_slice %exp3A_915 {offsets = [11], sizes = [1], strides = [1]} : vector<16xf32> to vector<1xf32>
        %squeeze3A_964 = vector.extract %slice3A_963[0] : f32 from vector<1xf32>
        %broadcast_in_dim3A_965 = vector.broadcast %squeeze3A_964 : f32 to vector<16xf32>
        %slice3A_966 = vector.extract_strided_slice %exp3A_915 {offsets = [12], sizes = [1], strides = [1]} : vector<16xf32> to vector<1xf32>
        %squeeze3A_967 = vector.extract %slice3A_966[0] : f32 from vector<1xf32>
        %broadcast_in_dim3A_968 = vector.broadcast %squeeze3A_967 : f32 to vector<16xf32>
        %slice3A_969 = vector.extract_strided_slice %exp3A_915 {offsets = [13], sizes = [1], strides = [1]} : vector<16xf32> to vector<1xf32>
        %squeeze3A_970 = vector.extract %slice3A_969[0] : f32 from vector<1xf32>
        %broadcast_in_dim3A_971 = vector.broadcast %squeeze3A_970 : f32 to vector<16xf32>
        %slice3A_972 = vector.extract_strided_slice %exp3A_915 {offsets = [14], sizes = [1], strides = [1]} : vector<16xf32> to vector<1xf32>
        %squeeze3A_973 = vector.extract %slice3A_972[0] : f32 from vector<1xf32>
        %broadcast_in_dim3A_974 = vector.broadcast %squeeze3A_973 : f32 to vector<16xf32>
        %slice3A_975 = vector.extract_strided_slice %exp3A_915 {offsets = [15], sizes = [1], strides = [1]} : vector<16xf32> to vector<1xf32>
        %squeeze3A_976 = vector.extract %slice3A_975[0] : f32 from vector<1xf32>
        %broadcast_in_dim3A_977 = vector.broadcast %squeeze3A_976 : f32 to vector<16xf32>
        %parallel_loop3A_978 = arith.constant 0 : i32
        %parallel_loop3A_979 = arith.constant 64 : i32
        %parallel_loop3A_980 = arith.constant 1 : i32
        scf.for %parallel_loop3A_981 = %parallel_loop3A_978 to %parallel_loop3A_979 step %parallel_loop3A_980  : i32 {
          %parallel_loop3A_982 = arith.constant 16 : i32
          %parallel_loop3A_983 = arith.muli %parallel_loop3A_981, %parallel_loop3A_982 : i32
          %parallel_loop3A_984 = arith.constant 16 : i32
          %parallel_loop3A_985 = arith.index_cast %parallel_loop3A_984 : i32 to index
          %parallel_loop3A_986 = arith.index_cast %parallel_loop3A_983 : i32 to index
          %parallel_loop3A_987 = tpu.vector_load %arg9[%parallel_loop3A_985, %parallel_loop3A_986] {strides = array<i32>} : memref<32x1024xf32, #tpu.memory_space<vmem>>, vector<16xf32>,
          %parallel_loop3A_988 = arith.mulf %broadcast_in_dim3A_932, %parallel_loop3A_987 : vector<16xf32>
          %parallel_loop3A_989 = arith.constant 16 : i32
          %parallel_loop3A_990 = arith.muli %parallel_loop3A_981, %parallel_loop3A_989 : i32
          %parallel_loop3A_991 = arith.constant 17 : i32
          %parallel_loop3A_992 = arith.index_cast %parallel_loop3A_991 : i32 to index
          %parallel_loop3A_993 = arith.index_cast %parallel_loop3A_990 : i32 to index
          %parallel_loop3A_994 = tpu.vector_load %arg9[%parallel_loop3A_992, %parallel_loop3A_993] {strides = array<i32>} : memref<32x1024xf32, #tpu.memory_space<vmem>>, vector<16xf32>,
          %parallel_loop3A_995 = arith.mulf %broadcast_in_dim3A_935, %parallel_loop3A_994 : vector<16xf32>
          %parallel_loop3A_996 = arith.constant 16 : i32
          %parallel_loop3A_997 = arith.muli %parallel_loop3A_981, %parallel_loop3A_996 : i32
          %parallel_loop3A_998 = arith.constant 18 : i32
          %parallel_loop3A_999 = arith.index_cast %parallel_loop3A_998 : i32 to index
          %parallel_loop3A_1000 = arith.index_cast %parallel_loop3A_997 : i32 to index
          %parallel_loop3A_1001 = tpu.vector_load %arg9[%parallel_loop3A_999, %parallel_loop3A_1000] {strides = array<i32>} : memref<32x1024xf32, #tpu.memory_space<vmem>>, vector<16xf32>,
          %parallel_loop3A_1002 = arith.mulf %broadcast_in_dim3A_938, %parallel_loop3A_1001 : vector<16xf32>
          %parallel_loop3A_1003 = arith.constant 16 : i32
          %parallel_loop3A_1004 = arith.muli %parallel_loop3A_981, %parallel_loop3A_1003 : i32
          %parallel_loop3A_1005 = arith.constant 19 : i32
          %parallel_loop3A_1006 = arith.index_cast %parallel_loop3A_1005 : i32 to index
          %parallel_loop3A_1007 = arith.index_cast %parallel_loop3A_1004 : i32 to index
          %parallel_loop3A_1008 = tpu.vector_load %arg9[%parallel_loop3A_1006, %parallel_loop3A_1007] {strides = array<i32>} : memref<32x1024xf32, #tpu.memory_space<vmem>>, vector<16xf32>,
          %parallel_loop3A_1009 = arith.mulf %broadcast_in_dim3A_941, %parallel_loop3A_1008 : vector<16xf32>
          %parallel_loop3A_1010 = arith.constant 16 : i32
          %parallel_loop3A_1011 = arith.muli %parallel_loop3A_981, %parallel_loop3A_1010 : i32
          %parallel_loop3A_1012 = arith.constant 20 : i32
          %parallel_loop3A_1013 = arith.index_cast %parallel_loop3A_1012 : i32 to index
          %parallel_loop3A_1014 = arith.index_cast %parallel_loop3A_1011 : i32 to index
          %parallel_loop3A_1015 = tpu.vector_load %arg9[%parallel_loop3A_1013, %parallel_loop3A_1014] {strides = array<i32>} : memref<32x1024xf32, #tpu.memory_space<vmem>>, vector<16xf32>,
          %parallel_loop3A_1016 = arith.mulf %broadcast_in_dim3A_944, %parallel_loop3A_1015 : vector<16xf32>
          %parallel_loop3A_1017 = arith.addf %parallel_loop3A_988, %parallel_loop3A_1016 : vector<16xf32>
          %parallel_loop3A_1018 = arith.constant 16 : i32
          %parallel_loop3A_1019 = arith.muli %parallel_loop3A_981, %parallel_loop3A_1018 : i32
          %parallel_loop3A_1020 = arith.constant 21 : i32
          %parallel_loop3A_1021 = arith.index_cast %parallel_loop3A_1020 : i32 to index
          %parallel_loop3A_1022 = arith.index_cast %parallel_loop3A_1019 : i32 to index
          %parallel_loop3A_1023 = tpu.vector_load %arg9[%parallel_loop3A_1021, %parallel_loop3A_1022] {strides = array<i32>} : memref<32x1024xf32, #tpu.memory_space<vmem>>, vector<16xf32>,
          %parallel_loop3A_1024 = arith.mulf %broadcast_in_dim3A_947, %parallel_loop3A_1023 : vector<16xf32>
          %parallel_loop3A_1025 = arith.addf %parallel_loop3A_995, %parallel_loop3A_1024 : vector<16xf32>
          %parallel_loop3A_1026 = arith.constant 16 : i32
          %parallel_loop3A_1027 = arith.muli %parallel_loop3A_981, %parallel_loop3A_1026 : i32
          %parallel_loop3A_1028 = arith.constant 22 : i32
          %parallel_loop3A_1029 = arith.index_cast %parallel_loop3A_1028 : i32 to index
          %parallel_loop3A_1030 = arith.index_cast %parallel_loop3A_1027 : i32 to index
          %parallel_loop3A_1031 = tpu.vector_load %arg9[%parallel_loop3A_1029, %parallel_loop3A_1030] {strides = array<i32>} : memref<32x1024xf32, #tpu.memory_space<vmem>>, vector<16xf32>,
          %parallel_loop3A_1032 = arith.mulf %broadcast_in_dim3A_950, %parallel_loop3A_1031 : vector<16xf32>
          %parallel_loop3A_1033 = arith.addf %parallel_loop3A_1002, %parallel_loop3A_1032 : vector<16xf32>
          %parallel_loop3A_1034 = arith.constant 16 : i32
          %parallel_loop3A_1035 = arith.muli %parallel_loop3A_981, %parallel_loop3A_1034 : i32
          %parallel_loop3A_1036 = arith.constant 23 : i32
          %parallel_loop3A_1037 = arith.index_cast %parallel_loop3A_1036 : i32 to index
          %parallel_loop3A_1038 = arith.index_cast %parallel_loop3A_1035 : i32 to index
          %parallel_loop3A_1039 = tpu.vector_load %arg9[%parallel_loop3A_1037, %parallel_loop3A_1038] {strides = array<i32>} : memref<32x1024xf32, #tpu.memory_space<vmem>>, vector<16xf32>,
          %parallel_loop3A_1040 = arith.mulf %broadcast_in_dim3A_953, %parallel_loop3A_1039 : vector<16xf32>
          %parallel_loop3A_1041 = arith.addf %parallel_loop3A_1009, %parallel_loop3A_1040 : vector<16xf32>
          %parallel_loop3A_1042 = arith.constant 16 : i32
          %parallel_loop3A_1043 = arith.muli %parallel_loop3A_981, %parallel_loop3A_1042 : i32
          %parallel_loop3A_1044 = arith.constant 24 : i32
          %parallel_loop3A_1045 = arith.index_cast %parallel_loop3A_1044 : i32 to index
          %parallel_loop3A_1046 = arith.index_cast %parallel_loop3A_1043 : i32 to index
          %parallel_loop3A_1047 = tpu.vector_load %arg9[%parallel_loop3A_1045, %parallel_loop3A_1046] {strides = array<i32>} : memref<32x1024xf32, #tpu.memory_space<vmem>>, vector<16xf32>,
          %parallel_loop3A_1048 = arith.mulf %broadcast_in_dim3A_956, %parallel_loop3A_1047 : vector<16xf32>
          %parallel_loop3A_1049 = arith.addf %parallel_loop3A_1017, %parallel_loop3A_1048 : vector<16xf32>
          %parallel_loop3A_1050 = arith.constant 16 : i32
          %parallel_loop3A_1051 = arith.muli %parallel_loop3A_981, %parallel_loop3A_1050 : i32
          %parallel_loop3A_1052 = arith.constant 25 : i32
          %parallel_loop3A_1053 = arith.index_cast %parallel_loop3A_1052 : i32 to index
          %parallel_loop3A_1054 = arith.index_cast %parallel_loop3A_1051 : i32 to index
          %parallel_loop3A_1055 = tpu.vector_load %arg9[%parallel_loop3A_1053, %parallel_loop3A_1054] {strides = array<i32>} : memref<32x1024xf32, #tpu.memory_space<vmem>>, vector<16xf32>,
          %parallel_loop3A_1056 = arith.mulf %broadcast_in_dim3A_959, %parallel_loop3A_1055 : vector<16xf32>
          %parallel_loop3A_1057 = arith.addf %parallel_loop3A_1025, %parallel_loop3A_1056 : vector<16xf32>
          %parallel_loop3A_1058 = arith.constant 16 : i32
          %parallel_loop3A_1059 = arith.muli %parallel_loop3A_981, %parallel_loop3A_1058 : i32
          %parallel_loop3A_1060 = arith.constant 26 : i32
          %parallel_loop3A_1061 = arith.index_cast %parallel_loop3A_1060 : i32 to index
          %parallel_loop3A_1062 = arith.index_cast %parallel_loop3A_1059 : i32 to index
          %parallel_loop3A_1063 = tpu.vector_load %arg9[%parallel_loop3A_1061, %parallel_loop3A_1062] {strides = array<i32>} : memref<32x1024xf32, #tpu.memory_space<vmem>>, vector<16xf32>,
          %parallel_loop3A_1064 = arith.mulf %broadcast_in_dim3A_962, %parallel_loop3A_1063 : vector<16xf32>
          %parallel_loop3A_1065 = arith.addf %parallel_loop3A_1033, %parallel_loop3A_1064 : vector<16xf32>
          %parallel_loop3A_1066 = arith.constant 16 : i32
          %parallel_loop3A_1067 = arith.muli %parallel_loop3A_981, %parallel_loop3A_1066 : i32
          %parallel_loop3A_1068 = arith.constant 27 : i32
          %parallel_loop3A_1069 = arith.index_cast %parallel_loop3A_1068 : i32 to index
          %parallel_loop3A_1070 = arith.index_cast %parallel_loop3A_1067 : i32 to index
          %parallel_loop3A_1071 = tpu.vector_load %arg9[%parallel_loop3A_1069, %parallel_loop3A_1070] {strides = array<i32>} : memref<32x1024xf32, #tpu.memory_space<vmem>>, vector<16xf32>,
          %parallel_loop3A_1072 = arith.mulf %broadcast_in_dim3A_965, %parallel_loop3A_1071 : vector<16xf32>
          %parallel_loop3A_1073 = arith.addf %parallel_loop3A_1041, %parallel_loop3A_1072 : vector<16xf32>
          %parallel_loop3A_1074 = arith.constant 16 : i32
          %parallel_loop3A_1075 = arith.muli %parallel_loop3A_981, %parallel_loop3A_1074 : i32
          %parallel_loop3A_1076 = arith.constant 28 : i32
          %parallel_loop3A_1077 = arith.index_cast %parallel_loop3A_1076 : i32 to index
          %parallel_loop3A_1078 = arith.index_cast %parallel_loop3A_1075 : i32 to index
          %parallel_loop3A_1079 = tpu.vector_load %arg9[%parallel_loop3A_1077, %parallel_loop3A_1078] {strides = array<i32>} : memref<32x1024xf32, #tpu.memory_space<vmem>>, vector<16xf32>,
          %parallel_loop3A_1080 = arith.mulf %broadcast_in_dim3A_968, %parallel_loop3A_1079 : vector<16xf32>
          %parallel_loop3A_1081 = arith.addf %parallel_loop3A_1049, %parallel_loop3A_1080 : vector<16xf32>
          %parallel_loop3A_1082 = arith.constant 16 : i32
          %parallel_loop3A_1083 = arith.muli %parallel_loop3A_981, %parallel_loop3A_1082 : i32
          %parallel_loop3A_1084 = arith.constant 29 : i32
          %parallel_loop3A_1085 = arith.index_cast %parallel_loop3A_1084 : i32 to index
          %parallel_loop3A_1086 = arith.index_cast %parallel_loop3A_1083 : i32 to index
          %parallel_loop3A_1087 = tpu.vector_load %arg9[%parallel_loop3A_1085, %parallel_loop3A_1086] {strides = array<i32>} : memref<32x1024xf32, #tpu.memory_space<vmem>>, vector<16xf32>,
          %parallel_loop3A_1088 = arith.mulf %broadcast_in_dim3A_971, %parallel_loop3A_1087 : vector<16xf32>
          %parallel_loop3A_1089 = arith.addf %parallel_loop3A_1057, %parallel_loop3A_1088 : vector<16xf32>
          %parallel_loop3A_1090 = arith.constant 16 : i32
          %parallel_loop3A_1091 = arith.muli %parallel_loop3A_981, %parallel_loop3A_1090 : i32
          %parallel_loop3A_1092 = arith.constant 30 : i32
          %parallel_loop3A_1093 = arith.index_cast %parallel_loop3A_1092 : i32 to index
          %parallel_loop3A_1094 = arith.index_cast %parallel_loop3A_1091 : i32 to index
          %parallel_loop3A_1095 = tpu.vector_load %arg9[%parallel_loop3A_1093, %parallel_loop3A_1094] {strides = array<i32>} : memref<32x1024xf32, #tpu.memory_space<vmem>>, vector<16xf32>,
          %parallel_loop3A_1096 = arith.mulf %broadcast_in_dim3A_974, %parallel_loop3A_1095 : vector<16xf32>
          %parallel_loop3A_1097 = arith.addf %parallel_loop3A_1065, %parallel_loop3A_1096 : vector<16xf32>
          %parallel_loop3A_1098 = arith.constant 16 : i32
          %parallel_loop3A_1099 = arith.muli %parallel_loop3A_981, %parallel_loop3A_1098 : i32
          %parallel_loop3A_1100 = arith.constant 31 : i32
          %parallel_loop3A_1101 = arith.index_cast %parallel_loop3A_1100 : i32 to index
          %parallel_loop3A_1102 = arith.index_cast %parallel_loop3A_1099 : i32 to index
          %parallel_loop3A_1103 = tpu.vector_load %arg9[%parallel_loop3A_1101, %parallel_loop3A_1102] {strides = array<i32>} : memref<32x1024xf32, #tpu.memory_space<vmem>>, vector<16xf32>,
          %parallel_loop3A_1104 = arith.mulf %broadcast_in_dim3A_977, %parallel_loop3A_1103 : vector<16xf32>
          %parallel_loop3A_1105 = arith.addf %parallel_loop3A_1073, %parallel_loop3A_1104 : vector<16xf32>
          %parallel_loop3A_1106 = arith.constant 16 : i32
          %parallel_loop3A_1107 = arith.muli %parallel_loop3A_981, %parallel_loop3A_1106 : i32
          %parallel_loop3A_1108 = arith.index_cast %parallel_loop3A_1107 : i32 to index
          %parallel_loop3A_1109 = tpu.vector_load %arg13[%parallel_loop3A_1108] {strides = array<i32>} : memref<1024xf32, #tpu.memory_space<vmem>>, vector<16xf32>,
          %parallel_loop3A_1110 = arith.mulf %parallel_loop3A_1109, %exp3A : vector<16xf32>
          %parallel_loop3A_1111 = arith.addf %parallel_loop3A_1081, %parallel_loop3A_1089 : vector<16xf32>
          %parallel_loop3A_1112 = arith.addf %parallel_loop3A_1097, %parallel_loop3A_1105 : vector<16xf32>
          %parallel_loop3A_1113 = arith.addf %parallel_loop3A_1111, %parallel_loop3A_1112 : vector<16xf32>
          %parallel_loop3A_1114 = arith.addf %parallel_loop3A_1113, %parallel_loop3A_1110 : vector<16xf32>
          %parallel_loop3A_1115 = arith.constant 16 : i32
          %parallel_loop3A_1116 = arith.muli %parallel_loop3A_981, %parallel_loop3A_1115 : i32
          %parallel_loop3A_1117 = arith.index_cast %parallel_loop3A_1116 : i32 to index
          %parallel_loop3A_1118 = tpu.vector_load %arg13[%parallel_loop3A_1117] {strides = array<i32>} : memref<1024xf32, #tpu.memory_space<vmem>>, vector<16xf32>,
          tpu.vector_store %arg13[%parallel_loop3A_1117], %parallel_loop3A_1114 {strides = array<i32>} : memref<1024xf32, #tpu.memory_space<vmem>>, vector<16xf32>,
        } {sc.loop_unroll_factor = 1 : i64, sc.parallel_access}
      } else {
      }
      %not3A_900 = arith.constant true
      %not3A_901 = arith.xori %ge3A_896, %not3A_900 : i1
      %convert_element_type3A_902 = arith.extui %not3A_901 : i1 to i32
      %cond3A_903 = arith.constant 0 : i32
      %cond3A_904 = arith.cmpi ne, %convert_element_type3A_902, %cond3A_903 : i32
      scf.if %cond3A_904 {
        %scan3A_905 = arith.constant 0 : i32
        %scan3A_906 = arith.constant 16 : i32
        %scan3A_907 = arith.addi %scan3A_905, %scan3A_906 : i32
        %scan3A_908 = arith.constant 1 : i32
        scf.for %scan3A_910 = %scan3A_905 to %scan3A_907 step %scan3A_908  : i32 {
          %add3A_911 = arith.addi %add3A_742, %scan3A_910 : i32
          %get3A_912 = arith.constant 0 : i32
          %get3A_913 = arith.index_cast %get3A_912 : i32 to index
          %get3A_914 = memref.load %arg19[%get3A_913] : memref<1xi32, #tpu.memory_space<smem>>
          %eq3A_915 = arith.cmpi eq, %add3A_911, %get3A_914 : i32
          %convert_element_type3A_916 = arith.extui %eq3A_915 : i1 to i32
          %cond3A_917 = arith.constant 0 : i32
          %cond3A_918 = arith.cmpi ne, %convert_element_type3A_916, %cond3A_917 : i32
          scf.if %cond3A_918 {
            %get3A_947 = arith.constant 0 : i32
            %get3A_948 = arith.index_cast %get3A_947 : i32 to index
            %get3A_949 = memref.load %arg18[%get3A_948] : memref<1xi32, #tpu.memory_space<smem>>
            %eq3A_950 = vector.broadcast %get3A_949 : i32 to vector<16xi32>
            %eq3A_951 = arith.cmpi eq, %iota3A, %eq3A_950 : vector<16xi32>
            %get3A_952 = arith.constant 0 : i32
            %get3A_953 = arith.index_cast %get3A_952 : i32 to index
            %get3A_954 = memref.load %arg17[%get3A_953] : memref<1xf32, #tpu.memory_space<smem>>
            %broadcast_in_dim3A_955 = vector.broadcast %get3A_954 : f32 to vector<16xf32>
            %get3A_956 = arith.constant 0 : index
            %get3A_957 = tpu.vector_load %arg15[%get3A_956] {strides = array<i32>} : memref<16xf32, #tpu.memory_space<vmem>>, vector<16xf32>,
            %select_n3A_958 = arith.select %eq3A_951, %broadcast_in_dim3A_955, %get3A_957 : vector<16xi1>, vector<16xf32>
            %swap3A_959 = arith.constant 0 : index
            %swap3A_960 = tpu.vector_load %arg15[%swap3A_959] {strides = array<i32>} : memref<16xf32, #tpu.memory_space<vmem>>, vector<16xf32>,
            tpu.vector_store %arg15[%swap3A_959], %select_n3A_958 {strides = array<i32>} : memref<16xf32, #tpu.memory_space<vmem>>, vector<16xf32>,
            %get3A_961 = arith.constant 0 : index
            %get3A_962 = tpu.vector_load %arg14[%get3A_961] {strides = array<i32>} : memref<16xf32, #tpu.memory_space<vmem>>, vector<16xf32>,
            %get3A_963 = arith.constant 0 : index
            %get3A_964 = tpu.vector_load %arg16[%get3A_963] {strides = array<i32>} : memref<16xf32, #tpu.memory_space<vmem>>, vector<16xf32>,
            %select_n3A_965 = arith.select %eq3A_951, %get3A_962, %get3A_964 : vector<16xi1>, vector<16xf32>
            %swap3A_966 = arith.constant 0 : index
            %swap3A_967 = tpu.vector_load %arg16[%swap3A_966] {strides = array<i32>} : memref<16xf32, #tpu.memory_space<vmem>>, vector<16xf32>,
            tpu.vector_store %arg16[%swap3A_966], %select_n3A_965 {strides = array<i32>} : memref<16xf32, #tpu.memory_space<vmem>>, vector<16xf32>,
            %scan3A_968 = arith.constant 0 : i32
            %scan3A_969 = arith.constant 64 : i32
            %scan3A_970 = arith.addi %scan3A_968, %scan3A_969 : i32
            %scan3A_971 = arith.constant 1 : i32
            scf.for %scan3A_1002 = %scan3A_968 to %scan3A_970 step %scan3A_971  : i32 {
              %mul3A_1003 = arith.constant 16 : i32
              %mul3A_1004 = arith.muli %scan3A_1002, %mul3A_1003 : i32
              %get3A_1005 = arith.index_cast %mul3A_1004 : i32 to index
              %get3A_1006 = tpu.vector_load %arg13[%get3A_1005] {strides = array<i32>} : memref<1024xf32, #tpu.memory_space<vmem>>, vector<16xf32>,
              %mul3A_1007 = arith.constant 16 : i32
              %mul3A_1008 = arith.muli %scan3A_1002, %mul3A_1007 : i32
              %swap3A_1009 = arith.index_cast %get3A_949 : i32 to index
              %swap3A_1010 = arith.index_cast %mul3A_1008 : i32 to index
              %swap3A_1011 = tpu.vector_load %arg12[%swap3A_1009, %swap3A_1010] {strides = array<i32>} : memref<16x1024xf32, #tpu.memory_space<vmem>>, vector<16xf32>,
              tpu.vector_store %arg12[%swap3A_1009, %swap3A_1010], %get3A_1006 {strides = array<i32>} : memref<16x1024xf32, #tpu.memory_space<vmem>>, vector<16xf32>,
              %mul3A_1012 = arith.constant 16 : i32
              %mul3A_1013 = arith.muli %scan3A_1002, %mul3A_1012 : i32
              %swap3A_1014 = arith.index_cast %mul3A_1013 : i32 to index
              %swap3A_1015 = tpu.vector_load %arg13[%swap3A_1014] {strides = array<i32>} : memref<1024xf32, #tpu.memory_space<vmem>>, vector<16xf32>,
              tpu.vector_store %arg13[%swap3A_1014], %broadcast_in_dim3A_3 {strides = array<i32>} : memref<1024xf32, #tpu.memory_space<vmem>>, vector<16xf32>,
            }
            %scan3A_972 = arith.constant 64 : i32
            %swap3A_973 = arith.constant 0 : index
            %swap3A_974 = tpu.vector_load %arg14[%swap3A_973] {strides = array<i32>} : memref<16xf32, #tpu.memory_space<vmem>>, vector<16xf32>,
            tpu.vector_store %arg14[%swap3A_973], %broadcast_in_dim3A_3 {strides = array<i32>} : memref<16xf32, #tpu.memory_space<vmem>>, vector<16xf32>,
            %swap3A_975 = arith.constant -1.000000e+30 : f32
            %swap3A_976 = arith.constant 0 : i32
            %swap3A_977 = arith.index_cast %swap3A_976 : i32 to index
            %swap3A_978 = memref.load %arg17[%swap3A_977] : memref<1xf32, #tpu.memory_space<smem>>
            memref.store %swap3A_975, %arg17[%swap3A_977] : memref<1xf32, #tpu.memory_space<smem>>
            %add3A_979 = arith.constant 1 : i32
            %add3A_980 = arith.addi %get3A_949, %add3A_979 : i32
            %swap3A_981 = arith.constant 0 : i32
            %swap3A_982 = arith.index_cast %swap3A_981 : i32 to index
            %swap3A_983 = memref.load %arg18[%swap3A_982] : memref<1xi32, #tpu.memory_space<smem>>
            memref.store %add3A_980, %arg18[%swap3A_982] : memref<1xi32, #tpu.memory_space<smem>>
            %add3A_984 = arith.constant 1 : i32
            %add3A_985 = arith.addi %get3A_949, %add3A_984 : i32
            %eq3A_986 = vector.broadcast %add3A_985 : i32 to vector<16xi32>
            %eq3A_987 = arith.cmpi eq, %iota3A, %eq3A_986 : vector<16xi32>
            %jit3A_988 = arith.constant 0 : i32
            %broadcast_in_dim3A_989 = vector.broadcast %jit3A_988 : i32 to vector<16xi32>
            %select_n3A_990 = arith.select %eq3A_987, %get3A_19, %broadcast_in_dim3A_989 : vector<16xi1>, vector<16xi32>
            %reduce_max3A_991 = arith.constant true
            %reduce_max3A_992 = vector.broadcast %reduce_max3A_991 : i1 to vector<16xi1>
            %reduce_max3A_993 = arith.constant -2147483648 : i32
            %reduce_max3A_994 = vector.broadcast %reduce_max3A_993 : i32 to vector<16xi32>
            %reduce_max3A_995 = arith.xori %select_n3A_990, %reduce_max3A_994 : vector<16xi32>
            %reduce_max3A_996 = tpu.scan <max>, %reduce_max3A_995 masked %reduce_max3A_992 : vector<16xi32>, vector<16xi1> -> vector<16xi32>
            %reduce_max3A_997 = arith.xori %reduce_max3A_996, %reduce_max3A_994 : vector<16xi32>
            %reduce_max3A_998 = vector.extract %reduce_max3A_997[15] : i32 from vector<16xi32>
            %swap3A_999 = arith.constant 0 : i32
            %swap3A_1000 = arith.index_cast %swap3A_999 : i32 to index
            %swap3A_1001 = memref.load %arg19[%swap3A_1000] : memref<1xi32, #tpu.memory_space<smem>>
            memref.store %reduce_max3A_998, %arg19[%swap3A_1000] : memref<1xi32, #tpu.memory_space<smem>>
          } else {
          }
          %eq3A_919 = vector.broadcast %scan3A_910 : i32 to vector<16xi32>
          %eq3A_920 = arith.cmpi eq, %iota3A, %eq3A_919 : vector<16xi32>
          %select_n3A_921 = arith.select %eq3A_920, %select_n3A_890, %broadcast_in_dim3A_9 : vector<16xi1>, vector<16xf32>
          %reduce_max3A_922 = arith.constant true
          %reduce_max3A_923 = vector.broadcast %reduce_max3A_922 : i1 to vector<16xi1>
          %reduce_max3A_924 = tpu.scan <max>, %select_n3A_921 masked %reduce_max3A_923 : vector<16xf32>, vector<16xi1> -> vector<16xf32>
          %reduce_max3A_925 = vector.extract %reduce_max3A_924[15] : f32 from vector<16xf32>
          %get3A_926 = arith.constant 0 : i32
          %get3A_927 = arith.index_cast %get3A_926 : i32 to index
          %get3A_928 = memref.load %arg17[%get3A_927] : memref<1xf32, #tpu.memory_space<smem>>
          %max3A = arith.maximumf %get3A_928, %reduce_max3A_925 : f32
          %sub3A = arith.subf %get3A_928, %max3A : f32
          %broadcast_in_dim3A_929 = vector.broadcast %sub3A : f32 to vector<16xf32>
          %exp3A = math.exp %broadcast_in_dim3A_929 : vector<16xf32>
          %sub3A_930 = arith.subf %reduce_max3A_925, %max3A : f32
          %broadcast_in_dim3A_931 = vector.broadcast %sub3A_930 : f32 to vector<16xf32>
          %exp3A_932 = math.exp %broadcast_in_dim3A_931 : vector<16xf32>
          %get3A_933 = arith.constant 0 : index
          %get3A_934 = tpu.vector_load %arg14[%get3A_933] {strides = array<i32>} : memref<16xf32, #tpu.memory_space<vmem>>, vector<16xf32>,
          %mul3A_935 = arith.mulf %get3A_934, %exp3A : vector<16xf32>
          %add3A_936 = arith.addf %mul3A_935, %exp3A_932 : vector<16xf32>
          %swap3A_937 = arith.constant 0 : index
          %swap3A_938 = tpu.vector_load %arg14[%swap3A_937] {strides = array<i32>} : memref<16xf32, #tpu.memory_space<vmem>>, vector<16xf32>,
          tpu.vector_store %arg14[%swap3A_937], %add3A_936 {strides = array<i32>} : memref<16xf32, #tpu.memory_space<vmem>>, vector<16xf32>,
          %swap3A_939 = arith.constant 0 : i32
          %swap3A_940 = arith.index_cast %swap3A_939 : i32 to index
          %swap3A_941 = memref.load %arg17[%swap3A_940] : memref<1xf32, #tpu.memory_space<smem>>
          memref.store %max3A, %arg17[%swap3A_940] : memref<1xf32, #tpu.memory_space<smem>>
          %scan3A_942 = arith.constant 0 : i32
          %scan3A_943 = arith.constant 64 : i32
          %scan3A_944 = arith.addi %scan3A_942, %scan3A_943 : i32
          %scan3A_945 = arith.constant 1 : i32
          scf.for %scan3A_947 = %scan3A_942 to %scan3A_944 step %scan3A_945  : i32 {
            %mul3A_948 = arith.constant 16 : i32
            %mul3A_949 = arith.muli %scan3A_947, %mul3A_948 : i32
            %get3A_950 = arith.index_cast %mul3A_949 : i32 to index
            %get3A_951 = tpu.vector_load %arg13[%get3A_950] {strides = array<i32>} : memref<1024xf32, #tpu.memory_space<vmem>>, vector<16xf32>,
            %mul3A_952 = arith.mulf %get3A_951, %exp3A : vector<16xf32>
            %add3A_953 = arith.constant 16 : i32
            %add3A_954 = arith.addi %add3A_953, %scan3A_910 : i32
            %mul3A_955 = arith.constant 16 : i32
            %mul3A_956 = arith.muli %scan3A_947, %mul3A_955 : i32
            %get3A_957 = arith.index_cast %add3A_954 : i32 to index
            %get3A_958 = arith.index_cast %mul3A_956 : i32 to index
            %get3A_959 = tpu.vector_load %arg9[%get3A_957, %get3A_958] {strides = array<i32>} : memref<32x1024xf32, #tpu.memory_space<vmem>>, vector<16xf32>,
            %mul3A_960 = arith.mulf %exp3A_932, %get3A_959 : vector<16xf32>
            %add3A_961 = arith.addf %mul3A_952, %mul3A_960 : vector<16xf32>
            %mul3A_962 = arith.constant 16 : i32
            %mul3A_963 = arith.muli %scan3A_947, %mul3A_962 : i32
            %swap3A_964 = arith.index_cast %mul3A_963 : i32 to index
            %swap3A_965 = tpu.vector_load %arg13[%swap3A_964] {strides = array<i32>} : memref<1024xf32, #tpu.memory_space<vmem>>, vector<16xf32>,
            tpu.vector_store %arg13[%swap3A_964], %add3A_961 {strides = array<i32>} : memref<1024xf32, #tpu.memory_space<vmem>>, vector<16xf32>,
          }
          %scan3A_946 = arith.constant 64 : i32
        }
        %scan3A_909 = arith.constant 16 : i32
      } else {
      }
    }
    %scan3A_145 = arith.constant 16 : i32
    %dma_wait3A = arith.constant 0 : i32
    %dma_wait3A_146 = arith.constant 0 : i32
    %dma_wait3A_147 = tpu.memref_slice %arg2[%dma_wait3A, %dma_wait3A_146] : memref<32768x1024xf32, #tpu.memory_space<hbm>> -> memref<32x1024xf32, #tpu.memory_space<hbm>>
    %dma_wait3A_148 = arith.constant 0 : i32
    %dma_wait3A_149 = arith.constant 0 : i32
    %dma_wait3A_150 = tpu.memref_slice %arg2[%dma_wait3A_148, %dma_wait3A_149] : memref<32768x1024xf32, #tpu.memory_space<hbm>> -> memref<32x1024xf32, #tpu.memory_space<hbm>>
    tpu.wait_dma2 semaphore(%arg20 : memref<!tpu.dma_semaphore, #tpu.memory_space<semaphore_mem>>) src(%dma_wait3A_150 : memref<32x1024xf32, #tpu.memory_space<hbm>>) dst(%arg8 : memref<32x1024xf32, #tpu.memory_space<vmem>>)
    %get3A_151 = arith.constant 0 : i32
    %get3A_152 = arith.index_cast %get3A_151 : i32 to index
    %get3A_153 = memref.load %arg18[%get3A_152] : memref<1xi32, #tpu.memory_space<smem>>
    %eq3A_154 = vector.broadcast %get3A_153 : i32 to vector<16xi32>
    %eq3A_155 = arith.cmpi eq, %iota3A, %eq3A_154 : vector<16xi32>
    %get3A_156 = arith.constant 0 : i32
    %get3A_157 = arith.index_cast %get3A_156 : i32 to index
    %get3A_158 = memref.load %arg17[%get3A_157] : memref<1xf32, #tpu.memory_space<smem>>
    %broadcast_in_dim3A_159 = vector.broadcast %get3A_158 : f32 to vector<16xf32>
    %get3A_160 = arith.constant 0 : index
    %get3A_161 = tpu.vector_load %arg15[%get3A_160] {strides = array<i32>} : memref<16xf32, #tpu.memory_space<vmem>>, vector<16xf32>,
    %select_n3A_162 = arith.select %eq3A_155, %broadcast_in_dim3A_159, %get3A_161 : vector<16xi1>, vector<16xf32>
    %swap3A_163 = arith.constant 0 : index
    %swap3A_164 = tpu.vector_load %arg15[%swap3A_163] {strides = array<i32>} : memref<16xf32, #tpu.memory_space<vmem>>, vector<16xf32>,
    tpu.vector_store %arg15[%swap3A_163], %select_n3A_162 {strides = array<i32>} : memref<16xf32, #tpu.memory_space<vmem>>, vector<16xf32>,
    %get3A_165 = arith.constant 0 : index
    %get3A_166 = tpu.vector_load %arg14[%get3A_165] {strides = array<i32>} : memref<16xf32, #tpu.memory_space<vmem>>, vector<16xf32>,
    %get3A_167 = arith.constant 0 : index
    %get3A_168 = tpu.vector_load %arg16[%get3A_167] {strides = array<i32>} : memref<16xf32, #tpu.memory_space<vmem>>, vector<16xf32>,
    %select_n3A_169 = arith.select %eq3A_155, %get3A_166, %get3A_168 : vector<16xi1>, vector<16xf32>
    %swap3A_170 = arith.constant 0 : index
    %swap3A_171 = tpu.vector_load %arg16[%swap3A_170] {strides = array<i32>} : memref<16xf32, #tpu.memory_space<vmem>>, vector<16xf32>,
    tpu.vector_store %arg16[%swap3A_170], %select_n3A_169 {strides = array<i32>} : memref<16xf32, #tpu.memory_space<vmem>>, vector<16xf32>,
    %scan3A_172 = arith.constant 0 : i32
    %scan3A_173 = arith.constant 64 : i32
    %scan3A_174 = arith.addi %scan3A_172, %scan3A_173 : i32
    %scan3A_175 = arith.constant 1 : i32
    scf.for %scan3A_206 = %scan3A_172 to %scan3A_174 step %scan3A_175  : i32 {
      %mul3A_207 = arith.constant 16 : i32
      %mul3A_208 = arith.muli %scan3A_206, %mul3A_207 : i32
      %get3A_209 = arith.index_cast %mul3A_208 : i32 to index
      %get3A_210 = tpu.vector_load %arg13[%get3A_209] {strides = array<i32>} : memref<1024xf32, #tpu.memory_space<vmem>>, vector<16xf32>,
      %mul3A_211 = arith.constant 16 : i32
      %mul3A_212 = arith.muli %scan3A_206, %mul3A_211 : i32
      %swap3A_213 = arith.index_cast %get3A_153 : i32 to index
      %swap3A_214 = arith.index_cast %mul3A_212 : i32 to index
      %swap3A_215 = tpu.vector_load %arg12[%swap3A_213, %swap3A_214] {strides = array<i32>} : memref<16x1024xf32, #tpu.memory_space<vmem>>, vector<16xf32>,
      tpu.vector_store %arg12[%swap3A_213, %swap3A_214], %get3A_210 {strides = array<i32>} : memref<16x1024xf32, #tpu.memory_space<vmem>>, vector<16xf32>,
      %mul3A_216 = arith.constant 16 : i32
      %mul3A_217 = arith.muli %scan3A_206, %mul3A_216 : i32
      %swap3A_218 = arith.index_cast %mul3A_217 : i32 to index
      %swap3A_219 = tpu.vector_load %arg13[%swap3A_218] {strides = array<i32>} : memref<1024xf32, #tpu.memory_space<vmem>>, vector<16xf32>,
      tpu.vector_store %arg13[%swap3A_218], %broadcast_in_dim3A_3 {strides = array<i32>} : memref<1024xf32, #tpu.memory_space<vmem>>, vector<16xf32>,
    }
    %scan3A_176 = arith.constant 64 : i32
    %swap3A_177 = arith.constant 0 : index
    %swap3A_178 = tpu.vector_load %arg14[%swap3A_177] {strides = array<i32>} : memref<16xf32, #tpu.memory_space<vmem>>, vector<16xf32>,
    tpu.vector_store %arg14[%swap3A_177], %broadcast_in_dim3A_3 {strides = array<i32>} : memref<16xf32, #tpu.memory_space<vmem>>, vector<16xf32>,
    %swap3A_179 = arith.constant -1.000000e+30 : f32
    %swap3A_180 = arith.constant 0 : i32
    %swap3A_181 = arith.index_cast %swap3A_180 : i32 to index
    %swap3A_182 = memref.load %arg17[%swap3A_181] : memref<1xf32, #tpu.memory_space<smem>>
    memref.store %swap3A_179, %arg17[%swap3A_181] : memref<1xf32, #tpu.memory_space<smem>>
    %add3A_183 = arith.constant 1 : i32
    %add3A_184 = arith.addi %get3A_153, %add3A_183 : i32
    %swap3A_185 = arith.constant 0 : i32
    %swap3A_186 = arith.index_cast %swap3A_185 : i32 to index
    %swap3A_187 = memref.load %arg18[%swap3A_186] : memref<1xi32, #tpu.memory_space<smem>>
    memref.store %add3A_184, %arg18[%swap3A_186] : memref<1xi32, #tpu.memory_space<smem>>
    %add3A_188 = arith.constant 1 : i32
    %add3A_189 = arith.addi %get3A_153, %add3A_188 : i32
    %eq3A_190 = vector.broadcast %add3A_189 : i32 to vector<16xi32>
    %eq3A_191 = arith.cmpi eq, %iota3A, %eq3A_190 : vector<16xi32>
    %jit3A_192 = arith.constant 0 : i32
    %broadcast_in_dim3A_193 = vector.broadcast %jit3A_192 : i32 to vector<16xi32>
    %select_n3A_194 = arith.select %eq3A_191, %get3A_19, %broadcast_in_dim3A_193 : vector<16xi1>, vector<16xi32>
    %reduce_max3A_195 = arith.constant true
    %reduce_max3A_196 = vector.broadcast %reduce_max3A_195 : i1 to vector<16xi1>
    %reduce_max3A_197 = arith.constant -2147483648 : i32
    %reduce_max3A_198 = vector.broadcast %reduce_max3A_197 : i32 to vector<16xi32>
    %reduce_max3A_199 = arith.xori %select_n3A_194, %reduce_max3A_198 : vector<16xi32>
    %reduce_max3A_200 = tpu.scan <max>, %reduce_max3A_199 masked %reduce_max3A_196 : vector<16xi32>, vector<16xi1> -> vector<16xi32>
    %reduce_max3A_201 = arith.xori %reduce_max3A_200, %reduce_max3A_198 : vector<16xi32>
    %reduce_max3A_202 = vector.extract %reduce_max3A_201[15] : i32 from vector<16xi32>
    %swap3A_203 = arith.constant 0 : i32
    %swap3A_204 = arith.index_cast %swap3A_203 : i32 to index
    %swap3A_205 = memref.load %arg19[%swap3A_204] : memref<1xi32, #tpu.memory_space<smem>>
    memref.store %reduce_max3A_202, %arg19[%swap3A_204] : memref<1xi32, #tpu.memory_space<smem>>
    "tpu.region"() ({
      %run_scoped3A = tpu.sem_alloc : memref<!tpu.dma_semaphore, #tpu.memory_space<semaphore_mem>>
      %dma_start3A_206 = arith.constant 0 : i32
      %dma_start3A_207 = arith.constant 0 : i32
      %dma_start3A_208 = tpu.memref_slice %arg5[%add3A, %dma_start3A_206, %dma_start3A_207] : memref<32x16x1024xf32, #tpu.memory_space<hbm>> -> memref<1x16x1024xf32, #tpu.memory_space<hbm>>
      %dma_start3A_209 = tpu.memref_squeeze %dma_start3A_208 : memref<1x16x1024xf32, #tpu.memory_space<hbm>> -> memref<16x1024xf32, #tpu.memory_space<hbm>>
      %dma_start3A_210 = arith.constant 0 : i32
      %dma_start3A_211 = arith.constant 0 : i32
      %dma_start3A_212 = tpu.memref_slice %arg5[%add3A, %dma_start3A_210, %dma_start3A_211] : memref<32x16x1024xf32, #tpu.memory_space<hbm>> -> memref<1x16x1024xf32, #tpu.memory_space<hbm>>
      %dma_start3A_213 = tpu.memref_squeeze %dma_start3A_212 : memref<1x16x1024xf32, #tpu.memory_space<hbm>> -> memref<16x1024xf32, #tpu.memory_space<hbm>>
      tpu.enqueue_dma source(%arg12 : memref<16x1024xf32, #tpu.memory_space<vmem>>) target(%dma_start3A_213 : memref<16x1024xf32, #tpu.memory_space<hbm>>) target_semaphore(%run_scoped3A : memref<!tpu.dma_semaphore, #tpu.memory_space<semaphore_mem>>)
      %dma_wait3A_214 = arith.constant 0 : i32
      %dma_wait3A_215 = arith.constant 0 : i32
      %dma_wait3A_216 = tpu.memref_slice %arg5[%add3A, %dma_wait3A_214, %dma_wait3A_215] : memref<32x16x1024xf32, #tpu.memory_space<hbm>> -> memref<1x16x1024xf32, #tpu.memory_space<hbm>>
      %dma_wait3A_217 = tpu.memref_squeeze %dma_wait3A_216 : memref<1x16x1024xf32, #tpu.memory_space<hbm>> -> memref<16x1024xf32, #tpu.memory_space<hbm>>
      %dma_wait3A_218 = arith.constant 0 : i32
      %dma_wait3A_219 = arith.constant 0 : i32
      %dma_wait3A_220 = tpu.memref_slice %arg5[%add3A, %dma_wait3A_218, %dma_wait3A_219] : memref<32x16x1024xf32, #tpu.memory_space<hbm>> -> memref<1x16x1024xf32, #tpu.memory_space<hbm>>
      %dma_wait3A_221 = tpu.memref_squeeze %dma_wait3A_220 : memref<1x16x1024xf32, #tpu.memory_space<hbm>> -> memref<16x1024xf32, #tpu.memory_space<hbm>>
      tpu.wait_dma2 semaphore(%run_scoped3A : memref<!tpu.dma_semaphore, #tpu.memory_space<semaphore_mem>>) src(%arg12 : memref<16x1024xf32, #tpu.memory_space<vmem>>) dst(%dma_wait3A_221 : memref<16x1024xf32, #tpu.memory_space<hbm>>)
      tpu.yield
    }) : () -> ()
    "tpu.region"() ({
      %run_scoped3A = tpu.sem_alloc : memref<!tpu.dma_semaphore, #tpu.memory_space<semaphore_mem>>
      %dma_start3A_206 = arith.constant 0 : i32
      %dma_start3A_207 = tpu.memref_slice %arg6[%add3A, %dma_start3A_206] : memref<32x16xf32, #tpu.memory_space<hbm>> -> memref<1x16xf32, #tpu.memory_space<hbm>>
      %dma_start3A_208 = tpu.memref_squeeze %dma_start3A_207 : memref<1x16xf32, #tpu.memory_space<hbm>> -> memref<16xf32, #tpu.memory_space<hbm>>
      %dma_start3A_209 = arith.constant 0 : i32
      %dma_start3A_210 = tpu.memref_slice %arg6[%add3A, %dma_start3A_209] : memref<32x16xf32, #tpu.memory_space<hbm>> -> memref<1x16xf32, #tpu.memory_space<hbm>>
      %dma_start3A_211 = tpu.memref_squeeze %dma_start3A_210 : memref<1x16xf32, #tpu.memory_space<hbm>> -> memref<16xf32, #tpu.memory_space<hbm>>
      tpu.enqueue_dma source(%arg15 : memref<16xf32, #tpu.memory_space<vmem>>) target(%dma_start3A_211 : memref<16xf32, #tpu.memory_space<hbm>>) target_semaphore(%run_scoped3A : memref<!tpu.dma_semaphore, #tpu.memory_space<semaphore_mem>>)
      %dma_wait3A_212 = arith.constant 0 : i32
      %dma_wait3A_213 = tpu.memref_slice %arg6[%add3A, %dma_wait3A_212] : memref<32x16xf32, #tpu.memory_space<hbm>> -> memref<1x16xf32, #tpu.memory_space<hbm>>
      %dma_wait3A_214 = tpu.memref_squeeze %dma_wait3A_213 : memref<1x16xf32, #tpu.memory_space<hbm>> -> memref<16xf32, #tpu.memory_space<hbm>>
      %dma_wait3A_215 = arith.constant 0 : i32
      %dma_wait3A_216 = tpu.memref_slice %arg6[%add3A, %dma_wait3A_215] : memref<32x16xf32, #tpu.memory_space<hbm>> -> memref<1x16xf32, #tpu.memory_space<hbm>>
      %dma_wait3A_217 = tpu.memref_squeeze %dma_wait3A_216 : memref<1x16xf32, #tpu.memory_space<hbm>> -> memref<16xf32, #tpu.memory_space<hbm>>
      tpu.wait_dma2 semaphore(%run_scoped3A : memref<!tpu.dma_semaphore, #tpu.memory_space<semaphore_mem>>) src(%arg15 : memref<16xf32, #tpu.memory_space<vmem>>) dst(%dma_wait3A_217 : memref<16xf32, #tpu.memory_space<hbm>>)
      tpu.yield
    }) : () -> ()
    "tpu.region"() ({
      %run_scoped3A = tpu.sem_alloc : memref<!tpu.dma_semaphore, #tpu.memory_space<semaphore_mem>>
      %dma_start3A_206 = arith.constant 0 : i32
      %dma_start3A_207 = tpu.memref_slice %arg7[%add3A, %dma_start3A_206] : memref<32x16xf32, #tpu.memory_space<hbm>> -> memref<1x16xf32, #tpu.memory_space<hbm>>
      %dma_start3A_208 = tpu.memref_squeeze %dma_start3A_207 : memref<1x16xf32, #tpu.memory_space<hbm>> -> memref<16xf32, #tpu.memory_space<hbm>>
      %dma_start3A_209 = arith.constant 0 : i32
      %dma_start3A_210 = tpu.memref_slice %arg7[%add3A, %dma_start3A_209] : memref<32x16xf32, #tpu.memory_space<hbm>> -> memref<1x16xf32, #tpu.memory_space<hbm>>
      %dma_start3A_211 = tpu.memref_squeeze %dma_start3A_210 : memref<1x16xf32, #tpu.memory_space<hbm>> -> memref<16xf32, #tpu.memory_space<hbm>>
      tpu.enqueue_dma source(%arg16 : memref<16xf32, #tpu.memory_space<vmem>>) target(%dma_start3A_211 : memref<16xf32, #tpu.memory_space<hbm>>) target_semaphore(%run_scoped3A : memref<!tpu.dma_semaphore, #tpu.memory_space<semaphore_mem>>)
      %dma_wait3A_212 = arith.constant 0 : i32
      %dma_wait3A_213 = tpu.memref_slice %arg7[%add3A, %dma_wait3A_212] : memref<32x16xf32, #tpu.memory_space<hbm>> -> memref<1x16xf32, #tpu.memory_space<hbm>>
      %dma_wait3A_214 = tpu.memref_squeeze %dma_wait3A_213 : memref<1x16xf32, #tpu.memory_space<hbm>> -> memref<16xf32, #tpu.memory_space<hbm>>
      %dma_wait3A_215 = arith.constant 0 : i32
      %dma_wait3A_216 = tpu.memref_slice %arg7[%add3A, %dma_wait3A_215] : memref<32x16xf32, #tpu.memory_space<hbm>> -> memref<1x16xf32, #tpu.memory_space<hbm>>
      %dma_wait3A_217 = tpu.memref_squeeze %dma_wait3A_216 : memref<1x16xf32, #tpu.memory_space<hbm>> -> memref<16xf32, #tpu.memory_space<hbm>>
      tpu.wait_dma2 semaphore(%run_scoped3A : memref<!tpu.dma_semaphore, #tpu.memory_space<semaphore_mem>>) src(%arg16 : memref<16xf32, #tpu.memory_space<vmem>>) dst(%dma_wait3A_217 : memref<16xf32, #tpu.memory_space<hbm>>)
      tpu.yield
    }) : () -> ()
    return
  }
}

module attributes {stable_mosaic.version = 14 : i64} {
  func.func @_combine_kernel(%arg0: memref<32x16x1024xf32, #tpu.memory_space<vmem>>, %arg1: memref<32x16xf32, #tpu.memory_space<vmem>>, %arg2: memref<32x16xf32, #tpu.memory_space<vmem>>, %arg3: memref<16x1024xf32, #tpu.memory_space<vmem>>) attributes {dimension_semantics = [], scalar_prefetch = 0 : i64, scratch_operands = 0 : i64, tpu.core_type = #tpu.core_type<tc>} {
    %get3A = arith.constant 0 : index
    %get3A_0 = arith.constant 0 : index
    %get3A_1 = vector.load %arg1[%get3A, %get3A_0] : memref<32x16xf32, #tpu.memory_space<vmem>>, vector<32x16xf32>
    %get3A_2 = arith.constant 0 : index
    %get3A_3 = arith.constant 0 : index
    %get3A_4 = vector.load %arg2[%get3A_2, %get3A_3] : memref<32x16xf32, #tpu.memory_space<vmem>>, vector<32x16xf32>
    %reduce_max3A = arith.constant dense<0xFF800000> : vector<16xf32>
    %reduce_max3A_5 = vector.multi_reduction <maximumf>, %get3A_1, %reduce_max3A [0] : vector<32x16xf32> to vector<16xf32>
    %broadcast_in_dim3A = vector.shape_cast %reduce_max3A_5 : vector<16xf32> to vector<1x16xf32>
    %sub3A = vector.broadcast %broadcast_in_dim3A : vector<1x16xf32> to vector<32x16xf32>
    %sub3A_6 = arith.subf %get3A_1, %sub3A : vector<32x16xf32>
    %exp3A = math.exp %sub3A_6 : vector<32x16xf32>
    %mul3A = arith.mulf %exp3A, %get3A_4 : vector<32x16xf32>
    %reduce_sum3A = arith.constant dense<0.000000e+00> : vector<16xf32>
    %reduce_sum3A_7 = vector.multi_reduction <add>, %mul3A, %reduce_sum3A [0] : vector<32x16xf32> to vector<16xf32>
    %broadcast_in_dim3A_8 = vector.shape_cast %exp3A : vector<32x16xf32> to vector<32x16x1xf32>
    %gt3A = arith.constant 0.000000e+00 : f32
    %gt3A_9 = vector.broadcast %gt3A : f32 to vector<32x16x1xf32>
    %gt3A_10 = arith.cmpf ogt, %broadcast_in_dim3A_8, %gt3A_9 : vector<32x16x1xf32>
    %get3A_11 = arith.constant 0 : index
    %get3A_12 = arith.constant 0 : index
    %get3A_13 = arith.constant 0 : index
    %get3A_14 = vector.load %arg0[%get3A_11, %get3A_12, %get3A_13] : memref<32x16x1024xf32, #tpu.memory_space<vmem>>, vector<32x16x1024xf32>
    %mul3A_15 = vector.broadcast %broadcast_in_dim3A_8 : vector<32x16x1xf32> to vector<32x16x1024xf32>
    %mul3A_16 = arith.mulf %get3A_14, %mul3A_15 : vector<32x16x1024xf32>
    %jit3A = arith.constant 0.000000e+00 : f32
    %broadcast_in_dim3A_17 = vector.shape_cast %gt3A_10 : vector<32x16x1xi1> to vector<32x16x1xi1>
    %broadcast_in_dim3A_18 = vector.broadcast %broadcast_in_dim3A_17 : vector<32x16x1xi1> to vector<32x16x1024xi1>
    %broadcast_in_dim3A_19 = vector.broadcast %jit3A : f32 to vector<32x16x1024xf32>
    %select_n3A = arith.select %broadcast_in_dim3A_18, %mul3A_16, %broadcast_in_dim3A_19 : vector<32x16x1024xi1>, vector<32x16x1024xf32>
    %reduce_sum3A_20 = arith.constant dense<0.000000e+00> : vector<16x1024xf32>
    %reduce_sum3A_21 = vector.multi_reduction <add>, %select_n3A, %reduce_sum3A_20 [0] : vector<32x16x1024xf32> to vector<16x1024xf32>
    %broadcast_in_dim3A_22 = vector.shape_cast %reduce_sum3A_7 : vector<16xf32> to vector<16x1xf32>
    %div3A = vector.broadcast %broadcast_in_dim3A_22 : vector<16x1xf32> to vector<16x1024xf32>
    %div3A_23 = arith.divf %reduce_sum3A_21, %div3A : vector<16x1024xf32>
    %swap3A = arith.constant 0 : index
    %swap3A_24 = arith.constant 0 : index
    %swap3A_25 = vector.load %arg3[%swap3A, %swap3A_24] : memref<16x1024xf32, #tpu.memory_space<vmem>>, vector<16x1024xf32>
    tpu.vector_store %arg3[%swap3A, %swap3A_24], %div3A_23 {strides = array<i32>} : memref<16x1024xf32, #tpu.memory_space<vmem>>, vector<16x1024xf32>,
    return
  }
}

</mosaic_0001>

<sc_bundles>
// kernel: kernel.4.cloned.1.call-start
scs
__scs_entry_jumppad:
0x0: {  	(pc) =	sbr.rel $0x88, $3  }
0x1: {  	(tag) =	ssettag $0x0;
	lr =	simm.s32 $0x1  }
0x2: {  	[smem:$0x3F9E] =	sst lr;
	_ =	strace $0xD0000000  }
0x3: {  	_ = 	snop  }
0x4: {  	_ = 	snop  }
0x5: {  	_ = 	snop  }
0x6: {  	_ = 	snop  }
0x7: {  	_ = 	snop  }
__scs_overlays_trampoline_lowered:
0x8: {  	[smem:$0x3FAD] =	sst s0  }
0x9: {  	[smem:$0x3FAE] =	sst s1  }
0xa: {  	[smem:$0x3FAF] =	sst s2  }
0xb: {  	[smem:$0x3FB0] =	sst s3  }
0xc: {  	[smem:$0x3FB1] =	sst s4  }
0xd: {  	[smem:$0x3FB2] =	sst s5  }
0xe: {  	[smem:$0x3FB3] =	sst s6  }
0xf: {  	[smem:$0x3FB4] =	sst s7  }
0x10: {  	[smem:$0x3FB5] =	sst s8  }
0x11: {  	[smem:$0x3FB6] =	sst s9;
	s0 =	simm.s32 @!p0 $0x0  }
0x12: {  	s1 =	sld [smem:$0x3F9C];
	s0 =	simm.s32 @p0 $0x1  }
0x13: {  	[smem:$0x3FB7] =	sst s0;
	s0 =	simm.s32 @!p1 $0x0  }
0x14: {  	s2 =	sld [smem:$0x3F9B];
	s0 =	simm.s32 @p1 $0x1  }
0x15: {  	[smem:$0x3FB8] =	sst s0;
	s0 =	simm.s32 @!p2 $0x0  }
0x16: {  	s3 =	sld [smem:$0x3FDB];
	s0 =	simm.s32 @p2 $0x1  }
0x17: {  	s4 =	simm.s32 $0x1BF5;
	[smem:$0x3FBA] =	sst s0  }
0x18: {  	s0 =	sld [smem:$0x3F9D];
	_ =	swait.ge [sflag:s4], $0x0  }
0x19: {  	s7 =	sld [smem:$0x3F9E]  }
0x1a: {  	s8 =	sadd.s32 $0xFFFFE003, lr  }
0x1b: {  	s9 =	sadd.s32 $0xFFFFFEF7, lr;
	s5 =	simm.s32 $0xFFFFFFFF;
	p2 =	slt.u32 s8, $0xFFFFF086  }
0x1c: {  	p1 =	slt.u32 s9, $0xF7A;
	s5 =	simm.s32 @!p2 $0x0  }
0x1d: {  	s5 =	simm.s32 @p1 $0x1;
	p0 =	seq.s32 s7, s2  }
0x1e: {  	s7 =	smul.u32 @!p0 $0xF7A, s2;
	p2 =	seq.s32 @!p0 s5, $0x0  }
0x1f: {  	s9 =	smul.u32 $0xF7A, s1;
	s8 =	simm.s32 @!p0 $0x1BF5;
	p2 =	por !p2, p0  }
0x20: {  	[sflag:s8] =	ssyncset.s32 @!p0 $0xFFFFF086;
	s6 =	sadd.s32 @!p0 s3, s7;
	s7 =	simm.s32 @!p0 $0x108  }
0x21: {  	s3 =	sadd.s32 s3, s9;
	s6 =	sadd.s32 @!p0 $0x88, s6;
	s7 =	simm.s32 @p2 $0x1082  }
0x22: {  	[simem:s7], [sflag:s8] =	dma.local @!p0 [hbm:s6], $0xF7A  }
0x23: {  	s9 =	sor.u32 $0xD0000000, s2;
	s6 =	simm.s32 $0x108;
	_ =	swait.ge @!p0 [sflag:s8], $0x0  }
0x24: {  	s3 =	sadd.s32 $0x88, s3;
	s6 =	simm.s32 @!p1 $0x1082;
	[sflag:s4] =	ssyncset.s32 $0xFFFFF086  }
0x25: {  	[simem:s6], [sflag:s4] =	dma.local [hbm:s3], $0xF7A  }
0x26: {  	[smem:$0x3F9E] =	sst s1;
	(tag) =	ssettag s2;
	_ =	strace s9  }
0x27: {  	s1 =	sld [smem:$0x3FAE]  }
0x28: {  	s2 =	sld [smem:$0x3FAF]  }
0x29: {  	s4 =	sld [smem:$0x3FB1]  }
0x2a: {  	p0 =	seq.s32 s5, $0x0;
	s5 =	sld [smem:$0x3FB2]  }
0x2b: {  	s6 =	sld [smem:$0x3FB3]  }
0x2c: {  	s7 =	sld [smem:$0x3FB4]  }
0x2d: {  	s3 =	simm.s32 $0x108;
	s8 =	sld [smem:$0x3FB5]  }
0x2e: {  	s3 =	simm.s32 @!p0 $0x1082;
	s9 =	sld [smem:$0x3FB6]  }
0x2f: {  	lr =	sadd.s32 s0, s3;
	s0 =	sld [smem:$0x3FAD]  }
0x30: {  	s3 =	sld [smem:$0x3FB0]  }
0x31: {  	[smem:$0x3FB9] =	sst s10  }
0x32: {  	s10 =	sld [smem:$0x3FB7];
	_ =	sdelay $0x3  }
0x33: {  	p0 =	seq.s32 s10, $0x1;
	s10 =	sld [smem:$0x3FB9];
	_ =	sdelay $0x3  }
0x34: {  	[smem:$0x3FB9] =	sst s10  }
0x35: {  	s10 =	sld [smem:$0x3FB8];
	_ =	sdelay $0x3  }
0x36: {  	p1 =	seq.s32 s10, $0x1;
	s10 =	sld [smem:$0x3FB9];
	_ =	sdelay $0x3  }
0x37: {  	[smem:$0x3FB9] =	sst s10  }
0x38: {  	s10 =	sld [smem:$0x3FBA]  }
0x39: {  	_ = 	snop;
	(pc) =	sbr.ind lr, $3  }
0x3a: {  	_ = 	snop  }
0x3b: {  	_ = 	snop  }
0x3c: {  	p2 =	seq.s32 s10, $0x1;
	s10 =	sld [smem:$0x3FB9]  }
0x3d: {  	_ =	shalt  }
0x3e: {  	_ =	shalt  }
0x3f: {  	_ =	shalt  }
0x40: {  	_ =	shalt  }
0x41: {  	_ =	shalt  }
0x42: {  	_ =	shalt  }
0x43: {  	_ =	shalt  }
0x44: {  	_ =	shalt  }
0x45: {  	_ =	shalt  }
0x46: {  	_ =	shalt  }
0x47: {  	_ =	shalt  }
0x48: {  	_ =	shalt  }
0x49: {  	_ =	shalt  }
0x4a: {  	_ =	shalt  }
0x4b: {  	_ =	shalt  }
0x4c: {  	_ =	shalt  }
0x4d: {  	_ =	shalt  }
0x4e: {  	_ =	shalt  }
0x4f: {  	_ =	shalt  }
0x50: {  	_ =	shalt  }
0x51: {  	_ =	shalt  }
0x52: {  	_ =	shalt  }
0x53: {  	_ =	shalt  }
0x54: {  	_ =	shalt  }
0x55: {  	_ =	shalt  }
0x56: {  	_ =	shalt  }
0x57: {  	_ =	shalt  }
0x58: {  	_ =	shalt  }
0x59: {  	_ =	shalt  }
0x5a: {  	_ =	shalt  }
0x5b: {  	_ =	shalt  }
0x5c: {  	_ =	shalt  }
0x5d: {  	_ =	shalt  }
0x5e: {  	_ =	shalt  }
0x5f: {  	_ =	shalt  }
0x60: {  	_ =	shalt  }
0x61: {  	_ =	shalt  }
0x62: {  	_ =	shalt  }
0x63: {  	_ =	shalt  }
0x64: {  	_ =	shalt  }
0x65: {  	_ =	shalt  }
0x66: {  	_ =	shalt  }
0x67: {  	_ =	shalt  }
0x68: {  	_ =	shalt  }
0x69: {  	_ =	shalt  }
0x6a: {  	_ =	shalt  }
0x6b: {  	_ =	shalt  }
0x6c: {  	_ =	shalt  }
0x6d: {  	_ =	shalt  }
0x6e: {  	_ =	shalt  }
0x6f: {  	_ =	shalt  }
0x70: {  	_ =	shalt  }
0x71: {  	_ =	shalt  }
0x72: {  	_ =	shalt  }
0x73: {  	_ =	shalt  }
0x74: {  	_ =	shalt  }
0x75: {  	_ =	shalt  }
0x76: {  	_ =	shalt  }
0x77: {  	_ =	shalt  }
0x78: {  	_ =	shalt  }
0x79: {  	_ =	shalt  }
0x7a: {  	_ =	shalt  }
0x7b: {  	_ =	shalt  }
0x7c: {  	_ =	shalt  }
0x7d: {  	_ =	shalt  }
0x7e: {  	_ =	shalt  }
0x7f: {  	_ =	shalt  }
0x80: {  	_ =	shalt  }
0x81: {  	_ =	shalt  }
0x82: {  	_ =	shalt  }
0x83: {  	_ =	shalt  }
0x84: {  	_ =	shalt  }
0x85: {  	_ =	shalt  }
0x86: {  	_ =	shalt  }
0x87: {  	_ =	shalt  }
.Lfunc_end0:
.L_simem_size_0:
called_computation_lowered:
.L_overlay_start_0:
0x88: {  	s2 =	sld [smem:$0x3FD9]  }
0x89: {  	s3 =	sld [smem:$0x3FFE];
	_ =	sdelay $0x1  }
0x8a: {  	s1 =	srdreg.scid  }
0x8b: {  	s0 =	sand.u32 $0x1, s1  }
0x8c: {  	s17 =	sshll.u32 s0, $0xA;
	s2 =	sadd.s32 s3, s2  }
0x8d: {  	s2 =	sadd.s32 s2, s17  }
0x8e: {  	[smem:$0x3FC5] =	sst s2  }
0x8f: {  	_ = 	snop  }
0x90: {  	s2 =	sld [smem:$0x3FC9]  }
0x91: {  	s18 =	sld [smem:$0x3FC8]  }
0x92: {  	s4 =	sld [smem:$0x3FC7]  }
0x93: {  	s5 =	sld [smem:$0x3FD0];
	(tm) =	ssettm $0x1  }
0x94: {  	s6 =	sld [smem:$0x3FFB];
	_ =	sdelay $0x3  }
0x95: {  	_ =	strace s6  }
0x96: {  	s6 =	sld [smem:$0x3FFC];
	_ =	sdelay $0x3  }
0x97: {  	_ =	strace s6  }
0x98: {  	s6 =	sld [smem:$0x3FFD];
	_ =	sdelay $0x3  }
0x99: {  	_ =	strace s6  }
0x9a: {  	_ =	strace $0x8FFFFFFF  }
0x9b: {  	s19 =	sld [smem:$0x3FDB];
	_ =	sdelay $0x1  }
0x9c: {  	s7 =	simm.s32 $_scs_section_size  }
0x9d: {  	s8 =	simm.s32 $_size__tile_overlayer_lowered;
	s9 =	simm.s32 $_tile_overlayer_lowered  }
0x9e: {  	s22 =	simm.s32 $0x1BFF;
	s21 =	sshll.u32 s9, $0x1;
	s6 =	sadd.s32 s7, s19  }
0x9f: {  	s10 =	simm.s32 $0x0;
	s20 =	sshll.u32 s8, $0x1;
	s8 =	sadd.s32 s21, s6  }
0xa0: {  	[timem:s10], [sflag:s22] =	dma.local [hbm:s8], s20  }
0xa1: {  	_ =	swait.ge [sflag:s22], s20  }
0xa2: {  	s7 =	ssub.s32 $0x0, s20;
	[sflag:s22] =	ssyncset.done $0x0  }
0xa3: {  	[sflag:s22] =	ssyncadd.s32 s7;
	_ =	sdelay $0x1  }
0xa4: {  	s23 =	simm.s32 $0x1B8B  }
0xa5: {  	_ =	swait.ge [sflag:s23], $0x1  }
0xa6: {  	[sflag:s23] =	ssyncset.done $0x0  }
0xa7: {  	s25 =	simm.s32 $0x1B8E;
	s24 =	sld [smem:$0x3FFE];
	[sflag:s23] =	ssyncadd.s32 $0xFFFFFFFF  }
0xa8: {  	s26 =	simm.s32 $execute0_lowered;
	[smem:$0x3FD2] =	sst s25  }
0xa9: {  	s8 =	sshll.u32 s26, $0x1;
	_ =	strace $0x80000046;
	[dreg:$0x1] =	wrdreg $0xFFFFFFFF  }
0xaa: {  	s28 =	simm.s32 $_size_execute0_lowered;
	s6 =	sadd.s32 s6, s8;
	[dreg:$0x0] =	wrdreg $0x0  }
0xab: {  	s8 =	sshll.u32 s28, $0x1;
	[dreg:$0x2] =	wrdreg s6  }
0xac: {  	[dreg:$0x3] =	wrdreg s8  }
0xad: {  	[dreg:$0x4] =	wrdreg $0xC0  }
0xae: {  	_ =	task [dreg:s10], $0x5FFFF  }
0xaf: {  	[dreg:$0x1] =	wrdreg $0xFFFFFFFF  }
0xb0: {  	[dreg:$0x0] =	wrdreg $0x60  }
0xb1: {  	[dreg:$0x2] =	wrdreg s2  }
0xb2: {  	[dreg:$0x3] =	wrdreg s4  }
0xb3: {  	[dreg:$0x4] =	wrdreg s18  }
0xb4: {  	[dreg:$0x5] =	wrdreg s24  }
0xb5: {  	[dreg:$0x6] =	wrdreg s5  }
0xb6: {  	[dreg:$0x7] =	wrdreg $0x9  }
0xb7: {  	_ =	task.clear_ibuf [dreg:s10], $0x8FFFF;
	_ =	strace $0x90000046  }
0xb8: {  	s29 =	simm.s32 $0x9;
	_ =	strace $0x80000048  }
0xb9: {  	_ =	swait.ge [sflag:s29], $0x1  }
0xba: {  	[sflag:s29] =	ssyncadd.s32 $0xFFFFFFFF  }
0xbb: {  	_ =	strace $0x90000048  }
0xbc: {  	_ =	sfence  }
0xbd: {  	s30 =	sld [smem:$0x0];
	_ =	sdelay $0x2  }
0xbe: {  	s31 =	sshll.u32 s1, $0xD;
	s1 =	sshrl.u32 s1, $0x2  }
0xbf: {  	s3 =	sand.u32 $0x4000, s31;
	s1 =	sadd.s32 s1, s30  }
0xc0: {  	s0 =	sor.u32 s3, s0;
	s1 =	sshll.u32 s1, $0x11  }
0xc1: {  	s0 =	sor.u32 s1, s0  }
0xc2: {  	s0 =	sadd.s32 $0x8F2B, s0  }
0xc3: {  	[sflag:s0] =	ssyncadd.remote.s32 $0x1  }
0xc4: {  	_ =	sfence.sel $0xFFFF  }
0xc5: {  	[dreg:$0x0] =	wrdreg $0xFFFFFFFF;
	(pc) =	sbr.abs _section_cstart, $3  }
0xc6: {  	[dreg:$0x1] =	wrdreg $0xFFFFFFFF  }
0xc7: {  	_ =	task.clear_ibuf [dreg:s10], $0x2FFFF;
	_ =	strace $0x9FFFFFFF  }
0xc8: {  	(tm) =	ssettm $0x7FFFFFFF  }
0xc9: {  	_ =	shalt  }
tec
execute0_lowered:
.L_overlay_start_1:
0x0: {  	(tag) =	ssettag $0x1  }
0x1: {  	s1 =	rddreg [dreg:$0x0]  }
0x2: {  	s0 =	rddreg [dreg:$0x3]  }
0x3: {  	s2 =	rddreg [dreg:$0x4];
	s3 =	srdreg.scid  }
0x4: {  	s4 =	stileid.u32;
	s5 =	simm.s32 $0x0;
	s14 =	simm.s32 $0x3  }
0x5: {  	s16 =	simm.s32 $0xF149F2CA;
	s17 =	simm.s32 $0x1;
	s18 =	simm.s32 $0x8000  }
0x6: {  	s19 =	simm.s32 $0x2;
	s22 =	simm.s32 $0x14980;
	s23 =	simm.s32 $0x0  }
0x7: {  	s3 =	sand.u32 $0x1, s3;
	s4 =	sshll.u32 s4, $0x1;
	[smem:$0x7FF] =	sst s5  }
0x8: {  	v0 =	vimm.f32 $0.0e+00;
	v1 =	vimm.f32 $-1.000000020e+30;
	v2 =	vlaneseq.u32;
	s24 =	simm.s32 $0x0;
	s4 =	sor.u32 s3, s4;
	_ =	strace $0x80000047  }
0x9: {  	vm0 =	vmmov $0x1;
	vm1 =	vmmov $0x3;
	vm2 =	vmmov $0x7;
	s3 =	ssub.s32 $0x2, s3;
	s6 =	sshll.u32 s4, $0xB;
	s10 =	sshll.u32 s4, $0x4  }
0xa: {  	vm3 =	vmmov $0xf;
	vm4 =	vmmov $0x1f;
	vm5 =	vmmov $0x3f;
	s7 =	sshrl.u32 s3, $0x1;
	s9 =	sadd.s32 s6, s0;
	s0 =	sadd.s32 s10, s0  }
0xb: {  	vm6 =	vmmov $0x7f;
	vm7 =	vmmov $0xff;
	vm8 =	vmmov $0x1ff;
	s6 =	sshll.u32 s4, $0xA;
	s4 =	sshll.u32 s4, $0x11;
	s3 =	ssub.s32 s3, s7  }
0xc: {  	vm9 =	vmmov $0x3ff;
	vm10 =	vmmov $0x7ff;
	vm11 =	vmmov $0xfff;
	s10 =	sadd.s32 s2, s10;
	s7 =	sadd.s32 s1, s4;
	s8 =	sor.u32 $0x40, s6  }
0xd: {  	vm12 =	vmmov $0x1fff;
	vm13 =	vmmov $0x3fff;
	vm14 =	vmmov $0x7fff;
	s9 =	sadd.s32 $0xE00, s9;
	s11 =	sadd.s32 $0x10E00, s0;
	s12 =	smax.u32 s3, $0x1  }
.LBB2_1:
0xe: {  	s0 =	rddreg [dreg:$0x1];
	s2 =	simm.s32 $0x10000  }
0xf: {  	[tilespmem:s2], [sflag:$0x3] =	stream.linear.gather [hbm4b:s0+s5], $0x400, $0x38;
	[tilespmem:$0x14A00] =	vst v63  }
0x10: {  	_ =	swait.ge [sflag:s14], $0x400  }
0x11: {  	[sflag:s14] =	ssyncset.done $0x0  }
0x12: {  	[sflag:s14] =	ssyncadd.s32 $0xFFFFFC00  }
0x13: {  	s31 =	simm.s32 $0x10400;
	s30 =	rddreg [dreg:$0x2]  }
0x14: {  	[tilespmem:s31], [sflag:$0x3] =	stream.linear.gather [hbm4b:s30+s5], $0x80, $0x38;
	[tilespmem:$0x14A00] =	vst v63  }
0x15: {  	_ =	swait.ge [sflag:s14], $0x80  }
0x16: {  	[sflag:s14] =	ssyncset.done $0x0  }
0x17: {  	s0 =	simm.s32 $0x40;
	s2 =	simm.s32 $0x0;
	[sflag:s14] =	ssyncadd.s32 $0xFFFFFF80  }
.LBB2_2:
0x18: {  	p0 =	sne.s32 s0, $0xFC0;
	[tilespmem:s2+$0x14480] =	vst v0;
	s2 =	smov.u32 s0;
	s0 =	sadd.s32 $0x40, s0  }
.Ltmp0:
0x19: {  	(pc) =	sbr.rel @p0 .LBB2_2-.Ltmp0, $2  }
0x1a: {  	_ =	sdelay $0x2  }
0x1b: {  	s2 =	sshra.s32 s2, $0x2  }
0x1c: {  	[tilespmem:s2+$0x14480] =	vst v0  }
0x1d: {  	v3 =	vld [tilespmem:$0x10401];
	_ =	sdelay $0x4  }
0x1e: {  	(v2sf) =	vpush v3, $0x0  }
0x1f: {  	(v2sf) =	vpush v3, $0x1;
	_ =	sdelay $0x1  }
0x20: {  	(v2sf) =	vpush v3, $0x2  }
0x21: {  	(v2sf) =	vpush v3, $0x3;
	_ =	sdelay $0x1  }
0x22: {  	(v2sf) =	vpush v3, $0x4;
	_ =	sdelay $0x2  }
0x23: {  	(v2sf) =	vpush v3, $0x5  }
0x24: {  	(v2sf) =	vpush v3, $0x6;
	_ =	sdelay $0x2  }
0x25: {  	(v2sf) =	vpush v3, $0x7;
	_ =	sdelay $0x1  }
0x26: {  	s0 =	spop (v2sf)  }
0x27: {  	(v2sf) =	vpush v3, $0x8;
	p0 =	sge.s32 s6, s0;
	s0 =	simm.s32 $0x1;
	s29 =	spop (v2sf)  }
0x28: {  	s2 =	simm.s32 $0x1;
	(v2sf) =	vpush v3, $0x9;
	s0 =	simm.s32 @!p0 $0x0;
	p0 =	sge.s32 s6, s29  }
0x29: {  	s3 =	spop (v2sf);
	(v2sf) =	vpush v3, $0xA;
	s2 =	simm.s32 @!p0 $0x0  }
0x2a: {  	p0 =	sge.s32 s6, s3;
	s3 =	simm.s32 $0x1;
	s30 =	spop (v2sf)  }
0x2b: {  	(v2sf) =	vpush v3, $0xB;
	s0 =	sadd.s32 s2, s0;
	s3 =	simm.s32 @!p0 $0x0;
	p0 =	sge.s32 s6, s30  }
0x2c: {  	s2 =	simm.s32 $0x1;
	s31 =	spop (v2sf);
	s0 =	sadd.s32 s3, s0  }
0x2d: {  	(v2sf) =	vpush v3, $0xC;
	s2 =	simm.s32 @!p0 $0x0;
	p0 =	sge.s32 s6, s31;
	s3 =	simm.s32 $0x1  }
0x2e: {  	s0 =	sadd.s32 s2, s0;
	s3 =	simm.s32 @!p0 $0x0  }
0x2f: {  	s0 =	sadd.s32 s3, s0;
	s3 =	spop (v2sf);
	(v2sf) =	vpush v3, $0xD  }
0x30: {  	s4 =	spop (v2sf);
	(v2sf) =	vpush v3, $0xE  }
0x31: {  	s2 =	simm.s32 $0x1;
	p0 =	sge.s32 s6, s3  }
0x32: {  	s3 =	simm.s32 $0x1;
	s2 =	simm.s32 @!p0 $0x0  }
0x33: {  	p0 =	sge.s32 s6, s4;
	s13 =	spop (v2sf);
	s0 =	sadd.s32 s2, s0  }
0x34: {  	s3 =	simm.s32 @!p0 $0x0;
	p0 =	sge.s32 s6, s13;
	s2 =	simm.s32 $0x1  }
0x35: {  	s0 =	sadd.s32 s3, s0;
	s2 =	simm.s32 @!p0 $0x0  }
0x36: {  	s3 =	simm.s32 $0x1;
	s0 =	sadd.s32 s2, s0;
	s15 =	spop (v2sf)  }
0x37: {  	s2 =	simm.s32 $0x1;
	p0 =	sge.s32 s6, s15;
	s20 =	spop (v2sf)  }
0x38: {  	s3 =	simm.s32 @!p0 $0x0;
	s21 =	spop (v2sf);
	p0 =	sge.s32 s6, s20  }
0x39: {  	s0 =	sadd.s32 s3, s0;
	s2 =	simm.s32 @!p0 $0x0;
	p0 =	sge.s32 s6, s21  }
0x3a: {  	s3 =	simm.s32 $0x1;
	s25 =	spop (v2sf);
	s0 =	sadd.s32 s2, s0  }
0x3b: {  	s3 =	simm.s32 @!p0 $0x0;
	p0 =	sge.s32 s6, s25;
	s2 =	simm.s32 $0x1  }
0x3c: {  	s26 =	spop (v2sf);
	s0 =	sadd.s32 s3, s0;
	s2 =	simm.s32 @!p0 $0x0  }
0x3d: {  	p0 =	sge.s32 s6, s26;
	s3 =	simm.s32 $0x1;
	s0 =	sadd.s32 s2, s0  }
0x3e: {  	s3 =	simm.s32 @!p0 $0x0;
	s2 =	simm.s32 $0x1;
	s28 =	spop (v2sf)  }
0x3f: {  	s0 =	sadd.s32 s3, s0;
	p0 =	sge.s32 s6, s28;
	s29 =	spop (v2sf)  }
0x40: {  	s3 =	simm.s32 $0x1;
	s2 =	simm.s32 @!p0 $0x0;
	p0 =	sge.s32 s6, s29  }
0x41: {  	s0 =	sadd.s32 s2, s0;
	s3 =	simm.s32 @!p0 $0x0  }
0x42: {  	s0 =	sadd.s32 s3, s0  }
0x43: {  	v4 =	vmov s0  }
0x44: {  	v3 =	vxor.u32 $0x80000000, v3;
	vm15 =	veq.s32 v4, v2  }
0x45: {  	v4 =	vnsel vm15, $0x80000000, v3  }
0x46: {  	(xrf0) =	vmax.scan.msk.u32 $0xffff, v4;
	_ =	sdelay $0x5  }
0x47: {  	v4, _, _ =	vpop (xrf0)  }
0x48: {  	(v2sf) =	vpush v4, $0xF;
	_ =	sdelay $0xa  }
0x49: {  	[tilespmem:$0x14900] =	vst v1  }
0x4a: {  	[tilespmem:$0x14980] =	vst v0  }
.Ltmp1:
0x4b: {  	[tilespmem:$0x14880] =	vst v0;
	(pc) =	sbr.rel .LBB2_4-.Ltmp1, $4  }
0x4c: {  	[tilespmem:s24], [sflag:$0x1] =	stream.linear.gather [hbm4b:s7+s24], $0x8000, $0x38;
	[tilespmem:$0x14A00] =	vst v63  }
0x4d: {  	[smem:$0x0] =	sst s16;
	s30 =	spop (v2sf)  }
0x4e: {  	[smem:$0x80] =	sst s0;
	s31 =	sxor.u32 $0x80000000, s30  }
0x4f: {  	s25 =	simm.s32 $0x0;
	[smem:$0x100] =	sst s31  }
.LBB2_56:
0x50: {  	s25 =	sadd.s32 $0x1, s25  }
0x51: {  	p0 =	sne.s32 s25, $0x10  }
.Ltmp2:
0x52: {  	_ = 	snop;
	(pc) =	sbr.rel @!p0 .LBB2_57-.Ltmp2, $1  }
0x53: {  	_ =	sdelay $0x3  }
.LBB2_4:
0x54: {  	s29 =	sshll.u32 s25, $0x6  }
0x55: {  	s26 =	sor.u32 s29, s6  }
0x56: {  	s28 =	sor.u32 $0x20, s26  }
0x57: {  	s0 =	sshll.u32 s28, $0x7  }
0x58: {  	s0 =	sadd.s32 s1, s0  }
0x59: {  	[tilespmem:s18], [sflag:$0x2] =	stream.linear.gather [hbm4b:s0+s24], $0x8000, $0x38;
	[tilespmem:$0x14A00] =	vst v63  }
0x5a: {  	_ =	swait.ge [sflag:s17], $0x8000  }
0x5b: {  	s21 =	simm.s32 $0x10000;
	[sflag:s17] =	ssyncset.done $0x0  }
0x5c: {  	s2 =	sand.u32 $0x70, s24;
	s3 =	sand.u32 $0x1C00, s24;
	[sflag:s17] =	ssyncadd.s32 $0xFFFF8000  }
0x5d: {  	s15 =	sor.u32 s2, s3;
	v5 =	vld [tilespmem:s21+$0x0]  }
0x5e: {  	v4 =	vld [tilespmem:s15+$0x2380]  }
0x5f: {  	v6 =	vld [tilespmem:s15+$0x0]  }
0x60: {  	v7 =	vld [tilespmem:s15+$0x80]  }
0x61: {  	v8 =	vld [tilespmem:s15+$0x100]  }
0x62: {  	v19 =	vld [tilespmem:s15+$0x2000]  }
0x63: {  	v20 =	vld [tilespmem:s15+$0x2080]  }
0x64: {  	v9 =	vld [tilespmem:s15+$0x180]  }
0x65: {  	v10 =	vld [tilespmem:s15+$0x200]  }
0x66: {  	s31 =	sor.u32 s24, s24;
	v13 =	vld [tilespmem:s15+$0x300];
	v4 =	vmul.f32 v4, v5  }
0x67: {  	s0 =	sor.u32 $0x380, s31;
	v11 =	vld [tilespmem:s15+$0x280];
	v6 =	vmul.f32 v6, v5;
	v7 =	vmul.f32 v7, v5  }
0x68: {  	v12 =	vimm.f32 $0.0e+00;
	v14 =	vld [tilespmem:s0+$0x0];
	v27 =	vmul.f32 v19, v5;
	v26 =	vmul.f32 v20, v5  }
0x69: {  	v20 =	vimm.f32 $0.0e+00;
	v19 =	vimm.f32 $0.0e+00;
	v18 =	vadd.f32 v6, v12  }
0x6a: {  	v6 =	vmul.f32 v8, v5;
	v16 =	vadd.f32 v7, v12;
	v7 =	vmul.f32 v9, v5  }
0x6b: {  	v25 =	vld [tilespmem:s15+$0x2100];
	v4 =	vadd.f32 v4, v12;
	v8 =	vmul.f32 v10, v5;
	v9 =	vmul.f32 v13, v5  }
0x6c: {  	v24 =	vld [tilespmem:s15+$0x2180];
	v10 =	vimm.f32 $0.0e+00;
	v17 =	vadd.f32 v6, v12;
	v6 =	vmul.f32 v11, v5  }
0x6d: {  	v22 =	vld [tilespmem:s15+$0x2200];
	v15 =	vadd.f32 v7, v12;
	v13 =	vadd.f32 v8, v12;
	v7 =	vmul.f32 v14, v5  }
0x6e: {  	s4 =	simm.s32 $0x10010;
	s2 =	simm.s32 $0x10;
	v21 =	vld [tilespmem:s15+$0x2280];
	s0 =	simm.s32 $0x80;
	v9 =	vadd.f32 v9, v12;
	v14 =	vimm.f32 $0.0e+00;
	v11 =	vadd.f32 v6, v12  }
0x6f: {  	s30 =	simm.s32 $0x20;
	s3 =	sand.u32 $0x70, s2;
	v23 =	vld [tilespmem:s15+$0x2300];
	s13 =	sand.u32 $0x1C00, s0;
	v8 =	vadd.f32 v7, v12;
	v7 =	vimm.f32 $0.0e+00;
	v6 =	vimm.f32 $0.0e+00  }
.LBB2_5:
0x70: {  	p0 =	sne.s32 s30, $0x3F0;
	v28 =	vld [tilespmem:s4+$0x0];
	s31 =	sor.u32 s3, s13;
	s2 =	sor.u32 s0, s2;
	v12 =	vadd.f32 v27, v12;
	v25 =	vmul.f32 v25, v5  }
0x71: {  	s3 =	sor.u32 $0x380, s2;
	v27 =	vld [tilespmem:s31+$0x2380];
	v20 =	vadd.f32 v26, v20;
	v24 =	vmul.f32 v24, v5;
	s2 =	smov.u32 s30  }
0x72: {  	v26 =	vld [tilespmem:s31+$0x0];
	v19 =	vadd.f32 v25, v19;
	v22 =	vmul.f32 v22, v5  }
0x73: {  	v25 =	vld [tilespmem:s31+$0x80];
	v14 =	vadd.f32 v24, v14;
	v21 =	vmul.f32 v21, v5  }
0x74: {  	v24 =	vld [tilespmem:s31+$0x100];
	v10 =	vadd.f32 v22, v10;
	v22 =	vmul.f32 v23, v5  }
0x75: {  	v23 =	vld [tilespmem:s31+$0x180];
	v7 =	vadd.f32 v21, v7;
	v5 =	vmov v28  }
0x76: {  	v21 =	vld [tilespmem:s31+$0x200];
	v27 =	vmul.f32 v27, v5;
	v6 =	vadd.f32 v22, v6  }
0x77: {  	v22 =	vmul.f32 v26, v5;
	v26 =	vld [tilespmem:s31+$0x280]  }
0x78: {  	v25 =	vmul.f32 v25, v5;
	v28 =	vld [tilespmem:s31+$0x300];
	v4 =	vadd.f32 v27, v4  }
0x79: {  	v18 =	vadd.f32 v22, v18;
	v22 =	vmul.f32 v24, v5;
	v27 =	vld [tilespmem:s3+$0x0]  }
0x7a: {  	v16 =	vadd.f32 v25, v16;
	v23 =	vmul.f32 v23, v5;
	v29 =	vld [tilespmem:s31+$0x2000]  }
0x7b: {  	v17 =	vadd.f32 v22, v17;
	v21 =	vmul.f32 v21, v5;
	v30 =	vld [tilespmem:s31+$0x2080]  }
.Ltmp3:
0x7c: {  	v15 =	vadd.f32 v23, v15;
	v22 =	vmul.f32 v26, v5;
	v25 =	vld [tilespmem:s31+$0x2100];
	(pc) =	sbr.rel @p0 .LBB2_5-.Ltmp3, $4  }
0x7d: {  	v13 =	vadd.f32 v21, v13;
	v21 =	vmul.f32 v28, v5;
	v24 =	vld [tilespmem:s31+$0x2180]  }
0x7e: {  	v11 =	vadd.f32 v22, v11;
	v23 =	vmul.f32 v27, v5;
	v22 =	vld [tilespmem:s31+$0x2200]  }
0x7f: {  	s0 =	sadd.s32 $0x80, s0;
	s4 =	sadd.s32 $0x10, s4;
	v9 =	vadd.f32 v21, v9;
	v27 =	vmul.f32 v29, v5;
	v21 =	vld [tilespmem:s31+$0x2280]  }
0x80: {  	s13 =	sand.u32 $0x1C00, s0;
	s30 =	sadd.s32 $0x10, s30;
	s3 =	sand.u32 $0x70, s2;
	v8 =	vadd.f32 v23, v8;
	v26 =	vmul.f32 v30, v5;
	v23 =	vld [tilespmem:s31+$0x2300]  }
0x81: {  	v28 =	vld [tilespmem:s4+$0x0];
	s3 =	sor.u32 s3, s13  }
0x82: {  	v29 =	vld [tilespmem:s3+$0x0]  }
0x83: {  	v30 =	vld [tilespmem:s3+$0x80]  }
0x84: {  	v31 =	vld [tilespmem:s3+$0x100]  }
0x85: {  	v32 =	vld [tilespmem:s3+$0x180]  }
0x86: {  	v33 =	vld [tilespmem:s3+$0x200]  }
0x87: {  	v34 =	vld [tilespmem:s3+$0x280];
	v29 =	vmul.f32 v29, v28  }
0x88: {  	s0 =	sor.u32 s0, s2;
	v35 =	vld [tilespmem:s3+$0x300];
	v30 =	vmul.f32 v30, v28  }
0x89: {  	s0 =	sor.u32 $0x380, s0;
	v60 =	vld [tilespmem:s3+$0x2000];
	v57 =	vmul.f32 v31, v28;
	v18 =	vadd.f32 v29, v18  }
0x8a: {  	v58 =	vld [tilespmem:s0+$0x0];
	v59 =	vmul.f32 v32, v28;
	v16 =	vadd.f32 v30, v16  }
0x8b: {  	v12 =	vadd.f32 v27, v12;
	v62 =	vld [tilespmem:s3+$0x2080];
	v61 =	vmul.f32 v33, v28;
	v17 =	vadd.f32 v57, v17;
	(xrf2) =	vadd.scan.msk.f32 $0xffff, v18  }
0x8c: {  	v25 =	vmul.f32 v25, v5;
	v36 =	vld [tilespmem:s3+$0x2200];
	v63 =	vmul.f32 v34, v28;
	v15 =	vadd.f32 v59, v15;
	(xrf2) =	vadd.scan.msk.f32 $0xffff, v16  }
0x8d: {  	v20 =	vadd.f32 v26, v20;
	v32 =	vld [tilespmem:s3+$0x2100];
	v33 =	vmul.f32 v35, v28;
	v13 =	vadd.f32 v61, v13;
	(xrf2) =	vadd.scan.msk.f32 $0xffff, v17  }
0x8e: {  	v24 =	vmul.f32 v24, v5;
	v19 =	vadd.f32 v25, v19;
	v34 =	vld [tilespmem:s3+$0x2180];
	v11 =	vadd.f32 v63, v11;
	(xrf2) =	vadd.scan.msk.f32 $0xffff, v15  }
0x8f: {  	v41 =	vld [tilespmem:s3+$0x2300];
	v22 =	vmul.f32 v22, v5;
	v35 =	vmul.f32 v58, v28;
	v9 =	vadd.f32 v33, v9;
	(xrf2) =	vadd.scan.msk.f32 $0xffff, v13  }
0x90: {  	v38 =	vld [tilespmem:s3+$0x2280];
	v39 =	vadd.f32 v24, v14;
	v42 =	vmul.f32 v21, v5;
	v37 =	vmul.f32 v60, v28;
	(xrf2) =	vadd.scan.msk.f32 $0xffff, v11  }
0x91: {  	v5 =	vmul.f32 v23, v5;
	v40 =	vmul.f32 v62, v28;
	v8 =	vadd.f32 v35, v8;
	(xrf2) =	vadd.scan.msk.f32 $0xffff, v9  }
0x92: {  	v43 =	vadd.f32 v22, v10;
	v12 =	vadd.f32 v37, v12;
	v16 =	vmul.f32 v32, v28  }
0x93: {  	v46 =	vld [tilespmem:s3+$0x2380];
	v5 =	vadd.f32 v5, v6;
	v44 =	vadd.f32 v40, v20;
	v45 =	vmul.f32 v34, v28;
	(xrf2) =	vadd.scan.msk.f32 $0xffff, v8  }
0x94: {  	v49 =	vmul.f32 v41, v28;
	v16 =	vadd.f32 v16, v19;
	v15 =	vmul.f32 v36, v28;
	(xrf2) =	vadd.scan.msk.f32 $0xffff, v12  }
0x95: {  	v7 =	vadd.f32 v42, v7;
	v48 =	vmul.f32 v38, v28;
	v47 =	vadd.f32 v45, v39;
	(xrf2) =	vadd.scan.msk.f32 $0xffff, v44;
	v50, _, _ =	vpop (xrf2)  }
0x96: {  	v5 =	vadd.f32 v49, v5;
	v6 =	vadd.f32 v15, v43;
	(xrf2) =	vadd.scan.msk.f32 $0xffff, v16;
	v51, _, _ =	vpop (xrf2)  }
0x97: {  	v7 =	vadd.f32 v48, v7;
	(xrf2) =	vadd.scan.msk.f32 $0xffff, v47;
	v52 =	vbroadcast v50, $0xF;
	v53 =	vbroadcast v51, $0xF;
	v54, _, _ =	vpop (xrf2)  }
0x98: {  	(xrf2) =	vadd.scan.msk.f32 $0xffff, v6;
	v6 =	vmul.f32 v46, v28;
	v55 =	vbroadcast v54, $0xF;
	v56, _, _ =	vpop (xrf2)  }
0x99: {  	(xrf2) =	vadd.scan.msk.f32 $0xffff, v7;
	v7 =	vsel vm0, v52, v53;
	v57 =	vbroadcast v56, $0xF;
	v58, _, _ =	vpop (xrf2)  }
0x9a: {  	(xrf2) =	vadd.scan.msk.f32 $0xffff, v5;
	v4 =	vadd.f32 v6, v4;
	v5, _, _ =	vpop (xrf2);
	v6 =	vsel vm1, v7, v55;
	v7 =	vbroadcast v58, $0xF  }
0x9b: {  	v59, _, _ =	vpop (xrf2);
	v6 =	vsel vm2, v6, v57  }
0x9c: {  	v5 =	vbroadcast v5, $0xF;
	v6 =	vsel vm3, v6, v7;
	v7 =	vbroadcast v59, $0xF  }
0x9d: {  	v60, _, _ =	vpop (xrf2)  }
0x9e: {  	(xrf2) =	vadd.scan.msk.f32 $0xffff, v4;
	v4, _, _ =	vpop (xrf2);
	v5 =	vsel vm4, v6, v5;
	v6 =	vbroadcast v60, $0xF  }
0x9f: {  	v61, _, _ =	vpop (xrf2);
	v5 =	vsel vm5, v5, v7;
	v4 =	vbroadcast v4, $0xF  }
0xa0: {  	v5 =	vsel vm6, v5, v6;
	v6 =	vbroadcast v61, $0xF;
	v7, _, _ =	vpop (xrf2)  }
0xa1: {  	v4 =	vsel vm7, v5, v4;
	v62, _, _ =	vpop (xrf2);
	v5 =	vbroadcast v7, $0xF  }
0xa2: {  	s21 =	sld [smem:$0x100];
	v4 =	vsel vm8, v4, v6;
	v7, _, _ =	vpop (xrf2);
	v6 =	vbroadcast v62, $0xF  }
0xa3: {  	v63, _, _ =	vpop (xrf2);
	v4 =	vsel vm9, v4, v5;
	v5 =	vbroadcast v7, $0xF  }
0xa4: {  	s30 =	sor.u32 $0x10, s26;
	v7, _, _ =	vpop (xrf2);
	v4 =	vsel vm10, v4, v6  }
0xa5: {  	p0 =	slt.s32 s21, s30;
	v4 =	vsel vm11, v4, v5;
	v5 =	vbroadcast v7, $0xF  }
.Ltmp4:
0xa6: {  	v6 =	vbroadcast v63, $0xF;
	(pc) =	sbr.rel @!p0 .LBB2_7-.Ltmp4, $4  }
0xa7: {  	_ = 	snop  }
0xa8: {  	v4 =	vsel vm12, v4, v6  }
0xa9: {  	v4 =	vsel vm13, v4, v5;
	v5, _, _ =	vpop (xrf2)  }
0xaa: {  	s31 =	simm.s32 $0x0;
	v4 =	vsel vm14, v4, v5  }
.LBB2_10:
0xab: {  	s0 =	sld [smem:$0x100];
	_ =	sdelay $0x1  }
0xac: {  	s2 =	sor.u32 s26, s31  }
0xad: {  	p0 =	sne.s32 s2, s0  }
.Ltmp5:
0xae: {  	_ = 	snop;
	(pc) =	sbr.rel @p0 .LBB2_14-.Ltmp5, $1  }
0xaf: {  	_ =	sdelay $0x3  }
0xb0: {  	v5 =	vld [tilespmem:$0x14900]  }
0xb1: {  	s0 =	sld [smem:$0x80];
	v6 =	vld [tilespmem:$0x14880]  }
0xb2: {  	v7 =	vld [tilespmem:$0x14980]  }
0xb3: {  	s2 =	sld [smem:$0x0]  }
0xb4: {  	v8 =	vmov s0  }
0xb5: {  	s3 =	sshll.u32 s0, $0xA;
	s4 =	sshll.u32 s0, $0x7;
	vm15 =	veq.s32 v8, v2  }
0xb6: {  	s20 =	sand.u32 $0xFFFFE000, s3;
	s21 =	sand.u32 $0x380, s4;
	v5 =	vsel vm15, s2, v5  }
0xb7: {  	s2 =	sor.u32 s21, s20;
	[tilespmem:$0x14900] =	vst v5;
	v5 =	vsel vm15, v6, v7  }
0xb8: {  	s4 =	sadd.s32 $0x10480, s2;
	s2 =	simm.s32 $0x14480;
	[tilespmem:$0x14980] =	vst v5  }
0xb9: {  	v5 =	vld [tilespmem:s2+$0x0]  }
0xba: {  	s15 =	simm.s32 $0x10;
	s13 =	simm.s32 $0x0;
	s3 =	simm.s32 $0x0  }
.LBB2_12:
0xbb: {  	p0 =	sne.s32 s15, $0x3F0;
	s20 =	sand.u32 $0x1C00, s3  }
0xbc: {  	s21 =	sand.u32 $0x70, s13;
	s13 =	smov.u32 s15;
	s20 =	sadd.s32 s20, s4  }
.Ltmp6:
0xbd: {  	s20 =	sadd.s32 s21, s20;
	(pc) =	sbr.rel @p0 .LBB2_12-.Ltmp6, $4  }
0xbe: {  	[tilespmem:s20+$0x0] =	vst v5  }
0xbf: {  	[tilespmem:s2+$0x0] =	vst v0;
	s2 =	sadd.s32 $0x10, s2  }
0xc0: {  	v5 =	vld [tilespmem:s2+$0x0]  }
0xc1: {  	s15 =	sadd.s32 $0x10, s15;
	s3 =	sadd.s32 $0x80, s3  }
0xc2: {  	s0 =	sadd.s32 $0x1, s0  }
0xc3: {  	v6 =	vmov s0  }
0xc4: {  	vm15 =	veq.s32 v6, v2  }
0xc5: {  	v6 =	vnsel vm15, $0x80000000, v3  }
0xc6: {  	(xrf0) =	vmax.scan.msk.u32 $0xffff, v6;
	_ =	sdelay $0x5  }
0xc7: {  	v6, _, _ =	vpop (xrf0)  }
0xc8: {  	(v2sf) =	vpush v6, $0xF;
	_ =	sdelay $0xb  }
0xc9: {  	s3 =	sand.u32 $0x1C00, s3  }
0xca: {  	s13 =	sand.u32 $0x70, s13;
	s3 =	sadd.s32 s3, s4  }
0xcb: {  	s3 =	sadd.s32 s13, s3  }
0xcc: {  	[smem:$0x0] =	sst s16;
	[tilespmem:s3+$0x0] =	vst v5;
	s20 =	spop (v2sf)  }
0xcd: {  	[smem:$0x80] =	sst s0;
	[tilespmem:s2+$0x0] =	vst v0;
	s21 =	sxor.u32 $0x80000000, s20  }
0xce: {  	[tilespmem:$0x14880] =	vst v0;
	[smem:$0x100] =	sst s21  }
.LBB2_14:
0xcf: {  	v5 =	vmov s31  }
0xd0: {  	vm15 =	veq.s32 v5, v2  }
0xd1: {  	v5 =	vnsel vm15, $0xF149F2CA, v4  }
0xd2: {  	(xrf0) =	vmax.scan.msk.f32 $0xffff, v5;
	_ =	sdelay $0x5  }
0xd3: {  	v5, _, _ =	vpop (xrf0)  }
0xd4: {  	(v2sf) =	vpush v5, $0xF;
	_ =	sdelay $0xc  }
0xd5: {  	s0 =	sld [smem:$0x0];
	_ =	sdelay $0x1  }
0xd6: {  	s2 =	spop (v2sf)  }
0xd7: {  	s3 =	smax.f32 s0, s2  }
0xd8: {  	s0 =	ssub.f32 s0, s3;
	_ =	sdelay $0x1  }
0xd9: {  	s15 =	ssub.f32 s2, s3;
	v5 =	vmov s0  }
0xda: {  	v5 =	vmul.f32 $1.442695020e+00, v5  }
0xdb: {  	v6 =	vmov s15  }
0xdc: {  	v6 =	vmul.f32 $1.442695020e+00, v6;
	v5 =	vbroadcast v5, $0x0;
	_ =	sdelay $0x1  }
0xdd: {  	(erf) = vpow2.f32 v5;
	v5 =	vbroadcast v6, $0x0;
	_ =	sdelay $0x1  }
0xde: {  	(erf) = vpow2.f32 v5;
	_ =	sdelay $0x2  }
0xdf: {  	v6 =	vld [tilespmem:$0x14880];
	_ =	sdelay $0x3  }
0xe0: {  	v5 =	vpop (erf)  }
0xe1: {  	v7 =	vmul.f32 v5, v6  }
0xe2: {  	s20 =	sshll.u32 s31, $0xA;
	s21 =	sshll.u32 s31, $0x7;
	v6 =	vpop (erf)  }
0xe3: {  	s4 =	simm.s32 $0x0;
	s2 =	sand.u32 $0x380, s21;
	s0 =	sand.u32 $0x2000, s20;
	v7 =	vadd.f32 v7, v6  }
0xe4: {  	s13 =	sand.u32 $0x1C00, s4;
	s0 =	sor.u32 s2, s0  }
0xe5: {  	s4 =	sand.u32 $0x70, s4;
	s2 =	simm.s32 $0x14480;
	s13 =	sadd.s32 s13, s0;
	[tilespmem:$0x14880] =	vst v7  }
0xe6: {  	s4 =	sadd.s32 s4, s13;
	v7 =	vld [tilespmem:s2+$0x0]  }
0xe7: {  	v8 =	vld [tilespmem:s4+$0x0];
	_ =	sdelay $0x4  }
0xe8: {  	v7 =	vmul.f32 v7, v5;
	v8 =	vmul.f32 v8, v6;
	_ =	sdelay $0x1  }
0xe9: {  	[smem:$0x0] =	sst s3;
	s3 =	simm.s32 $0x80;
	s15 =	simm.s32 $0x10;
	v7 =	vadd.f32 v8, v7  }
0xea: {  	s20 =	sand.u32 $0x1C00, s3;
	s13 =	simm.s32 $0x20;
	s4 =	simm.s32 $0x14490  }
.LBB2_15:
0xeb: {  	p0 =	sne.s32 s13, $0x3F0;
	s15 =	sand.u32 $0x70, s15;
	s20 =	sadd.s32 s20, s0;
	[tilespmem:s2+$0x0] =	vst v7  }
0xec: {  	s2 =	smov.u32 s4;
	v7 =	vld [tilespmem:s4+$0x0];
	s20 =	sadd.s32 s15, s20;
	s15 =	smov.u32 s13  }
0xed: {  	v8 =	vld [tilespmem:s20+$0x0];
	_ =	sdelay $0x3  }
.Ltmp7:
0xee: {  	(pc) =	sbr.rel @p0 .LBB2_15-.Ltmp7, $3  }
0xef: {  	v7 =	vmul.f32 v7, v5;
	v8 =	vmul.f32 v8, v6;
	_ =	sdelay $0x1  }
0xf0: {  	s3 =	sadd.s32 $0x80, s3;
	v7 =	vadd.f32 v8, v7  }
0xf1: {  	s13 =	sadd.s32 $0x10, s13;
	s4 =	sadd.s32 $0x10, s4;
	s20 =	sand.u32 $0x1C00, s3  }
0xf2: {  	s3 =	sand.u32 $0x70, s15;
	s0 =	sadd.s32 s20, s0;
	[tilespmem:s2+$0x0] =	vst v7  }
0xf3: {  	v7 =	vld [tilespmem:s4+$0x0];
	s0 =	sadd.s32 s3, s0  }
0xf4: {  	v8 =	vld [tilespmem:s0+$0x0];
	_ =	sdelay $0x2  }
0xf5: {  	s31 =	sadd.s32 $0x1, s31  }
0xf6: {  	p0 =	sne.s32 s31, $0x10  }
.Ltmp8:
0xf7: {  	v5 =	vmul.f32 v7, v5;
	v6 =	vmul.f32 v8, v6;
	(pc) =	sbr.rel @p0 .LBB2_10-.Ltmp8, $4  }
.Ltmp9:
0xf8: {  	_ = 	snop;
	(pc) =	sbr.rel @!p0 .LBB2_17-.Ltmp9, $4  }
0xf9: {  	v5 =	vadd.f32 v6, v5  }
0xfa: {  	_ = 	snop  }
0xfb: {  	[tilespmem:s4+$0x0] =	vst v5  }
0xfc: {  	_ = 	snop  }
.LBB2_7:
0xfd: {  	(xrf0) =	vmax.scan.msk.f32 $0xffff, v4;
	_ =	sdelay $0x5  }
0xfe: {  	v5, _, _ =	vpop (xrf0)  }
0xff: {  	(v2sf) =	vpush v5, $0xF;
	_ =	sdelay $0xc  }
0x100: {  	s0 =	sld [smem:$0x0];
	_ =	sdelay $0x1  }
0x101: {  	s2 =	spop (v2sf)  }
0x102: {  	s2 =	smax.f32 s0, s2  }
0x103: {  	s0 =	ssub.f32 s0, s2;
	_ =	sdelay $0x1  }
0x104: {  	v5 =	vmov s0  }
0x105: {  	v6 =	vmov s2;
	v5 =	vmul.f32 $1.442695020e+00, v5  }
0x106: {  	v4 =	vsub.f32 v4, v6  }
0x107: {  	v5 =	vbroadcast v5, $0x0  }
0x108: {  	v4 =	vmul.f32 $1.442695020e+00, v4  }
0x109: {  	(erf) = vpow2.f32 v5  }
0x10a: {  	(erf) = vpow2.f32 v4;
	_ =	sdelay $0x7  }
0x10b: {  	v4 =	vpop (erf)  }
0x10c: {  	v5 =	vpop (erf)  }
0x10d: {  	(xrf2) =	vadd.scan.msk.f32 $0xffff, v5;
	_ =	sdelay $0x5  }
0x10e: {  	v6 =	vld [tilespmem:$0x14880];
	_ =	sdelay $0x3  }
0x10f: {  	v7, _, _ =	vpop (xrf2)  }
0x110: {  	v6 =	vmul.f32 v4, v6;
	v7 =	vbroadcast v7, $0xF;
	_ =	sdelay $0x1  }
0x111: {  	s15 =	simm.s32 $0x0;
	v6 =	vadd.f32 v7, v6  }
0x112: {  	s3 =	sand.u32 $0x70, s15;
	s0 =	sand.u32 $0x1C00, s15  }
0x113: {  	s0 =	sor.u32 s3, s0;
	[tilespmem:$0x14880] =	vst v6  }
0x114: {  	v21 =	vld [tilespmem:s0+$0x2200]  }
0x115: {  	v22 =	vld [tilespmem:s0+$0x2280]  }
0x116: {  	v23 =	vld [tilespmem:s0+$0x2000]  }
0x117: {  	v8 =	vbroadcast v5, $0x2;
	v24 =	vld [tilespmem:s0+$0x2080]  }
0x118: {  	v9 =	vbroadcast v5, $0x3;
	v10 =	vbroadcast v5, $0x4;
	v25 =	vld [tilespmem:s0+$0x0]  }
0x119: {  	v11 =	vbroadcast v5, $0x5;
	v12 =	vbroadcast v5, $0x6;
	v26 =	vld [tilespmem:s0+$0x80]  }
0x11a: {  	v13 =	vbroadcast v5, $0x7;
	v17 =	vbroadcast v5, $0x8;
	v27 =	vld [tilespmem:s0+$0x100]  }
0x11b: {  	v18 =	vbroadcast v5, $0x9;
	v15 =	vbroadcast v5, $0xA;
	v28 =	vld [tilespmem:s0+$0x180]  }
0x11c: {  	v14 =	vbroadcast v5, $0xB;
	v19 =	vbroadcast v5, $0xC;
	v29 =	vld [tilespmem:s0+$0x200]  }
0x11d: {  	v20 =	vbroadcast v5, $0xD;
	v16 =	vbroadcast v5, $0xE;
	v30 =	vld [tilespmem:s0+$0x280]  }
0x11e: {  	v7 =	vbroadcast v5, $0x1;
	v6 =	vbroadcast v5, $0x0;
	v31 =	vld [tilespmem:s0+$0x300]  }
0x11f: {  	v5 =	vbroadcast v5, $0xF;
	v32 =	vld [tilespmem:s0+$0x380];
	v33 =	vmul.f32 v21, v19  }
0x120: {  	v34 =	vmul.f32 v22, v20;
	v35 =	vmul.f32 v23, v17;
	v22 =	vld [tilespmem:s0+$0x2100]  }
0x121: {  	v23 =	vmul.f32 v25, v6;
	v25 =	vmul.f32 v26, v7;
	v26 =	vld [tilespmem:s0+$0x2180]  }
0x122: {  	s20 =	simm.s32 $0x10;
	s4 =	simm.s32 $0x80;
	v36 =	vld [tilespmem:s0+$0x2300];
	v27 =	vmul.f32 v27, v8;
	v29 =	vmul.f32 v29, v10  }
0x123: {  	s31 =	simm.s32 $0x14480;
	s21 =	sand.u32 $0x1C00, s4;
	s3 =	sand.u32 $0x70, s20;
	v37 =	vld [tilespmem:s0+$0x2380];
	v30 =	vmul.f32 v30, v11;
	v31 =	vmul.f32 v31, v12  }
0x124: {  	v38 =	vld [tilespmem:s31+$0x0];
	v28 =	vmul.f32 v28, v9;
	s0 =	sor.u32 s3, s21;
	v32 =	vmul.f32 v32, v13;
	v29 =	vadd.f32 v29, v23  }
0x125: {  	v24 =	vmul.f32 v24, v18;
	v21 =	vld [tilespmem:s0+$0x2200];
	v25 =	vadd.f32 v30, v25;
	v27 =	vadd.f32 v31, v27  }
0x126: {  	v28 =	vadd.f32 v32, v28;
	v23 =	vld [tilespmem:s0+$0x2000];
	v30 =	vmul.f32 v22, v15;
	v26 =	vmul.f32 v26, v14  }
0x127: {  	v62 =	vmul.f32 v36, v16;
	v32 =	vld [tilespmem:s0+$0x280];
	v29 =	vadd.f32 v35, v29;
	v31 =	vadd.f32 v24, v25  }
0x128: {  	v24 =	vld [tilespmem:s0+$0x2080];
	v30 =	vadd.f32 v30, v27;
	v26 =	vadd.f32 v26, v28;
	v28 =	vmul.f32 v37, v5  }
0x129: {  	v25 =	vld [tilespmem:s0+$0x0];
	v29 =	vadd.f32 v33, v29;
	v63 =	vadd.f32 v34, v31  }
0x12a: {  	v22 =	vld [tilespmem:s0+$0x2280];
	v30 =	vadd.f32 v62, v30;
	v26 =	vadd.f32 v28, v26  }
0x12b: {  	v31 =	vld [tilespmem:s0+$0x180]  }
0x12c: {  	v27 =	vld [tilespmem:s0+$0x80];
	v33 =	vadd.f32 v63, v29;
	v30 =	vadd.f32 v26, v30  }
0x12d: {  	v29 =	vld [tilespmem:s0+$0x200]  }
0x12e: {  	[smem:$0x0] =	sst s2;
	s2 =	simm.s32 $0x20;
	v28 =	vld [tilespmem:s0+$0x100];
	v26 =	vmul.f32 v38, v4;
	v30 =	vadd.f32 v30, v33  }
.LBB2_8:
0x12f: {  	p0 =	seq.s32 s2, $0x3F0;
	v33 =	vld [tilespmem:s0+$0x300]  }
0x130: {  	v35 =	vmul.f32 v21, v19;
	v36 =	vmul.f32 v22, v20;
	v34 =	vld [tilespmem:s0+$0x380];
	v21 =	vadd.f32 v30, v26  }
0x131: {  	v24 =	vmul.f32 v24, v18;
	v26 =	vmul.f32 v23, v17;
	v22 =	vld [tilespmem:s0+$0x2100]  }
0x132: {  	v23 =	vmul.f32 v25, v6;
	v25 =	vmul.f32 v27, v7;
	v27 =	vld [tilespmem:s0+$0x2180];
	[tilespmem:s31+$0x0] =	vst v21  }
0x133: {  	s4 =	sadd.s32 $0x80, s4;
	v28 =	vmul.f32 v28, v8;
	v30 =	vmul.f32 v31, v9;
	v31 =	vld [tilespmem:s0+$0x2300]  }
0x134: {  	s3 =	sand.u32 $0x70, s2;
	s13 =	sand.u32 $0x1C00, s4;
	v29 =	vmul.f32 v29, v10;
	s31 =	sadd.s32 $0x10, s31;
	v32 =	vmul.f32 v32, v11;
	v37 =	vld [tilespmem:s0+$0x2380]  }
0x135: {  	s0 =	sor.u32 s3, s13;
	v33 =	vmul.f32 v33, v12;
	v34 =	vmul.f32 v34, v13;
	v38 =	vld [tilespmem:s31+$0x0]  }
0x136: {  	v29 =	vadd.f32 v29, v23;
	v25 =	vadd.f32 v32, v25;
	v21 =	vld [tilespmem:s0+$0x2200];
	v32 =	vmul.f32 v22, v15  }
0x137: {  	v28 =	vadd.f32 v33, v28;
	v22 =	vld [tilespmem:s0+$0x2280];
	v30 =	vadd.f32 v34, v30;
	v27 =	vmul.f32 v27, v14  }
0x138: {  	v26 =	vadd.f32 v26, v29;
	v29 =	vadd.f32 v24, v25;
	v23 =	vld [tilespmem:s0+$0x2000];
	v31 =	vmul.f32 v31, v16  }
0x139: {  	v28 =	vadd.f32 v32, v28;
	v24 =	vld [tilespmem:s0+$0x2080];
	v30 =	vadd.f32 v27, v30;
	v32 =	vmul.f32 v37, v5  }
0x13a: {  	v26 =	vadd.f32 v35, v26;
	v29 =	vadd.f32 v36, v29;
	v25 =	vld [tilespmem:s0+$0x0]  }
.Ltmp10:
0x13b: {  	v33 =	vadd.f32 v31, v28;
	v27 =	vld [tilespmem:s0+$0x80];
	v30 =	vadd.f32 v32, v30;
	(pc) =	sbr.rel @!p0 .LBB2_8-.Ltmp10, $4  }
0x13c: {  	v28 =	vld [tilespmem:s0+$0x100]  }
0x13d: {  	v34 =	vadd.f32 v29, v26;
	v31 =	vld [tilespmem:s0+$0x180];
	v30 =	vadd.f32 v30, v33  }
0x13e: {  	v29 =	vld [tilespmem:s0+$0x200]  }
0x13f: {  	s2 =	sadd.s32 $0x10, s2;
	v26 =	vmul.f32 v38, v4;
	v32 =	vld [tilespmem:s0+$0x280];
	v30 =	vadd.f32 v30, v34  }
0x140: {  	v33 =	vld [tilespmem:s0+$0x300]  }
0x141: {  	v34 =	vld [tilespmem:s0+$0x380];
	v19 =	vmul.f32 v21, v19;
	v20 =	vmul.f32 v22, v20  }
0x142: {  	v17 =	vmul.f32 v23, v17;
	v18 =	vmul.f32 v24, v18;
	v55 =	vld [tilespmem:s0+$0x2100]  }
0x143: {  	v6 =	vmul.f32 v25, v6;
	v7 =	vmul.f32 v27, v7;
	v56 =	vld [tilespmem:s0+$0x2180]  }
0x144: {  	v57 =	vld [tilespmem:s0+$0x2300];
	v8 =	vmul.f32 v28, v8;
	v9 =	vmul.f32 v31, v9  }
0x145: {  	v58 =	vld [tilespmem:s0+$0x2380];
	v10 =	vmul.f32 v29, v10;
	v11 =	vmul.f32 v32, v11  }
0x146: {  	v12 =	vmul.f32 v33, v12;
	v13 =	vmul.f32 v34, v13  }
0x147: {  	v6 =	vadd.f32 v10, v6;
	v59 =	vmul.f32 v55, v15;
	v7 =	vadd.f32 v11, v7  }
0x148: {  	v60 =	vmul.f32 v56, v14;
	v8 =	vadd.f32 v12, v8;
	v9 =	vadd.f32 v13, v9  }
0x149: {  	v61 =	vmul.f32 v57, v16;
	v6 =	vadd.f32 v17, v6;
	v7 =	vadd.f32 v18, v7  }
0x14a: {  	s21 =	sadd.s32 $0x10, s31;
	v5 =	vmul.f32 v58, v5;
	v8 =	vadd.f32 v59, v8;
	v9 =	vadd.f32 v60, v9  }
0x14b: {  	v62 =	vld [tilespmem:s21+$0x0];
	v6 =	vadd.f32 v19, v6;
	v7 =	vadd.f32 v20, v7  }
0x14c: {  	v8 =	vadd.f32 v61, v8;
	v5 =	vadd.f32 v5, v9;
	_ =	sdelay $0x1  }
0x14d: {  	v6 =	vadd.f32 v7, v6;
	v5 =	vadd.f32 v5, v8;
	_ =	sdelay $0x1  }
0x14e: {  	v4 =	vmul.f32 v62, v4;
	v5 =	vadd.f32 v5, v6  }
0x14f: {  	v63 =	vadd.f32 v30, v26  }
0x150: {  	v4 =	vadd.f32 v5, v4  }
0x151: {  	[tilespmem:s31+$0x0] =	vst v63  }
0x152: {  	[tilespmem:s21+$0x0] =	vst v4  }
.LBB2_17:
0x153: {  	s0 =	simm.s32 $0x0  }
0x154: {  	s2 =	simm.s32 $0x10000;
	s3 =	sand.u32 $0x70, s0;
	s0 =	sand.u32 $0x1C00, s0  }
0x155: {  	v5 =	vld [tilespmem:s2+$0x0];
	s15 =	sor.u32 s3, s0  }
0x156: {  	v4 =	vld [tilespmem:s15+$0x6380]  }
0x157: {  	v6 =	vld [tilespmem:s15+$0x4000]  }
0x158: {  	v7 =	vld [tilespmem:s15+$0x4080]  }
0x159: {  	v8 =	vld [tilespmem:s15+$0x4100]  }
0x15a: {  	v19 =	vld [tilespmem:s15+$0x6000]  }
0x15b: {  	v20 =	vld [tilespmem:s15+$0x6080]  }
0x15c: {  	v9 =	vld [tilespmem:s15+$0x4180]  }
0x15d: {  	v10 =	vld [tilespmem:s15+$0x4200]  }
0x15e: {  	v13 =	vld [tilespmem:s15+$0x4300];
	v4 =	vmul.f32 v4, v5  }
0x15f: {  	v11 =	vld [tilespmem:s15+$0x4280];
	v6 =	vmul.f32 v6, v5;
	v7 =	vmul.f32 v7, v5  }
0x160: {  	v12 =	vimm.f32 $0.0e+00;
	v14 =	vld [tilespmem:s15+$0x4380];
	v27 =	vmul.f32 v19, v5;
	v26 =	vmul.f32 v20, v5  }
0x161: {  	v20 =	vimm.f32 $0.0e+00;
	v19 =	vimm.f32 $0.0e+00;
	v18 =	vadd.f32 v6, v12  }
0x162: {  	v6 =	vmul.f32 v8, v5;
	v16 =	vadd.f32 v7, v12;
	v7 =	vmul.f32 v9, v5  }
0x163: {  	v25 =	vld [tilespmem:s15+$0x6100];
	v4 =	vadd.f32 v4, v12;
	v8 =	vmul.f32 v10, v5;
	v9 =	vmul.f32 v13, v5  }
0x164: {  	v24 =	vld [tilespmem:s15+$0x6180];
	v10 =	vimm.f32 $0.0e+00;
	v17 =	vadd.f32 v6, v12;
	v6 =	vmul.f32 v11, v5  }
0x165: {  	v22 =	vld [tilespmem:s15+$0x6200];
	v15 =	vadd.f32 v7, v12;
	v13 =	vadd.f32 v8, v12;
	v7 =	vmul.f32 v14, v5  }
0x166: {  	s31 =	simm.s32 $0x10;
	s4 =	simm.s32 $0x20;
	s2 =	simm.s32 $0x80;
	v21 =	vld [tilespmem:s15+$0x6280];
	v9 =	vadd.f32 v9, v12;
	v14 =	vimm.f32 $0.0e+00;
	v11 =	vadd.f32 v6, v12  }
0x167: {  	s0 =	simm.s32 $0x10010;
	s3 =	sand.u32 $0x70, s31;
	s13 =	sand.u32 $0x1C00, s2;
	v23 =	vld [tilespmem:s15+$0x6300];
	v8 =	vadd.f32 v7, v12;
	v7 =	vimm.f32 $0.0e+00;
	v6 =	vimm.f32 $0.0e+00  }
.LBB2_18:
0x168: {  	p0 =	sne.s32 s4, $0x3F0;
	v28 =	vld [tilespmem:s0+$0x0];
	s31 =	sor.u32 s3, s13;
	v12 =	vadd.f32 v27, v12;
	v25 =	vmul.f32 v25, v5  }
0x169: {  	v27 =	vld [tilespmem:s31+$0x6380];
	v20 =	vadd.f32 v26, v20;
	v24 =	vmul.f32 v24, v5  }
0x16a: {  	v26 =	vld [tilespmem:s31+$0x4000];
	v19 =	vadd.f32 v25, v19;
	v22 =	vmul.f32 v22, v5  }
0x16b: {  	v25 =	vld [tilespmem:s31+$0x4080];
	v14 =	vadd.f32 v24, v14;
	v21 =	vmul.f32 v21, v5  }
0x16c: {  	v24 =	vld [tilespmem:s31+$0x4100];
	v10 =	vadd.f32 v22, v10;
	v22 =	vmul.f32 v23, v5  }
0x16d: {  	v23 =	vld [tilespmem:s31+$0x4180];
	v7 =	vadd.f32 v21, v7;
	v5 =	vmov v28  }
0x16e: {  	v21 =	vld [tilespmem:s31+$0x4200];
	v27 =	vmul.f32 v27, v5;
	v6 =	vadd.f32 v22, v6  }
0x16f: {  	v22 =	vmul.f32 v26, v5;
	v26 =	vld [tilespmem:s31+$0x4280]  }
0x170: {  	v25 =	vmul.f32 v25, v5;
	v28 =	vld [tilespmem:s31+$0x4300];
	v4 =	vadd.f32 v27, v4  }
0x171: {  	v18 =	vadd.f32 v22, v18;
	v22 =	vmul.f32 v24, v5;
	v27 =	vld [tilespmem:s31+$0x4380]  }
0x172: {  	v16 =	vadd.f32 v25, v16;
	v23 =	vmul.f32 v23, v5;
	v29 =	vld [tilespmem:s31+$0x6000]  }
0x173: {  	v17 =	vadd.f32 v22, v17;
	v21 =	vmul.f32 v21, v5;
	v30 =	vld [tilespmem:s31+$0x6080]  }
.Ltmp11:
0x174: {  	v15 =	vadd.f32 v23, v15;
	v22 =	vmul.f32 v26, v5;
	v25 =	vld [tilespmem:s31+$0x6100];
	(pc) =	sbr.rel @p0 .LBB2_18-.Ltmp11, $4  }
0x175: {  	v13 =	vadd.f32 v21, v13;
	v21 =	vmul.f32 v28, v5;
	v24 =	vld [tilespmem:s31+$0x6180]  }
0x176: {  	v11 =	vadd.f32 v22, v11;
	v23 =	vmul.f32 v27, v5;
	v22 =	vld [tilespmem:s31+$0x6200]  }
0x177: {  	s2 =	sadd.s32 $0x80, s2;
	s0 =	sadd.s32 $0x10, s0;
	v9 =	vadd.f32 v21, v9;
	v27 =	vmul.f32 v29, v5;
	v21 =	vld [tilespmem:s31+$0x6280]  }
0x178: {  	s3 =	sand.u32 $0x70, s4;
	s4 =	sadd.s32 $0x10, s4;
	s13 =	sand.u32 $0x1C00, s2;
	v8 =	vadd.f32 v23, v8;
	v26 =	vmul.f32 v30, v5;
	v23 =	vld [tilespmem:s31+$0x6300]  }
0x179: {  	v28 =	vld [tilespmem:s0+$0x0];
	s20 =	sor.u32 s3, s13  }
0x17a: {  	v29 =	vld [tilespmem:s20+$0x4000]  }
0x17b: {  	v30 =	vld [tilespmem:s20+$0x4080]  }
0x17c: {  	v31 =	vld [tilespmem:s20+$0x4100]  }
0x17d: {  	v32 =	vld [tilespmem:s20+$0x4180]  }
0x17e: {  	v33 =	vld [tilespmem:s20+$0x4200]  }
0x17f: {  	v34 =	vld [tilespmem:s20+$0x4280];
	v29 =	vmul.f32 v29, v28  }
0x180: {  	v35 =	vld [tilespmem:s20+$0x4300];
	v30 =	vmul.f32 v30, v28  }
0x181: {  	v58 =	vld [tilespmem:s20+$0x4380];
	v57 =	vmul.f32 v31, v28;
	v18 =	vadd.f32 v29, v18  }
0x182: {  	v60 =	vld [tilespmem:s20+$0x6000];
	v59 =	vmul.f32 v32, v28;
	v16 =	vadd.f32 v30, v16  }
0x183: {  	v12 =	vadd.f32 v27, v12;
	v62 =	vld [tilespmem:s20+$0x6080];
	v61 =	vmul.f32 v33, v28;
	v17 =	vadd.f32 v57, v17;
	(xrf2) =	vadd.scan.msk.f32 $0xffff, v18  }
0x184: {  	v25 =	vmul.f32 v25, v5;
	v36 =	vld [tilespmem:s20+$0x6200];
	v63 =	vmul.f32 v34, v28;
	v15 =	vadd.f32 v59, v15;
	(xrf2) =	vadd.scan.msk.f32 $0xffff, v16  }
0x185: {  	v20 =	vadd.f32 v26, v20;
	v32 =	vld [tilespmem:s20+$0x6100];
	v33 =	vmul.f32 v35, v28;
	v13 =	vadd.f32 v61, v13;
	(xrf2) =	vadd.scan.msk.f32 $0xffff, v17  }
0x186: {  	v24 =	vmul.f32 v24, v5;
	v19 =	vadd.f32 v25, v19;
	v34 =	vld [tilespmem:s20+$0x6180];
	v11 =	vadd.f32 v63, v11;
	(xrf2) =	vadd.scan.msk.f32 $0xffff, v15  }
0x187: {  	v41 =	vld [tilespmem:s20+$0x6300];
	v22 =	vmul.f32 v22, v5;
	v35 =	vmul.f32 v58, v28;
	v9 =	vadd.f32 v33, v9;
	(xrf2) =	vadd.scan.msk.f32 $0xffff, v13  }
0x188: {  	v38 =	vld [tilespmem:s20+$0x6280];
	v39 =	vadd.f32 v24, v14;
	v42 =	vmul.f32 v21, v5;
	v37 =	vmul.f32 v60, v28;
	(xrf2) =	vadd.scan.msk.f32 $0xffff, v11  }
0x189: {  	v5 =	vmul.f32 v23, v5;
	v40 =	vmul.f32 v62, v28;
	v8 =	vadd.f32 v35, v8;
	(xrf2) =	vadd.scan.msk.f32 $0xffff, v9  }
0x18a: {  	v43 =	vadd.f32 v22, v10;
	v12 =	vadd.f32 v37, v12;
	v16 =	vmul.f32 v32, v28  }
0x18b: {  	v46 =	vld [tilespmem:s20+$0x6380];
	v5 =	vadd.f32 v5, v6;
	v44 =	vadd.f32 v40, v20;
	v45 =	vmul.f32 v34, v28;
	(xrf2) =	vadd.scan.msk.f32 $0xffff, v8  }
0x18c: {  	v49 =	vmul.f32 v41, v28;
	v16 =	vadd.f32 v16, v19;
	v15 =	vmul.f32 v36, v28;
	(xrf2) =	vadd.scan.msk.f32 $0xffff, v12  }
0x18d: {  	v7 =	vadd.f32 v42, v7;
	v48 =	vmul.f32 v38, v28;
	v47 =	vadd.f32 v45, v39;
	(xrf2) =	vadd.scan.msk.f32 $0xffff, v44;
	v50, _, _ =	vpop (xrf2)  }
0x18e: {  	v5 =	vadd.f32 v49, v5;
	v6 =	vadd.f32 v15, v43;
	(xrf2) =	vadd.scan.msk.f32 $0xffff, v16;
	v51, _, _ =	vpop (xrf2)  }
0x18f: {  	v7 =	vadd.f32 v48, v7;
	(xrf2) =	vadd.scan.msk.f32 $0xffff, v47;
	v52 =	vbroadcast v50, $0xF;
	v53 =	vbroadcast v51, $0xF;
	v54, _, _ =	vpop (xrf2)  }
0x190: {  	(xrf2) =	vadd.scan.msk.f32 $0xffff, v6;
	v6 =	vmul.f32 v46, v28;
	v55 =	vbroadcast v54, $0xF;
	v56, _, _ =	vpop (xrf2)  }
0x191: {  	(xrf2) =	vadd.scan.msk.f32 $0xffff, v7;
	v7 =	vsel vm0, v52, v53;
	v57 =	vbroadcast v56, $0xF;
	v58, _, _ =	vpop (xrf2)  }
0x192: {  	(xrf2) =	vadd.scan.msk.f32 $0xffff, v5;
	v4 =	vadd.f32 v6, v4;
	v5, _, _ =	vpop (xrf2);
	v6 =	vsel vm1, v7, v55;
	v7 =	vbroadcast v58, $0xF  }
0x193: {  	v59, _, _ =	vpop (xrf2);
	v6 =	vsel vm2, v6, v57  }
0x194: {  	v5 =	vbroadcast v5, $0xF;
	v6 =	vsel vm3, v6, v7;
	v7 =	vbroadcast v59, $0xF  }
0x195: {  	v60, _, _ =	vpop (xrf2)  }
0x196: {  	(xrf2) =	vadd.scan.msk.f32 $0xffff, v4;
	v4, _, _ =	vpop (xrf2);
	v5 =	vsel vm4, v6, v5;
	v6 =	vbroadcast v60, $0xF  }
0x197: {  	v61, _, _ =	vpop (xrf2);
	v5 =	vsel vm5, v5, v7;
	v4 =	vbroadcast v4, $0xF  }
0x198: {  	v5 =	vsel vm6, v5, v6;
	v6 =	vbroadcast v61, $0xF;
	v7, _, _ =	vpop (xrf2)  }
0x199: {  	v4 =	vsel vm7, v5, v4;
	v62, _, _ =	vpop (xrf2);
	v5 =	vbroadcast v7, $0xF  }
0x19a: {  	s21 =	sld [smem:$0x100];
	v4 =	vsel vm8, v4, v6;
	v7, _, _ =	vpop (xrf2);
	v6 =	vbroadcast v62, $0xF  }
0x19b: {  	v63, _, _ =	vpop (xrf2);
	v4 =	vsel vm9, v4, v5;
	v5 =	vbroadcast v7, $0xF  }
0x19c: {  	v7, _, _ =	vpop (xrf2);
	v4 =	vsel vm10, v4, v6  }
0x19d: {  	p0 =	slt.s32 s21, s28;
	v4 =	vsel vm11, v4, v5;
	v5 =	vbroadcast v7, $0xF  }
.Ltmp12:
0x19e: {  	v6 =	vbroadcast v63, $0xF;
	(pc) =	sbr.rel @!p0 .LBB2_20-.Ltmp12, $4  }
0x19f: {  	_ = 	snop  }
0x1a0: {  	v4 =	vsel vm12, v4, v6  }
0x1a1: {  	v4 =	vsel vm13, v4, v5;
	v5, _, _ =	vpop (xrf2)  }
0x1a2: {  	s31 =	simm.s32 $0x0;
	v4 =	vsel vm14, v4, v5  }
.LBB2_23:
0x1a3: {  	s0 =	sld [smem:$0x100];
	_ =	sdelay $0x1  }
0x1a4: {  	s2 =	sor.u32 s30, s31  }
0x1a5: {  	p0 =	sne.s32 s2, s0  }
.Ltmp13:
0x1a6: {  	_ = 	snop;
	(pc) =	sbr.rel @p0 .LBB2_27-.Ltmp13, $1  }
0x1a7: {  	_ =	sdelay $0x3  }
0x1a8: {  	v5 =	vld [tilespmem:$0x14900]  }
0x1a9: {  	s0 =	sld [smem:$0x80];
	v6 =	vld [tilespmem:$0x14880]  }
0x1aa: {  	v7 =	vld [tilespmem:$0x14980]  }
0x1ab: {  	s2 =	sld [smem:$0x0]  }
0x1ac: {  	v8 =	vmov s0  }
0x1ad: {  	s3 =	sshll.u32 s0, $0xA;
	s4 =	sshll.u32 s0, $0x7;
	vm15 =	veq.s32 v8, v2  }
0x1ae: {  	s20 =	sand.u32 $0xFFFFE000, s3;
	s21 =	sand.u32 $0x380, s4;
	v5 =	vsel vm15, s2, v5  }
0x1af: {  	s2 =	sor.u32 s21, s20;
	[tilespmem:$0x14900] =	vst v5;
	v5 =	vsel vm15, v6, v7  }
0x1b0: {  	s4 =	sadd.s32 $0x10480, s2;
	s2 =	simm.s32 $0x14480;
	[tilespmem:$0x14980] =	vst v5  }
0x1b1: {  	v5 =	vld [tilespmem:s2+$0x0]  }
0x1b2: {  	s15 =	simm.s32 $0x10;
	s13 =	simm.s32 $0x0;
	s3 =	simm.s32 $0x0  }
.LBB2_25:
0x1b3: {  	p0 =	sne.s32 s15, $0x3F0;
	s20 =	sand.u32 $0x1C00, s3  }
0x1b4: {  	s21 =	sand.u32 $0x70, s13;
	s13 =	smov.u32 s15;
	s20 =	sadd.s32 s20, s4  }
.Ltmp14:
0x1b5: {  	s20 =	sadd.s32 s21, s20;
	(pc) =	sbr.rel @p0 .LBB2_25-.Ltmp14, $4  }
0x1b6: {  	[tilespmem:s20+$0x0] =	vst v5  }
0x1b7: {  	[tilespmem:s2+$0x0] =	vst v0;
	s2 =	sadd.s32 $0x10, s2  }
0x1b8: {  	v5 =	vld [tilespmem:s2+$0x0]  }
0x1b9: {  	s15 =	sadd.s32 $0x10, s15;
	s3 =	sadd.s32 $0x80, s3  }
0x1ba: {  	s0 =	sadd.s32 $0x1, s0  }
0x1bb: {  	v6 =	vmov s0  }
0x1bc: {  	vm15 =	veq.s32 v6, v2  }
0x1bd: {  	v6 =	vnsel vm15, $0x80000000, v3  }
0x1be: {  	(xrf0) =	vmax.scan.msk.u32 $0xffff, v6;
	_ =	sdelay $0x5  }
0x1bf: {  	v6, _, _ =	vpop (xrf0)  }
0x1c0: {  	(v2sf) =	vpush v6, $0xF;
	_ =	sdelay $0xb  }
0x1c1: {  	s3 =	sand.u32 $0x1C00, s3  }
0x1c2: {  	s13 =	sand.u32 $0x70, s13;
	s3 =	sadd.s32 s3, s4  }
0x1c3: {  	s3 =	sadd.s32 s13, s3  }
0x1c4: {  	[smem:$0x0] =	sst s16;
	[tilespmem:s3+$0x0] =	vst v5;
	s20 =	spop (v2sf)  }
0x1c5: {  	[smem:$0x80] =	sst s0;
	[tilespmem:s2+$0x0] =	vst v0;
	s21 =	sxor.u32 $0x80000000, s20  }
0x1c6: {  	[tilespmem:$0x14880] =	vst v0;
	[smem:$0x100] =	sst s21  }
.LBB2_27:
0x1c7: {  	v5 =	vmov s31  }
0x1c8: {  	vm15 =	veq.s32 v5, v2  }
0x1c9: {  	v5 =	vnsel vm15, $0xF149F2CA, v4  }
0x1ca: {  	(xrf0) =	vmax.scan.msk.f32 $0xffff, v5;
	_ =	sdelay $0x5  }
0x1cb: {  	v5, _, _ =	vpop (xrf0)  }
0x1cc: {  	(v2sf) =	vpush v5, $0xF;
	_ =	sdelay $0xc  }
0x1cd: {  	s0 =	sld [smem:$0x0];
	_ =	sdelay $0x1  }
0x1ce: {  	s2 =	spop (v2sf)  }
0x1cf: {  	s3 =	smax.f32 s0, s2  }
0x1d0: {  	s0 =	ssub.f32 s0, s3;
	_ =	sdelay $0x1  }
0x1d1: {  	s15 =	ssub.f32 s2, s3;
	v5 =	vmov s0  }
0x1d2: {  	v5 =	vmul.f32 $1.442695020e+00, v5  }
0x1d3: {  	v6 =	vmov s15  }
0x1d4: {  	v6 =	vmul.f32 $1.442695020e+00, v6;
	v5 =	vbroadcast v5, $0x0;
	_ =	sdelay $0x1  }
0x1d5: {  	(erf) = vpow2.f32 v5;
	v5 =	vbroadcast v6, $0x0;
	_ =	sdelay $0x1  }
0x1d6: {  	(erf) = vpow2.f32 v5;
	_ =	sdelay $0x2  }
0x1d7: {  	v6 =	vld [tilespmem:$0x14880];
	_ =	sdelay $0x3  }
0x1d8: {  	v5 =	vpop (erf)  }
0x1d9: {  	s20 =	sshll.u32 s31, $0xA;
	s21 =	sshll.u32 s31, $0x7;
	v7 =	vmul.f32 v5, v6  }
0x1da: {  	s2 =	sand.u32 $0x380, s21;
	s0 =	sand.u32 $0x2000, s20;
	v6 =	vpop (erf)  }
0x1db: {  	s4 =	simm.s32 $0x0;
	s0 =	sor.u32 s2, s0;
	v7 =	vadd.f32 v7, v6  }
0x1dc: {  	s13 =	sand.u32 $0x1C00, s4;
	s0 =	sor.u32 $0x4000, s0  }
0x1dd: {  	s4 =	sand.u32 $0x70, s4;
	s2 =	simm.s32 $0x14480;
	s13 =	sadd.s32 s13, s0;
	[tilespmem:$0x14880] =	vst v7  }
0x1de: {  	s4 =	sadd.s32 s4, s13;
	v7 =	vld [tilespmem:s2+$0x0]  }
0x1df: {  	v8 =	vld [tilespmem:s4+$0x0];
	_ =	sdelay $0x4  }
0x1e0: {  	v7 =	vmul.f32 v7, v5;
	v8 =	vmul.f32 v8, v6;
	_ =	sdelay $0x1  }
0x1e1: {  	[smem:$0x0] =	sst s3;
	s3 =	simm.s32 $0x80;
	s15 =	simm.s32 $0x10;
	v7 =	vadd.f32 v8, v7  }
0x1e2: {  	s20 =	sand.u32 $0x1C00, s3;
	s13 =	simm.s32 $0x20;
	s4 =	simm.s32 $0x14490  }
.LBB2_28:
0x1e3: {  	p0 =	sne.s32 s13, $0x3F0;
	s15 =	sand.u32 $0x70, s15;
	s20 =	sadd.s32 s20, s0;
	[tilespmem:s2+$0x0] =	vst v7  }
0x1e4: {  	s2 =	smov.u32 s4;
	v7 =	vld [tilespmem:s4+$0x0];
	s20 =	sadd.s32 s15, s20;
	s15 =	smov.u32 s13  }
0x1e5: {  	v8 =	vld [tilespmem:s20+$0x0];
	_ =	sdelay $0x3  }
.Ltmp15:
0x1e6: {  	(pc) =	sbr.rel @p0 .LBB2_28-.Ltmp15, $3  }
0x1e7: {  	v7 =	vmul.f32 v7, v5;
	v8 =	vmul.f32 v8, v6;
	_ =	sdelay $0x1  }
0x1e8: {  	s3 =	sadd.s32 $0x80, s3;
	v7 =	vadd.f32 v8, v7  }
0x1e9: {  	s13 =	sadd.s32 $0x10, s13;
	s4 =	sadd.s32 $0x10, s4;
	s20 =	sand.u32 $0x1C00, s3  }
0x1ea: {  	s3 =	sand.u32 $0x70, s15;
	s0 =	sadd.s32 s20, s0;
	[tilespmem:s2+$0x0] =	vst v7  }
0x1eb: {  	v7 =	vld [tilespmem:s4+$0x0];
	s0 =	sadd.s32 s3, s0  }
0x1ec: {  	v8 =	vld [tilespmem:s0+$0x0];
	_ =	sdelay $0x2  }
0x1ed: {  	s31 =	sadd.s32 $0x1, s31  }
0x1ee: {  	p0 =	sne.s32 s31, $0x10  }
.Ltmp16:
0x1ef: {  	v5 =	vmul.f32 v7, v5;
	v6 =	vmul.f32 v8, v6;
	(pc) =	sbr.rel @p0 .LBB2_23-.Ltmp16, $4  }
.Ltmp17:
0x1f0: {  	_ = 	snop;
	(pc) =	sbr.rel @!p0 .LBB2_30-.Ltmp17, $4  }
0x1f1: {  	v5 =	vadd.f32 v6, v5  }
0x1f2: {  	_ = 	snop  }
0x1f3: {  	[tilespmem:s4+$0x0] =	vst v5  }
0x1f4: {  	_ = 	snop  }
.LBB2_20:
0x1f5: {  	(xrf0) =	vmax.scan.msk.f32 $0xffff, v4;
	_ =	sdelay $0x5  }
0x1f6: {  	v5, _, _ =	vpop (xrf0)  }
0x1f7: {  	(v2sf) =	vpush v5, $0xF;
	_ =	sdelay $0xc  }
0x1f8: {  	s0 =	sld [smem:$0x0];
	_ =	sdelay $0x1  }
0x1f9: {  	s2 =	spop (v2sf)  }
0x1fa: {  	s2 =	smax.f32 s0, s2  }
0x1fb: {  	s0 =	ssub.f32 s0, s2;
	_ =	sdelay $0x1  }
0x1fc: {  	v5 =	vmov s0  }
0x1fd: {  	v6 =	vmov s2;
	v5 =	vmul.f32 $1.442695020e+00, v5  }
0x1fe: {  	v4 =	vsub.f32 v4, v6  }
0x1ff: {  	v5 =	vbroadcast v5, $0x0  }
0x200: {  	v4 =	vmul.f32 $1.442695020e+00, v4  }
0x201: {  	(erf) = vpow2.f32 v5  }
0x202: {  	(erf) = vpow2.f32 v4;
	_ =	sdelay $0x7  }
0x203: {  	v4 =	vpop (erf)  }
0x204: {  	v5 =	vpop (erf)  }
0x205: {  	(xrf2) =	vadd.scan.msk.f32 $0xffff, v5;
	_ =	sdelay $0x5  }
0x206: {  	v6 =	vld [tilespmem:$0x14880];
	_ =	sdelay $0x3  }
0x207: {  	v7, _, _ =	vpop (xrf2)  }
0x208: {  	v6 =	vmul.f32 v4, v6;
	v7 =	vbroadcast v7, $0xF;
	_ =	sdelay $0x1  }
0x209: {  	s20 =	simm.s32 $0x0;
	v6 =	vadd.f32 v7, v6  }
0x20a: {  	s3 =	sand.u32 $0x70, s20;
	s0 =	sand.u32 $0x1C00, s20  }
0x20b: {  	s0 =	sor.u32 s3, s0;
	[tilespmem:$0x14880] =	vst v6  }
0x20c: {  	v21 =	vld [tilespmem:s0+$0x6200]  }
0x20d: {  	v22 =	vld [tilespmem:s0+$0x6280]  }
0x20e: {  	v23 =	vld [tilespmem:s0+$0x6000]  }
0x20f: {  	v8 =	vbroadcast v5, $0x2;
	v24 =	vld [tilespmem:s0+$0x6080]  }
0x210: {  	v9 =	vbroadcast v5, $0x3;
	v10 =	vbroadcast v5, $0x4;
	v25 =	vld [tilespmem:s0+$0x4000]  }
0x211: {  	v11 =	vbroadcast v5, $0x5;
	v12 =	vbroadcast v5, $0x6;
	v26 =	vld [tilespmem:s0+$0x4080]  }
0x212: {  	v13 =	vbroadcast v5, $0x7;
	v17 =	vbroadcast v5, $0x8;
	v27 =	vld [tilespmem:s0+$0x4100]  }
0x213: {  	v18 =	vbroadcast v5, $0x9;
	v15 =	vbroadcast v5, $0xA;
	v28 =	vld [tilespmem:s0+$0x4180]  }
0x214: {  	v14 =	vbroadcast v5, $0xB;
	v19 =	vbroadcast v5, $0xC;
	v29 =	vld [tilespmem:s0+$0x4200]  }
0x215: {  	v20 =	vbroadcast v5, $0xD;
	v16 =	vbroadcast v5, $0xE;
	v30 =	vld [tilespmem:s0+$0x4280]  }
0x216: {  	v7 =	vbroadcast v5, $0x1;
	v6 =	vbroadcast v5, $0x0;
	v31 =	vld [tilespmem:s0+$0x4300]  }
0x217: {  	v5 =	vbroadcast v5, $0xF;
	v32 =	vld [tilespmem:s0+$0x4380];
	v33 =	vmul.f32 v21, v19  }
0x218: {  	v34 =	vmul.f32 v22, v20;
	v35 =	vmul.f32 v23, v17;
	v22 =	vld [tilespmem:s0+$0x6100]  }
0x219: {  	v23 =	vmul.f32 v25, v6;
	v25 =	vmul.f32 v26, v7;
	v26 =	vld [tilespmem:s0+$0x6180]  }
0x21a: {  	s21 =	simm.s32 $0x10;
	s4 =	simm.s32 $0x80;
	v36 =	vld [tilespmem:s0+$0x6300];
	v27 =	vmul.f32 v27, v8;
	v29 =	vmul.f32 v29, v10  }
0x21b: {  	s30 =	simm.s32 $0x14480;
	s31 =	sand.u32 $0x1C00, s4;
	s3 =	sand.u32 $0x70, s21;
	v37 =	vld [tilespmem:s0+$0x6380];
	v30 =	vmul.f32 v30, v11;
	v31 =	vmul.f32 v31, v12  }
0x21c: {  	v38 =	vld [tilespmem:s30+$0x0];
	v28 =	vmul.f32 v28, v9;
	s0 =	sor.u32 s3, s31;
	v32 =	vmul.f32 v32, v13;
	v29 =	vadd.f32 v29, v23  }
0x21d: {  	v24 =	vmul.f32 v24, v18;
	v21 =	vld [tilespmem:s0+$0x6200];
	v25 =	vadd.f32 v30, v25;
	v27 =	vadd.f32 v31, v27  }
0x21e: {  	v28 =	vadd.f32 v32, v28;
	v23 =	vld [tilespmem:s0+$0x6000];
	v30 =	vmul.f32 v22, v15;
	v26 =	vmul.f32 v26, v14  }
0x21f: {  	v62 =	vmul.f32 v36, v16;
	v32 =	vld [tilespmem:s0+$0x4280];
	v29 =	vadd.f32 v35, v29;
	v31 =	vadd.f32 v24, v25  }
0x220: {  	v24 =	vld [tilespmem:s0+$0x6080];
	v30 =	vadd.f32 v30, v27;
	v26 =	vadd.f32 v26, v28;
	v28 =	vmul.f32 v37, v5  }
0x221: {  	v25 =	vld [tilespmem:s0+$0x4000];
	v29 =	vadd.f32 v33, v29;
	v63 =	vadd.f32 v34, v31  }
0x222: {  	v22 =	vld [tilespmem:s0+$0x6280];
	v30 =	vadd.f32 v62, v30;
	v26 =	vadd.f32 v28, v26  }
0x223: {  	v31 =	vld [tilespmem:s0+$0x4180]  }
0x224: {  	v27 =	vld [tilespmem:s0+$0x4080];
	v33 =	vadd.f32 v63, v29;
	v30 =	vadd.f32 v26, v30  }
0x225: {  	v29 =	vld [tilespmem:s0+$0x4200]  }
0x226: {  	[smem:$0x0] =	sst s2;
	s2 =	simm.s32 $0x20;
	v28 =	vld [tilespmem:s0+$0x4100];
	v26 =	vmul.f32 v38, v4;
	v30 =	vadd.f32 v30, v33  }
.LBB2_21:
0x227: {  	p0 =	seq.s32 s2, $0x3F0;
	v33 =	vld [tilespmem:s0+$0x4300]  }
0x228: {  	v35 =	vmul.f32 v21, v19;
	v36 =	vmul.f32 v22, v20;
	v34 =	vld [tilespmem:s0+$0x4380];
	v21 =	vadd.f32 v30, v26  }
0x229: {  	v24 =	vmul.f32 v24, v18;
	v26 =	vmul.f32 v23, v17;
	v22 =	vld [tilespmem:s0+$0x6100]  }
0x22a: {  	v23 =	vmul.f32 v25, v6;
	v25 =	vmul.f32 v27, v7;
	v27 =	vld [tilespmem:s0+$0x6180];
	[tilespmem:s30+$0x0] =	vst v21  }
0x22b: {  	s4 =	sadd.s32 $0x80, s4;
	v28 =	vmul.f32 v28, v8;
	v30 =	vmul.f32 v31, v9;
	v31 =	vld [tilespmem:s0+$0x6300]  }
0x22c: {  	s3 =	sand.u32 $0x70, s2;
	s13 =	sand.u32 $0x1C00, s4;
	v29 =	vmul.f32 v29, v10;
	s30 =	sadd.s32 $0x10, s30;
	v32 =	vmul.f32 v32, v11;
	v37 =	vld [tilespmem:s0+$0x6380]  }
0x22d: {  	s0 =	sor.u32 s3, s13;
	v33 =	vmul.f32 v33, v12;
	v34 =	vmul.f32 v34, v13;
	v38 =	vld [tilespmem:s30+$0x0]  }
0x22e: {  	v29 =	vadd.f32 v29, v23;
	v25 =	vadd.f32 v32, v25;
	v21 =	vld [tilespmem:s0+$0x6200];
	v32 =	vmul.f32 v22, v15  }
0x22f: {  	v28 =	vadd.f32 v33, v28;
	v22 =	vld [tilespmem:s0+$0x6280];
	v30 =	vadd.f32 v34, v30;
	v27 =	vmul.f32 v27, v14  }
0x230: {  	v26 =	vadd.f32 v26, v29;
	v29 =	vadd.f32 v24, v25;
	v23 =	vld [tilespmem:s0+$0x6000];
	v31 =	vmul.f32 v31, v16  }
0x231: {  	v28 =	vadd.f32 v32, v28;
	v24 =	vld [tilespmem:s0+$0x6080];
	v30 =	vadd.f32 v27, v30;
	v32 =	vmul.f32 v37, v5  }
0x232: {  	v26 =	vadd.f32 v35, v26;
	v29 =	vadd.f32 v36, v29;
	v25 =	vld [tilespmem:s0+$0x4000]  }
.Ltmp18:
0x233: {  	v33 =	vadd.f32 v31, v28;
	v27 =	vld [tilespmem:s0+$0x4080];
	v30 =	vadd.f32 v32, v30;
	(pc) =	sbr.rel @!p0 .LBB2_21-.Ltmp18, $4  }
0x234: {  	v28 =	vld [tilespmem:s0+$0x4100]  }
0x235: {  	v34 =	vadd.f32 v29, v26;
	v31 =	vld [tilespmem:s0+$0x4180];
	v30 =	vadd.f32 v30, v33  }
0x236: {  	v29 =	vld [tilespmem:s0+$0x4200]  }
0x237: {  	s2 =	sadd.s32 $0x10, s2;
	v26 =	vmul.f32 v38, v4;
	v32 =	vld [tilespmem:s0+$0x4280];
	v30 =	vadd.f32 v30, v34  }
0x238: {  	v33 =	vld [tilespmem:s0+$0x4300]  }
0x239: {  	v34 =	vld [tilespmem:s0+$0x4380];
	v19 =	vmul.f32 v21, v19;
	v20 =	vmul.f32 v22, v20  }
0x23a: {  	v17 =	vmul.f32 v23, v17;
	v18 =	vmul.f32 v24, v18;
	v55 =	vld [tilespmem:s0+$0x6100]  }
0x23b: {  	v6 =	vmul.f32 v25, v6;
	v7 =	vmul.f32 v27, v7;
	v56 =	vld [tilespmem:s0+$0x6180]  }
0x23c: {  	v57 =	vld [tilespmem:s0+$0x6300];
	v8 =	vmul.f32 v28, v8;
	v9 =	vmul.f32 v31, v9  }
0x23d: {  	v58 =	vld [tilespmem:s0+$0x6380];
	v10 =	vmul.f32 v29, v10;
	v11 =	vmul.f32 v32, v11  }
0x23e: {  	v12 =	vmul.f32 v33, v12;
	v13 =	vmul.f32 v34, v13  }
0x23f: {  	v6 =	vadd.f32 v10, v6;
	v59 =	vmul.f32 v55, v15;
	v7 =	vadd.f32 v11, v7  }
0x240: {  	v60 =	vmul.f32 v56, v14;
	v8 =	vadd.f32 v12, v8;
	v9 =	vadd.f32 v13, v9  }
0x241: {  	v61 =	vmul.f32 v57, v16;
	v6 =	vadd.f32 v17, v6;
	v7 =	vadd.f32 v18, v7  }
0x242: {  	s31 =	sadd.s32 $0x10, s30;
	v5 =	vmul.f32 v58, v5;
	v8 =	vadd.f32 v59, v8;
	v9 =	vadd.f32 v60, v9  }
0x243: {  	v62 =	vld [tilespmem:s31+$0x0];
	v6 =	vadd.f32 v19, v6;
	v7 =	vadd.f32 v20, v7  }
0x244: {  	v8 =	vadd.f32 v61, v8;
	v5 =	vadd.f32 v5, v9;
	_ =	sdelay $0x1  }
0x245: {  	v6 =	vadd.f32 v7, v6;
	v5 =	vadd.f32 v5, v8;
	_ =	sdelay $0x1  }
0x246: {  	v4 =	vmul.f32 v62, v4;
	v5 =	vadd.f32 v5, v6  }
0x247: {  	v63 =	vadd.f32 v30, v26  }
0x248: {  	v4 =	vadd.f32 v5, v4  }
0x249: {  	[tilespmem:s30+$0x0] =	vst v63  }
0x24a: {  	[tilespmem:s31+$0x0] =	vst v4  }
.LBB2_30:
0x24b: {  	s0 =	smin.u32 s29, $0x3A0  }
0x24c: {  	s0 =	sadd.s32 s0, s8  }
0x24d: {  	s0 =	sshll.u32 s0, $0x7  }
0x24e: {  	s2 =	simm.s32 $0x0;
	s0 =	sadd.s32 s1, s0  }
0x24f: {  	[tilespmem:s2], [sflag:$0x1] =	stream.linear.gather [hbm4b:s0+s2], $0x8000, $0x38;
	[tilespmem:$0x14A00] =	vst v63  }
0x250: {  	_ =	swait.ge [sflag:s19], $0x8000  }
0x251: {  	s30 =	simm.s32 $0x10000;
	[sflag:s19] =	ssyncset.done $0x0  }
0x252: {  	s3 =	sand.u32 $0x70, s2;
	s4 =	sand.u32 $0x1C00, s2;
	[sflag:s19] =	ssyncadd.s32 $0xFFFF8000  }
0x253: {  	s15 =	sor.u32 s3, s4;
	v5 =	vld [tilespmem:s30+$0x0]  }
0x254: {  	v4 =	vld [tilespmem:s15+$0xA380]  }
0x255: {  	v6 =	vld [tilespmem:s15+$0x8000]  }
0x256: {  	v7 =	vld [tilespmem:s15+$0x8080]  }
0x257: {  	v8 =	vld [tilespmem:s15+$0x8100]  }
0x258: {  	v19 =	vld [tilespmem:s15+$0xA000]  }
0x259: {  	v20 =	vld [tilespmem:s15+$0xA080]  }
0x25a: {  	v9 =	vld [tilespmem:s15+$0x8180]  }
0x25b: {  	v10 =	vld [tilespmem:s15+$0x8200]  }
0x25c: {  	s31 =	sor.u32 s2, s2;
	v13 =	vld [tilespmem:s15+$0x8300];
	v4 =	vmul.f32 v4, v5  }
0x25d: {  	s0 =	sor.u32 $0x380, s31;
	v11 =	vld [tilespmem:s15+$0x8280];
	v6 =	vmul.f32 v6, v5;
	v7 =	vmul.f32 v7, v5  }
0x25e: {  	v12 =	vimm.f32 $0.0e+00;
	v14 =	vld [tilespmem:s0+$0x8000];
	v27 =	vmul.f32 v19, v5;
	v26 =	vmul.f32 v20, v5  }
0x25f: {  	v20 =	vimm.f32 $0.0e+00;
	v19 =	vimm.f32 $0.0e+00;
	v18 =	vadd.f32 v6, v12  }
0x260: {  	v6 =	vmul.f32 v8, v5;
	v16 =	vadd.f32 v7, v12;
	v7 =	vmul.f32 v9, v5  }
0x261: {  	v25 =	vld [tilespmem:s15+$0xA100];
	v4 =	vadd.f32 v4, v12;
	v8 =	vmul.f32 v10, v5;
	v9 =	vmul.f32 v13, v5  }
0x262: {  	v24 =	vld [tilespmem:s15+$0xA180];
	v10 =	vimm.f32 $0.0e+00;
	v17 =	vadd.f32 v6, v12;
	v6 =	vmul.f32 v11, v5  }
0x263: {  	v22 =	vld [tilespmem:s15+$0xA200];
	v15 =	vadd.f32 v7, v12;
	v13 =	vadd.f32 v8, v12;
	v7 =	vmul.f32 v14, v5  }
0x264: {  	s29 =	simm.s32 $0x20;
	s2 =	simm.s32 $0x10;
	v21 =	vld [tilespmem:s15+$0xA280];
	s0 =	simm.s32 $0x80;
	v9 =	vadd.f32 v9, v12;
	v14 =	vimm.f32 $0.0e+00;
	v11 =	vadd.f32 v6, v12  }
0x265: {  	s4 =	simm.s32 $0x10010;
	s3 =	sand.u32 $0x70, s2;
	v23 =	vld [tilespmem:s15+$0xA300];
	s13 =	sand.u32 $0x1C00, s0;
	v8 =	vadd.f32 v7, v12;
	v7 =	vimm.f32 $0.0e+00;
	v6 =	vimm.f32 $0.0e+00  }
.LBB2_31:
0x266: {  	p0 =	sne.s32 s29, $0x3F0;
	v28 =	vld [tilespmem:s4+$0x0];
	s30 =	sor.u32 s3, s13;
	s2 =	sor.u32 s0, s2;
	v12 =	vadd.f32 v27, v12;
	v25 =	vmul.f32 v25, v5  }
0x267: {  	s3 =	sor.u32 $0x380, s2;
	v27 =	vld [tilespmem:s30+$0xA380];
	v20 =	vadd.f32 v26, v20;
	v24 =	vmul.f32 v24, v5;
	s2 =	smov.u32 s29  }
0x268: {  	v26 =	vld [tilespmem:s30+$0x8000];
	v19 =	vadd.f32 v25, v19;
	v22 =	vmul.f32 v22, v5  }
0x269: {  	v25 =	vld [tilespmem:s30+$0x8080];
	v14 =	vadd.f32 v24, v14;
	v21 =	vmul.f32 v21, v5  }
0x26a: {  	v24 =	vld [tilespmem:s30+$0x8100];
	v10 =	vadd.f32 v22, v10;
	v22 =	vmul.f32 v23, v5  }
0x26b: {  	v23 =	vld [tilespmem:s30+$0x8180];
	v7 =	vadd.f32 v21, v7;
	v5 =	vmov v28  }
0x26c: {  	v21 =	vld [tilespmem:s30+$0x8200];
	v27 =	vmul.f32 v27, v5;
	v6 =	vadd.f32 v22, v6  }
0x26d: {  	v22 =	vmul.f32 v26, v5;
	v26 =	vld [tilespmem:s30+$0x8280]  }
0x26e: {  	v25 =	vmul.f32 v25, v5;
	v28 =	vld [tilespmem:s30+$0x8300];
	v4 =	vadd.f32 v27, v4  }
0x26f: {  	v18 =	vadd.f32 v22, v18;
	v22 =	vmul.f32 v24, v5;
	v27 =	vld [tilespmem:s3+$0x8000]  }
0x270: {  	v16 =	vadd.f32 v25, v16;
	v23 =	vmul.f32 v23, v5;
	v29 =	vld [tilespmem:s30+$0xA000]  }
0x271: {  	v17 =	vadd.f32 v22, v17;
	v21 =	vmul.f32 v21, v5;
	v30 =	vld [tilespmem:s30+$0xA080]  }
.Ltmp19:
0x272: {  	v15 =	vadd.f32 v23, v15;
	v22 =	vmul.f32 v26, v5;
	v25 =	vld [tilespmem:s30+$0xA100];
	(pc) =	sbr.rel @p0 .LBB2_31-.Ltmp19, $4  }
0x273: {  	v13 =	vadd.f32 v21, v13;
	v21 =	vmul.f32 v28, v5;
	v24 =	vld [tilespmem:s30+$0xA180]  }
0x274: {  	v11 =	vadd.f32 v22, v11;
	v23 =	vmul.f32 v27, v5;
	v22 =	vld [tilespmem:s30+$0xA200]  }
0x275: {  	s0 =	sadd.s32 $0x80, s0;
	s4 =	sadd.s32 $0x10, s4;
	v9 =	vadd.f32 v21, v9;
	v27 =	vmul.f32 v29, v5;
	v21 =	vld [tilespmem:s30+$0xA280]  }
0x276: {  	s13 =	sand.u32 $0x1C00, s0;
	s29 =	sadd.s32 $0x10, s29;
	s3 =	sand.u32 $0x70, s2;
	v8 =	vadd.f32 v23, v8;
	v26 =	vmul.f32 v30, v5;
	v23 =	vld [tilespmem:s30+$0xA300]  }
0x277: {  	v28 =	vld [tilespmem:s4+$0x0];
	s3 =	sor.u32 s3, s13  }
0x278: {  	v29 =	vld [tilespmem:s3+$0x8000]  }
0x279: {  	v30 =	vld [tilespmem:s3+$0x8080]  }
0x27a: {  	v31 =	vld [tilespmem:s3+$0x8100]  }
0x27b: {  	v32 =	vld [tilespmem:s3+$0x8180]  }
0x27c: {  	v33 =	vld [tilespmem:s3+$0x8200]  }
0x27d: {  	v34 =	vld [tilespmem:s3+$0x8280];
	v29 =	vmul.f32 v29, v28  }
0x27e: {  	s0 =	sor.u32 s0, s2;
	v35 =	vld [tilespmem:s3+$0x8300];
	v30 =	vmul.f32 v30, v28  }
0x27f: {  	s0 =	sor.u32 $0x380, s0;
	v60 =	vld [tilespmem:s3+$0xA000];
	v57 =	vmul.f32 v31, v28;
	v18 =	vadd.f32 v29, v18  }
0x280: {  	v58 =	vld [tilespmem:s0+$0x8000];
	v59 =	vmul.f32 v32, v28;
	v16 =	vadd.f32 v30, v16  }
0x281: {  	v12 =	vadd.f32 v27, v12;
	v62 =	vld [tilespmem:s3+$0xA080];
	v61 =	vmul.f32 v33, v28;
	v17 =	vadd.f32 v57, v17;
	(xrf2) =	vadd.scan.msk.f32 $0xffff, v18  }
0x282: {  	v25 =	vmul.f32 v25, v5;
	v36 =	vld [tilespmem:s3+$0xA200];
	v63 =	vmul.f32 v34, v28;
	v15 =	vadd.f32 v59, v15;
	(xrf2) =	vadd.scan.msk.f32 $0xffff, v16  }
0x283: {  	v20 =	vadd.f32 v26, v20;
	v32 =	vld [tilespmem:s3+$0xA100];
	v33 =	vmul.f32 v35, v28;
	v13 =	vadd.f32 v61, v13;
	(xrf2) =	vadd.scan.msk.f32 $0xffff, v17  }
0x284: {  	v24 =	vmul.f32 v24, v5;
	v19 =	vadd.f32 v25, v19;
	v34 =	vld [tilespmem:s3+$0xA180];
	v11 =	vadd.f32 v63, v11;
	(xrf2) =	vadd.scan.msk.f32 $0xffff, v15  }
0x285: {  	v41 =	vld [tilespmem:s3+$0xA300];
	v22 =	vmul.f32 v22, v5;
	v35 =	vmul.f32 v58, v28;
	v9 =	vadd.f32 v33, v9;
	(xrf2) =	vadd.scan.msk.f32 $0xffff, v13  }
0x286: {  	v38 =	vld [tilespmem:s3+$0xA280];
	v39 =	vadd.f32 v24, v14;
	v42 =	vmul.f32 v21, v5;
	v37 =	vmul.f32 v60, v28;
	(xrf2) =	vadd.scan.msk.f32 $0xffff, v11  }
0x287: {  	v5 =	vmul.f32 v23, v5;
	v40 =	vmul.f32 v62, v28;
	v8 =	vadd.f32 v35, v8;
	(xrf2) =	vadd.scan.msk.f32 $0xffff, v9  }
0x288: {  	v43 =	vadd.f32 v22, v10;
	v12 =	vadd.f32 v37, v12;
	v16 =	vmul.f32 v32, v28  }
0x289: {  	v46 =	vld [tilespmem:s3+$0xA380];
	v5 =	vadd.f32 v5, v6;
	v44 =	vadd.f32 v40, v20;
	v45 =	vmul.f32 v34, v28;
	(xrf2) =	vadd.scan.msk.f32 $0xffff, v8  }
0x28a: {  	v49 =	vmul.f32 v41, v28;
	v16 =	vadd.f32 v16, v19;
	v15 =	vmul.f32 v36, v28;
	(xrf2) =	vadd.scan.msk.f32 $0xffff, v12  }
0x28b: {  	v7 =	vadd.f32 v42, v7;
	v48 =	vmul.f32 v38, v28;
	v47 =	vadd.f32 v45, v39;
	(xrf2) =	vadd.scan.msk.f32 $0xffff, v44;
	v50, _, _ =	vpop (xrf2)  }
0x28c: {  	v5 =	vadd.f32 v49, v5;
	v6 =	vadd.f32 v15, v43;
	(xrf2) =	vadd.scan.msk.f32 $0xffff, v16;
	v51, _, _ =	vpop (xrf2)  }
0x28d: {  	v7 =	vadd.f32 v48, v7;
	(xrf2) =	vadd.scan.msk.f32 $0xffff, v47;
	v52 =	vbroadcast v50, $0xF;
	v53 =	vbroadcast v51, $0xF;
	v54, _, _ =	vpop (xrf2)  }
0x28e: {  	(xrf2) =	vadd.scan.msk.f32 $0xffff, v6;
	v6 =	vmul.f32 v46, v28;
	v55 =	vbroadcast v54, $0xF;
	v56, _, _ =	vpop (xrf2)  }
0x28f: {  	(xrf2) =	vadd.scan.msk.f32 $0xffff, v7;
	v7 =	vsel vm0, v52, v53;
	v57 =	vbroadcast v56, $0xF;
	v58, _, _ =	vpop (xrf2)  }
0x290: {  	(xrf2) =	vadd.scan.msk.f32 $0xffff, v5;
	v4 =	vadd.f32 v6, v4;
	v5, _, _ =	vpop (xrf2);
	v6 =	vsel vm1, v7, v55;
	v7 =	vbroadcast v58, $0xF  }
0x291: {  	v59, _, _ =	vpop (xrf2);
	v6 =	vsel vm2, v6, v57  }
0x292: {  	v5 =	vbroadcast v5, $0xF;
	v6 =	vsel vm3, v6, v7;
	v7 =	vbroadcast v59, $0xF  }
0x293: {  	v60, _, _ =	vpop (xrf2)  }
0x294: {  	(xrf2) =	vadd.scan.msk.f32 $0xffff, v4;
	v4, _, _ =	vpop (xrf2);
	v5 =	vsel vm4, v6, v5;
	v6 =	vbroadcast v60, $0xF  }
0x295: {  	v61, _, _ =	vpop (xrf2);
	v5 =	vsel vm5, v5, v7;
	v4 =	vbroadcast v4, $0xF  }
0x296: {  	v5 =	vsel vm6, v5, v6;
	v6 =	vbroadcast v61, $0xF;
	v7, _, _ =	vpop (xrf2)  }
0x297: {  	v4 =	vsel vm7, v5, v4;
	v62, _, _ =	vpop (xrf2);
	v5 =	vbroadcast v7, $0xF  }
0x298: {  	s31 =	sld [smem:$0x100];
	v4 =	vsel vm8, v4, v6;
	v7, _, _ =	vpop (xrf2);
	v6 =	vbroadcast v62, $0xF  }
0x299: {  	v63, _, _ =	vpop (xrf2);
	v4 =	vsel vm9, v4, v5;
	v5 =	vbroadcast v7, $0xF  }
0x29a: {  	s29 =	sor.u32 $0x30, s26;
	v7, _, _ =	vpop (xrf2);
	v4 =	vsel vm10, v4, v6  }
0x29b: {  	p0 =	slt.s32 s31, s29;
	v4 =	vsel vm11, v4, v5;
	v5 =	vbroadcast v7, $0xF  }
.Ltmp20:
0x29c: {  	v6 =	vbroadcast v63, $0xF;
	(pc) =	sbr.rel @!p0 .LBB2_33-.Ltmp20, $4  }
0x29d: {  	_ = 	snop  }
0x29e: {  	v4 =	vsel vm12, v4, v6  }
0x29f: {  	v4 =	vsel vm13, v4, v5;
	v5, _, _ =	vpop (xrf2)  }
0x2a0: {  	s30 =	simm.s32 $0x0;
	v4 =	vsel vm14, v4, v5  }
.LBB2_36:
0x2a1: {  	s0 =	sld [smem:$0x100];
	_ =	sdelay $0x1  }
0x2a2: {  	s2 =	sor.u32 s28, s30  }
0x2a3: {  	p0 =	sne.s32 s2, s0  }
.Ltmp21:
0x2a4: {  	_ = 	snop;
	(pc) =	sbr.rel @p0 .LBB2_40-.Ltmp21, $1  }
0x2a5: {  	_ =	sdelay $0x3  }
0x2a6: {  	v5 =	vld [tilespmem:$0x14900]  }
0x2a7: {  	s0 =	sld [smem:$0x80];
	v6 =	vld [tilespmem:$0x14880]  }
0x2a8: {  	v7 =	vld [tilespmem:$0x14980]  }
0x2a9: {  	s2 =	sld [smem:$0x0]  }
0x2aa: {  	v8 =	vmov s0  }
0x2ab: {  	s3 =	sshll.u32 s0, $0xA;
	s4 =	sshll.u32 s0, $0x7;
	vm15 =	veq.s32 v8, v2  }
0x2ac: {  	s21 =	sand.u32 $0xFFFFE000, s3;
	s31 =	sand.u32 $0x380, s4;
	v5 =	vsel vm15, s2, v5  }
0x2ad: {  	s2 =	sor.u32 s31, s21;
	[tilespmem:$0x14900] =	vst v5;
	v5 =	vsel vm15, v6, v7  }
0x2ae: {  	s4 =	sadd.s32 $0x10480, s2;
	s2 =	simm.s32 $0x14480;
	[tilespmem:$0x14980] =	vst v5  }
0x2af: {  	v5 =	vld [tilespmem:s2+$0x0]  }
0x2b0: {  	s15 =	simm.s32 $0x10;
	s13 =	simm.s32 $0x0;
	s3 =	simm.s32 $0x0  }
.LBB2_38:
0x2b1: {  	p0 =	sne.s32 s15, $0x3F0;
	s20 =	sand.u32 $0x1C00, s3  }
0x2b2: {  	s21 =	sand.u32 $0x70, s13;
	s13 =	smov.u32 s15;
	s20 =	sadd.s32 s20, s4  }
.Ltmp22:
0x2b3: {  	s20 =	sadd.s32 s21, s20;
	(pc) =	sbr.rel @p0 .LBB2_38-.Ltmp22, $4  }
0x2b4: {  	[tilespmem:s20+$0x0] =	vst v5  }
0x2b5: {  	[tilespmem:s2+$0x0] =	vst v0;
	s2 =	sadd.s32 $0x10, s2  }
0x2b6: {  	v5 =	vld [tilespmem:s2+$0x0]  }
0x2b7: {  	s15 =	sadd.s32 $0x10, s15;
	s3 =	sadd.s32 $0x80, s3  }
0x2b8: {  	s0 =	sadd.s32 $0x1, s0  }
0x2b9: {  	v6 =	vmov s0  }
0x2ba: {  	vm15 =	veq.s32 v6, v2  }
0x2bb: {  	v6 =	vnsel vm15, $0x80000000, v3  }
0x2bc: {  	(xrf0) =	vmax.scan.msk.u32 $0xffff, v6;
	_ =	sdelay $0x5  }
0x2bd: {  	v6, _, _ =	vpop (xrf0)  }
0x2be: {  	(v2sf) =	vpush v6, $0xF;
	_ =	sdelay $0xb  }
0x2bf: {  	s3 =	sand.u32 $0x1C00, s3  }
0x2c0: {  	s13 =	sand.u32 $0x70, s13;
	s3 =	sadd.s32 s3, s4  }
0x2c1: {  	s3 =	sadd.s32 s13, s3  }
0x2c2: {  	[smem:$0x0] =	sst s16;
	[tilespmem:s3+$0x0] =	vst v5;
	s21 =	spop (v2sf)  }
0x2c3: {  	[smem:$0x80] =	sst s0;
	[tilespmem:s2+$0x0] =	vst v0;
	s31 =	sxor.u32 $0x80000000, s21  }
0x2c4: {  	[tilespmem:$0x14880] =	vst v0;
	[smem:$0x100] =	sst s31  }
.LBB2_40:
0x2c5: {  	v5 =	vmov s30  }
0x2c6: {  	vm15 =	veq.s32 v5, v2  }
0x2c7: {  	v5 =	vnsel vm15, $0xF149F2CA, v4  }
0x2c8: {  	(xrf0) =	vmax.scan.msk.f32 $0xffff, v5;
	_ =	sdelay $0x5  }
0x2c9: {  	v5, _, _ =	vpop (xrf0)  }
0x2ca: {  	(v2sf) =	vpush v5, $0xF;
	_ =	sdelay $0xc  }
0x2cb: {  	s0 =	sld [smem:$0x0];
	_ =	sdelay $0x1  }
0x2cc: {  	s2 =	spop (v2sf)  }
0x2cd: {  	s3 =	smax.f32 s0, s2  }
0x2ce: {  	s0 =	ssub.f32 s0, s3;
	_ =	sdelay $0x1  }
0x2cf: {  	s20 =	ssub.f32 s2, s3;
	v5 =	vmov s0  }
0x2d0: {  	v5 =	vmul.f32 $1.442695020e+00, v5  }
0x2d1: {  	v6 =	vmov s20  }
0x2d2: {  	v6 =	vmul.f32 $1.442695020e+00, v6;
	v5 =	vbroadcast v5, $0x0;
	_ =	sdelay $0x1  }
0x2d3: {  	(erf) = vpow2.f32 v5;
	v5 =	vbroadcast v6, $0x0;
	_ =	sdelay $0x1  }
0x2d4: {  	(erf) = vpow2.f32 v5;
	_ =	sdelay $0x2  }
0x2d5: {  	v6 =	vld [tilespmem:$0x14880];
	_ =	sdelay $0x3  }
0x2d6: {  	v5 =	vpop (erf)  }
0x2d7: {  	s21 =	sshll.u32 s30, $0xA;
	s31 =	sshll.u32 s30, $0x7;
	v7 =	vmul.f32 v5, v6  }
0x2d8: {  	s2 =	sand.u32 $0x380, s31;
	s0 =	sand.u32 $0x2000, s21;
	v6 =	vpop (erf)  }
0x2d9: {  	s4 =	simm.s32 $0x0;
	s0 =	sor.u32 s2, s0;
	v7 =	vadd.f32 v7, v6  }
0x2da: {  	s13 =	sand.u32 $0x1C00, s4;
	s0 =	sor.u32 $0x8000, s0  }
0x2db: {  	s4 =	sand.u32 $0x70, s4;
	s2 =	simm.s32 $0x14480;
	s13 =	sadd.s32 s13, s0;
	[tilespmem:$0x14880] =	vst v7  }
0x2dc: {  	s4 =	sadd.s32 s4, s13;
	v7 =	vld [tilespmem:s2+$0x0]  }
0x2dd: {  	v8 =	vld [tilespmem:s4+$0x0];
	_ =	sdelay $0x4  }
0x2de: {  	v7 =	vmul.f32 v7, v5;
	v8 =	vmul.f32 v8, v6;
	_ =	sdelay $0x1  }
0x2df: {  	s15 =	simm.s32 $0x10;
	[smem:$0x0] =	sst s3;
	s3 =	simm.s32 $0x80;
	v7 =	vadd.f32 v8, v7  }
0x2e0: {  	s20 =	sand.u32 $0x1C00, s3;
	s13 =	simm.s32 $0x20;
	s4 =	simm.s32 $0x14490  }
.LBB2_41:
0x2e1: {  	p0 =	sne.s32 s13, $0x3F0;
	s15 =	sand.u32 $0x70, s15;
	s20 =	sadd.s32 s20, s0;
	[tilespmem:s2+$0x0] =	vst v7  }
0x2e2: {  	s2 =	smov.u32 s4;
	v7 =	vld [tilespmem:s4+$0x0];
	s20 =	sadd.s32 s15, s20;
	s15 =	smov.u32 s13  }
0x2e3: {  	v8 =	vld [tilespmem:s20+$0x0];
	_ =	sdelay $0x3  }
.Ltmp23:
0x2e4: {  	(pc) =	sbr.rel @p0 .LBB2_41-.Ltmp23, $3  }
0x2e5: {  	v7 =	vmul.f32 v7, v5;
	v8 =	vmul.f32 v8, v6;
	_ =	sdelay $0x1  }
0x2e6: {  	s3 =	sadd.s32 $0x80, s3;
	v7 =	vadd.f32 v8, v7  }
0x2e7: {  	s13 =	sadd.s32 $0x10, s13;
	s4 =	sadd.s32 $0x10, s4;
	s20 =	sand.u32 $0x1C00, s3  }
0x2e8: {  	s3 =	sand.u32 $0x70, s15;
	s0 =	sadd.s32 s20, s0;
	[tilespmem:s2+$0x0] =	vst v7  }
0x2e9: {  	v7 =	vld [tilespmem:s4+$0x0];
	s0 =	sadd.s32 s3, s0  }
0x2ea: {  	v8 =	vld [tilespmem:s0+$0x0];
	_ =	sdelay $0x2  }
0x2eb: {  	s30 =	sadd.s32 $0x1, s30  }
0x2ec: {  	p0 =	sne.s32 s30, $0x10  }
.Ltmp24:
0x2ed: {  	v5 =	vmul.f32 v7, v5;
	v6 =	vmul.f32 v8, v6;
	(pc) =	sbr.rel @p0 .LBB2_36-.Ltmp24, $4  }
.Ltmp25:
0x2ee: {  	_ = 	snop;
	(pc) =	sbr.rel @!p0 .LBB2_43-.Ltmp25, $4  }
0x2ef: {  	v5 =	vadd.f32 v6, v5  }
0x2f0: {  	_ = 	snop  }
0x2f1: {  	[tilespmem:s4+$0x0] =	vst v5  }
0x2f2: {  	_ = 	snop  }
.LBB2_33:
0x2f3: {  	(xrf0) =	vmax.scan.msk.f32 $0xffff, v4;
	_ =	sdelay $0x5  }
0x2f4: {  	v5, _, _ =	vpop (xrf0)  }
0x2f5: {  	(v2sf) =	vpush v5, $0xF;
	_ =	sdelay $0xc  }
0x2f6: {  	s0 =	sld [smem:$0x0];
	_ =	sdelay $0x1  }
0x2f7: {  	s2 =	spop (v2sf)  }
0x2f8: {  	s2 =	smax.f32 s0, s2  }
0x2f9: {  	s0 =	ssub.f32 s0, s2;
	_ =	sdelay $0x1  }
0x2fa: {  	v5 =	vmov s0  }
0x2fb: {  	v6 =	vmov s2;
	v5 =	vmul.f32 $1.442695020e+00, v5  }
0x2fc: {  	v4 =	vsub.f32 v4, v6  }
0x2fd: {  	v5 =	vbroadcast v5, $0x0  }
0x2fe: {  	v4 =	vmul.f32 $1.442695020e+00, v4  }
0x2ff: {  	(erf) = vpow2.f32 v5  }
0x300: {  	(erf) = vpow2.f32 v4;
	_ =	sdelay $0x7  }
0x301: {  	v4 =	vpop (erf)  }
0x302: {  	v5 =	vpop (erf)  }
0x303: {  	(xrf2) =	vadd.scan.msk.f32 $0xffff, v5;
	_ =	sdelay $0x5  }
0x304: {  	v6 =	vld [tilespmem:$0x14880];
	_ =	sdelay $0x3  }
0x305: {  	v7, _, _ =	vpop (xrf2)  }
0x306: {  	v6 =	vmul.f32 v4, v6;
	v7 =	vbroadcast v7, $0xF;
	_ =	sdelay $0x1  }
0x307: {  	s21 =	simm.s32 $0x0;
	v6 =	vadd.f32 v7, v6  }
0x308: {  	s3 =	sand.u32 $0x70, s21;
	s0 =	sand.u32 $0x1C00, s21  }
0x309: {  	s0 =	sor.u32 s3, s0;
	[tilespmem:$0x14880] =	vst v6  }
0x30a: {  	v21 =	vld [tilespmem:s0+$0xA200]  }
0x30b: {  	v22 =	vld [tilespmem:s0+$0xA280]  }
0x30c: {  	v23 =	vld [tilespmem:s0+$0xA000]  }
0x30d: {  	v8 =	vbroadcast v5, $0x2;
	v24 =	vld [tilespmem:s0+$0xA080]  }
0x30e: {  	v9 =	vbroadcast v5, $0x3;
	v10 =	vbroadcast v5, $0x4;
	v25 =	vld [tilespmem:s0+$0x8000]  }
0x30f: {  	v11 =	vbroadcast v5, $0x5;
	v12 =	vbroadcast v5, $0x6;
	v26 =	vld [tilespmem:s0+$0x8080]  }
0x310: {  	v13 =	vbroadcast v5, $0x7;
	v17 =	vbroadcast v5, $0x8;
	v27 =	vld [tilespmem:s0+$0x8100]  }
0x311: {  	v18 =	vbroadcast v5, $0x9;
	v15 =	vbroadcast v5, $0xA;
	v28 =	vld [tilespmem:s0+$0x8180]  }
0x312: {  	v14 =	vbroadcast v5, $0xB;
	v19 =	vbroadcast v5, $0xC;
	v29 =	vld [tilespmem:s0+$0x8200]  }
0x313: {  	v20 =	vbroadcast v5, $0xD;
	v16 =	vbroadcast v5, $0xE;
	v30 =	vld [tilespmem:s0+$0x8280]  }
0x314: {  	v7 =	vbroadcast v5, $0x1;
	v6 =	vbroadcast v5, $0x0;
	v31 =	vld [tilespmem:s0+$0x8300]  }
0x315: {  	v5 =	vbroadcast v5, $0xF;
	v32 =	vld [tilespmem:s0+$0x8380];
	v33 =	vmul.f32 v21, v19  }
0x316: {  	v34 =	vmul.f32 v22, v20;
	v35 =	vmul.f32 v23, v17;
	v22 =	vld [tilespmem:s0+$0xA100]  }
0x317: {  	v23 =	vmul.f32 v25, v6;
	v25 =	vmul.f32 v26, v7;
	v26 =	vld [tilespmem:s0+$0xA180]  }
0x318: {  	s30 =	simm.s32 $0x10;
	s4 =	simm.s32 $0x80;
	v36 =	vld [tilespmem:s0+$0xA300];
	v27 =	vmul.f32 v27, v8;
	v29 =	vmul.f32 v29, v10  }
0x319: {  	s28 =	simm.s32 $0x14480;
	s31 =	sand.u32 $0x1C00, s4;
	s3 =	sand.u32 $0x70, s30;
	v37 =	vld [tilespmem:s0+$0xA380];
	v30 =	vmul.f32 v30, v11;
	v31 =	vmul.f32 v31, v12  }
0x31a: {  	v38 =	vld [tilespmem:s28+$0x0];
	v28 =	vmul.f32 v28, v9;
	s0 =	sor.u32 s3, s31;
	v32 =	vmul.f32 v32, v13;
	v29 =	vadd.f32 v29, v23  }
0x31b: {  	v24 =	vmul.f32 v24, v18;
	v21 =	vld [tilespmem:s0+$0xA200];
	v25 =	vadd.f32 v30, v25;
	v27 =	vadd.f32 v31, v27  }
0x31c: {  	v28 =	vadd.f32 v32, v28;
	v23 =	vld [tilespmem:s0+$0xA000];
	v30 =	vmul.f32 v22, v15;
	v26 =	vmul.f32 v26, v14  }
0x31d: {  	v62 =	vmul.f32 v36, v16;
	v32 =	vld [tilespmem:s0+$0x8280];
	v29 =	vadd.f32 v35, v29;
	v31 =	vadd.f32 v24, v25  }
0x31e: {  	v24 =	vld [tilespmem:s0+$0xA080];
	v30 =	vadd.f32 v30, v27;
	v26 =	vadd.f32 v26, v28;
	v28 =	vmul.f32 v37, v5  }
0x31f: {  	v25 =	vld [tilespmem:s0+$0x8000];
	v29 =	vadd.f32 v33, v29;
	v63 =	vadd.f32 v34, v31  }
0x320: {  	v22 =	vld [tilespmem:s0+$0xA280];
	v30 =	vadd.f32 v62, v30;
	v26 =	vadd.f32 v28, v26  }
0x321: {  	v31 =	vld [tilespmem:s0+$0x8180]  }
0x322: {  	v27 =	vld [tilespmem:s0+$0x8080];
	v33 =	vadd.f32 v63, v29;
	v30 =	vadd.f32 v26, v30  }
0x323: {  	v29 =	vld [tilespmem:s0+$0x8200]  }
0x324: {  	[smem:$0x0] =	sst s2;
	s2 =	simm.s32 $0x20;
	v28 =	vld [tilespmem:s0+$0x8100];
	v26 =	vmul.f32 v38, v4;
	v30 =	vadd.f32 v30, v33  }
.LBB2_34:
0x325: {  	p0 =	seq.s32 s2, $0x3F0;
	v33 =	vld [tilespmem:s0+$0x8300]  }
0x326: {  	v35 =	vmul.f32 v21, v19;
	v36 =	vmul.f32 v22, v20;
	v34 =	vld [tilespmem:s0+$0x8380];
	v21 =	vadd.f32 v30, v26  }
0x327: {  	v24 =	vmul.f32 v24, v18;
	v26 =	vmul.f32 v23, v17;
	v22 =	vld [tilespmem:s0+$0xA100]  }
0x328: {  	v23 =	vmul.f32 v25, v6;
	v25 =	vmul.f32 v27, v7;
	v27 =	vld [tilespmem:s0+$0xA180];
	[tilespmem:s28+$0x0] =	vst v21  }
0x329: {  	s4 =	sadd.s32 $0x80, s4;
	v28 =	vmul.f32 v28, v8;
	v30 =	vmul.f32 v31, v9;
	v31 =	vld [tilespmem:s0+$0xA300]  }
0x32a: {  	s3 =	sand.u32 $0x70, s2;
	s13 =	sand.u32 $0x1C00, s4;
	v29 =	vmul.f32 v29, v10;
	s28 =	sadd.s32 $0x10, s28;
	v32 =	vmul.f32 v32, v11;
	v37 =	vld [tilespmem:s0+$0xA380]  }
0x32b: {  	s0 =	sor.u32 s3, s13;
	v33 =	vmul.f32 v33, v12;
	v34 =	vmul.f32 v34, v13;
	v38 =	vld [tilespmem:s28+$0x0]  }
0x32c: {  	v29 =	vadd.f32 v29, v23;
	v25 =	vadd.f32 v32, v25;
	v21 =	vld [tilespmem:s0+$0xA200];
	v32 =	vmul.f32 v22, v15  }
0x32d: {  	v28 =	vadd.f32 v33, v28;
	v22 =	vld [tilespmem:s0+$0xA280];
	v30 =	vadd.f32 v34, v30;
	v27 =	vmul.f32 v27, v14  }
0x32e: {  	v26 =	vadd.f32 v26, v29;
	v29 =	vadd.f32 v24, v25;
	v23 =	vld [tilespmem:s0+$0xA000];
	v31 =	vmul.f32 v31, v16  }
0x32f: {  	v28 =	vadd.f32 v32, v28;
	v24 =	vld [tilespmem:s0+$0xA080];
	v30 =	vadd.f32 v27, v30;
	v32 =	vmul.f32 v37, v5  }
0x330: {  	v26 =	vadd.f32 v35, v26;
	v29 =	vadd.f32 v36, v29;
	v25 =	vld [tilespmem:s0+$0x8000]  }
.Ltmp26:
0x331: {  	v33 =	vadd.f32 v31, v28;
	v27 =	vld [tilespmem:s0+$0x8080];
	v30 =	vadd.f32 v32, v30;
	(pc) =	sbr.rel @!p0 .LBB2_34-.Ltmp26, $4  }
0x332: {  	v28 =	vld [tilespmem:s0+$0x8100]  }
0x333: {  	v34 =	vadd.f32 v29, v26;
	v31 =	vld [tilespmem:s0+$0x8180];
	v30 =	vadd.f32 v30, v33  }
0x334: {  	v29 =	vld [tilespmem:s0+$0x8200]  }
0x335: {  	s2 =	sadd.s32 $0x10, s2;
	v26 =	vmul.f32 v38, v4;
	v32 =	vld [tilespmem:s0+$0x8280];
	v30 =	vadd.f32 v30, v34  }
0x336: {  	v33 =	vld [tilespmem:s0+$0x8300]  }
0x337: {  	v34 =	vld [tilespmem:s0+$0x8380];
	v19 =	vmul.f32 v21, v19;
	v20 =	vmul.f32 v22, v20  }
0x338: {  	v17 =	vmul.f32 v23, v17;
	v18 =	vmul.f32 v24, v18;
	v55 =	vld [tilespmem:s0+$0xA100]  }
0x339: {  	v6 =	vmul.f32 v25, v6;
	v7 =	vmul.f32 v27, v7;
	v56 =	vld [tilespmem:s0+$0xA180]  }
0x33a: {  	v57 =	vld [tilespmem:s0+$0xA300];
	v8 =	vmul.f32 v28, v8;
	v9 =	vmul.f32 v31, v9  }
0x33b: {  	v58 =	vld [tilespmem:s0+$0xA380];
	v10 =	vmul.f32 v29, v10;
	v11 =	vmul.f32 v32, v11  }
0x33c: {  	v12 =	vmul.f32 v33, v12;
	v13 =	vmul.f32 v34, v13  }
0x33d: {  	v6 =	vadd.f32 v10, v6;
	v59 =	vmul.f32 v55, v15;
	v7 =	vadd.f32 v11, v7  }
0x33e: {  	v60 =	vmul.f32 v56, v14;
	v8 =	vadd.f32 v12, v8;
	v9 =	vadd.f32 v13, v9  }
0x33f: {  	v61 =	vmul.f32 v57, v16;
	v6 =	vadd.f32 v17, v6;
	v7 =	vadd.f32 v18, v7  }
0x340: {  	s31 =	sadd.s32 $0x10, s28;
	v5 =	vmul.f32 v58, v5;
	v8 =	vadd.f32 v59, v8;
	v9 =	vadd.f32 v60, v9  }
0x341: {  	v62 =	vld [tilespmem:s31+$0x0];
	v6 =	vadd.f32 v19, v6;
	v7 =	vadd.f32 v20, v7  }
0x342: {  	v8 =	vadd.f32 v61, v8;
	v5 =	vadd.f32 v5, v9;
	_ =	sdelay $0x1  }
0x343: {  	v6 =	vadd.f32 v7, v6;
	v5 =	vadd.f32 v5, v8;
	_ =	sdelay $0x1  }
0x344: {  	v4 =	vmul.f32 v62, v4;
	v5 =	vadd.f32 v5, v6  }
0x345: {  	v63 =	vadd.f32 v30, v26  }
0x346: {  	v4 =	vadd.f32 v5, v4  }
0x347: {  	[tilespmem:s28+$0x0] =	vst v63  }
0x348: {  	[tilespmem:s31+$0x0] =	vst v4  }
.LBB2_43:
0x349: {  	s0 =	simm.s32 $0x0  }
0x34a: {  	s2 =	simm.s32 $0x10000;
	s3 =	sand.u32 $0x70, s0;
	s0 =	sand.u32 $0x1C00, s0  }
0x34b: {  	v5 =	vld [tilespmem:s2+$0x0];
	s15 =	sor.u32 s3, s0  }
0x34c: {  	v4 =	vld [tilespmem:s15+$0xE380]  }
0x34d: {  	v6 =	vld [tilespmem:s15+$0xC000]  }
0x34e: {  	v7 =	vld [tilespmem:s15+$0xC080]  }
0x34f: {  	v8 =	vld [tilespmem:s15+$0xC100]  }
0x350: {  	v19 =	vld [tilespmem:s15+$0xE000]  }
0x351: {  	v20 =	vld [tilespmem:s15+$0xE080]  }
0x352: {  	v9 =	vld [tilespmem:s15+$0xC180]  }
0x353: {  	v10 =	vld [tilespmem:s15+$0xC200]  }
0x354: {  	v13 =	vld [tilespmem:s15+$0xC300];
	v4 =	vmul.f32 v4, v5  }
0x355: {  	v11 =	vld [tilespmem:s15+$0xC280];
	v6 =	vmul.f32 v6, v5;
	v7 =	vmul.f32 v7, v5  }
0x356: {  	v12 =	vimm.f32 $0.0e+00;
	v14 =	vld [tilespmem:s15+$0xC380];
	v27 =	vmul.f32 v19, v5;
	v26 =	vmul.f32 v20, v5  }
0x357: {  	v20 =	vimm.f32 $0.0e+00;
	v19 =	vimm.f32 $0.0e+00;
	v18 =	vadd.f32 v6, v12  }
0x358: {  	v6 =	vmul.f32 v8, v5;
	v16 =	vadd.f32 v7, v12;
	v7 =	vmul.f32 v9, v5  }
0x359: {  	v25 =	vld [tilespmem:s15+$0xE100];
	v4 =	vadd.f32 v4, v12;
	v8 =	vmul.f32 v10, v5;
	v9 =	vmul.f32 v13, v5  }
0x35a: {  	v24 =	vld [tilespmem:s15+$0xE180];
	v10 =	vimm.f32 $0.0e+00;
	v17 =	vadd.f32 v6, v12;
	v6 =	vmul.f32 v11, v5  }
0x35b: {  	v22 =	vld [tilespmem:s15+$0xE200];
	v15 =	vadd.f32 v7, v12;
	v13 =	vadd.f32 v8, v12;
	v7 =	vmul.f32 v14, v5  }
0x35c: {  	s31 =	simm.s32 $0x10;
	s4 =	simm.s32 $0x20;
	s2 =	simm.s32 $0x80;
	v21 =	vld [tilespmem:s15+$0xE280];
	v9 =	vadd.f32 v9, v12;
	v14 =	vimm.f32 $0.0e+00;
	v11 =	vadd.f32 v6, v12  }
0x35d: {  	s0 =	simm.s32 $0x10010;
	s3 =	sand.u32 $0x70, s31;
	s13 =	sand.u32 $0x1C00, s2;
	v23 =	vld [tilespmem:s15+$0xE300];
	v8 =	vadd.f32 v7, v12;
	v7 =	vimm.f32 $0.0e+00;
	v6 =	vimm.f32 $0.0e+00  }
.LBB2_44:
0x35e: {  	p0 =	sne.s32 s4, $0x3F0;
	v28 =	vld [tilespmem:s0+$0x0];
	s28 =	sor.u32 s3, s13;
	v12 =	vadd.f32 v27, v12;
	v25 =	vmul.f32 v25, v5  }
0x35f: {  	v27 =	vld [tilespmem:s28+$0xE380];
	v20 =	vadd.f32 v26, v20;
	v24 =	vmul.f32 v24, v5  }
0x360: {  	v26 =	vld [tilespmem:s28+$0xC000];
	v19 =	vadd.f32 v25, v19;
	v22 =	vmul.f32 v22, v5  }
0x361: {  	v25 =	vld [tilespmem:s28+$0xC080];
	v14 =	vadd.f32 v24, v14;
	v21 =	vmul.f32 v21, v5  }
0x362: {  	v24 =	vld [tilespmem:s28+$0xC100];
	v10 =	vadd.f32 v22, v10;
	v22 =	vmul.f32 v23, v5  }
0x363: {  	v23 =	vld [tilespmem:s28+$0xC180];
	v7 =	vadd.f32 v21, v7;
	v5 =	vmov v28  }
0x364: {  	v21 =	vld [tilespmem:s28+$0xC200];
	v27 =	vmul.f32 v27, v5;
	v6 =	vadd.f32 v22, v6  }
0x365: {  	v22 =	vmul.f32 v26, v5;
	v26 =	vld [tilespmem:s28+$0xC280]  }
0x366: {  	v25 =	vmul.f32 v25, v5;
	v28 =	vld [tilespmem:s28+$0xC300];
	v4 =	vadd.f32 v27, v4  }
0x367: {  	v18 =	vadd.f32 v22, v18;
	v22 =	vmul.f32 v24, v5;
	v27 =	vld [tilespmem:s28+$0xC380]  }
0x368: {  	v16 =	vadd.f32 v25, v16;
	v23 =	vmul.f32 v23, v5;
	v29 =	vld [tilespmem:s28+$0xE000]  }
0x369: {  	v17 =	vadd.f32 v22, v17;
	v21 =	vmul.f32 v21, v5;
	v30 =	vld [tilespmem:s28+$0xE080]  }
.Ltmp27:
0x36a: {  	v15 =	vadd.f32 v23, v15;
	v22 =	vmul.f32 v26, v5;
	v25 =	vld [tilespmem:s28+$0xE100];
	(pc) =	sbr.rel @p0 .LBB2_44-.Ltmp27, $4  }
0x36b: {  	v13 =	vadd.f32 v21, v13;
	v21 =	vmul.f32 v28, v5;
	v24 =	vld [tilespmem:s28+$0xE180]  }
0x36c: {  	v11 =	vadd.f32 v22, v11;
	v23 =	vmul.f32 v27, v5;
	v22 =	vld [tilespmem:s28+$0xE200]  }
0x36d: {  	s2 =	sadd.s32 $0x80, s2;
	s0 =	sadd.s32 $0x10, s0;
	v9 =	vadd.f32 v21, v9;
	v27 =	vmul.f32 v29, v5;
	v21 =	vld [tilespmem:s28+$0xE280]  }
0x36e: {  	s3 =	sand.u32 $0x70, s4;
	s4 =	sadd.s32 $0x10, s4;
	s13 =	sand.u32 $0x1C00, s2;
	v8 =	vadd.f32 v23, v8;
	v26 =	vmul.f32 v30, v5;
	v23 =	vld [tilespmem:s28+$0xE300]  }
0x36f: {  	v28 =	vld [tilespmem:s0+$0x0];
	s30 =	sor.u32 s3, s13  }
0x370: {  	v29 =	vld [tilespmem:s30+$0xC000]  }
0x371: {  	v30 =	vld [tilespmem:s30+$0xC080]  }
0x372: {  	v31 =	vld [tilespmem:s30+$0xC100]  }
0x373: {  	v32 =	vld [tilespmem:s30+$0xC180]  }
0x374: {  	v33 =	vld [tilespmem:s30+$0xC200]  }
0x375: {  	v34 =	vld [tilespmem:s30+$0xC280];
	v29 =	vmul.f32 v29, v28  }
0x376: {  	v35 =	vld [tilespmem:s30+$0xC300];
	v30 =	vmul.f32 v30, v28  }
0x377: {  	v58 =	vld [tilespmem:s30+$0xC380];
	v57 =	vmul.f32 v31, v28;
	v18 =	vadd.f32 v29, v18  }
0x378: {  	v60 =	vld [tilespmem:s30+$0xE000];
	v59 =	vmul.f32 v32, v28;
	v16 =	vadd.f32 v30, v16  }
0x379: {  	v12 =	vadd.f32 v27, v12;
	v62 =	vld [tilespmem:s30+$0xE080];
	v61 =	vmul.f32 v33, v28;
	v17 =	vadd.f32 v57, v17;
	(xrf2) =	vadd.scan.msk.f32 $0xffff, v18  }
0x37a: {  	v25 =	vmul.f32 v25, v5;
	v36 =	vld [tilespmem:s30+$0xE200];
	v63 =	vmul.f32 v34, v28;
	v15 =	vadd.f32 v59, v15;
	(xrf2) =	vadd.scan.msk.f32 $0xffff, v16  }
0x37b: {  	v20 =	vadd.f32 v26, v20;
	v32 =	vld [tilespmem:s30+$0xE100];
	v33 =	vmul.f32 v35, v28;
	v13 =	vadd.f32 v61, v13;
	(xrf2) =	vadd.scan.msk.f32 $0xffff, v17  }
0x37c: {  	v24 =	vmul.f32 v24, v5;
	v19 =	vadd.f32 v25, v19;
	v34 =	vld [tilespmem:s30+$0xE180];
	v11 =	vadd.f32 v63, v11;
	(xrf2) =	vadd.scan.msk.f32 $0xffff, v15  }
0x37d: {  	v41 =	vld [tilespmem:s30+$0xE300];
	v22 =	vmul.f32 v22, v5;
	v35 =	vmul.f32 v58, v28;
	v9 =	vadd.f32 v33, v9;
	(xrf2) =	vadd.scan.msk.f32 $0xffff, v13  }
0x37e: {  	v38 =	vld [tilespmem:s30+$0xE280];
	v39 =	vadd.f32 v24, v14;
	v42 =	vmul.f32 v21, v5;
	v37 =	vmul.f32 v60, v28;
	(xrf2) =	vadd.scan.msk.f32 $0xffff, v11  }
0x37f: {  	v5 =	vmul.f32 v23, v5;
	v40 =	vmul.f32 v62, v28;
	v8 =	vadd.f32 v35, v8;
	(xrf2) =	vadd.scan.msk.f32 $0xffff, v9  }
0x380: {  	v43 =	vadd.f32 v22, v10;
	v12 =	vadd.f32 v37, v12;
	v16 =	vmul.f32 v32, v28  }
0x381: {  	v46 =	vld [tilespmem:s30+$0xE380];
	v5 =	vadd.f32 v5, v6;
	v44 =	vadd.f32 v40, v20;
	v45 =	vmul.f32 v34, v28;
	(xrf2) =	vadd.scan.msk.f32 $0xffff, v8  }
0x382: {  	v49 =	vmul.f32 v41, v28;
	v16 =	vadd.f32 v16, v19;
	v15 =	vmul.f32 v36, v28;
	(xrf2) =	vadd.scan.msk.f32 $0xffff, v12  }
0x383: {  	v7 =	vadd.f32 v42, v7;
	v48 =	vmul.f32 v38, v28;
	v47 =	vadd.f32 v45, v39;
	(xrf2) =	vadd.scan.msk.f32 $0xffff, v44;
	v50, _, _ =	vpop (xrf2)  }
0x384: {  	v5 =	vadd.f32 v49, v5;
	v6 =	vadd.f32 v15, v43;
	(xrf2) =	vadd.scan.msk.f32 $0xffff, v16;
	v51, _, _ =	vpop (xrf2)  }
0x385: {  	v7 =	vadd.f32 v48, v7;
	(xrf2) =	vadd.scan.msk.f32 $0xffff, v47;
	v52 =	vbroadcast v50, $0xF;
	v53 =	vbroadcast v51, $0xF;
	v54, _, _ =	vpop (xrf2)  }
0x386: {  	(xrf2) =	vadd.scan.msk.f32 $0xffff, v6;
	v6 =	vmul.f32 v46, v28;
	v55 =	vbroadcast v54, $0xF;
	v56, _, _ =	vpop (xrf2)  }
0x387: {  	(xrf2) =	vadd.scan.msk.f32 $0xffff, v7;
	v7 =	vsel vm0, v52, v53;
	v57 =	vbroadcast v56, $0xF;
	v58, _, _ =	vpop (xrf2)  }
0x388: {  	(xrf2) =	vadd.scan.msk.f32 $0xffff, v5;
	v4 =	vadd.f32 v6, v4;
	v5, _, _ =	vpop (xrf2);
	v6 =	vsel vm1, v7, v55;
	v7 =	vbroadcast v58, $0xF  }
0x389: {  	v59, _, _ =	vpop (xrf2);
	v6 =	vsel vm2, v6, v57  }
0x38a: {  	v5 =	vbroadcast v5, $0xF;
	v6 =	vsel vm3, v6, v7;
	v7 =	vbroadcast v59, $0xF  }
0x38b: {  	v60, _, _ =	vpop (xrf2)  }
0x38c: {  	(xrf2) =	vadd.scan.msk.f32 $0xffff, v4;
	v4, _, _ =	vpop (xrf2);
	v5 =	vsel vm4, v6, v5;
	v6 =	vbroadcast v60, $0xF  }
0x38d: {  	v61, _, _ =	vpop (xrf2);
	v5 =	vsel vm5, v5, v7;
	v4 =	vbroadcast v4, $0xF  }
0x38e: {  	v5 =	vsel vm6, v5, v6;
	v6 =	vbroadcast v61, $0xF;
	v7, _, _ =	vpop (xrf2)  }
0x38f: {  	v4 =	vsel vm7, v5, v4;
	v62, _, _ =	vpop (xrf2);
	v5 =	vbroadcast v7, $0xF  }
0x390: {  	s31 =	sld [smem:$0x100];
	v4 =	vsel vm8, v4, v6;
	v7, _, _ =	vpop (xrf2);
	v6 =	vbroadcast v62, $0xF  }
0x391: {  	v63, _, _ =	vpop (xrf2);
	v4 =	vsel vm9, v4, v5;
	v5 =	vbroadcast v7, $0xF  }
0x392: {  	s2 =	sadd.s32 $0x40, s26;
	v7, _, _ =	vpop (xrf2);
	v4 =	vsel vm10, v4, v6  }
0x393: {  	p0 =	slt.s32 s31, s2;
	v4 =	vsel vm11, v4, v5;
	v5 =	vbroadcast v7, $0xF  }
.Ltmp28:
0x394: {  	v6 =	vbroadcast v63, $0xF;
	(pc) =	sbr.rel @!p0 .LBB2_46-.Ltmp28, $4  }
0x395: {  	_ = 	snop  }
0x396: {  	v4 =	vsel vm12, v4, v6  }
0x397: {  	v4 =	vsel vm13, v4, v5;
	v5, _, _ =	vpop (xrf2)  }
0x398: {  	s28 =	simm.s32 $0x0;
	v4 =	vsel vm14, v4, v5  }
.LBB2_49:
0x399: {  	s0 =	sld [smem:$0x100];
	_ =	sdelay $0x1  }
0x39a: {  	s2 =	sor.u32 s29, s28  }
0x39b: {  	p0 =	sne.s32 s2, s0  }
.Ltmp29:
0x39c: {  	_ = 	snop;
	(pc) =	sbr.rel @p0 .LBB2_53-.Ltmp29, $1  }
0x39d: {  	_ =	sdelay $0x3  }
0x39e: {  	v5 =	vld [tilespmem:$0x14900]  }
0x39f: {  	s0 =	sld [smem:$0x80];
	v6 =	vld [tilespmem:$0x14880]  }
0x3a0: {  	v7 =	vld [tilespmem:$0x14980]  }
0x3a1: {  	s2 =	sld [smem:$0x0]  }
0x3a2: {  	v8 =	vmov s0  }
0x3a3: {  	s3 =	sshll.u32 s0, $0xA;
	s4 =	sshll.u32 s0, $0x7;
	vm15 =	veq.s32 v8, v2  }
0x3a4: {  	s30 =	sand.u32 $0xFFFFE000, s3;
	s31 =	sand.u32 $0x380, s4;
	v5 =	vsel vm15, s2, v5  }
0x3a5: {  	s2 =	sor.u32 s31, s30;
	[tilespmem:$0x14900] =	vst v5;
	v5 =	vsel vm15, v6, v7  }
0x3a6: {  	s4 =	sadd.s32 $0x10480, s2;
	s2 =	simm.s32 $0x14480;
	[tilespmem:$0x14980] =	vst v5  }
0x3a7: {  	v5 =	vld [tilespmem:s2+$0x0]  }
0x3a8: {  	s15 =	simm.s32 $0x10;
	s13 =	simm.s32 $0x0;
	s3 =	simm.s32 $0x0  }
.LBB2_51:
0x3a9: {  	p0 =	sne.s32 s15, $0x3F0;
	s20 =	sand.u32 $0x1C00, s3  }
0x3aa: {  	s21 =	sand.u32 $0x70, s13;
	s13 =	smov.u32 s15;
	s20 =	sadd.s32 s20, s4  }
.Ltmp30:
0x3ab: {  	s20 =	sadd.s32 s21, s20;
	(pc) =	sbr.rel @p0 .LBB2_51-.Ltmp30, $4  }
0x3ac: {  	[tilespmem:s20+$0x0] =	vst v5  }
0x3ad: {  	[tilespmem:s2+$0x0] =	vst v0;
	s2 =	sadd.s32 $0x10, s2  }
0x3ae: {  	v5 =	vld [tilespmem:s2+$0x0]  }
0x3af: {  	s15 =	sadd.s32 $0x10, s15;
	s3 =	sadd.s32 $0x80, s3  }
0x3b0: {  	s0 =	sadd.s32 $0x1, s0  }
0x3b1: {  	v6 =	vmov s0  }
0x3b2: {  	vm15 =	veq.s32 v6, v2  }
0x3b3: {  	v6 =	vnsel vm15, $0x80000000, v3  }
0x3b4: {  	(xrf0) =	vmax.scan.msk.u32 $0xffff, v6;
	_ =	sdelay $0x5  }
0x3b5: {  	v6, _, _ =	vpop (xrf0)  }
0x3b6: {  	(v2sf) =	vpush v6, $0xF;
	_ =	sdelay $0xb  }
0x3b7: {  	s3 =	sand.u32 $0x1C00, s3  }
0x3b8: {  	s13 =	sand.u32 $0x70, s13;
	s3 =	sadd.s32 s3, s4  }
0x3b9: {  	s3 =	sadd.s32 s13, s3  }
0x3ba: {  	[smem:$0x0] =	sst s16;
	[tilespmem:s3+$0x0] =	vst v5;
	s30 =	spop (v2sf)  }
0x3bb: {  	[smem:$0x80] =	sst s0;
	[tilespmem:s2+$0x0] =	vst v0;
	s31 =	sxor.u32 $0x80000000, s30  }
0x3bc: {  	[tilespmem:$0x14880] =	vst v0;
	[smem:$0x100] =	sst s31  }
.LBB2_53:
0x3bd: {  	v5 =	vmov s28  }
0x3be: {  	vm15 =	veq.s32 v5, v2  }
0x3bf: {  	v5 =	vnsel vm15, $0xF149F2CA, v4  }
0x3c0: {  	(xrf0) =	vmax.scan.msk.f32 $0xffff, v5;
	_ =	sdelay $0x5  }
0x3c1: {  	v5, _, _ =	vpop (xrf0)  }
0x3c2: {  	(v2sf) =	vpush v5, $0xF;
	_ =	sdelay $0xc  }
0x3c3: {  	s0 =	sld [smem:$0x0];
	_ =	sdelay $0x1  }
0x3c4: {  	s2 =	spop (v2sf)  }
0x3c5: {  	s26 =	smax.f32 s0, s2  }
0x3c6: {  	s0 =	ssub.f32 s0, s26;
	_ =	sdelay $0x1  }
0x3c7: {  	s21 =	ssub.f32 s2, s26;
	v5 =	vmov s0  }
0x3c8: {  	v5 =	vmul.f32 $1.442695020e+00, v5  }
0x3c9: {  	v6 =	vmov s21  }
0x3ca: {  	v6 =	vmul.f32 $1.442695020e+00, v6;
	v5 =	vbroadcast v5, $0x0;
	_ =	sdelay $0x1  }
0x3cb: {  	(erf) = vpow2.f32 v5;
	v5 =	vbroadcast v6, $0x0;
	_ =	sdelay $0x1  }
0x3cc: {  	(erf) = vpow2.f32 v5;
	_ =	sdelay $0x2  }
0x3cd: {  	v6 =	vld [tilespmem:$0x14880];
	_ =	sdelay $0x3  }
0x3ce: {  	v5 =	vpop (erf)  }
0x3cf: {  	s30 =	sshll.u32 s28, $0xA;
	s31 =	sshll.u32 s28, $0x7;
	v7 =	vmul.f32 v5, v6  }
0x3d0: {  	s2 =	sand.u32 $0x380, s31;
	s0 =	sand.u32 $0x2000, s30;
	v6 =	vpop (erf)  }
0x3d1: {  	s3 =	simm.s32 $0x0;
	s0 =	sor.u32 s2, s0;
	v7 =	vadd.f32 v7, v6  }
0x3d2: {  	s4 =	sand.u32 $0x1C00, s3;
	s0 =	sor.u32 $0xC000, s0  }
0x3d3: {  	s3 =	sand.u32 $0x70, s3;
	s2 =	simm.s32 $0x14480;
	s4 =	sadd.s32 s4, s0;
	[tilespmem:$0x14880] =	vst v7  }
0x3d4: {  	s3 =	sadd.s32 s3, s4;
	v7 =	vld [tilespmem:s2+$0x0]  }
0x3d5: {  	v8 =	vld [tilespmem:s3+$0x0];
	_ =	sdelay $0x4  }
0x3d6: {  	v7 =	vmul.f32 v7, v5;
	v8 =	vmul.f32 v8, v6;
	_ =	sdelay $0x1  }
0x3d7: {  	s15 =	simm.s32 $0x10;
	s13 =	simm.s32 $0x20;
	s3 =	simm.s32 $0x80;
	v7 =	vadd.f32 v8, v7  }
0x3d8: {  	[smem:$0x0] =	sst s26;
	s4 =	simm.s32 $0x14490;
	s20 =	sand.u32 $0x1C00, s3  }
.LBB2_54:
0x3d9: {  	p0 =	sne.s32 s13, $0x3F0;
	s15 =	sand.u32 $0x70, s15;
	s20 =	sadd.s32 s20, s0;
	[tilespmem:s2+$0x0] =	vst v7  }
0x3da: {  	s2 =	smov.u32 s4;
	v7 =	vld [tilespmem:s4+$0x0];
	s20 =	sadd.s32 s15, s20;
	s15 =	smov.u32 s13  }
0x3db: {  	v8 =	vld [tilespmem:s20+$0x0];
	_ =	sdelay $0x3  }
.Ltmp31:
0x3dc: {  	(pc) =	sbr.rel @p0 .LBB2_54-.Ltmp31, $3  }
0x3dd: {  	v7 =	vmul.f32 v7, v5;
	v8 =	vmul.f32 v8, v6;
	_ =	sdelay $0x1  }
0x3de: {  	s3 =	sadd.s32 $0x80, s3;
	v7 =	vadd.f32 v8, v7  }
0x3df: {  	s13 =	sadd.s32 $0x10, s13;
	s4 =	sadd.s32 $0x10, s4;
	s20 =	sand.u32 $0x1C00, s3  }
0x3e0: {  	s3 =	sand.u32 $0x70, s15;
	s0 =	sadd.s32 s20, s0;
	[tilespmem:s2+$0x0] =	vst v7  }
0x3e1: {  	v7 =	vld [tilespmem:s4+$0x0];
	s0 =	sadd.s32 s3, s0  }
0x3e2: {  	v8 =	vld [tilespmem:s0+$0x0];
	_ =	sdelay $0x2  }
0x3e3: {  	s28 =	sadd.s32 $0x1, s28  }
0x3e4: {  	p0 =	sne.s32 s28, $0x10  }
.Ltmp32:
0x3e5: {  	v5 =	vmul.f32 v7, v5;
	v6 =	vmul.f32 v8, v6;
	(pc) =	sbr.rel @p0 .LBB2_49-.Ltmp32, $4  }
.Ltmp33:
0x3e6: {  	_ = 	snop;
	(pc) =	sbr.rel @!p0 .LBB2_56-.Ltmp33, $4  }
0x3e7: {  	v5 =	vadd.f32 v6, v5  }
0x3e8: {  	_ = 	snop  }
0x3e9: {  	[tilespmem:s4+$0x0] =	vst v5  }
0x3ea: {  	_ = 	snop  }
.LBB2_46:
0x3eb: {  	(xrf0) =	vmax.scan.msk.f32 $0xffff, v4;
	_ =	sdelay $0x5  }
0x3ec: {  	v5, _, _ =	vpop (xrf0)  }
0x3ed: {  	(v2sf) =	vpush v5, $0xF;
	_ =	sdelay $0xc  }
0x3ee: {  	s0 =	sld [smem:$0x0];
	_ =	sdelay $0x1  }
0x3ef: {  	s2 =	spop (v2sf)  }
0x3f0: {  	s26 =	smax.f32 s0, s2  }
0x3f1: {  	s0 =	ssub.f32 s0, s26;
	_ =	sdelay $0x1  }
0x3f2: {  	v5 =	vmov s0  }
0x3f3: {  	v6 =	vmov s26;
	v5 =	vmul.f32 $1.442695020e+00, v5  }
0x3f4: {  	v4 =	vsub.f32 v4, v6  }
0x3f5: {  	v5 =	vbroadcast v5, $0x0  }
0x3f6: {  	v4 =	vmul.f32 $1.442695020e+00, v4  }
0x3f7: {  	(erf) = vpow2.f32 v5  }
0x3f8: {  	(erf) = vpow2.f32 v4;
	_ =	sdelay $0x7  }
0x3f9: {  	v4 =	vpop (erf)  }
0x3fa: {  	v5 =	vpop (erf)  }
0x3fb: {  	(xrf2) =	vadd.scan.msk.f32 $0xffff, v5;
	_ =	sdelay $0x5  }
0x3fc: {  	v6 =	vld [tilespmem:$0x14880];
	_ =	sdelay $0x3  }
0x3fd: {  	v7, _, _ =	vpop (xrf2)  }
0x3fe: {  	v6 =	vmul.f32 v4, v6;
	v7 =	vbroadcast v7, $0xF;
	_ =	sdelay $0x1  }
0x3ff: {  	s29 =	simm.s32 $0x0;
	v6 =	vadd.f32 v7, v6  }
0x400: {  	s30 =	sand.u32 $0x70, s29;
	s0 =	sand.u32 $0x1C00, s29  }
0x401: {  	s0 =	sor.u32 s30, s0;
	[tilespmem:$0x14880] =	vst v6  }
0x402: {  	v21 =	vld [tilespmem:s0+$0xE200]  }
0x403: {  	v22 =	vld [tilespmem:s0+$0xE280]  }
0x404: {  	v23 =	vld [tilespmem:s0+$0xE000]  }
0x405: {  	v8 =	vbroadcast v5, $0x2;
	v24 =	vld [tilespmem:s0+$0xE080]  }
0x406: {  	v9 =	vbroadcast v5, $0x3;
	v10 =	vbroadcast v5, $0x4;
	v25 =	vld [tilespmem:s0+$0xC000]  }
0x407: {  	v11 =	vbroadcast v5, $0x5;
	v12 =	vbroadcast v5, $0x6;
	v26 =	vld [tilespmem:s0+$0xC080]  }
0x408: {  	v13 =	vbroadcast v5, $0x7;
	v17 =	vbroadcast v5, $0x8;
	v27 =	vld [tilespmem:s0+$0xC100]  }
0x409: {  	v18 =	vbroadcast v5, $0x9;
	v15 =	vbroadcast v5, $0xA;
	v28 =	vld [tilespmem:s0+$0xC180]  }
0x40a: {  	v14 =	vbroadcast v5, $0xB;
	v19 =	vbroadcast v5, $0xC;
	v29 =	vld [tilespmem:s0+$0xC200]  }
0x40b: {  	v20 =	vbroadcast v5, $0xD;
	v16 =	vbroadcast v5, $0xE;
	v30 =	vld [tilespmem:s0+$0xC280]  }
0x40c: {  	v7 =	vbroadcast v5, $0x1;
	v6 =	vbroadcast v5, $0x0;
	v31 =	vld [tilespmem:s0+$0xC300]  }
0x40d: {  	v5 =	vbroadcast v5, $0xF;
	v32 =	vld [tilespmem:s0+$0xC380];
	v33 =	vmul.f32 v21, v19  }
0x40e: {  	v34 =	vmul.f32 v22, v20;
	v35 =	vmul.f32 v23, v17;
	v22 =	vld [tilespmem:s0+$0xE100]  }
0x40f: {  	v23 =	vmul.f32 v25, v6;
	v25 =	vmul.f32 v26, v7;
	v26 =	vld [tilespmem:s0+$0xE180]  }
0x410: {  	s31 =	simm.s32 $0x10;
	s4 =	simm.s32 $0x80;
	v36 =	vld [tilespmem:s0+$0xE300];
	v27 =	vmul.f32 v27, v8;
	v29 =	vmul.f32 v29, v10  }
0x411: {  	s28 =	simm.s32 $0x14480;
	s3 =	sand.u32 $0x1C00, s4;
	s2 =	sand.u32 $0x70, s31;
	v37 =	vld [tilespmem:s0+$0xE380];
	v30 =	vmul.f32 v30, v11;
	v31 =	vmul.f32 v31, v12  }
0x412: {  	v38 =	vld [tilespmem:s28+$0x0];
	v28 =	vmul.f32 v28, v9;
	s0 =	sor.u32 s2, s3;
	v32 =	vmul.f32 v32, v13;
	v29 =	vadd.f32 v29, v23  }
0x413: {  	v24 =	vmul.f32 v24, v18;
	v21 =	vld [tilespmem:s0+$0xE200];
	v25 =	vadd.f32 v30, v25;
	v27 =	vadd.f32 v31, v27  }
0x414: {  	v28 =	vadd.f32 v32, v28;
	v23 =	vld [tilespmem:s0+$0xE000];
	v30 =	vmul.f32 v22, v15;
	v26 =	vmul.f32 v26, v14  }
0x415: {  	v62 =	vmul.f32 v36, v16;
	v32 =	vld [tilespmem:s0+$0xC280];
	v29 =	vadd.f32 v35, v29;
	v31 =	vadd.f32 v24, v25  }
0x416: {  	v24 =	vld [tilespmem:s0+$0xE080];
	v30 =	vadd.f32 v30, v27;
	v26 =	vadd.f32 v26, v28;
	v28 =	vmul.f32 v37, v5  }
0x417: {  	v25 =	vld [tilespmem:s0+$0xC000];
	v29 =	vadd.f32 v33, v29;
	v63 =	vadd.f32 v34, v31  }
0x418: {  	v22 =	vld [tilespmem:s0+$0xE280];
	v30 =	vadd.f32 v62, v30;
	v26 =	vadd.f32 v28, v26  }
0x419: {  	v31 =	vld [tilespmem:s0+$0xC180]  }
0x41a: {  	v27 =	vld [tilespmem:s0+$0xC080];
	v33 =	vadd.f32 v63, v29;
	v30 =	vadd.f32 v26, v30  }
0x41b: {  	v29 =	vld [tilespmem:s0+$0xC200]  }
0x41c: {  	[smem:$0x0] =	sst s26;
	s2 =	simm.s32 $0x20;
	v28 =	vld [tilespmem:s0+$0xC100];
	v26 =	vmul.f32 v38, v4;
	v30 =	vadd.f32 v30, v33  }
.LBB2_47:
0x41d: {  	p0 =	seq.s32 s2, $0x3F0;
	v33 =	vld [tilespmem:s0+$0xC300]  }
0x41e: {  	v35 =	vmul.f32 v21, v19;
	v36 =	vmul.f32 v22, v20;
	v34 =	vld [tilespmem:s0+$0xC380];
	v21 =	vadd.f32 v30, v26  }
0x41f: {  	v24 =	vmul.f32 v24, v18;
	v26 =	vmul.f32 v23, v17;
	v22 =	vld [tilespmem:s0+$0xE100]  }
0x420: {  	v23 =	vmul.f32 v25, v6;
	v25 =	vmul.f32 v27, v7;
	v27 =	vld [tilespmem:s0+$0xE180];
	[tilespmem:s28+$0x0] =	vst v21  }
0x421: {  	s4 =	sadd.s32 $0x80, s4;
	v28 =	vmul.f32 v28, v8;
	v30 =	vmul.f32 v31, v9;
	v31 =	vld [tilespmem:s0+$0xE300]  }
0x422: {  	s3 =	sand.u32 $0x70, s2;
	s13 =	sand.u32 $0x1C00, s4;
	v29 =	vmul.f32 v29, v10;
	s28 =	sadd.s32 $0x10, s28;
	v32 =	vmul.f32 v32, v11;
	v37 =	vld [tilespmem:s0+$0xE380]  }
0x423: {  	s0 =	sor.u32 s3, s13;
	v33 =	vmul.f32 v33, v12;
	v34 =	vmul.f32 v34, v13;
	v38 =	vld [tilespmem:s28+$0x0]  }
0x424: {  	v29 =	vadd.f32 v29, v23;
	v25 =	vadd.f32 v32, v25;
	v21 =	vld [tilespmem:s0+$0xE200];
	v32 =	vmul.f32 v22, v15  }
0x425: {  	v28 =	vadd.f32 v33, v28;
	v22 =	vld [tilespmem:s0+$0xE280];
	v30 =	vadd.f32 v34, v30;
	v27 =	vmul.f32 v27, v14  }
0x426: {  	v26 =	vadd.f32 v26, v29;
	v29 =	vadd.f32 v24, v25;
	v23 =	vld [tilespmem:s0+$0xE000];
	v31 =	vmul.f32 v31, v16  }
0x427: {  	v28 =	vadd.f32 v32, v28;
	v24 =	vld [tilespmem:s0+$0xE080];
	v30 =	vadd.f32 v27, v30;
	v32 =	vmul.f32 v37, v5  }
0x428: {  	v26 =	vadd.f32 v35, v26;
	v29 =	vadd.f32 v36, v29;
	v25 =	vld [tilespmem:s0+$0xC000]  }
.Ltmp34:
0x429: {  	v33 =	vadd.f32 v31, v28;
	v27 =	vld [tilespmem:s0+$0xC080];
	v30 =	vadd.f32 v32, v30;
	(pc) =	sbr.rel @!p0 .LBB2_47-.Ltmp34, $4  }
0x42a: {  	v28 =	vld [tilespmem:s0+$0xC100]  }
0x42b: {  	v34 =	vadd.f32 v29, v26;
	v31 =	vld [tilespmem:s0+$0xC180];
	v30 =	vadd.f32 v30, v33  }
0x42c: {  	v29 =	vld [tilespmem:s0+$0xC200]  }
0x42d: {  	s2 =	sadd.s32 $0x10, s2;
	v26 =	vmul.f32 v38, v4;
	v32 =	vld [tilespmem:s0+$0xC280];
	v30 =	vadd.f32 v30, v34  }
0x42e: {  	v33 =	vld [tilespmem:s0+$0xC300]  }
0x42f: {  	v34 =	vld [tilespmem:s0+$0xC380];
	v19 =	vmul.f32 v21, v19;
	v20 =	vmul.f32 v22, v20  }
0x430: {  	v17 =	vmul.f32 v23, v17;
	v18 =	vmul.f32 v24, v18;
	v55 =	vld [tilespmem:s0+$0xE100]  }
0x431: {  	v6 =	vmul.f32 v25, v6;
	v7 =	vmul.f32 v27, v7;
	v56 =	vld [tilespmem:s0+$0xE180]  }
0x432: {  	v57 =	vld [tilespmem:s0+$0xE300];
	v8 =	vmul.f32 v28, v8;
	v9 =	vmul.f32 v31, v9  }
0x433: {  	v58 =	vld [tilespmem:s0+$0xE380];
	v10 =	vmul.f32 v29, v10;
	v11 =	vmul.f32 v32, v11  }
0x434: {  	v12 =	vmul.f32 v33, v12;
	v13 =	vmul.f32 v34, v13  }
0x435: {  	v6 =	vadd.f32 v10, v6;
	v59 =	vmul.f32 v55, v15;
	v7 =	vadd.f32 v11, v7  }
0x436: {  	v60 =	vmul.f32 v56, v14;
	v8 =	vadd.f32 v12, v8;
	v9 =	vadd.f32 v13, v9  }
0x437: {  	v61 =	vmul.f32 v57, v16;
	v6 =	vadd.f32 v17, v6;
	v7 =	vadd.f32 v18, v7  }
0x438: {  	s31 =	sadd.s32 $0x10, s28;
	v5 =	vmul.f32 v58, v5;
	v8 =	vadd.f32 v59, v8;
	v9 =	vadd.f32 v60, v9  }
0x439: {  	v62 =	vld [tilespmem:s31+$0x0];
	v6 =	vadd.f32 v19, v6;
	v7 =	vadd.f32 v20, v7  }
0x43a: {  	v8 =	vadd.f32 v61, v8;
	v5 =	vadd.f32 v5, v9;
	_ =	sdelay $0x1  }
0x43b: {  	v6 =	vadd.f32 v7, v6;
	v5 =	vadd.f32 v5, v8;
	_ =	sdelay $0x1  }
.Ltmp35:
0x43c: {  	v4 =	vmul.f32 v62, v4;
	v5 =	vadd.f32 v5, v6;
	(pc) =	sbr.rel .LBB2_56-.Ltmp35, $4  }
0x43d: {  	v63 =	vadd.f32 v30, v26  }
0x43e: {  	v4 =	vadd.f32 v5, v4  }
0x43f: {  	[tilespmem:s28+$0x0] =	vst v63  }
0x440: {  	[tilespmem:s31+$0x0] =	vst v4  }
.LBB2_57:
0x441: {  	_ =	swait.ge [sflag:s17], $0x8000  }
0x442: {  	[sflag:s17] =	ssyncset.done $0x0  }
0x443: {  	[sflag:s17] =	ssyncadd.s32 $0xFFFF8000  }
0x444: {  	v4 =	vld [tilespmem:$0x14900]  }
0x445: {  	s0 =	sld [smem:$0x80];
	v5 =	vld [tilespmem:$0x14880]  }
0x446: {  	v6 =	vld [tilespmem:$0x14980];
	_ =	sdelay $0x1  }
0x447: {  	v7 =	vmov s0  }
0x448: {  	s2 =	sshll.u32 s0, $0xA;
	s3 =	sshll.u32 s0, $0x7;
	vm15 =	veq.s32 v7, v2  }
0x449: {  	s2 =	sand.u32 $0xFFFFE000, s2;
	s3 =	sand.u32 $0x380, s3;
	v4 =	vsel vm15, s26, v4  }
0x44a: {  	s2 =	sor.u32 s3, s2;
	[tilespmem:$0x14900] =	vst v4;
	v4 =	vsel vm15, v5, v6  }
0x44b: {  	s4 =	sadd.s32 $0x10480, s2;
	s2 =	simm.s32 $0x14480;
	[tilespmem:$0x14980] =	vst v4  }
0x44c: {  	v4 =	vld [tilespmem:s2+$0x0]  }
0x44d: {  	s15 =	simm.s32 $0x10;
	s13 =	simm.s32 $0x0;
	s3 =	simm.s32 $0x0  }
.LBB2_58:
0x44e: {  	p0 =	sne.s32 s15, $0x3F0;
	s20 =	sand.u32 $0x1C00, s3  }
0x44f: {  	s21 =	sand.u32 $0x70, s13;
	s13 =	smov.u32 s15;
	s20 =	sadd.s32 s20, s4  }
.Ltmp36:
0x450: {  	s20 =	sadd.s32 s21, s20;
	(pc) =	sbr.rel @p0 .LBB2_58-.Ltmp36, $4  }
0x451: {  	[tilespmem:s20+$0x0] =	vst v4  }
0x452: {  	[tilespmem:s2+$0x0] =	vst v0;
	s2 =	sadd.s32 $0x10, s2  }
0x453: {  	v4 =	vld [tilespmem:s2+$0x0]  }
0x454: {  	s15 =	sadd.s32 $0x10, s15;
	s3 =	sadd.s32 $0x80, s3  }
0x455: {  	s0 =	sadd.s32 $0x1, s0  }
0x456: {  	v5 =	vmov s0  }
0x457: {  	vm15 =	veq.s32 v5, v2  }
0x458: {  	v3 =	vnsel vm15, $0x80000000, v3  }
0x459: {  	(xrf0) =	vmax.scan.msk.u32 $0xffff, v3;
	_ =	sdelay $0x5  }
0x45a: {  	v3, _, _ =	vpop (xrf0)  }
0x45b: {  	(v2sf) =	vpush v3, $0xF;
	_ =	sdelay $0x7  }
0x45c: {  	s3 =	sand.u32 $0x1C00, s3  }
0x45d: {  	s13 =	sand.u32 $0x70, s13;
	s3 =	sadd.s32 s3, s4  }
0x45e: {  	s3 =	sadd.s32 s13, s3  }
0x45f: {  	[tilespmem:s3+$0x0] =	vst v4  }
0x460: {  	[tilespmem:s2+$0x0] =	vst v0  }
0x461: {  	s30 =	simm.s32 $0x10480;
	[tilespmem:$0x14880] =	vst v0  }
0x462: {  	[hbm4b:s9+s5] =	stream.linear.scatter [tilespmem:s30], [sflag:$0x3], $0x4000, $0x38;
	[tilespmem:$0x14A00] =	vst v63  }
0x463: {  	[smem:$0x0] =	sst s16;
	s28 =	spop (v2sf)  }
0x464: {  	[smem:$0x80] =	sst s0;
	s29 =	sxor.u32 $0x80000000, s28  }
0x465: {  	[smem:$0x100] =	sst s29  }
0x466: {  	_ =	swait.ge [sflag:s14], $0x4000  }
0x467: {  	[sflag:s14] =	ssyncset.done $0x0  }
0x468: {  	s31 =	simm.s32 $0x14900;
	[sflag:s14] =	ssyncadd.s32 $0xFFFFC000  }
0x469: {  	[hbm4b:s10+s5] =	stream.linear.scatter [tilespmem:s31], [sflag:$0x3], $0x80, $0x38;
	[tilespmem:$0x14A00] =	vst v63  }
0x46a: {  	s23 =	sadd.s32 $0x1, s23;
	_ =	swait.ge [sflag:s14], $0x80  }
0x46b: {  	p0 =	sne.s32 s23, s12;
	[sflag:s14] =	ssyncset.done $0x0  }
.Ltmp37:
0x46c: {  	[sflag:s14] =	ssyncadd.s32 $0xFFFFFF80;
	(pc) =	sbr.rel @p0 .LBB2_1-.Ltmp37, $4  }
0x46d: {  	[hbm4b:s11+s5] =	stream.linear.scatter [tilespmem:s22], [sflag:$0x3], $0x80, $0x38;
	[tilespmem:$0x14A00] =	vst v63  }
0x46e: {  	_ =	swait.ge [sflag:s14], $0x80  }
0x46f: {  	[sflag:s14] =	ssyncset.done $0x0  }
0x470: {  	[sflag:s14] =	ssyncadd.s32 $0xFFFFFF80  }
0x471: {  	_ =	sfence.sel $0x180000  }
0x472: {  	[bflag:$0x0] =	sbarrier.arrive $0xFFFF  }
0x473: {  	_ =	strace $0x90000047  }
0x474: {  	s0 =	stileid.u32;
	[bflag:$0x2] =	sbarrier.arrive $0xFFFF  }
0x475: {  	p0 =	sne.s32 s0, $0x0;
	s0 =	rddreg [dreg:$0x5]  }
0x476: {  	s0 =	sadd.s32 @!p0 $0x100000, s0  }
0x477: {  	[sflag:s0] =	ssyncadd.tile.s32 @!p0 $0x1;
	_ =	shalt  }
.Lfunc_end2:
_tile_overlayer_lowered:
.L_overlay_start_2:
0x478: {  	(tag) =	ssettag $0x2  }
0x479: {  	s0 =	rddreg [dreg:$0x0];
	s2 =	stileid.u32  }
0x47a: {  	s1 =	rddreg [dreg:$0x1];
	p0 =	sne.s32 s2, $0x0  }
0x47b: {  	s3 =	rddreg [dreg:$0x2];
	[bflag:$0x3] =	sbarrier.arrive $0xFFFF;
	s2 =	simm.s32 @!p0 $0x1C03  }
0x47c: {  	[timem:s3], [sflag:s2] =	dma.local @!p0 [hbm:s0], s1  }
0x47d: {  	s0 =	simm.s32 @!p0 $0x3  }
0x47e: {  	_ =	swait.ge @!p0 [sflag:s0], s1  }
0x47f: {  	s1 =	ssub.s32 @!p0 $0x0, s1;
	[sflag:s0] =	ssyncset.done @!p0 $0x0  }
0x480: {  	[sflag:s0] =	ssyncadd.s32 @!p0 s1  }
0x481: {  	[bflag:$0x3] =	sbarrier.arrive $0xFFFF  }
0x482: {  	_ =	shalt  }

</sc_bundles>
